<compile_context>
chip_gen: v7x
topology: tpu7x:2x2x1
jax: 0.10.2.dev20260603
libtpu: 0.0.44.dev20260713+nightly
codegen_flags: <defaults>
</compile_context>

<pallas_src>
import functools

import jax
import jax.numpy as jnp
from jax import lax
from jax.experimental import pallas as pl
from jax.experimental.pallas import tpu as pltpu
from jax.experimental.pallas import tpu_sc as plsc

N_NODES = 10000
N_EDGES = 320000
N_CLS = 100000
D = 128
OUT_DIM = 2

N_PAD = 10240
K = 128
NC, NS = 2, 16
NW = NC * NS

E_CHUNKS = 79
E_PAD = NW * E_CHUNKS * K
E_PER_CORE = E_PAD // NC
E_PER_TILE = E_PAD // NW

GK = 64
G_CHUNKS = E_PER_TILE // GK

C_CHUNKS = 25
EC_PAD = NW * C_CHUNKS * K
EC_PER_TILE = EC_PAD // NW

ROWS_PER_TILE = N_PAD // NS
HW = 16

_mesh = plsc.VectorSubcoreMesh(core_axis_name="c", subcore_axis_name="s")
_sc_params = pltpu.CompilerParams(needs_layout_passes=False)
_sc_params_flat = pltpu.CompilerParams(
    needs_layout_passes=False, use_tc_tiling_on_sc=False)


@functools.partial(
    pl.kernel,
    out_type=jax.ShapeDtypeStruct((NC, 2 * N_PAD, HW), jnp.float32),
    mesh=_mesh,
    compiler_params=_sc_params_flat,
    scratch_types=[
        pltpu.VMEM((G_CHUNKS, GK), jnp.int32),
        pltpu.VMEM((G_CHUNKS, GK), jnp.int32),
        pltpu.VMEM((GK, HW), jnp.float32),
        pltpu.VMEM_SHARED((2 * N_PAD, HW), jnp.float32),
        pltpu.SemaphoreType.DMA,
        pltpu.SemaphoreType.DMA,
        pltpu.SemaphoreType.DMA,
    ],
)
def _degrees(src_hbm, dst_hbm, out_hbm, sidx, didx, ones_v, hist_sh,
             isem, ssem, dsem):
    c = lax.axis_index("c")
    s = lax.axis_index("s")
    w = s * NC + c
    zero16 = jnp.zeros((HW,), jnp.float32)
    e0 = jnp.where(lax.iota(jnp.int32, HW) == 0, 1.0, 0.0).astype(jnp.float32)

    icp_s = pltpu.async_copy(src_hbm.at[w], sidx, isem)
    icp_d = pltpu.async_copy(dst_hbm.at[w], didx, isem)

    def fill(val):
        def body(i, _):
            ones_v[i, :] = val
            return 0
        lax.fori_loop(0, GK, body, 0)

    fill(zero16)
    hrows = (2 * N_PAD) // NS
    for t in range(hrows // GK):
        pltpu.sync_copy(ones_v, hist_sh.at[pl.ds(s * hrows + t * GK, GK)])
    fill(e0)
    icp_s.wait()
    icp_d.wait()

    def shift(k, _):
        for j in range(GK // 16):
            didx[k, pl.ds(j * 16, 16)] = didx[k, pl.ds(j * 16, 16)] + N_PAD
        return 0

    lax.fori_loop(0, G_CHUNKS, shift, 0)
    plsc.subcore_barrier()

    LAG = 4

    def wait_pair():
        pltpu.make_async_copy(ones_v, hist_sh.at[sidx.at[0]], ssem).wait()
        pltpu.make_async_copy(ones_v, hist_sh.at[didx.at[0]], dsem).wait()

    def step(k, _):
        pltpu.async_copy(ones_v, hist_sh.at[sidx.at[k]], ssem, add=True)
        pltpu.async_copy(ones_v, hist_sh.at[didx.at[k]], dsem, add=True)

        @pl.when(k >= LAG)
        def _():
            wait_pair()

        return 0

    lax.fori_loop(0, G_CHUNKS, step, 0)
    for _ in range(LAG):
        wait_pair()
    plsc.subcore_barrier()
    pltpu.sync_copy(hist_sh.at[pl.ds(s * hrows, hrows)],
                    out_hbm.at[c, pl.ds(s * hrows, hrows)])


@functools.partial(
    pl.kernel,
    out_type=jax.ShapeDtypeStruct((NC, N_PAD, D), jnp.float32),
    mesh=_mesh,
    compiler_params=_sc_params_flat,
    scratch_types=[
        pltpu.VMEM((G_CHUNKS, GK), jnp.int32),
        pltpu.VMEM((G_CHUNKS, GK), jnp.int32),
        pltpu.VMEM((3, GK, D), jnp.float32),
        pltpu.VMEM((GK // 2, D), jnp.float32),
        pltpu.VMEM_SHARED((N_PAD, D), jnp.float32),
        pltpu.SemaphoreType.DMA,
        (pltpu.SemaphoreType.DMA, pltpu.SemaphoreType.DMA,
         pltpu.SemaphoreType.DMA),
        (pltpu.SemaphoreType.DMA, pltpu.SemaphoreType.DMA,
         pltpu.SemaphoreType.DMA),
    ],
)
def _aggregate(x_hbm, src_hbm, dst_hbm, out_hbm, sidx, didx, rows, zbuf,
               acc_sh, isem, gsems, ssems):
    c = lax.axis_index("c")
    s = lax.axis_index("s")
    w = s * NC + c
    zerov = jnp.zeros((16,), jnp.float32)

    icp_s = pltpu.async_copy(src_hbm.at[w], sidx, isem)
    icp_d = pltpu.async_copy(dst_hbm.at[w], didx, isem)

    def zrow(i, _):
        for j in range(D // 16):
            zbuf[i, pl.ds(j * 16, 16)] = zerov
        return 0

    lax.fori_loop(0, GK // 2, zrow, 0)
    icp_s.wait()
    icp_d.wait()

    def gather(k, b):
        pltpu.async_copy(x_hbm.at[sidx.at[k]], rows.at[b], gsems[b])

    def wait_gather(b):
        pltpu.make_async_copy(x_hbm.at[sidx.at[0]], rows.at[b], gsems[b]).wait()

    def scatter(k, b):
        pltpu.async_copy(rows.at[b], acc_sh.at[didx.at[k]], ssems[b], add=True)

    def wait_scatter(b):
        pltpu.make_async_copy(rows.at[b], acc_sh.at[didx.at[0]],
                              ssems[b]).wait()

    gather(0, 0)
    gather(1, 1)
    base_r = s * ROWS_PER_TILE
    for t in range(ROWS_PER_TILE // (GK // 2)):
        pltpu.sync_copy(zbuf, acc_sh.at[pl.ds(base_r + t * (GK // 2), GK // 2)])
    plsc.subcore_barrier()

    def tri(k3, _):
        for j in range(3):
            kk = 3 * k3 + j
            wait_gather(j)
            scatter(kk, j)
            nb = (j + 2) % 3

            @pl.when(kk >= 1)
            def _():
                wait_scatter(nb)

            gather(kk + 2, nb)
        return 0

    lax.fori_loop(0, (G_CHUNKS - 2) // 3, tri, 0)
    for kk in range(G_CHUNKS - 2, G_CHUNKS):
        b = kk % 3
        wait_gather(b)
        scatter(kk, b)
    for b in range(3):
        wait_scatter(b)
    plsc.subcore_barrier()
    pltpu.sync_copy(acc_sh.at[pl.ds(base_r, ROWS_PER_TILE)],
                    out_hbm.at[c, pl.ds(base_r, ROWS_PER_TILE)])


@functools.partial(
    pl.kernel,
    out_type=jax.ShapeDtypeStruct((OUT_DIM, EC_PAD), jnp.float32),
    mesh=_mesh,
    compiler_params=_sc_params,
    scratch_types=[
        pltpu.VMEM((N_PAD,), jnp.float32),
        pltpu.VMEM((N_PAD,), jnp.float32),
        pltpu.VMEM((N_PAD,), jnp.float32),
        pltpu.VMEM((N_PAD,), jnp.float32),
        pltpu.VMEM((16,), jnp.float32),
        pltpu.VMEM((C_CHUNKS, K), jnp.int32),
        pltpu.VMEM((C_CHUNKS, K), jnp.int32),
        pltpu.VMEM((K,), jnp.float32),
        pltpu.VMEM((K,), jnp.float32),
        pltpu.SemaphoreType.DMA,
    ],
)
def _classify(pq_hbm, bc_hbm, s_hbm, d_hbm, out_hbm,
              p0v, p1v, q0v, q1v, bcv, sidx, didx, st0, st1, isem):
    c = lax.axis_index("c")
    s = lax.axis_index("s")
    w = s * NC + c
    icp_s = pltpu.async_copy(s_hbm.at[w], sidx, isem)
    icp_d = pltpu.async_copy(d_hbm.at[w], didx, isem)
    pltpu.sync_copy(pq_hbm.at[0], p0v)
    pltpu.sync_copy(pq_hbm.at[1], p1v)
    pltpu.sync_copy(pq_hbm.at[2], q0v)
    pltpu.sync_copy(pq_hbm.at[3], q1v)
    pltpu.sync_copy(bc_hbm, bcv)
    zid = jnp.zeros((16,), jnp.int32)
    b0 = plsc.load_gather(bcv, [zid])
    b1 = plsc.load_gather(bcv, [zid + 1])
    icp_s.wait()
    icp_d.wait()

    def step(k, _):
        base = w * EC_PER_TILE + k * K
        for j in range(K // 16):
            sv = sidx[k, pl.ds(j * 16, 16)]
            dv = didx[k, pl.ds(j * 16, 16)]
            l0 = plsc.load_gather(p0v, [sv]) + plsc.load_gather(q0v, [dv]) + b0
            l1 = plsc.load_gather(p1v, [sv]) + plsc.load_gather(q1v, [dv]) + b1
            st0[pl.ds(j * 16, 16)] = 1.0 / (1.0 + jnp.exp(-l0))
            st1[pl.ds(j * 16, 16)] = 1.0 / (1.0 + jnp.exp(-l1))
        pltpu.sync_copy(st0, out_hbm.at[0, pl.ds(base, K)])
        pltpu.sync_copy(st1, out_hbm.at[1, pl.ds(base, K)])
        return 0

    lax.fori_loop(0, C_CHUNKS, step, 0)


BLK = 1024
NB = N_PAD // BLK
HB = BLK * HW // 128


def _deg_col(blk):
    d = blk[0] + blk[1]
    d = d.reshape(HB, 8, 16)[:, :, 0]
    return d.reshape(BLK, 1)


def _prep_body(hist_ref, feat_ref, x1_ref):
    ns = lax.rsqrt(jnp.maximum(_deg_col(hist_ref[...]), 1.0))
    x1_ref[...] = feat_ref[...] * ns


_prep = pl.pallas_call(
    _prep_body,
    grid=(NB,),
    in_specs=[
        pl.BlockSpec((NC, HB, 128), lambda i: (0, i, 0)),
        pl.BlockSpec((BLK, D), lambda i: (i, 0)),
    ],
    out_specs=pl.BlockSpec((BLK, D), lambda i: (i, 0)),
    out_shape=jax.ShapeDtypeStruct((N_PAD, D), jnp.float32),
)


def _layer1_body(agg_ref, hd_ref, hs_ref, w_ref, b_ref, out_ref):
    a = agg_ref[0] + agg_ref[1]
    nd = lax.rsqrt(jnp.maximum(_deg_col(hd_ref[...]), 1.0))
    y = jnp.dot(a * nd, w_ref[...], preferred_element_type=jnp.float32)
    y = jnp.maximum(y + b_ref[...], 0.0)
    ns = lax.rsqrt(jnp.maximum(_deg_col(hs_ref[...]), 1.0))
    out_ref[...] = y * ns


_layer1 = pl.pallas_call(
    _layer1_body,
    grid=(NB,),
    in_specs=[
        pl.BlockSpec((NC, BLK, D), lambda i: (0, i, 0)),
        pl.BlockSpec((NC, HB, 128), lambda i: (0, NB + i, 0)),
        pl.BlockSpec((NC, HB, 128), lambda i: (0, i, 0)),
        pl.BlockSpec((D, D), lambda i: (0, 0)),
        pl.BlockSpec((1, D), lambda i: (0, 0)),
    ],
    out_specs=pl.BlockSpec((BLK, D), lambda i: (i, 0)),
    out_shape=jax.ShapeDtypeStruct((N_PAD, D), jnp.float32),
)


def _layer2_body(agg_ref, hd_ref, w_ref, b_ref, wc_ref, h_ref, pq_ref):
    a = agg_ref[0] + agg_ref[1]
    nd = lax.rsqrt(jnp.maximum(_deg_col(hd_ref[...]), 1.0))
    y = jnp.dot(a * nd, w_ref[...], preferred_element_type=jnp.float32)
    y = jnp.maximum(y + b_ref[...], 0.0)
    h_ref[...] = y
    for j in range(4):
        pj = jnp.dot(y, wc_ref[...][:, j], preferred_element_type=jnp.float32)
        pq_ref[j] = pj.reshape(BLK // 128, 128)


_layer2 = pl.pallas_call(
    _layer2_body,
    grid=(NB,),
    in_specs=[
        pl.BlockSpec((NC, BLK, D), lambda i: (0, i, 0)),
        pl.BlockSpec((NC, HB, 128), lambda i: (0, NB + i, 0)),
        pl.BlockSpec((D, D), lambda i: (0, 0)),
        pl.BlockSpec((1, D), lambda i: (0, 0)),
        pl.BlockSpec((D, 8), lambda i: (0, 0)),
    ],
    out_specs=[
        pl.BlockSpec((BLK, D), lambda i: (i, 0)),
        pl.BlockSpec((4, BLK // 128, 128), lambda i: (0, i, 0)),
    ],
    out_shape=[
        jax.ShapeDtypeStruct((N_NODES, D), jnp.float32),
        jax.ShapeDtypeStruct((4, N_PAD // 128, 128), jnp.float32),
    ],
)


def kernel(feat, graph_edge_index, edge_index, W1, b1, W2, b2, Wc, bc):
    f32 = jnp.float32
    feat_pad = jnp.pad(feat.astype(f32), ((0, N_PAD - N_NODES), (0, 0)))

    n_pad_e = E_PAD - N_EDGES
    pad_idx = (jnp.arange(n_pad_e, dtype=jnp.int32) % (N_PAD - N_NODES)) + N_NODES
    src_p = jnp.concatenate([graph_edge_index[0].astype(jnp.int32), pad_idx])
    dst_p = jnp.concatenate([graph_edge_index[1].astype(jnp.int32), pad_idx])
    src3 = src_p.reshape(NW, G_CHUNKS, GK)
    dst3 = dst_p.reshape(NW, G_CHUNKS, GK)

    n_pad_c = EC_PAD - N_CLS
    zpad = jnp.zeros((n_pad_c,), jnp.int32)
    cs3 = jnp.concatenate([edge_index[0].astype(jnp.int32), zpad]).reshape(
        NW, C_CHUNKS, K)
    cd3 = jnp.concatenate([edge_index[1].astype(jnp.int32), zpad]).reshape(
        NW, C_CHUNKS, K)

    b1r = b1.astype(f32).reshape(1, D)
    b2r = b2.astype(f32).reshape(1, D)
    wc8 = jnp.zeros((D, 8), f32)
    wc8 = wc8.at[:, 0:2].set(Wc[:D].astype(f32))
    wc8 = wc8.at[:, 2:4].set(Wc[D:].astype(f32))
    bc16 = jnp.zeros((16,), f32).at[0:2].set(bc.astype(f32))

    hist = _degrees(src3, dst3)
    hist2 = hist.reshape(NC, 2 * N_PAD * HW // 128, 128)
    x1 = _prep(hist2, feat_pad)
    agg1 = _aggregate(x1, src3, dst3)
    x2 = _layer1(agg1, hist2, hist2, W1.astype(f32), b1r)
    agg2 = _aggregate(x2, src3, dst3)
    h, pq = _layer2(agg2, hist2, W2.astype(f32), b2r, wc8)
    planes = _classify(pq.reshape(4, N_PAD), bc16, cs3, cd3)

    probs = jnp.stack([planes[0, :N_CLS], planes[1, :N_CLS]], axis=1)
    return h, probs

# --- scband reference (transcript-rebuilt; emitter-appended) ---
"""Pipeline reference for scband-hgcn-39290360824096 (READ-ONLY COPY).

The authoritative reference and input builder live on the scoring server;
editing this copy changes nothing except your own understanding.
"""

import jax, jax.numpy as jnp
import numpy as np

N_NODES = 10000
N_EDGES = 320000
N_CLS_EDGES = 100000
D_IN = 128
HIDDEN = 128
OUT_DIM = 2


def graph_conv(x, src, dst, W, b, n_nodes):
    # DGL GraphConv with norm='both': symmetric degree normalization
    ones = jnp.ones(src.shape[0], dtype=x.dtype)
    deg_out = jax.ops.segment_sum(ones, src, num_segments=n_nodes)
    deg_in = jax.ops.segment_sum(ones, dst, num_segments=n_nodes)
    norm_src = jnp.power(jnp.maximum(deg_out, 1.0), -0.5)
    norm_dst = jnp.power(jnp.maximum(deg_in, 1.0), -0.5)
    h = x * norm_src[:, None]
    msgs = h[src]
    agg = jax.ops.segment_sum(msgs, dst, num_segments=n_nodes)
    h = agg * norm_dst[:, None]
    return h @ W + b


def setup_inputs(seed: int = 0) -> dict:
    key = jax.random.key(seed)
    ks = jax.random.split(key, 10)
    feat = jax.random.normal(ks[0], (N_NODES, D_IN), dtype=jnp.float32)
    graph_edge_index = jax.random.randint(ks[1], (2, N_EDGES), 0, N_NODES, dtype=jnp.int64 if jax.config.jax_enable_x64 else jnp.int32).astype(jnp.int32)
    edge_index = jax.random.randint(ks[2], (2, N_CLS_EDGES), 0, N_NODES, dtype=jnp.int32)
    # layer 1 GraphConv weights (Glorot-ish scale)
    W1 = jax.random.normal(ks[3], (D_IN, HIDDEN), dtype=jnp.float32) * (1.0 / np.sqrt(D_IN))
    b1 = jnp.zeros((HIDDEN,), dtype=jnp.float32)
    # layer 2 GraphConv weights
    W2 = jax.random.normal(ks[4], (HIDDEN, HIDDEN), dtype=jnp.float32) * (1.0 / np.sqrt(HIDDEN))
    b2 = jnp.zeros((HIDDEN,), dtype=jnp.float32)
    # classifier: Linear(2*hidden, out_dim)
    Wc = jax.random.normal(ks[5], (2 * HIDDEN, OUT_DIM), dtype=jnp.float32) * (1.0 / np.sqrt(2 * HIDDEN))
    bc = jnp.zeros((OUT_DIM,), dtype=jnp.float32)
    return {"feat": feat, "graph_edge_index": graph_edge_index, "edge_index": edge_index,
            "W1": W1, "b1": b1, "W2": W2, "b2": b2, "Wc": Wc, "bc": bc}


def reference(feat, graph_edge_index, edge_index, W1, b1, W2, b2, Wc, bc):
    src = graph_edge_index[0]
    dst = graph_edge_index[1]
    # Layer 1: HeteroGraphConv over single relation ('node','PPI','node'); mean over 1 relation = identity
    h = graph_conv(feat, src, dst, W1, b1, N_NODES)
    h = jax.nn.relu(h)
    # Layer 2
    h = graph_conv(h, src, dst, W2, b2, N_NODES)
    h = jax.nn.relu(h)
    # Link classification on the given edge pairs
    s_ids = edge_index[0]
    d_ids = edge_index[1]
    hs = h[s_ids]
    hd = h[d_ids]
    h_pair = jnp.concatenate([hs, hd], axis=1)
    logits = h_pair @ Wc + bc
    return h, jax.nn.sigmoid(logits)

if __name__ == "__main__":
    import jax
    _d = setup_inputs()
    print(jax.jit(kernel)(*tuple(_d.values())))

</pallas_src>

<mosaic_0001>
#map = affine_map<(d0, d1) -> (0, 0, 0)>
module attributes {stable_mosaic.version = 14 : i64} {
  func.func @_degrees(%arg0: i32, %arg1: i32, %arg2: memref<32x158x64xi32, #tpu.memory_space<hbm>>, %arg3: memref<32x158x64xi32, #tpu.memory_space<hbm>>, %arg4: memref<2x20480x16xf32, #tpu.memory_space<hbm>>, %arg5: memref<158x64xi32, #tpu.memory_space<vmem>>, %arg6: memref<158x64xi32, #tpu.memory_space<vmem>>, %arg7: memref<64x16xf32, #tpu.memory_space<vmem>>, %arg8: memref<20480x16xf32, #tpu.memory_space<vmem_shared>>, %arg9: memref<!tpu.dma_semaphore, #tpu.memory_space<semaphore_mem>>, %arg10: memref<!tpu.dma_semaphore, #tpu.memory_space<semaphore_mem>>, %arg11: memref<!tpu.dma_semaphore, #tpu.memory_space<semaphore_mem>>) attributes {dimension_semantics = [#tpu.dimension_semantics<core_parallel>, #tpu.dimension_semantics<subcore_parallel>], iteration_bounds = array<i64: 2, 16>, scalar_prefetch = 0 : i64, scratch_operands = 7 : i64, tpu.core_type = #tpu.core_type<sc_vector_subcore>, window_params = [{transform_indices = #map}, {transform_indices = #map}, {transform_indices = #map}]} {
    %mul3A = arith.constant 2 : i32
    %mul3A_0 = arith.muli %arg1, %mul3A : i32
    %add3A = arith.addi %mul3A_0, %arg0 : i32
    %broadcast_in_dim3A = arith.constant 0.000000e+00 : f32
    %broadcast_in_dim3A_1 = vector.broadcast %broadcast_in_dim3A : f32 to vector<16xf32>
    %iota3A = tpu.iota {dimensions = array<i32: 0>} : vector<16xi32>
    %eq3A = arith.constant 0 : i32
    %eq3A_2 = vector.broadcast %eq3A : i32 to vector<16xi32>
    %eq3A_3 = arith.cmpi eq, %iota3A, %eq3A_2 : vector<16xi32>
    %jit3A = arith.constant 1.000000e+00 : f32
    %jit3A_4 = arith.constant 0.000000e+00 : f32
    %broadcast_in_dim3A_5 = vector.broadcast %jit3A : f32 to vector<16xf32>
    %broadcast_in_dim3A_6 = vector.broadcast %jit3A_4 : f32 to vector<16xf32>
    %select_n3A = arith.select %eq3A_3, %broadcast_in_dim3A_5, %broadcast_in_dim3A_6 : vector<16xi1>, vector<16xf32>
    %dma_start3A = arith.constant 0 : i32
    %dma_start3A_7 = arith.constant 0 : i32
    %dma_start3A_8 = tpu.memref_slice %arg2[%add3A, %dma_start3A, %dma_start3A_7] : memref<32x158x64xi32, #tpu.memory_space<hbm>> -> memref<1x158x64xi32, #tpu.memory_space<hbm>>
    %dma_start3A_9 = tpu.memref_squeeze %dma_start3A_8 : memref<1x158x64xi32, #tpu.memory_space<hbm>> -> memref<158x64xi32, #tpu.memory_space<hbm>>
    %dma_start3A_10 = arith.constant 0 : i32
    %dma_start3A_11 = arith.constant 0 : i32
    %dma_start3A_12 = tpu.memref_slice %arg2[%add3A, %dma_start3A_10, %dma_start3A_11] : memref<32x158x64xi32, #tpu.memory_space<hbm>> -> memref<1x158x64xi32, #tpu.memory_space<hbm>>
    %dma_start3A_13 = tpu.memref_squeeze %dma_start3A_12 : memref<1x158x64xi32, #tpu.memory_space<hbm>> -> memref<158x64xi32, #tpu.memory_space<hbm>>
    tpu.enqueue_dma source(%dma_start3A_13 : memref<158x64xi32, #tpu.memory_space<hbm>>) target(%arg5 : memref<158x64xi32, #tpu.memory_space<vmem>>) target_semaphore(%arg9 : memref<!tpu.dma_semaphore, #tpu.memory_space<semaphore_mem>>)
    %dma_start3A_14 = arith.constant 0 : i32
    %dma_start3A_15 = arith.constant 0 : i32
    %dma_start3A_16 = tpu.memref_slice %arg3[%add3A, %dma_start3A_14, %dma_start3A_15] : memref<32x158x64xi32, #tpu.memory_space<hbm>> -> memref<1x158x64xi32, #tpu.memory_space<hbm>>
    %dma_start3A_17 = tpu.memref_squeeze %dma_start3A_16 : memref<1x158x64xi32, #tpu.memory_space<hbm>> -> memref<158x64xi32, #tpu.memory_space<hbm>>
    %dma_start3A_18 = arith.constant 0 : i32
    %dma_start3A_19 = arith.constant 0 : i32
    %dma_start3A_20 = tpu.memref_slice %arg3[%add3A, %dma_start3A_18, %dma_start3A_19] : memref<32x158x64xi32, #tpu.memory_space<hbm>> -> memref<1x158x64xi32, #tpu.memory_space<hbm>>
    %dma_start3A_21 = tpu.memref_squeeze %dma_start3A_20 : memref<1x158x64xi32, #tpu.memory_space<hbm>> -> memref<158x64xi32, #tpu.memory_space<hbm>>
    tpu.enqueue_dma source(%dma_start3A_21 : memref<158x64xi32, #tpu.memory_space<hbm>>) target(%arg6 : memref<158x64xi32, #tpu.memory_space<vmem>>) target_semaphore(%arg9 : memref<!tpu.dma_semaphore, #tpu.memory_space<semaphore_mem>>)
    %scan3A = arith.constant 0 : i32
    %scan3A_22 = arith.constant 0 : i32
    %scan3A_23 = arith.constant 64 : i32
    %scan3A_24 = arith.addi %scan3A_22, %scan3A_23 : i32
    %scan3A_25 = arith.constant 1 : i32
    %scan3A_26 = scf.for %scan3A_205 = %scan3A_22 to %scan3A_24 step %scan3A_25 iter_args(%scan3A_206 = %scan3A) -> (i32)  : i32 {
      %swap3A = arith.index_cast %scan3A_205 : i32 to index
      %swap3A_207 = arith.constant 0 : index
      %swap3A_208 = tpu.vector_load %arg7[%swap3A, %swap3A_207] {strides = array<i32>} : memref<64x16xf32, #tpu.memory_space<vmem>>, vector<16xf32>,
      tpu.vector_store %arg7[%swap3A, %swap3A_207], %broadcast_in_dim3A_1 {strides = array<i32>} : memref<64x16xf32, #tpu.memory_space<vmem>>, vector<16xf32>,
      %scan3A_209 = arith.constant 0 : i32
      scf.yield %scan3A_209 : i32
    }
    %scan3A_27 = arith.constant 64 : i32
    %mul3A_28 = arith.constant 1280 : i32
    %mul3A_29 = arith.muli %arg1, %mul3A_28 : i32
    %add3A_30 = arith.constant 0 : i32
    %add3A_31 = arith.addi %mul3A_29, %add3A_30 : i32
    "tpu.region"() ({
      %run_scoped3A = tpu.sem_alloc : memref<!tpu.dma_semaphore, #tpu.memory_space<semaphore_mem>>
      %dma_start3A_205 = arith.constant 0 : i32
      %dma_start3A_206 = tpu.memref_slice %arg8[%add3A_31, %dma_start3A_205] : memref<20480x16xf32, #tpu.memory_space<vmem_shared>> -> memref<64x16xf32, #tpu.memory_space<vmem_shared>>
      %dma_start3A_207 = arith.constant 0 : i32
      %dma_start3A_208 = tpu.memref_slice %arg8[%add3A_31, %dma_start3A_207] : memref<20480x16xf32, #tpu.memory_space<vmem_shared>> -> memref<64x16xf32, #tpu.memory_space<vmem_shared>>
      tpu.enqueue_dma source(%arg7 : memref<64x16xf32, #tpu.memory_space<vmem>>) target(%dma_start3A_208 : memref<64x16xf32, #tpu.memory_space<vmem_shared>>) target_semaphore(%run_scoped3A : memref<!tpu.dma_semaphore, #tpu.memory_space<semaphore_mem>>)
      %dma_wait3A_209 = arith.constant 0 : i32
      %dma_wait3A_210 = tpu.memref_slice %arg8[%add3A_31, %dma_wait3A_209] : memref<20480x16xf32, #tpu.memory_space<vmem_shared>> -> memref<64x16xf32, #tpu.memory_space<vmem_shared>>
      %dma_wait3A_211 = arith.constant 0 : i32
      %dma_wait3A_212 = tpu.memref_slice %arg8[%add3A_31, %dma_wait3A_211] : memref<20480x16xf32, #tpu.memory_space<vmem_shared>> -> memref<64x16xf32, #tpu.memory_space<vmem_shared>>
      tpu.wait_dma2 semaphore(%run_scoped3A : memref<!tpu.dma_semaphore, #tpu.memory_space<semaphore_mem>>) src(%arg7 : memref<64x16xf32, #tpu.memory_space<vmem>>) dst(%dma_wait3A_212 : memref<64x16xf32, #tpu.memory_space<vmem_shared>>)
      tpu.yield
    }) : () -> ()
    %mul3A_32 = arith.constant 1280 : i32
    %mul3A_33 = arith.muli %arg1, %mul3A_32 : i32
    %add3A_34 = arith.constant 64 : i32
    %add3A_35 = arith.addi %mul3A_33, %add3A_34 : i32
    "tpu.region"() ({
      %run_scoped3A = tpu.sem_alloc : memref<!tpu.dma_semaphore, #tpu.memory_space<semaphore_mem>>
      %dma_start3A_205 = arith.constant 0 : i32
      %dma_start3A_206 = tpu.memref_slice %arg8[%add3A_35, %dma_start3A_205] : memref<20480x16xf32, #tpu.memory_space<vmem_shared>> -> memref<64x16xf32, #tpu.memory_space<vmem_shared>>
      %dma_start3A_207 = arith.constant 0 : i32
      %dma_start3A_208 = tpu.memref_slice %arg8[%add3A_35, %dma_start3A_207] : memref<20480x16xf32, #tpu.memory_space<vmem_shared>> -> memref<64x16xf32, #tpu.memory_space<vmem_shared>>
      tpu.enqueue_dma source(%arg7 : memref<64x16xf32, #tpu.memory_space<vmem>>) target(%dma_start3A_208 : memref<64x16xf32, #tpu.memory_space<vmem_shared>>) target_semaphore(%run_scoped3A : memref<!tpu.dma_semaphore, #tpu.memory_space<semaphore_mem>>)
      %dma_wait3A_209 = arith.constant 0 : i32
      %dma_wait3A_210 = tpu.memref_slice %arg8[%add3A_35, %dma_wait3A_209] : memref<20480x16xf32, #tpu.memory_space<vmem_shared>> -> memref<64x16xf32, #tpu.memory_space<vmem_shared>>
      %dma_wait3A_211 = arith.constant 0 : i32
      %dma_wait3A_212 = tpu.memref_slice %arg8[%add3A_35, %dma_wait3A_211] : memref<20480x16xf32, #tpu.memory_space<vmem_shared>> -> memref<64x16xf32, #tpu.memory_space<vmem_shared>>
      tpu.wait_dma2 semaphore(%run_scoped3A : memref<!tpu.dma_semaphore, #tpu.memory_space<semaphore_mem>>) src(%arg7 : memref<64x16xf32, #tpu.memory_space<vmem>>) dst(%dma_wait3A_212 : memref<64x16xf32, #tpu.memory_space<vmem_shared>>)
      tpu.yield
    }) : () -> ()
    %mul3A_36 = arith.constant 1280 : i32
    %mul3A_37 = arith.muli %arg1, %mul3A_36 : i32
    %add3A_38 = arith.constant 128 : i32
    %add3A_39 = arith.addi %mul3A_37, %add3A_38 : i32
    "tpu.region"() ({
      %run_scoped3A = tpu.sem_alloc : memref<!tpu.dma_semaphore, #tpu.memory_space<semaphore_mem>>
      %dma_start3A_205 = arith.constant 0 : i32
      %dma_start3A_206 = tpu.memref_slice %arg8[%add3A_39, %dma_start3A_205] : memref<20480x16xf32, #tpu.memory_space<vmem_shared>> -> memref<64x16xf32, #tpu.memory_space<vmem_shared>>
      %dma_start3A_207 = arith.constant 0 : i32
      %dma_start3A_208 = tpu.memref_slice %arg8[%add3A_39, %dma_start3A_207] : memref<20480x16xf32, #tpu.memory_space<vmem_shared>> -> memref<64x16xf32, #tpu.memory_space<vmem_shared>>
      tpu.enqueue_dma source(%arg7 : memref<64x16xf32, #tpu.memory_space<vmem>>) target(%dma_start3A_208 : memref<64x16xf32, #tpu.memory_space<vmem_shared>>) target_semaphore(%run_scoped3A : memref<!tpu.dma_semaphore, #tpu.memory_space<semaphore_mem>>)
      %dma_wait3A_209 = arith.constant 0 : i32
      %dma_wait3A_210 = tpu.memref_slice %arg8[%add3A_39, %dma_wait3A_209] : memref<20480x16xf32, #tpu.memory_space<vmem_shared>> -> memref<64x16xf32, #tpu.memory_space<vmem_shared>>
      %dma_wait3A_211 = arith.constant 0 : i32
      %dma_wait3A_212 = tpu.memref_slice %arg8[%add3A_39, %dma_wait3A_211] : memref<20480x16xf32, #tpu.memory_space<vmem_shared>> -> memref<64x16xf32, #tpu.memory_space<vmem_shared>>
      tpu.wait_dma2 semaphore(%run_scoped3A : memref<!tpu.dma_semaphore, #tpu.memory_space<semaphore_mem>>) src(%arg7 : memref<64x16xf32, #tpu.memory_space<vmem>>) dst(%dma_wait3A_212 : memref<64x16xf32, #tpu.memory_space<vmem_shared>>)
      tpu.yield
    }) : () -> ()
    %mul3A_40 = arith.constant 1280 : i32
    %mul3A_41 = arith.muli %arg1, %mul3A_40 : i32
    %add3A_42 = arith.constant 192 : i32
    %add3A_43 = arith.addi %mul3A_41, %add3A_42 : i32
    "tpu.region"() ({
      %run_scoped3A = tpu.sem_alloc : memref<!tpu.dma_semaphore, #tpu.memory_space<semaphore_mem>>
      %dma_start3A_205 = arith.constant 0 : i32
      %dma_start3A_206 = tpu.memref_slice %arg8[%add3A_43, %dma_start3A_205] : memref<20480x16xf32, #tpu.memory_space<vmem_shared>> -> memref<64x16xf32, #tpu.memory_space<vmem_shared>>
      %dma_start3A_207 = arith.constant 0 : i32
      %dma_start3A_208 = tpu.memref_slice %arg8[%add3A_43, %dma_start3A_207] : memref<20480x16xf32, #tpu.memory_space<vmem_shared>> -> memref<64x16xf32, #tpu.memory_space<vmem_shared>>
      tpu.enqueue_dma source(%arg7 : memref<64x16xf32, #tpu.memory_space<vmem>>) target(%dma_start3A_208 : memref<64x16xf32, #tpu.memory_space<vmem_shared>>) target_semaphore(%run_scoped3A : memref<!tpu.dma_semaphore, #tpu.memory_space<semaphore_mem>>)
      %dma_wait3A_209 = arith.constant 0 : i32
      %dma_wait3A_210 = tpu.memref_slice %arg8[%add3A_43, %dma_wait3A_209] : memref<20480x16xf32, #tpu.memory_space<vmem_shared>> -> memref<64x16xf32, #tpu.memory_space<vmem_shared>>
      %dma_wait3A_211 = arith.constant 0 : i32
      %dma_wait3A_212 = tpu.memref_slice %arg8[%add3A_43, %dma_wait3A_211] : memref<20480x16xf32, #tpu.memory_space<vmem_shared>> -> memref<64x16xf32, #tpu.memory_space<vmem_shared>>
      tpu.wait_dma2 semaphore(%run_scoped3A : memref<!tpu.dma_semaphore, #tpu.memory_space<semaphore_mem>>) src(%arg7 : memref<64x16xf32, #tpu.memory_space<vmem>>) dst(%dma_wait3A_212 : memref<64x16xf32, #tpu.memory_space<vmem_shared>>)
      tpu.yield
    }) : () -> ()
    %mul3A_44 = arith.constant 1280 : i32
    %mul3A_45 = arith.muli %arg1, %mul3A_44 : i32
    %add3A_46 = arith.constant 256 : i32
    %add3A_47 = arith.addi %mul3A_45, %add3A_46 : i32
    "tpu.region"() ({
      %run_scoped3A = tpu.sem_alloc : memref<!tpu.dma_semaphore, #tpu.memory_space<semaphore_mem>>
      %dma_start3A_205 = arith.constant 0 : i32
      %dma_start3A_206 = tpu.memref_slice %arg8[%add3A_47, %dma_start3A_205] : memref<20480x16xf32, #tpu.memory_space<vmem_shared>> -> memref<64x16xf32, #tpu.memory_space<vmem_shared>>
      %dma_start3A_207 = arith.constant 0 : i32
      %dma_start3A_208 = tpu.memref_slice %arg8[%add3A_47, %dma_start3A_207] : memref<20480x16xf32, #tpu.memory_space<vmem_shared>> -> memref<64x16xf32, #tpu.memory_space<vmem_shared>>
      tpu.enqueue_dma source(%arg7 : memref<64x16xf32, #tpu.memory_space<vmem>>) target(%dma_start3A_208 : memref<64x16xf32, #tpu.memory_space<vmem_shared>>) target_semaphore(%run_scoped3A : memref<!tpu.dma_semaphore, #tpu.memory_space<semaphore_mem>>)
      %dma_wait3A_209 = arith.constant 0 : i32
      %dma_wait3A_210 = tpu.memref_slice %arg8[%add3A_47, %dma_wait3A_209] : memref<20480x16xf32, #tpu.memory_space<vmem_shared>> -> memref<64x16xf32, #tpu.memory_space<vmem_shared>>
      %dma_wait3A_211 = arith.constant 0 : i32
      %dma_wait3A_212 = tpu.memref_slice %arg8[%add3A_47, %dma_wait3A_211] : memref<20480x16xf32, #tpu.memory_space<vmem_shared>> -> memref<64x16xf32, #tpu.memory_space<vmem_shared>>
      tpu.wait_dma2 semaphore(%run_scoped3A : memref<!tpu.dma_semaphore, #tpu.memory_space<semaphore_mem>>) src(%arg7 : memref<64x16xf32, #tpu.memory_space<vmem>>) dst(%dma_wait3A_212 : memref<64x16xf32, #tpu.memory_space<vmem_shared>>)
      tpu.yield
    }) : () -> ()
    %mul3A_48 = arith.constant 1280 : i32
    %mul3A_49 = arith.muli %arg1, %mul3A_48 : i32
    %add3A_50 = arith.constant 320 : i32
    %add3A_51 = arith.addi %mul3A_49, %add3A_50 : i32
    "tpu.region"() ({
      %run_scoped3A = tpu.sem_alloc : memref<!tpu.dma_semaphore, #tpu.memory_space<semaphore_mem>>
      %dma_start3A_205 = arith.constant 0 : i32
      %dma_start3A_206 = tpu.memref_slice %arg8[%add3A_51, %dma_start3A_205] : memref<20480x16xf32, #tpu.memory_space<vmem_shared>> -> memref<64x16xf32, #tpu.memory_space<vmem_shared>>
      %dma_start3A_207 = arith.constant 0 : i32
      %dma_start3A_208 = tpu.memref_slice %arg8[%add3A_51, %dma_start3A_207] : memref<20480x16xf32, #tpu.memory_space<vmem_shared>> -> memref<64x16xf32, #tpu.memory_space<vmem_shared>>
      tpu.enqueue_dma source(%arg7 : memref<64x16xf32, #tpu.memory_space<vmem>>) target(%dma_start3A_208 : memref<64x16xf32, #tpu.memory_space<vmem_shared>>) target_semaphore(%run_scoped3A : memref<!tpu.dma_semaphore, #tpu.memory_space<semaphore_mem>>)
      %dma_wait3A_209 = arith.constant 0 : i32
      %dma_wait3A_210 = tpu.memref_slice %arg8[%add3A_51, %dma_wait3A_209] : memref<20480x16xf32, #tpu.memory_space<vmem_shared>> -> memref<64x16xf32, #tpu.memory_space<vmem_shared>>
      %dma_wait3A_211 = arith.constant 0 : i32
      %dma_wait3A_212 = tpu.memref_slice %arg8[%add3A_51, %dma_wait3A_211] : memref<20480x16xf32, #tpu.memory_space<vmem_shared>> -> memref<64x16xf32, #tpu.memory_space<vmem_shared>>
      tpu.wait_dma2 semaphore(%run_scoped3A : memref<!tpu.dma_semaphore, #tpu.memory_space<semaphore_mem>>) src(%arg7 : memref<64x16xf32, #tpu.memory_space<vmem>>) dst(%dma_wait3A_212 : memref<64x16xf32, #tpu.memory_space<vmem_shared>>)
      tpu.yield
    }) : () -> ()
    %mul3A_52 = arith.constant 1280 : i32
    %mul3A_53 = arith.muli %arg1, %mul3A_52 : i32
    %add3A_54 = arith.constant 384 : i32
    %add3A_55 = arith.addi %mul3A_53, %add3A_54 : i32
    "tpu.region"() ({
      %run_scoped3A = tpu.sem_alloc : memref<!tpu.dma_semaphore, #tpu.memory_space<semaphore_mem>>
      %dma_start3A_205 = arith.constant 0 : i32
      %dma_start3A_206 = tpu.memref_slice %arg8[%add3A_55, %dma_start3A_205] : memref<20480x16xf32, #tpu.memory_space<vmem_shared>> -> memref<64x16xf32, #tpu.memory_space<vmem_shared>>
      %dma_start3A_207 = arith.constant 0 : i32
      %dma_start3A_208 = tpu.memref_slice %arg8[%add3A_55, %dma_start3A_207] : memref<20480x16xf32, #tpu.memory_space<vmem_shared>> -> memref<64x16xf32, #tpu.memory_space<vmem_shared>>
      tpu.enqueue_dma source(%arg7 : memref<64x16xf32, #tpu.memory_space<vmem>>) target(%dma_start3A_208 : memref<64x16xf32, #tpu.memory_space<vmem_shared>>) target_semaphore(%run_scoped3A : memref<!tpu.dma_semaphore, #tpu.memory_space<semaphore_mem>>)
      %dma_wait3A_209 = arith.constant 0 : i32
      %dma_wait3A_210 = tpu.memref_slice %arg8[%add3A_55, %dma_wait3A_209] : memref<20480x16xf32, #tpu.memory_space<vmem_shared>> -> memref<64x16xf32, #tpu.memory_space<vmem_shared>>
      %dma_wait3A_211 = arith.constant 0 : i32
      %dma_wait3A_212 = tpu.memref_slice %arg8[%add3A_55, %dma_wait3A_211] : memref<20480x16xf32, #tpu.memory_space<vmem_shared>> -> memref<64x16xf32, #tpu.memory_space<vmem_shared>>
      tpu.wait_dma2 semaphore(%run_scoped3A : memref<!tpu.dma_semaphore, #tpu.memory_space<semaphore_mem>>) src(%arg7 : memref<64x16xf32, #tpu.memory_space<vmem>>) dst(%dma_wait3A_212 : memref<64x16xf32, #tpu.memory_space<vmem_shared>>)
      tpu.yield
    }) : () -> ()
    %mul3A_56 = arith.constant 1280 : i32
    %mul3A_57 = arith.muli %arg1, %mul3A_56 : i32
    %add3A_58 = arith.constant 448 : i32
    %add3A_59 = arith.addi %mul3A_57, %add3A_58 : i32
    "tpu.region"() ({
      %run_scoped3A = tpu.sem_alloc : memref<!tpu.dma_semaphore, #tpu.memory_space<semaphore_mem>>
      %dma_start3A_205 = arith.constant 0 : i32
      %dma_start3A_206 = tpu.memref_slice %arg8[%add3A_59, %dma_start3A_205] : memref<20480x16xf32, #tpu.memory_space<vmem_shared>> -> memref<64x16xf32, #tpu.memory_space<vmem_shared>>
      %dma_start3A_207 = arith.constant 0 : i32
      %dma_start3A_208 = tpu.memref_slice %arg8[%add3A_59, %dma_start3A_207] : memref<20480x16xf32, #tpu.memory_space<vmem_shared>> -> memref<64x16xf32, #tpu.memory_space<vmem_shared>>
      tpu.enqueue_dma source(%arg7 : memref<64x16xf32, #tpu.memory_space<vmem>>) target(%dma_start3A_208 : memref<64x16xf32, #tpu.memory_space<vmem_shared>>) target_semaphore(%run_scoped3A : memref<!tpu.dma_semaphore, #tpu.memory_space<semaphore_mem>>)
      %dma_wait3A_209 = arith.constant 0 : i32
      %dma_wait3A_210 = tpu.memref_slice %arg8[%add3A_59, %dma_wait3A_209] : memref<20480x16xf32, #tpu.memory_space<vmem_shared>> -> memref<64x16xf32, #tpu.memory_space<vmem_shared>>
      %dma_wait3A_211 = arith.constant 0 : i32
      %dma_wait3A_212 = tpu.memref_slice %arg8[%add3A_59, %dma_wait3A_211] : memref<20480x16xf32, #tpu.memory_space<vmem_shared>> -> memref<64x16xf32, #tpu.memory_space<vmem_shared>>
      tpu.wait_dma2 semaphore(%run_scoped3A : memref<!tpu.dma_semaphore, #tpu.memory_space<semaphore_mem>>) src(%arg7 : memref<64x16xf32, #tpu.memory_space<vmem>>) dst(%dma_wait3A_212 : memref<64x16xf32, #tpu.memory_space<vmem_shared>>)
      tpu.yield
    }) : () -> ()
    %mul3A_60 = arith.constant 1280 : i32
    %mul3A_61 = arith.muli %arg1, %mul3A_60 : i32
    %add3A_62 = arith.constant 512 : i32
    %add3A_63 = arith.addi %mul3A_61, %add3A_62 : i32
    "tpu.region"() ({
      %run_scoped3A = tpu.sem_alloc : memref<!tpu.dma_semaphore, #tpu.memory_space<semaphore_mem>>
      %dma_start3A_205 = arith.constant 0 : i32
      %dma_start3A_206 = tpu.memref_slice %arg8[%add3A_63, %dma_start3A_205] : memref<20480x16xf32, #tpu.memory_space<vmem_shared>> -> memref<64x16xf32, #tpu.memory_space<vmem_shared>>
      %dma_start3A_207 = arith.constant 0 : i32
      %dma_start3A_208 = tpu.memref_slice %arg8[%add3A_63, %dma_start3A_207] : memref<20480x16xf32, #tpu.memory_space<vmem_shared>> -> memref<64x16xf32, #tpu.memory_space<vmem_shared>>
      tpu.enqueue_dma source(%arg7 : memref<64x16xf32, #tpu.memory_space<vmem>>) target(%dma_start3A_208 : memref<64x16xf32, #tpu.memory_space<vmem_shared>>) target_semaphore(%run_scoped3A : memref<!tpu.dma_semaphore, #tpu.memory_space<semaphore_mem>>)
      %dma_wait3A_209 = arith.constant 0 : i32
      %dma_wait3A_210 = tpu.memref_slice %arg8[%add3A_63, %dma_wait3A_209] : memref<20480x16xf32, #tpu.memory_space<vmem_shared>> -> memref<64x16xf32, #tpu.memory_space<vmem_shared>>
      %dma_wait3A_211 = arith.constant 0 : i32
      %dma_wait3A_212 = tpu.memref_slice %arg8[%add3A_63, %dma_wait3A_211] : memref<20480x16xf32, #tpu.memory_space<vmem_shared>> -> memref<64x16xf32, #tpu.memory_space<vmem_shared>>
      tpu.wait_dma2 semaphore(%run_scoped3A : memref<!tpu.dma_semaphore, #tpu.memory_space<semaphore_mem>>) src(%arg7 : memref<64x16xf32, #tpu.memory_space<vmem>>) dst(%dma_wait3A_212 : memref<64x16xf32, #tpu.memory_space<vmem_shared>>)
      tpu.yield
    }) : () -> ()
    %mul3A_64 = arith.constant 1280 : i32
    %mul3A_65 = arith.muli %arg1, %mul3A_64 : i32
    %add3A_66 = arith.constant 576 : i32
    %add3A_67 = arith.addi %mul3A_65, %add3A_66 : i32
    "tpu.region"() ({
      %run_scoped3A = tpu.sem_alloc : memref<!tpu.dma_semaphore, #tpu.memory_space<semaphore_mem>>
      %dma_start3A_205 = arith.constant 0 : i32
      %dma_start3A_206 = tpu.memref_slice %arg8[%add3A_67, %dma_start3A_205] : memref<20480x16xf32, #tpu.memory_space<vmem_shared>> -> memref<64x16xf32, #tpu.memory_space<vmem_shared>>
      %dma_start3A_207 = arith.constant 0 : i32
      %dma_start3A_208 = tpu.memref_slice %arg8[%add3A_67, %dma_start3A_207] : memref<20480x16xf32, #tpu.memory_space<vmem_shared>> -> memref<64x16xf32, #tpu.memory_space<vmem_shared>>
      tpu.enqueue_dma source(%arg7 : memref<64x16xf32, #tpu.memory_space<vmem>>) target(%dma_start3A_208 : memref<64x16xf32, #tpu.memory_space<vmem_shared>>) target_semaphore(%run_scoped3A : memref<!tpu.dma_semaphore, #tpu.memory_space<semaphore_mem>>)
      %dma_wait3A_209 = arith.constant 0 : i32
      %dma_wait3A_210 = tpu.memref_slice %arg8[%add3A_67, %dma_wait3A_209] : memref<20480x16xf32, #tpu.memory_space<vmem_shared>> -> memref<64x16xf32, #tpu.memory_space<vmem_shared>>
      %dma_wait3A_211 = arith.constant 0 : i32
      %dma_wait3A_212 = tpu.memref_slice %arg8[%add3A_67, %dma_wait3A_211] : memref<20480x16xf32, #tpu.memory_space<vmem_shared>> -> memref<64x16xf32, #tpu.memory_space<vmem_shared>>
      tpu.wait_dma2 semaphore(%run_scoped3A : memref<!tpu.dma_semaphore, #tpu.memory_space<semaphore_mem>>) src(%arg7 : memref<64x16xf32, #tpu.memory_space<vmem>>) dst(%dma_wait3A_212 : memref<64x16xf32, #tpu.memory_space<vmem_shared>>)
      tpu.yield
    }) : () -> ()
    %mul3A_68 = arith.constant 1280 : i32
    %mul3A_69 = arith.muli %arg1, %mul3A_68 : i32
    %add3A_70 = arith.constant 640 : i32
    %add3A_71 = arith.addi %mul3A_69, %add3A_70 : i32
    "tpu.region"() ({
      %run_scoped3A = tpu.sem_alloc : memref<!tpu.dma_semaphore, #tpu.memory_space<semaphore_mem>>
      %dma_start3A_205 = arith.constant 0 : i32
      %dma_start3A_206 = tpu.memref_slice %arg8[%add3A_71, %dma_start3A_205] : memref<20480x16xf32, #tpu.memory_space<vmem_shared>> -> memref<64x16xf32, #tpu.memory_space<vmem_shared>>
      %dma_start3A_207 = arith.constant 0 : i32
      %dma_start3A_208 = tpu.memref_slice %arg8[%add3A_71, %dma_start3A_207] : memref<20480x16xf32, #tpu.memory_space<vmem_shared>> -> memref<64x16xf32, #tpu.memory_space<vmem_shared>>
      tpu.enqueue_dma source(%arg7 : memref<64x16xf32, #tpu.memory_space<vmem>>) target(%dma_start3A_208 : memref<64x16xf32, #tpu.memory_space<vmem_shared>>) target_semaphore(%run_scoped3A : memref<!tpu.dma_semaphore, #tpu.memory_space<semaphore_mem>>)
      %dma_wait3A_209 = arith.constant 0 : i32
      %dma_wait3A_210 = tpu.memref_slice %arg8[%add3A_71, %dma_wait3A_209] : memref<20480x16xf32, #tpu.memory_space<vmem_shared>> -> memref<64x16xf32, #tpu.memory_space<vmem_shared>>
      %dma_wait3A_211 = arith.constant 0 : i32
      %dma_wait3A_212 = tpu.memref_slice %arg8[%add3A_71, %dma_wait3A_211] : memref<20480x16xf32, #tpu.memory_space<vmem_shared>> -> memref<64x16xf32, #tpu.memory_space<vmem_shared>>
      tpu.wait_dma2 semaphore(%run_scoped3A : memref<!tpu.dma_semaphore, #tpu.memory_space<semaphore_mem>>) src(%arg7 : memref<64x16xf32, #tpu.memory_space<vmem>>) dst(%dma_wait3A_212 : memref<64x16xf32, #tpu.memory_space<vmem_shared>>)
      tpu.yield
    }) : () -> ()
    %mul3A_72 = arith.constant 1280 : i32
    %mul3A_73 = arith.muli %arg1, %mul3A_72 : i32
    %add3A_74 = arith.constant 704 : i32
    %add3A_75 = arith.addi %mul3A_73, %add3A_74 : i32
    "tpu.region"() ({
      %run_scoped3A = tpu.sem_alloc : memref<!tpu.dma_semaphore, #tpu.memory_space<semaphore_mem>>
      %dma_start3A_205 = arith.constant 0 : i32
      %dma_start3A_206 = tpu.memref_slice %arg8[%add3A_75, %dma_start3A_205] : memref<20480x16xf32, #tpu.memory_space<vmem_shared>> -> memref<64x16xf32, #tpu.memory_space<vmem_shared>>
      %dma_start3A_207 = arith.constant 0 : i32
      %dma_start3A_208 = tpu.memref_slice %arg8[%add3A_75, %dma_start3A_207] : memref<20480x16xf32, #tpu.memory_space<vmem_shared>> -> memref<64x16xf32, #tpu.memory_space<vmem_shared>>
      tpu.enqueue_dma source(%arg7 : memref<64x16xf32, #tpu.memory_space<vmem>>) target(%dma_start3A_208 : memref<64x16xf32, #tpu.memory_space<vmem_shared>>) target_semaphore(%run_scoped3A : memref<!tpu.dma_semaphore, #tpu.memory_space<semaphore_mem>>)
      %dma_wait3A_209 = arith.constant 0 : i32
      %dma_wait3A_210 = tpu.memref_slice %arg8[%add3A_75, %dma_wait3A_209] : memref<20480x16xf32, #tpu.memory_space<vmem_shared>> -> memref<64x16xf32, #tpu.memory_space<vmem_shared>>
      %dma_wait3A_211 = arith.constant 0 : i32
      %dma_wait3A_212 = tpu.memref_slice %arg8[%add3A_75, %dma_wait3A_211] : memref<20480x16xf32, #tpu.memory_space<vmem_shared>> -> memref<64x16xf32, #tpu.memory_space<vmem_shared>>
      tpu.wait_dma2 semaphore(%run_scoped3A : memref<!tpu.dma_semaphore, #tpu.memory_space<semaphore_mem>>) src(%arg7 : memref<64x16xf32, #tpu.memory_space<vmem>>) dst(%dma_wait3A_212 : memref<64x16xf32, #tpu.memory_space<vmem_shared>>)
      tpu.yield
    }) : () -> ()
    %mul3A_76 = arith.constant 1280 : i32
    %mul3A_77 = arith.muli %arg1, %mul3A_76 : i32
    %add3A_78 = arith.constant 768 : i32
    %add3A_79 = arith.addi %mul3A_77, %add3A_78 : i32
    "tpu.region"() ({
      %run_scoped3A = tpu.sem_alloc : memref<!tpu.dma_semaphore, #tpu.memory_space<semaphore_mem>>
      %dma_start3A_205 = arith.constant 0 : i32
      %dma_start3A_206 = tpu.memref_slice %arg8[%add3A_79, %dma_start3A_205] : memref<20480x16xf32, #tpu.memory_space<vmem_shared>> -> memref<64x16xf32, #tpu.memory_space<vmem_shared>>
      %dma_start3A_207 = arith.constant 0 : i32
      %dma_start3A_208 = tpu.memref_slice %arg8[%add3A_79, %dma_start3A_207] : memref<20480x16xf32, #tpu.memory_space<vmem_shared>> -> memref<64x16xf32, #tpu.memory_space<vmem_shared>>
      tpu.enqueue_dma source(%arg7 : memref<64x16xf32, #tpu.memory_space<vmem>>) target(%dma_start3A_208 : memref<64x16xf32, #tpu.memory_space<vmem_shared>>) target_semaphore(%run_scoped3A : memref<!tpu.dma_semaphore, #tpu.memory_space<semaphore_mem>>)
      %dma_wait3A_209 = arith.constant 0 : i32
      %dma_wait3A_210 = tpu.memref_slice %arg8[%add3A_79, %dma_wait3A_209] : memref<20480x16xf32, #tpu.memory_space<vmem_shared>> -> memref<64x16xf32, #tpu.memory_space<vmem_shared>>
      %dma_wait3A_211 = arith.constant 0 : i32
      %dma_wait3A_212 = tpu.memref_slice %arg8[%add3A_79, %dma_wait3A_211] : memref<20480x16xf32, #tpu.memory_space<vmem_shared>> -> memref<64x16xf32, #tpu.memory_space<vmem_shared>>
      tpu.wait_dma2 semaphore(%run_scoped3A : memref<!tpu.dma_semaphore, #tpu.memory_space<semaphore_mem>>) src(%arg7 : memref<64x16xf32, #tpu.memory_space<vmem>>) dst(%dma_wait3A_212 : memref<64x16xf32, #tpu.memory_space<vmem_shared>>)
      tpu.yield
    }) : () -> ()
    %mul3A_80 = arith.constant 1280 : i32
    %mul3A_81 = arith.muli %arg1, %mul3A_80 : i32
    %add3A_82 = arith.constant 832 : i32
    %add3A_83 = arith.addi %mul3A_81, %add3A_82 : i32
    "tpu.region"() ({
      %run_scoped3A = tpu.sem_alloc : memref<!tpu.dma_semaphore, #tpu.memory_space<semaphore_mem>>
      %dma_start3A_205 = arith.constant 0 : i32
      %dma_start3A_206 = tpu.memref_slice %arg8[%add3A_83, %dma_start3A_205] : memref<20480x16xf32, #tpu.memory_space<vmem_shared>> -> memref<64x16xf32, #tpu.memory_space<vmem_shared>>
      %dma_start3A_207 = arith.constant 0 : i32
      %dma_start3A_208 = tpu.memref_slice %arg8[%add3A_83, %dma_start3A_207] : memref<20480x16xf32, #tpu.memory_space<vmem_shared>> -> memref<64x16xf32, #tpu.memory_space<vmem_shared>>
      tpu.enqueue_dma source(%arg7 : memref<64x16xf32, #tpu.memory_space<vmem>>) target(%dma_start3A_208 : memref<64x16xf32, #tpu.memory_space<vmem_shared>>) target_semaphore(%run_scoped3A : memref<!tpu.dma_semaphore, #tpu.memory_space<semaphore_mem>>)
      %dma_wait3A_209 = arith.constant 0 : i32
      %dma_wait3A_210 = tpu.memref_slice %arg8[%add3A_83, %dma_wait3A_209] : memref<20480x16xf32, #tpu.memory_space<vmem_shared>> -> memref<64x16xf32, #tpu.memory_space<vmem_shared>>
      %dma_wait3A_211 = arith.constant 0 : i32
      %dma_wait3A_212 = tpu.memref_slice %arg8[%add3A_83, %dma_wait3A_211] : memref<20480x16xf32, #tpu.memory_space<vmem_shared>> -> memref<64x16xf32, #tpu.memory_space<vmem_shared>>
      tpu.wait_dma2 semaphore(%run_scoped3A : memref<!tpu.dma_semaphore, #tpu.memory_space<semaphore_mem>>) src(%arg7 : memref<64x16xf32, #tpu.memory_space<vmem>>) dst(%dma_wait3A_212 : memref<64x16xf32, #tpu.memory_space<vmem_shared>>)
      tpu.yield
    }) : () -> ()
    %mul3A_84 = arith.constant 1280 : i32
    %mul3A_85 = arith.muli %arg1, %mul3A_84 : i32
    %add3A_86 = arith.constant 896 : i32
    %add3A_87 = arith.addi %mul3A_85, %add3A_86 : i32
    "tpu.region"() ({
      %run_scoped3A = tpu.sem_alloc : memref<!tpu.dma_semaphore, #tpu.memory_space<semaphore_mem>>
      %dma_start3A_205 = arith.constant 0 : i32
      %dma_start3A_206 = tpu.memref_slice %arg8[%add3A_87, %dma_start3A_205] : memref<20480x16xf32, #tpu.memory_space<vmem_shared>> -> memref<64x16xf32, #tpu.memory_space<vmem_shared>>
      %dma_start3A_207 = arith.constant 0 : i32
      %dma_start3A_208 = tpu.memref_slice %arg8[%add3A_87, %dma_start3A_207] : memref<20480x16xf32, #tpu.memory_space<vmem_shared>> -> memref<64x16xf32, #tpu.memory_space<vmem_shared>>
      tpu.enqueue_dma source(%arg7 : memref<64x16xf32, #tpu.memory_space<vmem>>) target(%dma_start3A_208 : memref<64x16xf32, #tpu.memory_space<vmem_shared>>) target_semaphore(%run_scoped3A : memref<!tpu.dma_semaphore, #tpu.memory_space<semaphore_mem>>)
      %dma_wait3A_209 = arith.constant 0 : i32
      %dma_wait3A_210 = tpu.memref_slice %arg8[%add3A_87, %dma_wait3A_209] : memref<20480x16xf32, #tpu.memory_space<vmem_shared>> -> memref<64x16xf32, #tpu.memory_space<vmem_shared>>
      %dma_wait3A_211 = arith.constant 0 : i32
      %dma_wait3A_212 = tpu.memref_slice %arg8[%add3A_87, %dma_wait3A_211] : memref<20480x16xf32, #tpu.memory_space<vmem_shared>> -> memref<64x16xf32, #tpu.memory_space<vmem_shared>>
      tpu.wait_dma2 semaphore(%run_scoped3A : memref<!tpu.dma_semaphore, #tpu.memory_space<semaphore_mem>>) src(%arg7 : memref<64x16xf32, #tpu.memory_space<vmem>>) dst(%dma_wait3A_212 : memref<64x16xf32, #tpu.memory_space<vmem_shared>>)
      tpu.yield
    }) : () -> ()
    %mul3A_88 = arith.constant 1280 : i32
    %mul3A_89 = arith.muli %arg1, %mul3A_88 : i32
    %add3A_90 = arith.constant 960 : i32
    %add3A_91 = arith.addi %mul3A_89, %add3A_90 : i32
    "tpu.region"() ({
      %run_scoped3A = tpu.sem_alloc : memref<!tpu.dma_semaphore, #tpu.memory_space<semaphore_mem>>
      %dma_start3A_205 = arith.constant 0 : i32
      %dma_start3A_206 = tpu.memref_slice %arg8[%add3A_91, %dma_start3A_205] : memref<20480x16xf32, #tpu.memory_space<vmem_shared>> -> memref<64x16xf32, #tpu.memory_space<vmem_shared>>
      %dma_start3A_207 = arith.constant 0 : i32
      %dma_start3A_208 = tpu.memref_slice %arg8[%add3A_91, %dma_start3A_207] : memref<20480x16xf32, #tpu.memory_space<vmem_shared>> -> memref<64x16xf32, #tpu.memory_space<vmem_shared>>
      tpu.enqueue_dma source(%arg7 : memref<64x16xf32, #tpu.memory_space<vmem>>) target(%dma_start3A_208 : memref<64x16xf32, #tpu.memory_space<vmem_shared>>) target_semaphore(%run_scoped3A : memref<!tpu.dma_semaphore, #tpu.memory_space<semaphore_mem>>)
      %dma_wait3A_209 = arith.constant 0 : i32
      %dma_wait3A_210 = tpu.memref_slice %arg8[%add3A_91, %dma_wait3A_209] : memref<20480x16xf32, #tpu.memory_space<vmem_shared>> -> memref<64x16xf32, #tpu.memory_space<vmem_shared>>
      %dma_wait3A_211 = arith.constant 0 : i32
      %dma_wait3A_212 = tpu.memref_slice %arg8[%add3A_91, %dma_wait3A_211] : memref<20480x16xf32, #tpu.memory_space<vmem_shared>> -> memref<64x16xf32, #tpu.memory_space<vmem_shared>>
      tpu.wait_dma2 semaphore(%run_scoped3A : memref<!tpu.dma_semaphore, #tpu.memory_space<semaphore_mem>>) src(%arg7 : memref<64x16xf32, #tpu.memory_space<vmem>>) dst(%dma_wait3A_212 : memref<64x16xf32, #tpu.memory_space<vmem_shared>>)
      tpu.yield
    }) : () -> ()
    %mul3A_92 = arith.constant 1280 : i32
    %mul3A_93 = arith.muli %arg1, %mul3A_92 : i32
    %add3A_94 = arith.constant 1024 : i32
    %add3A_95 = arith.addi %mul3A_93, %add3A_94 : i32
    "tpu.region"() ({
      %run_scoped3A = tpu.sem_alloc : memref<!tpu.dma_semaphore, #tpu.memory_space<semaphore_mem>>
      %dma_start3A_205 = arith.constant 0 : i32
      %dma_start3A_206 = tpu.memref_slice %arg8[%add3A_95, %dma_start3A_205] : memref<20480x16xf32, #tpu.memory_space<vmem_shared>> -> memref<64x16xf32, #tpu.memory_space<vmem_shared>>
      %dma_start3A_207 = arith.constant 0 : i32
      %dma_start3A_208 = tpu.memref_slice %arg8[%add3A_95, %dma_start3A_207] : memref<20480x16xf32, #tpu.memory_space<vmem_shared>> -> memref<64x16xf32, #tpu.memory_space<vmem_shared>>
      tpu.enqueue_dma source(%arg7 : memref<64x16xf32, #tpu.memory_space<vmem>>) target(%dma_start3A_208 : memref<64x16xf32, #tpu.memory_space<vmem_shared>>) target_semaphore(%run_scoped3A : memref<!tpu.dma_semaphore, #tpu.memory_space<semaphore_mem>>)
      %dma_wait3A_209 = arith.constant 0 : i32
      %dma_wait3A_210 = tpu.memref_slice %arg8[%add3A_95, %dma_wait3A_209] : memref<20480x16xf32, #tpu.memory_space<vmem_shared>> -> memref<64x16xf32, #tpu.memory_space<vmem_shared>>
      %dma_wait3A_211 = arith.constant 0 : i32
      %dma_wait3A_212 = tpu.memref_slice %arg8[%add3A_95, %dma_wait3A_211] : memref<20480x16xf32, #tpu.memory_space<vmem_shared>> -> memref<64x16xf32, #tpu.memory_space<vmem_shared>>
      tpu.wait_dma2 semaphore(%run_scoped3A : memref<!tpu.dma_semaphore, #tpu.memory_space<semaphore_mem>>) src(%arg7 : memref<64x16xf32, #tpu.memory_space<vmem>>) dst(%dma_wait3A_212 : memref<64x16xf32, #tpu.memory_space<vmem_shared>>)
      tpu.yield
    }) : () -> ()
    %mul3A_96 = arith.constant 1280 : i32
    %mul3A_97 = arith.muli %arg1, %mul3A_96 : i32
    %add3A_98 = arith.constant 1088 : i32
    %add3A_99 = arith.addi %mul3A_97, %add3A_98 : i32
    "tpu.region"() ({
      %run_scoped3A = tpu.sem_alloc : memref<!tpu.dma_semaphore, #tpu.memory_space<semaphore_mem>>
      %dma_start3A_205 = arith.constant 0 : i32
      %dma_start3A_206 = tpu.memref_slice %arg8[%add3A_99, %dma_start3A_205] : memref<20480x16xf32, #tpu.memory_space<vmem_shared>> -> memref<64x16xf32, #tpu.memory_space<vmem_shared>>
      %dma_start3A_207 = arith.constant 0 : i32
      %dma_start3A_208 = tpu.memref_slice %arg8[%add3A_99, %dma_start3A_207] : memref<20480x16xf32, #tpu.memory_space<vmem_shared>> -> memref<64x16xf32, #tpu.memory_space<vmem_shared>>
      tpu.enqueue_dma source(%arg7 : memref<64x16xf32, #tpu.memory_space<vmem>>) target(%dma_start3A_208 : memref<64x16xf32, #tpu.memory_space<vmem_shared>>) target_semaphore(%run_scoped3A : memref<!tpu.dma_semaphore, #tpu.memory_space<semaphore_mem>>)
      %dma_wait3A_209 = arith.constant 0 : i32
      %dma_wait3A_210 = tpu.memref_slice %arg8[%add3A_99, %dma_wait3A_209] : memref<20480x16xf32, #tpu.memory_space<vmem_shared>> -> memref<64x16xf32, #tpu.memory_space<vmem_shared>>
      %dma_wait3A_211 = arith.constant 0 : i32
      %dma_wait3A_212 = tpu.memref_slice %arg8[%add3A_99, %dma_wait3A_211] : memref<20480x16xf32, #tpu.memory_space<vmem_shared>> -> memref<64x16xf32, #tpu.memory_space<vmem_shared>>
      tpu.wait_dma2 semaphore(%run_scoped3A : memref<!tpu.dma_semaphore, #tpu.memory_space<semaphore_mem>>) src(%arg7 : memref<64x16xf32, #tpu.memory_space<vmem>>) dst(%dma_wait3A_212 : memref<64x16xf32, #tpu.memory_space<vmem_shared>>)
      tpu.yield
    }) : () -> ()
    %mul3A_100 = arith.constant 1280 : i32
    %mul3A_101 = arith.muli %arg1, %mul3A_100 : i32
    %add3A_102 = arith.constant 1152 : i32
    %add3A_103 = arith.addi %mul3A_101, %add3A_102 : i32
    "tpu.region"() ({
      %run_scoped3A = tpu.sem_alloc : memref<!tpu.dma_semaphore, #tpu.memory_space<semaphore_mem>>
      %dma_start3A_205 = arith.constant 0 : i32
      %dma_start3A_206 = tpu.memref_slice %arg8[%add3A_103, %dma_start3A_205] : memref<20480x16xf32, #tpu.memory_space<vmem_shared>> -> memref<64x16xf32, #tpu.memory_space<vmem_shared>>
      %dma_start3A_207 = arith.constant 0 : i32
      %dma_start3A_208 = tpu.memref_slice %arg8[%add3A_103, %dma_start3A_207] : memref<20480x16xf32, #tpu.memory_space<vmem_shared>> -> memref<64x16xf32, #tpu.memory_space<vmem_shared>>
      tpu.enqueue_dma source(%arg7 : memref<64x16xf32, #tpu.memory_space<vmem>>) target(%dma_start3A_208 : memref<64x16xf32, #tpu.memory_space<vmem_shared>>) target_semaphore(%run_scoped3A : memref<!tpu.dma_semaphore, #tpu.memory_space<semaphore_mem>>)
      %dma_wait3A_209 = arith.constant 0 : i32
      %dma_wait3A_210 = tpu.memref_slice %arg8[%add3A_103, %dma_wait3A_209] : memref<20480x16xf32, #tpu.memory_space<vmem_shared>> -> memref<64x16xf32, #tpu.memory_space<vmem_shared>>
      %dma_wait3A_211 = arith.constant 0 : i32
      %dma_wait3A_212 = tpu.memref_slice %arg8[%add3A_103, %dma_wait3A_211] : memref<20480x16xf32, #tpu.memory_space<vmem_shared>> -> memref<64x16xf32, #tpu.memory_space<vmem_shared>>
      tpu.wait_dma2 semaphore(%run_scoped3A : memref<!tpu.dma_semaphore, #tpu.memory_space<semaphore_mem>>) src(%arg7 : memref<64x16xf32, #tpu.memory_space<vmem>>) dst(%dma_wait3A_212 : memref<64x16xf32, #tpu.memory_space<vmem_shared>>)
      tpu.yield
    }) : () -> ()
    %mul3A_104 = arith.constant 1280 : i32
    %mul3A_105 = arith.muli %arg1, %mul3A_104 : i32
    %add3A_106 = arith.constant 1216 : i32
    %add3A_107 = arith.addi %mul3A_105, %add3A_106 : i32
    "tpu.region"() ({
      %run_scoped3A = tpu.sem_alloc : memref<!tpu.dma_semaphore, #tpu.memory_space<semaphore_mem>>
      %dma_start3A_205 = arith.constant 0 : i32
      %dma_start3A_206 = tpu.memref_slice %arg8[%add3A_107, %dma_start3A_205] : memref<20480x16xf32, #tpu.memory_space<vmem_shared>> -> memref<64x16xf32, #tpu.memory_space<vmem_shared>>
      %dma_start3A_207 = arith.constant 0 : i32
      %dma_start3A_208 = tpu.memref_slice %arg8[%add3A_107, %dma_start3A_207] : memref<20480x16xf32, #tpu.memory_space<vmem_shared>> -> memref<64x16xf32, #tpu.memory_space<vmem_shared>>
      tpu.enqueue_dma source(%arg7 : memref<64x16xf32, #tpu.memory_space<vmem>>) target(%dma_start3A_208 : memref<64x16xf32, #tpu.memory_space<vmem_shared>>) target_semaphore(%run_scoped3A : memref<!tpu.dma_semaphore, #tpu.memory_space<semaphore_mem>>)
      %dma_wait3A_209 = arith.constant 0 : i32
      %dma_wait3A_210 = tpu.memref_slice %arg8[%add3A_107, %dma_wait3A_209] : memref<20480x16xf32, #tpu.memory_space<vmem_shared>> -> memref<64x16xf32, #tpu.memory_space<vmem_shared>>
      %dma_wait3A_211 = arith.constant 0 : i32
      %dma_wait3A_212 = tpu.memref_slice %arg8[%add3A_107, %dma_wait3A_211] : memref<20480x16xf32, #tpu.memory_space<vmem_shared>> -> memref<64x16xf32, #tpu.memory_space<vmem_shared>>
      tpu.wait_dma2 semaphore(%run_scoped3A : memref<!tpu.dma_semaphore, #tpu.memory_space<semaphore_mem>>) src(%arg7 : memref<64x16xf32, #tpu.memory_space<vmem>>) dst(%dma_wait3A_212 : memref<64x16xf32, #tpu.memory_space<vmem_shared>>)
      tpu.yield
    }) : () -> ()
    %scan3A_108 = arith.constant 0 : i32
    %scan3A_109 = arith.constant 0 : i32
    %scan3A_110 = arith.constant 64 : i32
    %scan3A_111 = arith.addi %scan3A_109, %scan3A_110 : i32
    %scan3A_112 = arith.constant 1 : i32
    %scan3A_113 = scf.for %scan3A_205 = %scan3A_109 to %scan3A_111 step %scan3A_112 iter_args(%scan3A_206 = %scan3A_108) -> (i32)  : i32 {
      %swap3A = arith.index_cast %scan3A_205 : i32 to index
      %swap3A_207 = arith.constant 0 : index
      %swap3A_208 = tpu.vector_load %arg7[%swap3A, %swap3A_207] {strides = array<i32>} : memref<64x16xf32, #tpu.memory_space<vmem>>, vector<16xf32>,
      tpu.vector_store %arg7[%swap3A, %swap3A_207], %select_n3A {strides = array<i32>} : memref<64x16xf32, #tpu.memory_space<vmem>>, vector<16xf32>,
      %scan3A_209 = arith.constant 0 : i32
      scf.yield %scan3A_209 : i32
    }
    %scan3A_114 = arith.constant 64 : i32
    %dma_wait3A = arith.constant 0 : i32
    %dma_wait3A_115 = arith.constant 0 : i32
    %dma_wait3A_116 = tpu.memref_slice %arg2[%add3A, %dma_wait3A, %dma_wait3A_115] : memref<32x158x64xi32, #tpu.memory_space<hbm>> -> memref<1x158x64xi32, #tpu.memory_space<hbm>>
    %dma_wait3A_117 = tpu.memref_squeeze %dma_wait3A_116 : memref<1x158x64xi32, #tpu.memory_space<hbm>> -> memref<158x64xi32, #tpu.memory_space<hbm>>
    %dma_wait3A_118 = arith.constant 0 : i32
    %dma_wait3A_119 = arith.constant 0 : i32
    %dma_wait3A_120 = tpu.memref_slice %arg2[%add3A, %dma_wait3A_118, %dma_wait3A_119] : memref<32x158x64xi32, #tpu.memory_space<hbm>> -> memref<1x158x64xi32, #tpu.memory_space<hbm>>
    %dma_wait3A_121 = tpu.memref_squeeze %dma_wait3A_120 : memref<1x158x64xi32, #tpu.memory_space<hbm>> -> memref<158x64xi32, #tpu.memory_space<hbm>>
    tpu.wait_dma2 semaphore(%arg9 : memref<!tpu.dma_semaphore, #tpu.memory_space<semaphore_mem>>) src(%dma_wait3A_121 : memref<158x64xi32, #tpu.memory_space<hbm>>) dst(%arg5 : memref<158x64xi32, #tpu.memory_space<vmem>>)
    %dma_wait3A_122 = arith.constant 0 : i32
    %dma_wait3A_123 = arith.constant 0 : i32
    %dma_wait3A_124 = tpu.memref_slice %arg3[%add3A, %dma_wait3A_122, %dma_wait3A_123] : memref<32x158x64xi32, #tpu.memory_space<hbm>> -> memref<1x158x64xi32, #tpu.memory_space<hbm>>
    %dma_wait3A_125 = tpu.memref_squeeze %dma_wait3A_124 : memref<1x158x64xi32, #tpu.memory_space<hbm>> -> memref<158x64xi32, #tpu.memory_space<hbm>>
    %dma_wait3A_126 = arith.constant 0 : i32
    %dma_wait3A_127 = arith.constant 0 : i32
    %dma_wait3A_128 = tpu.memref_slice %arg3[%add3A, %dma_wait3A_126, %dma_wait3A_127] : memref<32x158x64xi32, #tpu.memory_space<hbm>> -> memref<1x158x64xi32, #tpu.memory_space<hbm>>
    %dma_wait3A_129 = tpu.memref_squeeze %dma_wait3A_128 : memref<1x158x64xi32, #tpu.memory_space<hbm>> -> memref<158x64xi32, #tpu.memory_space<hbm>>
    tpu.wait_dma2 semaphore(%arg9 : memref<!tpu.dma_semaphore, #tpu.memory_space<semaphore_mem>>) src(%dma_wait3A_129 : memref<158x64xi32, #tpu.memory_space<hbm>>) dst(%arg6 : memref<158x64xi32, #tpu.memory_space<vmem>>)
    %scan3A_130 = arith.constant 0 : i32
    %scan3A_131 = arith.constant 0 : i32
    %scan3A_132 = arith.constant 158 : i32
    %scan3A_133 = arith.addi %scan3A_131, %scan3A_132 : i32
    %scan3A_134 = arith.constant 1 : i32
    %scan3A_135 = scf.for %scan3A_205 = %scan3A_131 to %scan3A_133 step %scan3A_134 iter_args(%scan3A_206 = %scan3A_130) -> (i32)  : i32 {
      %get3A = arith.index_cast %scan3A_205 : i32 to index
      %get3A_207 = arith.constant 0 : index
      %get3A_208 = tpu.vector_load %arg6[%get3A, %get3A_207] {strides = array<i32>} : memref<158x64xi32, #tpu.memory_space<vmem>>, vector<16xi32>,
      %add3A_209 = arith.constant 10240 : i32
      %add3A_210 = vector.broadcast %add3A_209 : i32 to vector<16xi32>
      %add3A_211 = arith.addi %get3A_208, %add3A_210 : vector<16xi32>
      %swap3A = arith.index_cast %scan3A_205 : i32 to index
      %swap3A_212 = arith.constant 0 : index
      %swap3A_213 = tpu.vector_load %arg6[%swap3A, %swap3A_212] {strides = array<i32>} : memref<158x64xi32, #tpu.memory_space<vmem>>, vector<16xi32>,
      tpu.vector_store %arg6[%swap3A, %swap3A_212], %add3A_211 {strides = array<i32>} : memref<158x64xi32, #tpu.memory_space<vmem>>, vector<16xi32>,
      %get3A_214 = arith.index_cast %scan3A_205 : i32 to index
      %get3A_215 = arith.constant 16 : index
      %get3A_216 = tpu.vector_load %arg6[%get3A_214, %get3A_215] {strides = array<i32>} : memref<158x64xi32, #tpu.memory_space<vmem>>, vector<16xi32>,
      %add3A_217 = arith.constant 10240 : i32
      %add3A_218 = vector.broadcast %add3A_217 : i32 to vector<16xi32>
      %add3A_219 = arith.addi %get3A_216, %add3A_218 : vector<16xi32>
      %swap3A_220 = arith.index_cast %scan3A_205 : i32 to index
      %swap3A_221 = arith.constant 16 : index
      %swap3A_222 = tpu.vector_load %arg6[%swap3A_220, %swap3A_221] {strides = array<i32>} : memref<158x64xi32, #tpu.memory_space<vmem>>, vector<16xi32>,
      tpu.vector_store %arg6[%swap3A_220, %swap3A_221], %add3A_219 {strides = array<i32>} : memref<158x64xi32, #tpu.memory_space<vmem>>, vector<16xi32>,
      %get3A_223 = arith.index_cast %scan3A_205 : i32 to index
      %get3A_224 = arith.constant 32 : index
      %get3A_225 = tpu.vector_load %arg6[%get3A_223, %get3A_224] {strides = array<i32>} : memref<158x64xi32, #tpu.memory_space<vmem>>, vector<16xi32>,
      %add3A_226 = arith.constant 10240 : i32
      %add3A_227 = vector.broadcast %add3A_226 : i32 to vector<16xi32>
      %add3A_228 = arith.addi %get3A_225, %add3A_227 : vector<16xi32>
      %swap3A_229 = arith.index_cast %scan3A_205 : i32 to index
      %swap3A_230 = arith.constant 32 : index
      %swap3A_231 = tpu.vector_load %arg6[%swap3A_229, %swap3A_230] {strides = array<i32>} : memref<158x64xi32, #tpu.memory_space<vmem>>, vector<16xi32>,
      tpu.vector_store %arg6[%swap3A_229, %swap3A_230], %add3A_228 {strides = array<i32>} : memref<158x64xi32, #tpu.memory_space<vmem>>, vector<16xi32>,
      %get3A_232 = arith.index_cast %scan3A_205 : i32 to index
      %get3A_233 = arith.constant 48 : index
      %get3A_234 = tpu.vector_load %arg6[%get3A_232, %get3A_233] {strides = array<i32>} : memref<158x64xi32, #tpu.memory_space<vmem>>, vector<16xi32>,
      %add3A_235 = arith.constant 10240 : i32
      %add3A_236 = vector.broadcast %add3A_235 : i32 to vector<16xi32>
      %add3A_237 = arith.addi %get3A_234, %add3A_236 : vector<16xi32>
      %swap3A_238 = arith.index_cast %scan3A_205 : i32 to index
      %swap3A_239 = arith.constant 48 : index
      %swap3A_240 = tpu.vector_load %arg6[%swap3A_238, %swap3A_239] {strides = array<i32>} : memref<158x64xi32, #tpu.memory_space<vmem>>, vector<16xi32>,
      tpu.vector_store %arg6[%swap3A_238, %swap3A_239], %add3A_237 {strides = array<i32>} : memref<158x64xi32, #tpu.memory_space<vmem>>, vector<16xi32>,
      %scan3A_241 = arith.constant 0 : i32
      scf.yield %scan3A_241 : i32
    }
    %scan3A_136 = arith.constant 158 : i32
    %barrier3A = arith.constant 0 : index
    tpu.barrier barrier_id(%barrier3A)
    %scan3A_137 = arith.constant 0 : i32
    %scan3A_138 = arith.constant 0 : i32
    %scan3A_139 = arith.constant 158 : i32
    %scan3A_140 = arith.addi %scan3A_138, %scan3A_139 : i32
    %scan3A_141 = arith.constant 1 : i32
    %scan3A_142 = scf.for %scan3A_205 = %scan3A_138 to %scan3A_140 step %scan3A_141 iter_args(%scan3A_206 = %scan3A_137) -> (i32)  : i32 {
      %dma_start3A_207 = arith.constant 0 : i32
      %dma_start3A_208 = tpu.memref_slice %arg5[%scan3A_205, %dma_start3A_207] : memref<158x64xi32, #tpu.memory_space<vmem>> -> memref<1x64xi32, #tpu.memory_space<vmem>>
      %dma_start3A_209 = tpu.memref_squeeze %dma_start3A_208 : memref<1x64xi32, #tpu.memory_space<vmem>> -> memref<64xi32, #tpu.memory_space<vmem>>
      %dma_start3A_210 = arith.constant 0 : i32
      %dma_start3A_211 = arith.constant 0 : i32
      %dma_start3A_212 = tpu.memref_slice %arg8[%dma_start3A_210, %dma_start3A_211] : memref<20480x16xf32, #tpu.memory_space<vmem_shared>> -> memref<20480x16xf32, #tpu.memory_space<vmem_shared>>
      tpu.enqueue_indirect_dma source(%arg7 : memref<64x16xf32, #tpu.memory_space<vmem>>) target(%dma_start3A_212 : memref<20480x16xf32, #tpu.memory_space<vmem_shared>>) offsets(%dma_start3A_209 : memref<64xi32, #tpu.memory_space<vmem>>) semaphore(%arg10 : memref<!tpu.dma_semaphore, #tpu.memory_space<semaphore_mem>>) {add = true}
      %dma_start3A_213 = arith.constant 0 : i32
      %dma_start3A_214 = tpu.memref_slice %arg6[%scan3A_205, %dma_start3A_213] : memref<158x64xi32, #tpu.memory_space<vmem>> -> memref<1x64xi32, #tpu.memory_space<vmem>>
      %dma_start3A_215 = tpu.memref_squeeze %dma_start3A_214 : memref<1x64xi32, #tpu.memory_space<vmem>> -> memref<64xi32, #tpu.memory_space<vmem>>
      %dma_start3A_216 = arith.constant 0 : i32
      %dma_start3A_217 = arith.constant 0 : i32
      %dma_start3A_218 = tpu.memref_slice %arg8[%dma_start3A_216, %dma_start3A_217] : memref<20480x16xf32, #tpu.memory_space<vmem_shared>> -> memref<20480x16xf32, #tpu.memory_space<vmem_shared>>
      tpu.enqueue_indirect_dma source(%arg7 : memref<64x16xf32, #tpu.memory_space<vmem>>) target(%dma_start3A_218 : memref<20480x16xf32, #tpu.memory_space<vmem_shared>>) offsets(%dma_start3A_215 : memref<64xi32, #tpu.memory_space<vmem>>) semaphore(%arg11 : memref<!tpu.dma_semaphore, #tpu.memory_space<semaphore_mem>>) {add = true}
      %ge3A = arith.constant 4 : i32
      %ge3A_219 = arith.cmpi sge, %scan3A_205, %ge3A : i32
      %convert_element_type3A = arith.extui %ge3A_219 : i1 to i32
      %cond3A = arith.constant 0 : i32
      %cond3A_220 = arith.cmpi ne, %convert_element_type3A, %cond3A : i32
      scf.if %cond3A_220 {
        %dma_wait3A_222 = arith.constant 0 : i32
        %dma_wait3A_223 = arith.constant 0 : i32
        %dma_wait3A_224 = tpu.memref_slice %arg5[%dma_wait3A_222, %dma_wait3A_223] : memref<158x64xi32, #tpu.memory_space<vmem>> -> memref<1x64xi32, #tpu.memory_space<vmem>>
        %dma_wait3A_225 = tpu.memref_squeeze %dma_wait3A_224 : memref<1x64xi32, #tpu.memory_space<vmem>> -> memref<64xi32, #tpu.memory_space<vmem>>
        %dma_wait3A_226 = arith.constant 0 : i32
        %dma_wait3A_227 = arith.constant 0 : i32
        %dma_wait3A_228 = tpu.memref_slice %arg8[%dma_wait3A_226, %dma_wait3A_227] : memref<20480x16xf32, #tpu.memory_space<vmem_shared>> -> memref<20480x16xf32, #tpu.memory_space<vmem_shared>>
        tpu.wait_indirect_dma semaphore(%arg10 : memref<!tpu.dma_semaphore, #tpu.memory_space<semaphore_mem>>) src(%arg7 : memref<64x16xf32, #tpu.memory_space<vmem>>) dst(%dma_wait3A_228 : memref<20480x16xf32, #tpu.memory_space<vmem_shared>>)
        %dma_wait3A_229 = arith.constant 0 : i32
        %dma_wait3A_230 = arith.constant 0 : i32
        %dma_wait3A_231 = tpu.memref_slice %arg6[%dma_wait3A_229, %dma_wait3A_230] : memref<158x64xi32, #tpu.memory_space<vmem>> -> memref<1x64xi32, #tpu.memory_space<vmem>>
        %dma_wait3A_232 = tpu.memref_squeeze %dma_wait3A_231 : memref<1x64xi32, #tpu.memory_space<vmem>> -> memref<64xi32, #tpu.memory_space<vmem>>
        %dma_wait3A_233 = arith.constant 0 : i32
        %dma_wait3A_234 = arith.constant 0 : i32
        %dma_wait3A_235 = tpu.memref_slice %arg8[%dma_wait3A_233, %dma_wait3A_234] : memref<20480x16xf32, #tpu.memory_space<vmem_shared>> -> memref<20480x16xf32, #tpu.memory_space<vmem_shared>>
        tpu.wait_indirect_dma semaphore(%arg11 : memref<!tpu.dma_semaphore, #tpu.memory_space<semaphore_mem>>) src(%arg7 : memref<64x16xf32, #tpu.memory_space<vmem>>) dst(%dma_wait3A_235 : memref<20480x16xf32, #tpu.memory_space<vmem_shared>>)
      } else {
      }
      %scan3A_221 = arith.constant 0 : i32
      scf.yield %scan3A_221 : i32
    }
    %scan3A_143 = arith.constant 158 : i32
    %dma_wait3A_144 = arith.constant 0 : i32
    %dma_wait3A_145 = arith.constant 0 : i32
    %dma_wait3A_146 = tpu.memref_slice %arg5[%dma_wait3A_144, %dma_wait3A_145] : memref<158x64xi32, #tpu.memory_space<vmem>> -> memref<1x64xi32, #tpu.memory_space<vmem>>
    %dma_wait3A_147 = tpu.memref_squeeze %dma_wait3A_146 : memref<1x64xi32, #tpu.memory_space<vmem>> -> memref<64xi32, #tpu.memory_space<vmem>>
    %dma_wait3A_148 = arith.constant 0 : i32
    %dma_wait3A_149 = arith.constant 0 : i32
    %dma_wait3A_150 = tpu.memref_slice %arg8[%dma_wait3A_148, %dma_wait3A_149] : memref<20480x16xf32, #tpu.memory_space<vmem_shared>> -> memref<20480x16xf32, #tpu.memory_space<vmem_shared>>
    tpu.wait_indirect_dma semaphore(%arg10 : memref<!tpu.dma_semaphore, #tpu.memory_space<semaphore_mem>>) src(%arg7 : memref<64x16xf32, #tpu.memory_space<vmem>>) dst(%dma_wait3A_150 : memref<20480x16xf32, #tpu.memory_space<vmem_shared>>)
    %dma_wait3A_151 = arith.constant 0 : i32
    %dma_wait3A_152 = arith.constant 0 : i32
    %dma_wait3A_153 = tpu.memref_slice %arg6[%dma_wait3A_151, %dma_wait3A_152] : memref<158x64xi32, #tpu.memory_space<vmem>> -> memref<1x64xi32, #tpu.memory_space<vmem>>
    %dma_wait3A_154 = tpu.memref_squeeze %dma_wait3A_153 : memref<1x64xi32, #tpu.memory_space<vmem>> -> memref<64xi32, #tpu.memory_space<vmem>>
    %dma_wait3A_155 = arith.constant 0 : i32
    %dma_wait3A_156 = arith.constant 0 : i32
    %dma_wait3A_157 = tpu.memref_slice %arg8[%dma_wait3A_155, %dma_wait3A_156] : memref<20480x16xf32, #tpu.memory_space<vmem_shared>> -> memref<20480x16xf32, #tpu.memory_space<vmem_shared>>
    tpu.wait_indirect_dma semaphore(%arg11 : memref<!tpu.dma_semaphore, #tpu.memory_space<semaphore_mem>>) src(%arg7 : memref<64x16xf32, #tpu.memory_space<vmem>>) dst(%dma_wait3A_157 : memref<20480x16xf32, #tpu.memory_space<vmem_shared>>)
    %dma_wait3A_158 = arith.constant 0 : i32
    %dma_wait3A_159 = arith.constant 0 : i32
    %dma_wait3A_160 = tpu.memref_slice %arg5[%dma_wait3A_158, %dma_wait3A_159] : memref<158x64xi32, #tpu.memory_space<vmem>> -> memref<1x64xi32, #tpu.memory_space<vmem>>
    %dma_wait3A_161 = tpu.memref_squeeze %dma_wait3A_160 : memref<1x64xi32, #tpu.memory_space<vmem>> -> memref<64xi32, #tpu.memory_space<vmem>>
    %dma_wait3A_162 = arith.constant 0 : i32
    %dma_wait3A_163 = arith.constant 0 : i32
    %dma_wait3A_164 = tpu.memref_slice %arg8[%dma_wait3A_162, %dma_wait3A_163] : memref<20480x16xf32, #tpu.memory_space<vmem_shared>> -> memref<20480x16xf32, #tpu.memory_space<vmem_shared>>
    tpu.wait_indirect_dma semaphore(%arg10 : memref<!tpu.dma_semaphore, #tpu.memory_space<semaphore_mem>>) src(%arg7 : memref<64x16xf32, #tpu.memory_space<vmem>>) dst(%dma_wait3A_164 : memref<20480x16xf32, #tpu.memory_space<vmem_shared>>)
    %dma_wait3A_165 = arith.constant 0 : i32
    %dma_wait3A_166 = arith.constant 0 : i32
    %dma_wait3A_167 = tpu.memref_slice %arg6[%dma_wait3A_165, %dma_wait3A_166] : memref<158x64xi32, #tpu.memory_space<vmem>> -> memref<1x64xi32, #tpu.memory_space<vmem>>
    %dma_wait3A_168 = tpu.memref_squeeze %dma_wait3A_167 : memref<1x64xi32, #tpu.memory_space<vmem>> -> memref<64xi32, #tpu.memory_space<vmem>>
    %dma_wait3A_169 = arith.constant 0 : i32
    %dma_wait3A_170 = arith.constant 0 : i32
    %dma_wait3A_171 = tpu.memref_slice %arg8[%dma_wait3A_169, %dma_wait3A_170] : memref<20480x16xf32, #tpu.memory_space<vmem_shared>> -> memref<20480x16xf32, #tpu.memory_space<vmem_shared>>
    tpu.wait_indirect_dma semaphore(%arg11 : memref<!tpu.dma_semaphore, #tpu.memory_space<semaphore_mem>>) src(%arg7 : memref<64x16xf32, #tpu.memory_space<vmem>>) dst(%dma_wait3A_171 : memref<20480x16xf32, #tpu.memory_space<vmem_shared>>)
    %dma_wait3A_172 = arith.constant 0 : i32
    %dma_wait3A_173 = arith.constant 0 : i32
    %dma_wait3A_174 = tpu.memref_slice %arg5[%dma_wait3A_172, %dma_wait3A_173] : memref<158x64xi32, #tpu.memory_space<vmem>> -> memref<1x64xi32, #tpu.memory_space<vmem>>
    %dma_wait3A_175 = tpu.memref_squeeze %dma_wait3A_174 : memref<1x64xi32, #tpu.memory_space<vmem>> -> memref<64xi32, #tpu.memory_space<vmem>>
    %dma_wait3A_176 = arith.constant 0 : i32
    %dma_wait3A_177 = arith.constant 0 : i32
    %dma_wait3A_178 = tpu.memref_slice %arg8[%dma_wait3A_176, %dma_wait3A_177] : memref<20480x16xf32, #tpu.memory_space<vmem_shared>> -> memref<20480x16xf32, #tpu.memory_space<vmem_shared>>
    tpu.wait_indirect_dma semaphore(%arg10 : memref<!tpu.dma_semaphore, #tpu.memory_space<semaphore_mem>>) src(%arg7 : memref<64x16xf32, #tpu.memory_space<vmem>>) dst(%dma_wait3A_178 : memref<20480x16xf32, #tpu.memory_space<vmem_shared>>)
    %dma_wait3A_179 = arith.constant 0 : i32
    %dma_wait3A_180 = arith.constant 0 : i32
    %dma_wait3A_181 = tpu.memref_slice %arg6[%dma_wait3A_179, %dma_wait3A_180] : memref<158x64xi32, #tpu.memory_space<vmem>> -> memref<1x64xi32, #tpu.memory_space<vmem>>
    %dma_wait3A_182 = tpu.memref_squeeze %dma_wait3A_181 : memref<1x64xi32, #tpu.memory_space<vmem>> -> memref<64xi32, #tpu.memory_space<vmem>>
    %dma_wait3A_183 = arith.constant 0 : i32
    %dma_wait3A_184 = arith.constant 0 : i32
    %dma_wait3A_185 = tpu.memref_slice %arg8[%dma_wait3A_183, %dma_wait3A_184] : memref<20480x16xf32, #tpu.memory_space<vmem_shared>> -> memref<20480x16xf32, #tpu.memory_space<vmem_shared>>
    tpu.wait_indirect_dma semaphore(%arg11 : memref<!tpu.dma_semaphore, #tpu.memory_space<semaphore_mem>>) src(%arg7 : memref<64x16xf32, #tpu.memory_space<vmem>>) dst(%dma_wait3A_185 : memref<20480x16xf32, #tpu.memory_space<vmem_shared>>)
    %dma_wait3A_186 = arith.constant 0 : i32
    %dma_wait3A_187 = arith.constant 0 : i32
    %dma_wait3A_188 = tpu.memref_slice %arg5[%dma_wait3A_186, %dma_wait3A_187] : memref<158x64xi32, #tpu.memory_space<vmem>> -> memref<1x64xi32, #tpu.memory_space<vmem>>
    %dma_wait3A_189 = tpu.memref_squeeze %dma_wait3A_188 : memref<1x64xi32, #tpu.memory_space<vmem>> -> memref<64xi32, #tpu.memory_space<vmem>>
    %dma_wait3A_190 = arith.constant 0 : i32
    %dma_wait3A_191 = arith.constant 0 : i32
    %dma_wait3A_192 = tpu.memref_slice %arg8[%dma_wait3A_190, %dma_wait3A_191] : memref<20480x16xf32, #tpu.memory_space<vmem_shared>> -> memref<20480x16xf32, #tpu.memory_space<vmem_shared>>
    tpu.wait_indirect_dma semaphore(%arg10 : memref<!tpu.dma_semaphore, #tpu.memory_space<semaphore_mem>>) src(%arg7 : memref<64x16xf32, #tpu.memory_space<vmem>>) dst(%dma_wait3A_192 : memref<20480x16xf32, #tpu.memory_space<vmem_shared>>)
    %dma_wait3A_193 = arith.constant 0 : i32
    %dma_wait3A_194 = arith.constant 0 : i32
    %dma_wait3A_195 = tpu.memref_slice %arg6[%dma_wait3A_193, %dma_wait3A_194] : memref<158x64xi32, #tpu.memory_space<vmem>> -> memref<1x64xi32, #tpu.memory_space<vmem>>
    %dma_wait3A_196 = tpu.memref_squeeze %dma_wait3A_195 : memref<1x64xi32, #tpu.memory_space<vmem>> -> memref<64xi32, #tpu.memory_space<vmem>>
    %dma_wait3A_197 = arith.constant 0 : i32
    %dma_wait3A_198 = arith.constant 0 : i32
    %dma_wait3A_199 = tpu.memref_slice %arg8[%dma_wait3A_197, %dma_wait3A_198] : memref<20480x16xf32, #tpu.memory_space<vmem_shared>> -> memref<20480x16xf32, #tpu.memory_space<vmem_shared>>
    tpu.wait_indirect_dma semaphore(%arg11 : memref<!tpu.dma_semaphore, #tpu.memory_space<semaphore_mem>>) src(%arg7 : memref<64x16xf32, #tpu.memory_space<vmem>>) dst(%dma_wait3A_199 : memref<20480x16xf32, #tpu.memory_space<vmem_shared>>)
    %barrier3A_200 = arith.constant 0 : index
    tpu.barrier barrier_id(%barrier3A_200)
    %mul3A_201 = arith.constant 1280 : i32
    %mul3A_202 = arith.muli %arg1, %mul3A_201 : i32
    %mul3A_203 = arith.constant 1280 : i32
    %mul3A_204 = arith.muli %arg1, %mul3A_203 : i32
    "tpu.region"() ({
      %run_scoped3A = tpu.sem_alloc : memref<!tpu.dma_semaphore, #tpu.memory_space<semaphore_mem>>
      %dma_start3A_205 = arith.constant 0 : i32
      %dma_start3A_206 = tpu.memref_slice %arg4[%arg0, %mul3A_204, %dma_start3A_205] : memref<2x20480x16xf32, #tpu.memory_space<hbm>> -> memref<1x1280x16xf32, #tpu.memory_space<hbm>>
      %dma_start3A_207 = tpu.memref_squeeze %dma_start3A_206 : memref<1x1280x16xf32, #tpu.memory_space<hbm>> -> memref<1280x16xf32, #tpu.memory_space<hbm>>
      %dma_start3A_208 = arith.constant 0 : i32
      %dma_start3A_209 = tpu.memref_slice %arg8[%mul3A_202, %dma_start3A_208] : memref<20480x16xf32, #tpu.memory_space<vmem_shared>> -> memref<1280x16xf32, #tpu.memory_space<vmem_shared>>
      tpu.enqueue_dma source(%dma_start3A_209 : memref<1280x16xf32, #tpu.memory_space<vmem_shared>>) target(%dma_start3A_207 : memref<1280x16xf32, #tpu.memory_space<hbm>>) target_semaphore(%run_scoped3A : memref<!tpu.dma_semaphore, #tpu.memory_space<semaphore_mem>>)
      %dma_wait3A_210 = arith.constant 0 : i32
      %dma_wait3A_211 = tpu.memref_slice %arg4[%arg0, %mul3A_204, %dma_wait3A_210] : memref<2x20480x16xf32, #tpu.memory_space<hbm>> -> memref<1x1280x16xf32, #tpu.memory_space<hbm>>
      %dma_wait3A_212 = tpu.memref_squeeze %dma_wait3A_211 : memref<1x1280x16xf32, #tpu.memory_space<hbm>> -> memref<1280x16xf32, #tpu.memory_space<hbm>>
      %dma_wait3A_213 = arith.constant 0 : i32
      %dma_wait3A_214 = tpu.memref_slice %arg8[%mul3A_202, %dma_wait3A_213] : memref<20480x16xf32, #tpu.memory_space<vmem_shared>> -> memref<1280x16xf32, #tpu.memory_space<vmem_shared>>
      tpu.wait_dma2 semaphore(%run_scoped3A : memref<!tpu.dma_semaphore, #tpu.memory_space<semaphore_mem>>) src(%dma_wait3A_214 : memref<1280x16xf32, #tpu.memory_space<vmem_shared>>) dst(%dma_wait3A_212 : memref<1280x16xf32, #tpu.memory_space<hbm>>)
      tpu.yield
    }) : () -> ()
    return
  }
}

#map = affine_map<(d0, d1) -> (0, 0)>
#map1 = affine_map<(d0, d1) -> (0)>
#map2 = affine_map<(d0, d1) -> (0, 0, 0)>
module attributes {stable_mosaic.version = 14 : i64} {
  func.func @_classify(%arg0: i32, %arg1: i32, %arg2: memref<4x10240xf32, #tpu.memory_space<hbm>>, %arg3: memref<16xf32, #tpu.memory_space<hbm>>, %arg4: memref<32x25x128xi32, #tpu.memory_space<hbm>>, %arg5: memref<32x25x128xi32, #tpu.memory_space<hbm>>, %arg6: memref<2x102400xf32, #tpu.memory_space<hbm>>, %arg7: memref<10240xf32, #tpu.memory_space<vmem>>, %arg8: memref<10240xf32, #tpu.memory_space<vmem>>, %arg9: memref<10240xf32, #tpu.memory_space<vmem>>, %arg10: memref<10240xf32, #tpu.memory_space<vmem>>, %arg11: memref<16xf32, #tpu.memory_space<vmem>>, %arg12: memref<25x128xi32, #tpu.memory_space<vmem>>, %arg13: memref<25x128xi32, #tpu.memory_space<vmem>>, %arg14: memref<128xf32, #tpu.memory_space<vmem>>, %arg15: memref<128xf32, #tpu.memory_space<vmem>>, %arg16: memref<!tpu.dma_semaphore, #tpu.memory_space<semaphore_mem>>) attributes {dimension_semantics = [#tpu.dimension_semantics<core_parallel>, #tpu.dimension_semantics<subcore_parallel>], iteration_bounds = array<i64: 2, 16>, scalar_prefetch = 0 : i64, scratch_operands = 10 : i64, tpu.core_type = #tpu.core_type<sc_vector_subcore>, window_params = [{transform_indices = #map}, {transform_indices = #map1}, {transform_indices = #map2}, {transform_indices = #map2}, {transform_indices = #map}]} {
    %mul3A = arith.constant 2 : i32
    %mul3A_0 = arith.muli %arg1, %mul3A : i32
    %add3A = arith.addi %mul3A_0, %arg0 : i32
    %dma_start3A = arith.constant 0 : i32
    %dma_start3A_1 = arith.constant 0 : i32
    %dma_start3A_2 = tpu.memref_slice %arg4[%add3A, %dma_start3A, %dma_start3A_1] : memref<32x25x128xi32, #tpu.memory_space<hbm>> -> memref<1x25x128xi32, #tpu.memory_space<hbm>>
    %dma_start3A_3 = tpu.memref_squeeze %dma_start3A_2 : memref<1x25x128xi32, #tpu.memory_space<hbm>> -> memref<25x128xi32, #tpu.memory_space<hbm>>
    %dma_start3A_4 = arith.constant 0 : i32
    %dma_start3A_5 = arith.constant 0 : i32
    %dma_start3A_6 = tpu.memref_slice %arg4[%add3A, %dma_start3A_4, %dma_start3A_5] : memref<32x25x128xi32, #tpu.memory_space<hbm>> -> memref<1x25x128xi32, #tpu.memory_space<hbm>>
    %dma_start3A_7 = tpu.memref_squeeze %dma_start3A_6 : memref<1x25x128xi32, #tpu.memory_space<hbm>> -> memref<25x128xi32, #tpu.memory_space<hbm>>
    tpu.enqueue_dma source(%dma_start3A_7 : memref<25x128xi32, #tpu.memory_space<hbm>>) target(%arg12 : memref<25x128xi32, #tpu.memory_space<vmem>>) target_semaphore(%arg16 : memref<!tpu.dma_semaphore, #tpu.memory_space<semaphore_mem>>)
    %dma_start3A_8 = arith.constant 0 : i32
    %dma_start3A_9 = arith.constant 0 : i32
    %dma_start3A_10 = tpu.memref_slice %arg5[%add3A, %dma_start3A_8, %dma_start3A_9] : memref<32x25x128xi32, #tpu.memory_space<hbm>> -> memref<1x25x128xi32, #tpu.memory_space<hbm>>
    %dma_start3A_11 = tpu.memref_squeeze %dma_start3A_10 : memref<1x25x128xi32, #tpu.memory_space<hbm>> -> memref<25x128xi32, #tpu.memory_space<hbm>>
    %dma_start3A_12 = arith.constant 0 : i32
    %dma_start3A_13 = arith.constant 0 : i32
    %dma_start3A_14 = tpu.memref_slice %arg5[%add3A, %dma_start3A_12, %dma_start3A_13] : memref<32x25x128xi32, #tpu.memory_space<hbm>> -> memref<1x25x128xi32, #tpu.memory_space<hbm>>
    %dma_start3A_15 = tpu.memref_squeeze %dma_start3A_14 : memref<1x25x128xi32, #tpu.memory_space<hbm>> -> memref<25x128xi32, #tpu.memory_space<hbm>>
    tpu.enqueue_dma source(%dma_start3A_15 : memref<25x128xi32, #tpu.memory_space<hbm>>) target(%arg13 : memref<25x128xi32, #tpu.memory_space<vmem>>) target_semaphore(%arg16 : memref<!tpu.dma_semaphore, #tpu.memory_space<semaphore_mem>>)
    %run_scoped3A = arith.constant 0 : i32
    "tpu.region"() ({
      %run_scoped3A_45 = tpu.sem_alloc : memref<!tpu.dma_semaphore, #tpu.memory_space<semaphore_mem>>
      %dma_start3A_46 = arith.constant 0 : i32
      %dma_start3A_47 = tpu.memref_slice %arg2[%run_scoped3A, %dma_start3A_46] : memref<4x10240xf32, #tpu.memory_space<hbm>> -> memref<1x10240xf32, #tpu.memory_space<hbm>>
      %dma_start3A_48 = tpu.memref_squeeze %dma_start3A_47 : memref<1x10240xf32, #tpu.memory_space<hbm>> -> memref<10240xf32, #tpu.memory_space<hbm>>
      %dma_start3A_49 = arith.constant 0 : i32
      %dma_start3A_50 = tpu.memref_slice %arg2[%run_scoped3A, %dma_start3A_49] : memref<4x10240xf32, #tpu.memory_space<hbm>> -> memref<1x10240xf32, #tpu.memory_space<hbm>>
      %dma_start3A_51 = tpu.memref_squeeze %dma_start3A_50 : memref<1x10240xf32, #tpu.memory_space<hbm>> -> memref<10240xf32, #tpu.memory_space<hbm>>
      tpu.enqueue_dma source(%dma_start3A_51 : memref<10240xf32, #tpu.memory_space<hbm>>) target(%arg7 : memref<10240xf32, #tpu.memory_space<vmem>>) target_semaphore(%run_scoped3A_45 : memref<!tpu.dma_semaphore, #tpu.memory_space<semaphore_mem>>)
      %dma_wait3A_52 = arith.constant 0 : i32
      %dma_wait3A_53 = tpu.memref_slice %arg2[%run_scoped3A, %dma_wait3A_52] : memref<4x10240xf32, #tpu.memory_space<hbm>> -> memref<1x10240xf32, #tpu.memory_space<hbm>>
      %dma_wait3A_54 = tpu.memref_squeeze %dma_wait3A_53 : memref<1x10240xf32, #tpu.memory_space<hbm>> -> memref<10240xf32, #tpu.memory_space<hbm>>
      %dma_wait3A_55 = arith.constant 0 : i32
      %dma_wait3A_56 = tpu.memref_slice %arg2[%run_scoped3A, %dma_wait3A_55] : memref<4x10240xf32, #tpu.memory_space<hbm>> -> memref<1x10240xf32, #tpu.memory_space<hbm>>
      %dma_wait3A_57 = tpu.memref_squeeze %dma_wait3A_56 : memref<1x10240xf32, #tpu.memory_space<hbm>> -> memref<10240xf32, #tpu.memory_space<hbm>>
      tpu.wait_dma2 semaphore(%run_scoped3A_45 : memref<!tpu.dma_semaphore, #tpu.memory_space<semaphore_mem>>) src(%dma_wait3A_57 : memref<10240xf32, #tpu.memory_space<hbm>>) dst(%arg7 : memref<10240xf32, #tpu.memory_space<vmem>>)
      tpu.yield
    }) : () -> ()
    %run_scoped3A_16 = arith.constant 1 : i32
    "tpu.region"() ({
      %run_scoped3A_45 = tpu.sem_alloc : memref<!tpu.dma_semaphore, #tpu.memory_space<semaphore_mem>>
      %dma_start3A_46 = arith.constant 0 : i32
      %dma_start3A_47 = tpu.memref_slice %arg2[%run_scoped3A_16, %dma_start3A_46] : memref<4x10240xf32, #tpu.memory_space<hbm>> -> memref<1x10240xf32, #tpu.memory_space<hbm>>
      %dma_start3A_48 = tpu.memref_squeeze %dma_start3A_47 : memref<1x10240xf32, #tpu.memory_space<hbm>> -> memref<10240xf32, #tpu.memory_space<hbm>>
      %dma_start3A_49 = arith.constant 0 : i32
      %dma_start3A_50 = tpu.memref_slice %arg2[%run_scoped3A_16, %dma_start3A_49] : memref<4x10240xf32, #tpu.memory_space<hbm>> -> memref<1x10240xf32, #tpu.memory_space<hbm>>
      %dma_start3A_51 = tpu.memref_squeeze %dma_start3A_50 : memref<1x10240xf32, #tpu.memory_space<hbm>> -> memref<10240xf32, #tpu.memory_space<hbm>>
      tpu.enqueue_dma source(%dma_start3A_51 : memref<10240xf32, #tpu.memory_space<hbm>>) target(%arg8 : memref<10240xf32, #tpu.memory_space<vmem>>) target_semaphore(%run_scoped3A_45 : memref<!tpu.dma_semaphore, #tpu.memory_space<semaphore_mem>>)
      %dma_wait3A_52 = arith.constant 0 : i32
      %dma_wait3A_53 = tpu.memref_slice %arg2[%run_scoped3A_16, %dma_wait3A_52] : memref<4x10240xf32, #tpu.memory_space<hbm>> -> memref<1x10240xf32, #tpu.memory_space<hbm>>
      %dma_wait3A_54 = tpu.memref_squeeze %dma_wait3A_53 : memref<1x10240xf32, #tpu.memory_space<hbm>> -> memref<10240xf32, #tpu.memory_space<hbm>>
      %dma_wait3A_55 = arith.constant 0 : i32
      %dma_wait3A_56 = tpu.memref_slice %arg2[%run_scoped3A_16, %dma_wait3A_55] : memref<4x10240xf32, #tpu.memory_space<hbm>> -> memref<1x10240xf32, #tpu.memory_space<hbm>>
      %dma_wait3A_57 = tpu.memref_squeeze %dma_wait3A_56 : memref<1x10240xf32, #tpu.memory_space<hbm>> -> memref<10240xf32, #tpu.memory_space<hbm>>
      tpu.wait_dma2 semaphore(%run_scoped3A_45 : memref<!tpu.dma_semaphore, #tpu.memory_space<semaphore_mem>>) src(%dma_wait3A_57 : memref<10240xf32, #tpu.memory_space<hbm>>) dst(%arg8 : memref<10240xf32, #tpu.memory_space<vmem>>)
      tpu.yield
    }) : () -> ()
    %run_scoped3A_17 = arith.constant 2 : i32
    "tpu.region"() ({
      %run_scoped3A_45 = tpu.sem_alloc : memref<!tpu.dma_semaphore, #tpu.memory_space<semaphore_mem>>
      %dma_start3A_46 = arith.constant 0 : i32
      %dma_start3A_47 = tpu.memref_slice %arg2[%run_scoped3A_17, %dma_start3A_46] : memref<4x10240xf32, #tpu.memory_space<hbm>> -> memref<1x10240xf32, #tpu.memory_space<hbm>>
      %dma_start3A_48 = tpu.memref_squeeze %dma_start3A_47 : memref<1x10240xf32, #tpu.memory_space<hbm>> -> memref<10240xf32, #tpu.memory_space<hbm>>
      %dma_start3A_49 = arith.constant 0 : i32
      %dma_start3A_50 = tpu.memref_slice %arg2[%run_scoped3A_17, %dma_start3A_49] : memref<4x10240xf32, #tpu.memory_space<hbm>> -> memref<1x10240xf32, #tpu.memory_space<hbm>>
      %dma_start3A_51 = tpu.memref_squeeze %dma_start3A_50 : memref<1x10240xf32, #tpu.memory_space<hbm>> -> memref<10240xf32, #tpu.memory_space<hbm>>
      tpu.enqueue_dma source(%dma_start3A_51 : memref<10240xf32, #tpu.memory_space<hbm>>) target(%arg9 : memref<10240xf32, #tpu.memory_space<vmem>>) target_semaphore(%run_scoped3A_45 : memref<!tpu.dma_semaphore, #tpu.memory_space<semaphore_mem>>)
      %dma_wait3A_52 = arith.constant 0 : i32
      %dma_wait3A_53 = tpu.memref_slice %arg2[%run_scoped3A_17, %dma_wait3A_52] : memref<4x10240xf32, #tpu.memory_space<hbm>> -> memref<1x10240xf32, #tpu.memory_space<hbm>>
      %dma_wait3A_54 = tpu.memref_squeeze %dma_wait3A_53 : memref<1x10240xf32, #tpu.memory_space<hbm>> -> memref<10240xf32, #tpu.memory_space<hbm>>
      %dma_wait3A_55 = arith.constant 0 : i32
      %dma_wait3A_56 = tpu.memref_slice %arg2[%run_scoped3A_17, %dma_wait3A_55] : memref<4x10240xf32, #tpu.memory_space<hbm>> -> memref<1x10240xf32, #tpu.memory_space<hbm>>
      %dma_wait3A_57 = tpu.memref_squeeze %dma_wait3A_56 : memref<1x10240xf32, #tpu.memory_space<hbm>> -> memref<10240xf32, #tpu.memory_space<hbm>>
      tpu.wait_dma2 semaphore(%run_scoped3A_45 : memref<!tpu.dma_semaphore, #tpu.memory_space<semaphore_mem>>) src(%dma_wait3A_57 : memref<10240xf32, #tpu.memory_space<hbm>>) dst(%arg9 : memref<10240xf32, #tpu.memory_space<vmem>>)
      tpu.yield
    }) : () -> ()
    %run_scoped3A_18 = arith.constant 3 : i32
    "tpu.region"() ({
      %run_scoped3A_45 = tpu.sem_alloc : memref<!tpu.dma_semaphore, #tpu.memory_space<semaphore_mem>>
      %dma_start3A_46 = arith.constant 0 : i32
      %dma_start3A_47 = tpu.memref_slice %arg2[%run_scoped3A_18, %dma_start3A_46] : memref<4x10240xf32, #tpu.memory_space<hbm>> -> memref<1x10240xf32, #tpu.memory_space<hbm>>
      %dma_start3A_48 = tpu.memref_squeeze %dma_start3A_47 : memref<1x10240xf32, #tpu.memory_space<hbm>> -> memref<10240xf32, #tpu.memory_space<hbm>>
      %dma_start3A_49 = arith.constant 0 : i32
      %dma_start3A_50 = tpu.memref_slice %arg2[%run_scoped3A_18, %dma_start3A_49] : memref<4x10240xf32, #tpu.memory_space<hbm>> -> memref<1x10240xf32, #tpu.memory_space<hbm>>
      %dma_start3A_51 = tpu.memref_squeeze %dma_start3A_50 : memref<1x10240xf32, #tpu.memory_space<hbm>> -> memref<10240xf32, #tpu.memory_space<hbm>>
      tpu.enqueue_dma source(%dma_start3A_51 : memref<10240xf32, #tpu.memory_space<hbm>>) target(%arg10 : memref<10240xf32, #tpu.memory_space<vmem>>) target_semaphore(%run_scoped3A_45 : memref<!tpu.dma_semaphore, #tpu.memory_space<semaphore_mem>>)
      %dma_wait3A_52 = arith.constant 0 : i32
      %dma_wait3A_53 = tpu.memref_slice %arg2[%run_scoped3A_18, %dma_wait3A_52] : memref<4x10240xf32, #tpu.memory_space<hbm>> -> memref<1x10240xf32, #tpu.memory_space<hbm>>
      %dma_wait3A_54 = tpu.memref_squeeze %dma_wait3A_53 : memref<1x10240xf32, #tpu.memory_space<hbm>> -> memref<10240xf32, #tpu.memory_space<hbm>>
      %dma_wait3A_55 = arith.constant 0 : i32
      %dma_wait3A_56 = tpu.memref_slice %arg2[%run_scoped3A_18, %dma_wait3A_55] : memref<4x10240xf32, #tpu.memory_space<hbm>> -> memref<1x10240xf32, #tpu.memory_space<hbm>>
      %dma_wait3A_57 = tpu.memref_squeeze %dma_wait3A_56 : memref<1x10240xf32, #tpu.memory_space<hbm>> -> memref<10240xf32, #tpu.memory_space<hbm>>
      tpu.wait_dma2 semaphore(%run_scoped3A_45 : memref<!tpu.dma_semaphore, #tpu.memory_space<semaphore_mem>>) src(%dma_wait3A_57 : memref<10240xf32, #tpu.memory_space<hbm>>) dst(%arg10 : memref<10240xf32, #tpu.memory_space<vmem>>)
      tpu.yield
    }) : () -> ()
    "tpu.region"() ({
      %run_scoped3A_45 = tpu.sem_alloc : memref<!tpu.dma_semaphore, #tpu.memory_space<semaphore_mem>>
      tpu.enqueue_dma source(%arg3 : memref<16xf32, #tpu.memory_space<hbm>>) target(%arg11 : memref<16xf32, #tpu.memory_space<vmem>>) target_semaphore(%run_scoped3A_45 : memref<!tpu.dma_semaphore, #tpu.memory_space<semaphore_mem>>)
      tpu.wait_dma2 semaphore(%run_scoped3A_45 : memref<!tpu.dma_semaphore, #tpu.memory_space<semaphore_mem>>) src(%arg3 : memref<16xf32, #tpu.memory_space<hbm>>) dst(%arg11 : memref<16xf32, #tpu.memory_space<vmem>>)
      tpu.yield
    }) : () -> ()
    %broadcast_in_dim3A = arith.constant 0 : i32
    %broadcast_in_dim3A_19 = vector.broadcast %broadcast_in_dim3A : i32 to vector<16xi32>
    %gather3A = tpu.vector_load_idx %arg11[%broadcast_in_dim3A_19] : memref<16xf32, #tpu.memory_space<vmem>>[vector<16xi32>], vector<16xf32>,
    %add3A_20 = arith.constant 1 : i32
    %add3A_21 = vector.broadcast %add3A_20 : i32 to vector<16xi32>
    %add3A_22 = arith.addi %broadcast_in_dim3A_19, %add3A_21 : vector<16xi32>
    %gather3A_23 = tpu.vector_load_idx %arg11[%add3A_22] : memref<16xf32, #tpu.memory_space<vmem>>[vector<16xi32>], vector<16xf32>,
    %dma_wait3A = arith.constant 0 : i32
    %dma_wait3A_24 = arith.constant 0 : i32
    %dma_wait3A_25 = tpu.memref_slice %arg4[%add3A, %dma_wait3A, %dma_wait3A_24] : memref<32x25x128xi32, #tpu.memory_space<hbm>> -> memref<1x25x128xi32, #tpu.memory_space<hbm>>
    %dma_wait3A_26 = tpu.memref_squeeze %dma_wait3A_25 : memref<1x25x128xi32, #tpu.memory_space<hbm>> -> memref<25x128xi32, #tpu.memory_space<hbm>>
    %dma_wait3A_27 = arith.constant 0 : i32
    %dma_wait3A_28 = arith.constant 0 : i32
    %dma_wait3A_29 = tpu.memref_slice %arg4[%add3A, %dma_wait3A_27, %dma_wait3A_28] : memref<32x25x128xi32, #tpu.memory_space<hbm>> -> memref<1x25x128xi32, #tpu.memory_space<hbm>>
    %dma_wait3A_30 = tpu.memref_squeeze %dma_wait3A_29 : memref<1x25x128xi32, #tpu.memory_space<hbm>> -> memref<25x128xi32, #tpu.memory_space<hbm>>
    tpu.wait_dma2 semaphore(%arg16 : memref<!tpu.dma_semaphore, #tpu.memory_space<semaphore_mem>>) src(%dma_wait3A_30 : memref<25x128xi32, #tpu.memory_space<hbm>>) dst(%arg12 : memref<25x128xi32, #tpu.memory_space<vmem>>)
    %dma_wait3A_31 = arith.constant 0 : i32
    %dma_wait3A_32 = arith.constant 0 : i32
    %dma_wait3A_33 = tpu.memref_slice %arg5[%add3A, %dma_wait3A_31, %dma_wait3A_32] : memref<32x25x128xi32, #tpu.memory_space<hbm>> -> memref<1x25x128xi32, #tpu.memory_space<hbm>>
    %dma_wait3A_34 = tpu.memref_squeeze %dma_wait3A_33 : memref<1x25x128xi32, #tpu.memory_space<hbm>> -> memref<25x128xi32, #tpu.memory_space<hbm>>
    %dma_wait3A_35 = arith.constant 0 : i32
    %dma_wait3A_36 = arith.constant 0 : i32
    %dma_wait3A_37 = tpu.memref_slice %arg5[%add3A, %dma_wait3A_35, %dma_wait3A_36] : memref<32x25x128xi32, #tpu.memory_space<hbm>> -> memref<1x25x128xi32, #tpu.memory_space<hbm>>
    %dma_wait3A_38 = tpu.memref_squeeze %dma_wait3A_37 : memref<1x25x128xi32, #tpu.memory_space<hbm>> -> memref<25x128xi32, #tpu.memory_space<hbm>>
    tpu.wait_dma2 semaphore(%arg16 : memref<!tpu.dma_semaphore, #tpu.memory_space<semaphore_mem>>) src(%dma_wait3A_38 : memref<25x128xi32, #tpu.memory_space<hbm>>) dst(%arg13 : memref<25x128xi32, #tpu.memory_space<vmem>>)
    %scan3A = arith.constant 0 : i32
    %scan3A_39 = arith.constant 0 : i32
    %scan3A_40 = arith.constant 25 : i32
    %scan3A_41 = arith.addi %scan3A_39, %scan3A_40 : i32
    %scan3A_42 = arith.constant 1 : i32
    %scan3A_43 = scf.for %scan3A_45 = %scan3A_39 to %scan3A_41 step %scan3A_42 iter_args(%scan3A_46 = %scan3A) -> (i32)  : i32 {
      %mul3A_47 = arith.constant 3200 : i32
      %mul3A_48 = arith.muli %add3A, %mul3A_47 : i32
      %mul3A_49 = arith.constant 128 : i32
      %mul3A_50 = arith.muli %scan3A_45, %mul3A_49 : i32
      %add3A_51 = arith.addi %mul3A_48, %mul3A_50 : i32
      %get3A = arith.index_cast %scan3A_45 : i32 to index
      %get3A_52 = arith.constant 0 : index
      %get3A_53 = tpu.vector_load %arg12[%get3A, %get3A_52] {strides = array<i32>} : memref<25x128xi32, #tpu.memory_space<vmem>>, vector<16xi32>,
      %get3A_54 = arith.index_cast %scan3A_45 : i32 to index
      %get3A_55 = arith.constant 0 : index
      %get3A_56 = tpu.vector_load %arg13[%get3A_54, %get3A_55] {strides = array<i32>} : memref<25x128xi32, #tpu.memory_space<vmem>>, vector<16xi32>,
      %gather3A_57 = tpu.vector_load_idx %arg7[%get3A_53] : memref<10240xf32, #tpu.memory_space<vmem>>[vector<16xi32>], vector<16xf32>,
      %gather3A_58 = tpu.vector_load_idx %arg9[%get3A_56] : memref<10240xf32, #tpu.memory_space<vmem>>[vector<16xi32>], vector<16xf32>,
      %add3A_59 = arith.addf %gather3A_57, %gather3A_58 : vector<16xf32>
      %add3A_60 = arith.addf %add3A_59, %gather3A : vector<16xf32>
      %gather3A_61 = tpu.vector_load_idx %arg8[%get3A_53] : memref<10240xf32, #tpu.memory_space<vmem>>[vector<16xi32>], vector<16xf32>,
      %gather3A_62 = tpu.vector_load_idx %arg10[%get3A_56] : memref<10240xf32, #tpu.memory_space<vmem>>[vector<16xi32>], vector<16xf32>,
      %add3A_63 = arith.addf %gather3A_61, %gather3A_62 : vector<16xf32>
      %add3A_64 = arith.addf %add3A_63, %gather3A_23 : vector<16xf32>
      %neg3A = arith.constant 0.000000e+00 : f32
      %neg3A_65 = vector.broadcast %neg3A : f32 to vector<16xf32>
      %neg3A_66 = arith.subf %neg3A_65, %add3A_60 : vector<16xf32>
      %exp3A = math.exp %neg3A_66 : vector<16xf32>
      %add3A_67 = arith.constant 1.000000e+00 : f32
      %add3A_68 = vector.broadcast %add3A_67 : f32 to vector<16xf32>
      %add3A_69 = arith.addf %add3A_68, %exp3A : vector<16xf32>
      %div3A = arith.constant 1.000000e+00 : f32
      %div3A_70 = vector.broadcast %div3A : f32 to vector<16xf32>
      %div3A_71 = arith.divf %div3A_70, %add3A_69 : vector<16xf32>
      %swap3A = arith.constant 0 : index
      %swap3A_72 = tpu.vector_load %arg14[%swap3A] {strides = array<i32>} : memref<128xf32, #tpu.memory_space<vmem>>, vector<16xf32>,
      tpu.vector_store %arg14[%swap3A], %div3A_71 {strides = array<i32>} : memref<128xf32, #tpu.memory_space<vmem>>, vector<16xf32>,
      %neg3A_73 = arith.constant 0.000000e+00 : f32
      %neg3A_74 = vector.broadcast %neg3A_73 : f32 to vector<16xf32>
      %neg3A_75 = arith.subf %neg3A_74, %add3A_64 : vector<16xf32>
      %exp3A_76 = math.exp %neg3A_75 : vector<16xf32>
      %add3A_77 = arith.constant 1.000000e+00 : f32
      %add3A_78 = vector.broadcast %add3A_77 : f32 to vector<16xf32>
      %add3A_79 = arith.addf %add3A_78, %exp3A_76 : vector<16xf32>
      %div3A_80 = arith.constant 1.000000e+00 : f32
      %div3A_81 = vector.broadcast %div3A_80 : f32 to vector<16xf32>
      %div3A_82 = arith.divf %div3A_81, %add3A_79 : vector<16xf32>
      %swap3A_83 = arith.constant 0 : index
      %swap3A_84 = tpu.vector_load %arg15[%swap3A_83] {strides = array<i32>} : memref<128xf32, #tpu.memory_space<vmem>>, vector<16xf32>,
      tpu.vector_store %arg15[%swap3A_83], %div3A_82 {strides = array<i32>} : memref<128xf32, #tpu.memory_space<vmem>>, vector<16xf32>,
      %get3A_85 = arith.index_cast %scan3A_45 : i32 to index
      %get3A_86 = arith.constant 16 : index
      %get3A_87 = tpu.vector_load %arg12[%get3A_85, %get3A_86] {strides = array<i32>} : memref<25x128xi32, #tpu.memory_space<vmem>>, vector<16xi32>,
      %get3A_88 = arith.index_cast %scan3A_45 : i32 to index
      %get3A_89 = arith.constant 16 : index
      %get3A_90 = tpu.vector_load %arg13[%get3A_88, %get3A_89] {strides = array<i32>} : memref<25x128xi32, #tpu.memory_space<vmem>>, vector<16xi32>,
      %gather3A_91 = tpu.vector_load_idx %arg7[%get3A_87] : memref<10240xf32, #tpu.memory_space<vmem>>[vector<16xi32>], vector<16xf32>,
      %gather3A_92 = tpu.vector_load_idx %arg9[%get3A_90] : memref<10240xf32, #tpu.memory_space<vmem>>[vector<16xi32>], vector<16xf32>,
      %add3A_93 = arith.addf %gather3A_91, %gather3A_92 : vector<16xf32>
      %add3A_94 = arith.addf %add3A_93, %gather3A : vector<16xf32>
      %gather3A_95 = tpu.vector_load_idx %arg8[%get3A_87] : memref<10240xf32, #tpu.memory_space<vmem>>[vector<16xi32>], vector<16xf32>,
      %gather3A_96 = tpu.vector_load_idx %arg10[%get3A_90] : memref<10240xf32, #tpu.memory_space<vmem>>[vector<16xi32>], vector<16xf32>,
      %add3A_97 = arith.addf %gather3A_95, %gather3A_96 : vector<16xf32>
      %add3A_98 = arith.addf %add3A_97, %gather3A_23 : vector<16xf32>
      %neg3A_99 = arith.constant 0.000000e+00 : f32
      %neg3A_100 = vector.broadcast %neg3A_99 : f32 to vector<16xf32>
      %neg3A_101 = arith.subf %neg3A_100, %add3A_94 : vector<16xf32>
      %exp3A_102 = math.exp %neg3A_101 : vector<16xf32>
      %add3A_103 = arith.constant 1.000000e+00 : f32
      %add3A_104 = vector.broadcast %add3A_103 : f32 to vector<16xf32>
      %add3A_105 = arith.addf %add3A_104, %exp3A_102 : vector<16xf32>
      %div3A_106 = arith.constant 1.000000e+00 : f32
      %div3A_107 = vector.broadcast %div3A_106 : f32 to vector<16xf32>
      %div3A_108 = arith.divf %div3A_107, %add3A_105 : vector<16xf32>
      %swap3A_109 = arith.constant 16 : index
      %swap3A_110 = tpu.vector_load %arg14[%swap3A_109] {strides = array<i32>} : memref<128xf32, #tpu.memory_space<vmem>>, vector<16xf32>,
      tpu.vector_store %arg14[%swap3A_109], %div3A_108 {strides = array<i32>} : memref<128xf32, #tpu.memory_space<vmem>>, vector<16xf32>,
      %neg3A_111 = arith.constant 0.000000e+00 : f32
      %neg3A_112 = vector.broadcast %neg3A_111 : f32 to vector<16xf32>
      %neg3A_113 = arith.subf %neg3A_112, %add3A_98 : vector<16xf32>
      %exp3A_114 = math.exp %neg3A_113 : vector<16xf32>
      %add3A_115 = arith.constant 1.000000e+00 : f32
      %add3A_116 = vector.broadcast %add3A_115 : f32 to vector<16xf32>
      %add3A_117 = arith.addf %add3A_116, %exp3A_114 : vector<16xf32>
      %div3A_118 = arith.constant 1.000000e+00 : f32
      %div3A_119 = vector.broadcast %div3A_118 : f32 to vector<16xf32>
      %div3A_120 = arith.divf %div3A_119, %add3A_117 : vector<16xf32>
      %swap3A_121 = arith.constant 16 : index
      %swap3A_122 = tpu.vector_load %arg15[%swap3A_121] {strides = array<i32>} : memref<128xf32, #tpu.memory_space<vmem>>, vector<16xf32>,
      tpu.vector_store %arg15[%swap3A_121], %div3A_120 {strides = array<i32>} : memref<128xf32, #tpu.memory_space<vmem>>, vector<16xf32>,
      %get3A_123 = arith.index_cast %scan3A_45 : i32 to index
      %get3A_124 = arith.constant 32 : index
      %get3A_125 = tpu.vector_load %arg12[%get3A_123, %get3A_124] {strides = array<i32>} : memref<25x128xi32, #tpu.memory_space<vmem>>, vector<16xi32>,
      %get3A_126 = arith.index_cast %scan3A_45 : i32 to index
      %get3A_127 = arith.constant 32 : index
      %get3A_128 = tpu.vector_load %arg13[%get3A_126, %get3A_127] {strides = array<i32>} : memref<25x128xi32, #tpu.memory_space<vmem>>, vector<16xi32>,
      %gather3A_129 = tpu.vector_load_idx %arg7[%get3A_125] : memref<10240xf32, #tpu.memory_space<vmem>>[vector<16xi32>], vector<16xf32>,
      %gather3A_130 = tpu.vector_load_idx %arg9[%get3A_128] : memref<10240xf32, #tpu.memory_space<vmem>>[vector<16xi32>], vector<16xf32>,
      %add3A_131 = arith.addf %gather3A_129, %gather3A_130 : vector<16xf32>
      %add3A_132 = arith.addf %add3A_131, %gather3A : vector<16xf32>
      %gather3A_133 = tpu.vector_load_idx %arg8[%get3A_125] : memref<10240xf32, #tpu.memory_space<vmem>>[vector<16xi32>], vector<16xf32>,
      %gather3A_134 = tpu.vector_load_idx %arg10[%get3A_128] : memref<10240xf32, #tpu.memory_space<vmem>>[vector<16xi32>], vector<16xf32>,
      %add3A_135 = arith.addf %gather3A_133, %gather3A_134 : vector<16xf32>
      %add3A_136 = arith.addf %add3A_135, %gather3A_23 : vector<16xf32>
      %neg3A_137 = arith.constant 0.000000e+00 : f32
      %neg3A_138 = vector.broadcast %neg3A_137 : f32 to vector<16xf32>
      %neg3A_139 = arith.subf %neg3A_138, %add3A_132 : vector<16xf32>
      %exp3A_140 = math.exp %neg3A_139 : vector<16xf32>
      %add3A_141 = arith.constant 1.000000e+00 : f32
      %add3A_142 = vector.broadcast %add3A_141 : f32 to vector<16xf32>
      %add3A_143 = arith.addf %add3A_142, %exp3A_140 : vector<16xf32>
      %div3A_144 = arith.constant 1.000000e+00 : f32
      %div3A_145 = vector.broadcast %div3A_144 : f32 to vector<16xf32>
      %div3A_146 = arith.divf %div3A_145, %add3A_143 : vector<16xf32>
      %swap3A_147 = arith.constant 32 : index
      %swap3A_148 = tpu.vector_load %arg14[%swap3A_147] {strides = array<i32>} : memref<128xf32, #tpu.memory_space<vmem>>, vector<16xf32>,
      tpu.vector_store %arg14[%swap3A_147], %div3A_146 {strides = array<i32>} : memref<128xf32, #tpu.memory_space<vmem>>, vector<16xf32>,
      %neg3A_149 = arith.constant 0.000000e+00 : f32
      %neg3A_150 = vector.broadcast %neg3A_149 : f32 to vector<16xf32>
      %neg3A_151 = arith.subf %neg3A_150, %add3A_136 : vector<16xf32>
      %exp3A_152 = math.exp %neg3A_151 : vector<16xf32>
      %add3A_153 = arith.constant 1.000000e+00 : f32
      %add3A_154 = vector.broadcast %add3A_153 : f32 to vector<16xf32>
      %add3A_155 = arith.addf %add3A_154, %exp3A_152 : vector<16xf32>
      %div3A_156 = arith.constant 1.000000e+00 : f32
      %div3A_157 = vector.broadcast %div3A_156 : f32 to vector<16xf32>
      %div3A_158 = arith.divf %div3A_157, %add3A_155 : vector<16xf32>
      %swap3A_159 = arith.constant 32 : index
      %swap3A_160 = tpu.vector_load %arg15[%swap3A_159] {strides = array<i32>} : memref<128xf32, #tpu.memory_space<vmem>>, vector<16xf32>,
      tpu.vector_store %arg15[%swap3A_159], %div3A_158 {strides = array<i32>} : memref<128xf32, #tpu.memory_space<vmem>>, vector<16xf32>,
      %get3A_161 = arith.index_cast %scan3A_45 : i32 to index
      %get3A_162 = arith.constant 48 : index
      %get3A_163 = tpu.vector_load %arg12[%get3A_161, %get3A_162] {strides = array<i32>} : memref<25x128xi32, #tpu.memory_space<vmem>>, vector<16xi32>,
      %get3A_164 = arith.index_cast %scan3A_45 : i32 to index
      %get3A_165 = arith.constant 48 : index
      %get3A_166 = tpu.vector_load %arg13[%get3A_164, %get3A_165] {strides = array<i32>} : memref<25x128xi32, #tpu.memory_space<vmem>>, vector<16xi32>,
      %gather3A_167 = tpu.vector_load_idx %arg7[%get3A_163] : memref<10240xf32, #tpu.memory_space<vmem>>[vector<16xi32>], vector<16xf32>,
      %gather3A_168 = tpu.vector_load_idx %arg9[%get3A_166] : memref<10240xf32, #tpu.memory_space<vmem>>[vector<16xi32>], vector<16xf32>,
      %add3A_169 = arith.addf %gather3A_167, %gather3A_168 : vector<16xf32>
      %add3A_170 = arith.addf %add3A_169, %gather3A : vector<16xf32>
      %gather3A_171 = tpu.vector_load_idx %arg8[%get3A_163] : memref<10240xf32, #tpu.memory_space<vmem>>[vector<16xi32>], vector<16xf32>,
      %gather3A_172 = tpu.vector_load_idx %arg10[%get3A_166] : memref<10240xf32, #tpu.memory_space<vmem>>[vector<16xi32>], vector<16xf32>,
      %add3A_173 = arith.addf %gather3A_171, %gather3A_172 : vector<16xf32>
      %add3A_174 = arith.addf %add3A_173, %gather3A_23 : vector<16xf32>
      %neg3A_175 = arith.constant 0.000000e+00 : f32
      %neg3A_176 = vector.broadcast %neg3A_175 : f32 to vector<16xf32>
      %neg3A_177 = arith.subf %neg3A_176, %add3A_170 : vector<16xf32>
      %exp3A_178 = math.exp %neg3A_177 : vector<16xf32>
      %add3A_179 = arith.constant 1.000000e+00 : f32
      %add3A_180 = vector.broadcast %add3A_179 : f32 to vector<16xf32>
      %add3A_181 = arith.addf %add3A_180, %exp3A_178 : vector<16xf32>
      %div3A_182 = arith.constant 1.000000e+00 : f32
      %div3A_183 = vector.broadcast %div3A_182 : f32 to vector<16xf32>
      %div3A_184 = arith.divf %div3A_183, %add3A_181 : vector<16xf32>
      %swap3A_185 = arith.constant 48 : index
      %swap3A_186 = tpu.vector_load %arg14[%swap3A_185] {strides = array<i32>} : memref<128xf32, #tpu.memory_space<vmem>>, vector<16xf32>,
      tpu.vector_store %arg14[%swap3A_185], %div3A_184 {strides = array<i32>} : memref<128xf32, #tpu.memory_space<vmem>>, vector<16xf32>,
      %neg3A_187 = arith.constant 0.000000e+00 : f32
      %neg3A_188 = vector.broadcast %neg3A_187 : f32 to vector<16xf32>
      %neg3A_189 = arith.subf %neg3A_188, %add3A_174 : vector<16xf32>
      %exp3A_190 = math.exp %neg3A_189 : vector<16xf32>
      %add3A_191 = arith.constant 1.000000e+00 : f32
      %add3A_192 = vector.broadcast %add3A_191 : f32 to vector<16xf32>
      %add3A_193 = arith.addf %add3A_192, %exp3A_190 : vector<16xf32>
      %div3A_194 = arith.constant 1.000000e+00 : f32
      %div3A_195 = vector.broadcast %div3A_194 : f32 to vector<16xf32>
      %div3A_196 = arith.divf %div3A_195, %add3A_193 : vector<16xf32>
      %swap3A_197 = arith.constant 48 : index
      %swap3A_198 = tpu.vector_load %arg15[%swap3A_197] {strides = array<i32>} : memref<128xf32, #tpu.memory_space<vmem>>, vector<16xf32>,
      tpu.vector_store %arg15[%swap3A_197], %div3A_196 {strides = array<i32>} : memref<128xf32, #tpu.memory_space<vmem>>, vector<16xf32>,
      %get3A_199 = arith.index_cast %scan3A_45 : i32 to index
      %get3A_200 = arith.constant 64 : index
      %get3A_201 = tpu.vector_load %arg12[%get3A_199, %get3A_200] {strides = array<i32>} : memref<25x128xi32, #tpu.memory_space<vmem>>, vector<16xi32>,
      %get3A_202 = arith.index_cast %scan3A_45 : i32 to index
      %get3A_203 = arith.constant 64 : index
      %get3A_204 = tpu.vector_load %arg13[%get3A_202, %get3A_203] {strides = array<i32>} : memref<25x128xi32, #tpu.memory_space<vmem>>, vector<16xi32>,
      %gather3A_205 = tpu.vector_load_idx %arg7[%get3A_201] : memref<10240xf32, #tpu.memory_space<vmem>>[vector<16xi32>], vector<16xf32>,
      %gather3A_206 = tpu.vector_load_idx %arg9[%get3A_204] : memref<10240xf32, #tpu.memory_space<vmem>>[vector<16xi32>], vector<16xf32>,
      %add3A_207 = arith.addf %gather3A_205, %gather3A_206 : vector<16xf32>
      %add3A_208 = arith.addf %add3A_207, %gather3A : vector<16xf32>
      %gather3A_209 = tpu.vector_load_idx %arg8[%get3A_201] : memref<10240xf32, #tpu.memory_space<vmem>>[vector<16xi32>], vector<16xf32>,
      %gather3A_210 = tpu.vector_load_idx %arg10[%get3A_204] : memref<10240xf32, #tpu.memory_space<vmem>>[vector<16xi32>], vector<16xf32>,
      %add3A_211 = arith.addf %gather3A_209, %gather3A_210 : vector<16xf32>
      %add3A_212 = arith.addf %add3A_211, %gather3A_23 : vector<16xf32>
      %neg3A_213 = arith.constant 0.000000e+00 : f32
      %neg3A_214 = vector.broadcast %neg3A_213 : f32 to vector<16xf32>
      %neg3A_215 = arith.subf %neg3A_214, %add3A_208 : vector<16xf32>
      %exp3A_216 = math.exp %neg3A_215 : vector<16xf32>
      %add3A_217 = arith.constant 1.000000e+00 : f32
      %add3A_218 = vector.broadcast %add3A_217 : f32 to vector<16xf32>
      %add3A_219 = arith.addf %add3A_218, %exp3A_216 : vector<16xf32>
      %div3A_220 = arith.constant 1.000000e+00 : f32
      %div3A_221 = vector.broadcast %div3A_220 : f32 to vector<16xf32>
      %div3A_222 = arith.divf %div3A_221, %add3A_219 : vector<16xf32>
      %swap3A_223 = arith.constant 64 : index
      %swap3A_224 = tpu.vector_load %arg14[%swap3A_223] {strides = array<i32>} : memref<128xf32, #tpu.memory_space<vmem>>, vector<16xf32>,
      tpu.vector_store %arg14[%swap3A_223], %div3A_222 {strides = array<i32>} : memref<128xf32, #tpu.memory_space<vmem>>, vector<16xf32>,
      %neg3A_225 = arith.constant 0.000000e+00 : f32
      %neg3A_226 = vector.broadcast %neg3A_225 : f32 to vector<16xf32>
      %neg3A_227 = arith.subf %neg3A_226, %add3A_212 : vector<16xf32>
      %exp3A_228 = math.exp %neg3A_227 : vector<16xf32>
      %add3A_229 = arith.constant 1.000000e+00 : f32
      %add3A_230 = vector.broadcast %add3A_229 : f32 to vector<16xf32>
      %add3A_231 = arith.addf %add3A_230, %exp3A_228 : vector<16xf32>
      %div3A_232 = arith.constant 1.000000e+00 : f32
      %div3A_233 = vector.broadcast %div3A_232 : f32 to vector<16xf32>
      %div3A_234 = arith.divf %div3A_233, %add3A_231 : vector<16xf32>
      %swap3A_235 = arith.constant 64 : index
      %swap3A_236 = tpu.vector_load %arg15[%swap3A_235] {strides = array<i32>} : memref<128xf32, #tpu.memory_space<vmem>>, vector<16xf32>,
      tpu.vector_store %arg15[%swap3A_235], %div3A_234 {strides = array<i32>} : memref<128xf32, #tpu.memory_space<vmem>>, vector<16xf32>,
      %get3A_237 = arith.index_cast %scan3A_45 : i32 to index
      %get3A_238 = arith.constant 80 : index
      %get3A_239 = tpu.vector_load %arg12[%get3A_237, %get3A_238] {strides = array<i32>} : memref<25x128xi32, #tpu.memory_space<vmem>>, vector<16xi32>,
      %get3A_240 = arith.index_cast %scan3A_45 : i32 to index
      %get3A_241 = arith.constant 80 : index
      %get3A_242 = tpu.vector_load %arg13[%get3A_240, %get3A_241] {strides = array<i32>} : memref<25x128xi32, #tpu.memory_space<vmem>>, vector<16xi32>,
      %gather3A_243 = tpu.vector_load_idx %arg7[%get3A_239] : memref<10240xf32, #tpu.memory_space<vmem>>[vector<16xi32>], vector<16xf32>,
      %gather3A_244 = tpu.vector_load_idx %arg9[%get3A_242] : memref<10240xf32, #tpu.memory_space<vmem>>[vector<16xi32>], vector<16xf32>,
      %add3A_245 = arith.addf %gather3A_243, %gather3A_244 : vector<16xf32>
      %add3A_246 = arith.addf %add3A_245, %gather3A : vector<16xf32>
      %gather3A_247 = tpu.vector_load_idx %arg8[%get3A_239] : memref<10240xf32, #tpu.memory_space<vmem>>[vector<16xi32>], vector<16xf32>,
      %gather3A_248 = tpu.vector_load_idx %arg10[%get3A_242] : memref<10240xf32, #tpu.memory_space<vmem>>[vector<16xi32>], vector<16xf32>,
      %add3A_249 = arith.addf %gather3A_247, %gather3A_248 : vector<16xf32>
      %add3A_250 = arith.addf %add3A_249, %gather3A_23 : vector<16xf32>
      %neg3A_251 = arith.constant 0.000000e+00 : f32
      %neg3A_252 = vector.broadcast %neg3A_251 : f32 to vector<16xf32>
      %neg3A_253 = arith.subf %neg3A_252, %add3A_246 : vector<16xf32>
      %exp3A_254 = math.exp %neg3A_253 : vector<16xf32>
      %add3A_255 = arith.constant 1.000000e+00 : f32
      %add3A_256 = vector.broadcast %add3A_255 : f32 to vector<16xf32>
      %add3A_257 = arith.addf %add3A_256, %exp3A_254 : vector<16xf32>
      %div3A_258 = arith.constant 1.000000e+00 : f32
      %div3A_259 = vector.broadcast %div3A_258 : f32 to vector<16xf32>
      %div3A_260 = arith.divf %div3A_259, %add3A_257 : vector<16xf32>
      %swap3A_261 = arith.constant 80 : index
      %swap3A_262 = tpu.vector_load %arg14[%swap3A_261] {strides = array<i32>} : memref<128xf32, #tpu.memory_space<vmem>>, vector<16xf32>,
      tpu.vector_store %arg14[%swap3A_261], %div3A_260 {strides = array<i32>} : memref<128xf32, #tpu.memory_space<vmem>>, vector<16xf32>,
      %neg3A_263 = arith.constant 0.000000e+00 : f32
      %neg3A_264 = vector.broadcast %neg3A_263 : f32 to vector<16xf32>
      %neg3A_265 = arith.subf %neg3A_264, %add3A_250 : vector<16xf32>
      %exp3A_266 = math.exp %neg3A_265 : vector<16xf32>
      %add3A_267 = arith.constant 1.000000e+00 : f32
      %add3A_268 = vector.broadcast %add3A_267 : f32 to vector<16xf32>
      %add3A_269 = arith.addf %add3A_268, %exp3A_266 : vector<16xf32>
      %div3A_270 = arith.constant 1.000000e+00 : f32
      %div3A_271 = vector.broadcast %div3A_270 : f32 to vector<16xf32>
      %div3A_272 = arith.divf %div3A_271, %add3A_269 : vector<16xf32>
      %swap3A_273 = arith.constant 80 : index
      %swap3A_274 = tpu.vector_load %arg15[%swap3A_273] {strides = array<i32>} : memref<128xf32, #tpu.memory_space<vmem>>, vector<16xf32>,
      tpu.vector_store %arg15[%swap3A_273], %div3A_272 {strides = array<i32>} : memref<128xf32, #tpu.memory_space<vmem>>, vector<16xf32>,
      %get3A_275 = arith.index_cast %scan3A_45 : i32 to index
      %get3A_276 = arith.constant 96 : index
      %get3A_277 = tpu.vector_load %arg12[%get3A_275, %get3A_276] {strides = array<i32>} : memref<25x128xi32, #tpu.memory_space<vmem>>, vector<16xi32>,
      %get3A_278 = arith.index_cast %scan3A_45 : i32 to index
      %get3A_279 = arith.constant 96 : index
      %get3A_280 = tpu.vector_load %arg13[%get3A_278, %get3A_279] {strides = array<i32>} : memref<25x128xi32, #tpu.memory_space<vmem>>, vector<16xi32>,
      %gather3A_281 = tpu.vector_load_idx %arg7[%get3A_277] : memref<10240xf32, #tpu.memory_space<vmem>>[vector<16xi32>], vector<16xf32>,
      %gather3A_282 = tpu.vector_load_idx %arg9[%get3A_280] : memref<10240xf32, #tpu.memory_space<vmem>>[vector<16xi32>], vector<16xf32>,
      %add3A_283 = arith.addf %gather3A_281, %gather3A_282 : vector<16xf32>
      %add3A_284 = arith.addf %add3A_283, %gather3A : vector<16xf32>
      %gather3A_285 = tpu.vector_load_idx %arg8[%get3A_277] : memref<10240xf32, #tpu.memory_space<vmem>>[vector<16xi32>], vector<16xf32>,
      %gather3A_286 = tpu.vector_load_idx %arg10[%get3A_280] : memref<10240xf32, #tpu.memory_space<vmem>>[vector<16xi32>], vector<16xf32>,
      %add3A_287 = arith.addf %gather3A_285, %gather3A_286 : vector<16xf32>
      %add3A_288 = arith.addf %add3A_287, %gather3A_23 : vector<16xf32>
      %neg3A_289 = arith.constant 0.000000e+00 : f32
      %neg3A_290 = vector.broadcast %neg3A_289 : f32 to vector<16xf32>
      %neg3A_291 = arith.subf %neg3A_290, %add3A_284 : vector<16xf32>
      %exp3A_292 = math.exp %neg3A_291 : vector<16xf32>
      %add3A_293 = arith.constant 1.000000e+00 : f32
      %add3A_294 = vector.broadcast %add3A_293 : f32 to vector<16xf32>
      %add3A_295 = arith.addf %add3A_294, %exp3A_292 : vector<16xf32>
      %div3A_296 = arith.constant 1.000000e+00 : f32
      %div3A_297 = vector.broadcast %div3A_296 : f32 to vector<16xf32>
      %div3A_298 = arith.divf %div3A_297, %add3A_295 : vector<16xf32>
      %swap3A_299 = arith.constant 96 : index
      %swap3A_300 = tpu.vector_load %arg14[%swap3A_299] {strides = array<i32>} : memref<128xf32, #tpu.memory_space<vmem>>, vector<16xf32>,
      tpu.vector_store %arg14[%swap3A_299], %div3A_298 {strides = array<i32>} : memref<128xf32, #tpu.memory_space<vmem>>, vector<16xf32>,
      %neg3A_301 = arith.constant 0.000000e+00 : f32
      %neg3A_302 = vector.broadcast %neg3A_301 : f32 to vector<16xf32>
      %neg3A_303 = arith.subf %neg3A_302, %add3A_288 : vector<16xf32>
      %exp3A_304 = math.exp %neg3A_303 : vector<16xf32>
      %add3A_305 = arith.constant 1.000000e+00 : f32
      %add3A_306 = vector.broadcast %add3A_305 : f32 to vector<16xf32>
      %add3A_307 = arith.addf %add3A_306, %exp3A_304 : vector<16xf32>
      %div3A_308 = arith.constant 1.000000e+00 : f32
      %div3A_309 = vector.broadcast %div3A_308 : f32 to vector<16xf32>
      %div3A_310 = arith.divf %div3A_309, %add3A_307 : vector<16xf32>
      %swap3A_311 = arith.constant 96 : index
      %swap3A_312 = tpu.vector_load %arg15[%swap3A_311] {strides = array<i32>} : memref<128xf32, #tpu.memory_space<vmem>>, vector<16xf32>,
      tpu.vector_store %arg15[%swap3A_311], %div3A_310 {strides = array<i32>} : memref<128xf32, #tpu.memory_space<vmem>>, vector<16xf32>,
      %get3A_313 = arith.index_cast %scan3A_45 : i32 to index
      %get3A_314 = arith.constant 112 : index
      %get3A_315 = tpu.vector_load %arg12[%get3A_313, %get3A_314] {strides = array<i32>} : memref<25x128xi32, #tpu.memory_space<vmem>>, vector<16xi32>,
      %get3A_316 = arith.index_cast %scan3A_45 : i32 to index
      %get3A_317 = arith.constant 112 : index
      %get3A_318 = tpu.vector_load %arg13[%get3A_316, %get3A_317] {strides = array<i32>} : memref<25x128xi32, #tpu.memory_space<vmem>>, vector<16xi32>,
      %gather3A_319 = tpu.vector_load_idx %arg7[%get3A_315] : memref<10240xf32, #tpu.memory_space<vmem>>[vector<16xi32>], vector<16xf32>,
      %gather3A_320 = tpu.vector_load_idx %arg9[%get3A_318] : memref<10240xf32, #tpu.memory_space<vmem>>[vector<16xi32>], vector<16xf32>,
      %add3A_321 = arith.addf %gather3A_319, %gather3A_320 : vector<16xf32>
      %add3A_322 = arith.addf %add3A_321, %gather3A : vector<16xf32>
      %gather3A_323 = tpu.vector_load_idx %arg8[%get3A_315] : memref<10240xf32, #tpu.memory_space<vmem>>[vector<16xi32>], vector<16xf32>,
      %gather3A_324 = tpu.vector_load_idx %arg10[%get3A_318] : memref<10240xf32, #tpu.memory_space<vmem>>[vector<16xi32>], vector<16xf32>,
      %add3A_325 = arith.addf %gather3A_323, %gather3A_324 : vector<16xf32>
      %add3A_326 = arith.addf %add3A_325, %gather3A_23 : vector<16xf32>
      %neg3A_327 = arith.constant 0.000000e+00 : f32
      %neg3A_328 = vector.broadcast %neg3A_327 : f32 to vector<16xf32>
      %neg3A_329 = arith.subf %neg3A_328, %add3A_322 : vector<16xf32>
      %exp3A_330 = math.exp %neg3A_329 : vector<16xf32>
      %add3A_331 = arith.constant 1.000000e+00 : f32
      %add3A_332 = vector.broadcast %add3A_331 : f32 to vector<16xf32>
      %add3A_333 = arith.addf %add3A_332, %exp3A_330 : vector<16xf32>
      %div3A_334 = arith.constant 1.000000e+00 : f32
      %div3A_335 = vector.broadcast %div3A_334 : f32 to vector<16xf32>
      %div3A_336 = arith.divf %div3A_335, %add3A_333 : vector<16xf32>
      %swap3A_337 = arith.constant 112 : index
      %swap3A_338 = tpu.vector_load %arg14[%swap3A_337] {strides = array<i32>} : memref<128xf32, #tpu.memory_space<vmem>>, vector<16xf32>,
      tpu.vector_store %arg14[%swap3A_337], %div3A_336 {strides = array<i32>} : memref<128xf32, #tpu.memory_space<vmem>>, vector<16xf32>,
      %neg3A_339 = arith.constant 0.000000e+00 : f32
      %neg3A_340 = vector.broadcast %neg3A_339 : f32 to vector<16xf32>
      %neg3A_341 = arith.subf %neg3A_340, %add3A_326 : vector<16xf32>
      %exp3A_342 = math.exp %neg3A_341 : vector<16xf32>
      %add3A_343 = arith.constant 1.000000e+00 : f32
      %add3A_344 = vector.broadcast %add3A_343 : f32 to vector<16xf32>
      %add3A_345 = arith.addf %add3A_344, %exp3A_342 : vector<16xf32>
      %div3A_346 = arith.constant 1.000000e+00 : f32
      %div3A_347 = vector.broadcast %div3A_346 : f32 to vector<16xf32>
      %div3A_348 = arith.divf %div3A_347, %add3A_345 : vector<16xf32>
      %swap3A_349 = arith.constant 112 : index
      %swap3A_350 = tpu.vector_load %arg15[%swap3A_349] {strides = array<i32>} : memref<128xf32, #tpu.memory_space<vmem>>, vector<16xf32>,
      tpu.vector_store %arg15[%swap3A_349], %div3A_348 {strides = array<i32>} : memref<128xf32, #tpu.memory_space<vmem>>, vector<16xf32>,
      %run_scoped3A_351 = arith.constant 0 : i32
      "tpu.region"() ({
        %run_scoped3A_354 = tpu.sem_alloc : memref<!tpu.dma_semaphore, #tpu.memory_space<semaphore_mem>>
        %dma_start3A_355 = tpu.memref_slice %arg6[%run_scoped3A_351, %add3A_51] : memref<2x102400xf32, #tpu.memory_space<hbm>> -> memref<1x128xf32, #tpu.memory_space<hbm>>
        %dma_start3A_356 = tpu.memref_squeeze %dma_start3A_355 : memref<1x128xf32, #tpu.memory_space<hbm>> -> memref<128xf32, #tpu.memory_space<hbm>>
        %dma_start3A_357 = tpu.memref_slice %arg6[%run_scoped3A_351, %add3A_51] : memref<2x102400xf32, #tpu.memory_space<hbm>> -> memref<1x128xf32, #tpu.memory_space<hbm>>
        %dma_start3A_358 = tpu.memref_squeeze %dma_start3A_357 : memref<1x128xf32, #tpu.memory_space<hbm>> -> memref<128xf32, #tpu.memory_space<hbm>>
        tpu.enqueue_dma source(%arg14 : memref<128xf32, #tpu.memory_space<vmem>>) target(%dma_start3A_358 : memref<128xf32, #tpu.memory_space<hbm>>) target_semaphore(%run_scoped3A_354 : memref<!tpu.dma_semaphore, #tpu.memory_space<semaphore_mem>>)
        %dma_wait3A_359 = tpu.memref_slice %arg6[%run_scoped3A_351, %add3A_51] : memref<2x102400xf32, #tpu.memory_space<hbm>> -> memref<1x128xf32, #tpu.memory_space<hbm>>
        %dma_wait3A_360 = tpu.memref_squeeze %dma_wait3A_359 : memref<1x128xf32, #tpu.memory_space<hbm>> -> memref<128xf32, #tpu.memory_space<hbm>>
        %dma_wait3A_361 = tpu.memref_slice %arg6[%run_scoped3A_351, %add3A_51] : memref<2x102400xf32, #tpu.memory_space<hbm>> -> memref<1x128xf32, #tpu.memory_space<hbm>>
        %dma_wait3A_362 = tpu.memref_squeeze %dma_wait3A_361 : memref<1x128xf32, #tpu.memory_space<hbm>> -> memref<128xf32, #tpu.memory_space<hbm>>
        tpu.wait_dma2 semaphore(%run_scoped3A_354 : memref<!tpu.dma_semaphore, #tpu.memory_space<semaphore_mem>>) src(%arg14 : memref<128xf32, #tpu.memory_space<vmem>>) dst(%dma_wait3A_362 : memref<128xf32, #tpu.memory_space<hbm>>)
        tpu.yield
      }) : () -> ()
      %run_scoped3A_352 = arith.constant 1 : i32
      "tpu.region"() ({
        %run_scoped3A_354 = tpu.sem_alloc : memref<!tpu.dma_semaphore, #tpu.memory_space<semaphore_mem>>
        %dma_start3A_355 = tpu.memref_slice %arg6[%run_scoped3A_352, %add3A_51] : memref<2x102400xf32, #tpu.memory_space<hbm>> -> memref<1x128xf32, #tpu.memory_space<hbm>>
        %dma_start3A_356 = tpu.memref_squeeze %dma_start3A_355 : memref<1x128xf32, #tpu.memory_space<hbm>> -> memref<128xf32, #tpu.memory_space<hbm>>
        %dma_start3A_357 = tpu.memref_slice %arg6[%run_scoped3A_352, %add3A_51] : memref<2x102400xf32, #tpu.memory_space<hbm>> -> memref<1x128xf32, #tpu.memory_space<hbm>>
        %dma_start3A_358 = tpu.memref_squeeze %dma_start3A_357 : memref<1x128xf32, #tpu.memory_space<hbm>> -> memref<128xf32, #tpu.memory_space<hbm>>
        tpu.enqueue_dma source(%arg15 : memref<128xf32, #tpu.memory_space<vmem>>) target(%dma_start3A_358 : memref<128xf32, #tpu.memory_space<hbm>>) target_semaphore(%run_scoped3A_354 : memref<!tpu.dma_semaphore, #tpu.memory_space<semaphore_mem>>)
        %dma_wait3A_359 = tpu.memref_slice %arg6[%run_scoped3A_352, %add3A_51] : memref<2x102400xf32, #tpu.memory_space<hbm>> -> memref<1x128xf32, #tpu.memory_space<hbm>>
        %dma_wait3A_360 = tpu.memref_squeeze %dma_wait3A_359 : memref<1x128xf32, #tpu.memory_space<hbm>> -> memref<128xf32, #tpu.memory_space<hbm>>
        %dma_wait3A_361 = tpu.memref_slice %arg6[%run_scoped3A_352, %add3A_51] : memref<2x102400xf32, #tpu.memory_space<hbm>> -> memref<1x128xf32, #tpu.memory_space<hbm>>
        %dma_wait3A_362 = tpu.memref_squeeze %dma_wait3A_361 : memref<1x128xf32, #tpu.memory_space<hbm>> -> memref<128xf32, #tpu.memory_space<hbm>>
        tpu.wait_dma2 semaphore(%run_scoped3A_354 : memref<!tpu.dma_semaphore, #tpu.memory_space<semaphore_mem>>) src(%arg15 : memref<128xf32, #tpu.memory_space<vmem>>) dst(%dma_wait3A_362 : memref<128xf32, #tpu.memory_space<hbm>>)
        tpu.yield
      }) : () -> ()
      %scan3A_353 = arith.constant 0 : i32
      scf.yield %scan3A_353 : i32
    }
    %scan3A_44 = arith.constant 25 : i32
    return
  }
}

#map = affine_map<(d0, d1) -> (0, 0)>
#map1 = affine_map<(d0, d1) -> (0, 0, 0)>
module attributes {stable_mosaic.version = 14 : i64} {
  func.func @_aggregate(%arg0: i32, %arg1: i32, %arg2: memref<10240x128xf32, #tpu.memory_space<hbm>>, %arg3: memref<32x158x64xi32, #tpu.memory_space<hbm>>, %arg4: memref<32x158x64xi32, #tpu.memory_space<hbm>>, %arg5: memref<2x10240x128xf32, #tpu.memory_space<hbm>>, %arg6: memref<158x64xi32, #tpu.memory_space<vmem>>, %arg7: memref<158x64xi32, #tpu.memory_space<vmem>>, %arg8: memref<3x64x128xf32, #tpu.memory_space<vmem>>, %arg9: memref<32x128xf32, #tpu.memory_space<vmem>>, %arg10: memref<10240x128xf32, #tpu.memory_space<vmem_shared>>, %arg11: memref<!tpu.dma_semaphore, #tpu.memory_space<semaphore_mem>>, %arg12: memref<!tpu.dma_semaphore, #tpu.memory_space<semaphore_mem>>, %arg13: memref<!tpu.dma_semaphore, #tpu.memory_space<semaphore_mem>>, %arg14: memref<!tpu.dma_semaphore, #tpu.memory_space<semaphore_mem>>, %arg15: memref<!tpu.dma_semaphore, #tpu.memory_space<semaphore_mem>>, %arg16: memref<!tpu.dma_semaphore, #tpu.memory_space<semaphore_mem>>, %arg17: memref<!tpu.dma_semaphore, #tpu.memory_space<semaphore_mem>>) attributes {dimension_semantics = [#tpu.dimension_semantics<core_parallel>, #tpu.dimension_semantics<subcore_parallel>], iteration_bounds = array<i64: 2, 16>, scalar_prefetch = 0 : i64, scratch_operands = 12 : i64, tpu.core_type = #tpu.core_type<sc_vector_subcore>, window_params = [{transform_indices = #map}, {transform_indices = #map1}, {transform_indices = #map1}, {transform_indices = #map1}]} {
    %mul3A = arith.constant 2 : i32
    %mul3A_0 = arith.muli %arg1, %mul3A : i32
    %add3A = arith.addi %mul3A_0, %arg0 : i32
    %broadcast_in_dim3A = arith.constant 0.000000e+00 : f32
    %broadcast_in_dim3A_1 = vector.broadcast %broadcast_in_dim3A : f32 to vector<16xf32>
    %dma_start3A = arith.constant 0 : i32
    %dma_start3A_2 = arith.constant 0 : i32
    %dma_start3A_3 = tpu.memref_slice %arg3[%add3A, %dma_start3A, %dma_start3A_2] : memref<32x158x64xi32, #tpu.memory_space<hbm>> -> memref<1x158x64xi32, #tpu.memory_space<hbm>>
    %dma_start3A_4 = tpu.memref_squeeze %dma_start3A_3 : memref<1x158x64xi32, #tpu.memory_space<hbm>> -> memref<158x64xi32, #tpu.memory_space<hbm>>
    %dma_start3A_5 = arith.constant 0 : i32
    %dma_start3A_6 = arith.constant 0 : i32
    %dma_start3A_7 = tpu.memref_slice %arg3[%add3A, %dma_start3A_5, %dma_start3A_6] : memref<32x158x64xi32, #tpu.memory_space<hbm>> -> memref<1x158x64xi32, #tpu.memory_space<hbm>>
    %dma_start3A_8 = tpu.memref_squeeze %dma_start3A_7 : memref<1x158x64xi32, #tpu.memory_space<hbm>> -> memref<158x64xi32, #tpu.memory_space<hbm>>
    tpu.enqueue_dma source(%dma_start3A_8 : memref<158x64xi32, #tpu.memory_space<hbm>>) target(%arg6 : memref<158x64xi32, #tpu.memory_space<vmem>>) target_semaphore(%arg11 : memref<!tpu.dma_semaphore, #tpu.memory_space<semaphore_mem>>)
    %dma_start3A_9 = arith.constant 0 : i32
    %dma_start3A_10 = arith.constant 0 : i32
    %dma_start3A_11 = tpu.memref_slice %arg4[%add3A, %dma_start3A_9, %dma_start3A_10] : memref<32x158x64xi32, #tpu.memory_space<hbm>> -> memref<1x158x64xi32, #tpu.memory_space<hbm>>
    %dma_start3A_12 = tpu.memref_squeeze %dma_start3A_11 : memref<1x158x64xi32, #tpu.memory_space<hbm>> -> memref<158x64xi32, #tpu.memory_space<hbm>>
    %dma_start3A_13 = arith.constant 0 : i32
    %dma_start3A_14 = arith.constant 0 : i32
    %dma_start3A_15 = tpu.memref_slice %arg4[%add3A, %dma_start3A_13, %dma_start3A_14] : memref<32x158x64xi32, #tpu.memory_space<hbm>> -> memref<1x158x64xi32, #tpu.memory_space<hbm>>
    %dma_start3A_16 = tpu.memref_squeeze %dma_start3A_15 : memref<1x158x64xi32, #tpu.memory_space<hbm>> -> memref<158x64xi32, #tpu.memory_space<hbm>>
    tpu.enqueue_dma source(%dma_start3A_16 : memref<158x64xi32, #tpu.memory_space<hbm>>) target(%arg7 : memref<158x64xi32, #tpu.memory_space<vmem>>) target_semaphore(%arg11 : memref<!tpu.dma_semaphore, #tpu.memory_space<semaphore_mem>>)
    %scan3A = arith.constant 0 : i32
    %scan3A_17 = arith.constant 0 : i32
    %scan3A_18 = arith.constant 32 : i32
    %scan3A_19 = arith.addi %scan3A_17, %scan3A_18 : i32
    %scan3A_20 = arith.constant 1 : i32
    %scan3A_21 = scf.for %scan3A_196 = %scan3A_17 to %scan3A_19 step %scan3A_20 iter_args(%scan3A_197 = %scan3A) -> (i32)  : i32 {
      %swap3A = arith.index_cast %scan3A_196 : i32 to index
      %swap3A_198 = arith.constant 0 : index
      %swap3A_199 = tpu.vector_load %arg9[%swap3A, %swap3A_198] {strides = array<i32>} : memref<32x128xf32, #tpu.memory_space<vmem>>, vector<16xf32>,
      tpu.vector_store %arg9[%swap3A, %swap3A_198], %broadcast_in_dim3A_1 {strides = array<i32>} : memref<32x128xf32, #tpu.memory_space<vmem>>, vector<16xf32>,
      %swap3A_200 = arith.index_cast %scan3A_196 : i32 to index
      %swap3A_201 = arith.constant 16 : index
      %swap3A_202 = tpu.vector_load %arg9[%swap3A_200, %swap3A_201] {strides = array<i32>} : memref<32x128xf32, #tpu.memory_space<vmem>>, vector<16xf32>,
      tpu.vector_store %arg9[%swap3A_200, %swap3A_201], %broadcast_in_dim3A_1 {strides = array<i32>} : memref<32x128xf32, #tpu.memory_space<vmem>>, vector<16xf32>,
      %swap3A_203 = arith.index_cast %scan3A_196 : i32 to index
      %swap3A_204 = arith.constant 32 : index
      %swap3A_205 = tpu.vector_load %arg9[%swap3A_203, %swap3A_204] {strides = array<i32>} : memref<32x128xf32, #tpu.memory_space<vmem>>, vector<16xf32>,
      tpu.vector_store %arg9[%swap3A_203, %swap3A_204], %broadcast_in_dim3A_1 {strides = array<i32>} : memref<32x128xf32, #tpu.memory_space<vmem>>, vector<16xf32>,
      %swap3A_206 = arith.index_cast %scan3A_196 : i32 to index
      %swap3A_207 = arith.constant 48 : index
      %swap3A_208 = tpu.vector_load %arg9[%swap3A_206, %swap3A_207] {strides = array<i32>} : memref<32x128xf32, #tpu.memory_space<vmem>>, vector<16xf32>,
      tpu.vector_store %arg9[%swap3A_206, %swap3A_207], %broadcast_in_dim3A_1 {strides = array<i32>} : memref<32x128xf32, #tpu.memory_space<vmem>>, vector<16xf32>,
      %swap3A_209 = arith.index_cast %scan3A_196 : i32 to index
      %swap3A_210 = arith.constant 64 : index
      %swap3A_211 = tpu.vector_load %arg9[%swap3A_209, %swap3A_210] {strides = array<i32>} : memref<32x128xf32, #tpu.memory_space<vmem>>, vector<16xf32>,
      tpu.vector_store %arg9[%swap3A_209, %swap3A_210], %broadcast_in_dim3A_1 {strides = array<i32>} : memref<32x128xf32, #tpu.memory_space<vmem>>, vector<16xf32>,
      %swap3A_212 = arith.index_cast %scan3A_196 : i32 to index
      %swap3A_213 = arith.constant 80 : index
      %swap3A_214 = tpu.vector_load %arg9[%swap3A_212, %swap3A_213] {strides = array<i32>} : memref<32x128xf32, #tpu.memory_space<vmem>>, vector<16xf32>,
      tpu.vector_store %arg9[%swap3A_212, %swap3A_213], %broadcast_in_dim3A_1 {strides = array<i32>} : memref<32x128xf32, #tpu.memory_space<vmem>>, vector<16xf32>,
      %swap3A_215 = arith.index_cast %scan3A_196 : i32 to index
      %swap3A_216 = arith.constant 96 : index
      %swap3A_217 = tpu.vector_load %arg9[%swap3A_215, %swap3A_216] {strides = array<i32>} : memref<32x128xf32, #tpu.memory_space<vmem>>, vector<16xf32>,
      tpu.vector_store %arg9[%swap3A_215, %swap3A_216], %broadcast_in_dim3A_1 {strides = array<i32>} : memref<32x128xf32, #tpu.memory_space<vmem>>, vector<16xf32>,
      %swap3A_218 = arith.index_cast %scan3A_196 : i32 to index
      %swap3A_219 = arith.constant 112 : index
      %swap3A_220 = tpu.vector_load %arg9[%swap3A_218, %swap3A_219] {strides = array<i32>} : memref<32x128xf32, #tpu.memory_space<vmem>>, vector<16xf32>,
      tpu.vector_store %arg9[%swap3A_218, %swap3A_219], %broadcast_in_dim3A_1 {strides = array<i32>} : memref<32x128xf32, #tpu.memory_space<vmem>>, vector<16xf32>,
      %scan3A_221 = arith.constant 0 : i32
      scf.yield %scan3A_221 : i32
    }
    %scan3A_22 = arith.constant 32 : i32
    %dma_wait3A = arith.constant 0 : i32
    %dma_wait3A_23 = arith.constant 0 : i32
    %dma_wait3A_24 = tpu.memref_slice %arg3[%add3A, %dma_wait3A, %dma_wait3A_23] : memref<32x158x64xi32, #tpu.memory_space<hbm>> -> memref<1x158x64xi32, #tpu.memory_space<hbm>>
    %dma_wait3A_25 = tpu.memref_squeeze %dma_wait3A_24 : memref<1x158x64xi32, #tpu.memory_space<hbm>> -> memref<158x64xi32, #tpu.memory_space<hbm>>
    %dma_wait3A_26 = arith.constant 0 : i32
    %dma_wait3A_27 = arith.constant 0 : i32
    %dma_wait3A_28 = tpu.memref_slice %arg3[%add3A, %dma_wait3A_26, %dma_wait3A_27] : memref<32x158x64xi32, #tpu.memory_space<hbm>> -> memref<1x158x64xi32, #tpu.memory_space<hbm>>
    %dma_wait3A_29 = tpu.memref_squeeze %dma_wait3A_28 : memref<1x158x64xi32, #tpu.memory_space<hbm>> -> memref<158x64xi32, #tpu.memory_space<hbm>>
    tpu.wait_dma2 semaphore(%arg11 : memref<!tpu.dma_semaphore, #tpu.memory_space<semaphore_mem>>) src(%dma_wait3A_29 : memref<158x64xi32, #tpu.memory_space<hbm>>) dst(%arg6 : memref<158x64xi32, #tpu.memory_space<vmem>>)
    %dma_wait3A_30 = arith.constant 0 : i32
    %dma_wait3A_31 = arith.constant 0 : i32
    %dma_wait3A_32 = tpu.memref_slice %arg4[%add3A, %dma_wait3A_30, %dma_wait3A_31] : memref<32x158x64xi32, #tpu.memory_space<hbm>> -> memref<1x158x64xi32, #tpu.memory_space<hbm>>
    %dma_wait3A_33 = tpu.memref_squeeze %dma_wait3A_32 : memref<1x158x64xi32, #tpu.memory_space<hbm>> -> memref<158x64xi32, #tpu.memory_space<hbm>>
    %dma_wait3A_34 = arith.constant 0 : i32
    %dma_wait3A_35 = arith.constant 0 : i32
    %dma_wait3A_36 = tpu.memref_slice %arg4[%add3A, %dma_wait3A_34, %dma_wait3A_35] : memref<32x158x64xi32, #tpu.memory_space<hbm>> -> memref<1x158x64xi32, #tpu.memory_space<hbm>>
    %dma_wait3A_37 = tpu.memref_squeeze %dma_wait3A_36 : memref<1x158x64xi32, #tpu.memory_space<hbm>> -> memref<158x64xi32, #tpu.memory_space<hbm>>
    tpu.wait_dma2 semaphore(%arg11 : memref<!tpu.dma_semaphore, #tpu.memory_space<semaphore_mem>>) src(%dma_wait3A_37 : memref<158x64xi32, #tpu.memory_space<hbm>>) dst(%arg7 : memref<158x64xi32, #tpu.memory_space<vmem>>)
    %dma_start3A_38 = arith.constant 0 : i32
    %dma_start3A_39 = arith.constant 0 : i32
    %dma_start3A_40 = arith.constant 0 : i32
    %dma_start3A_41 = arith.constant 0 : i32
    %dma_start3A_42 = tpu.memref_slice %arg8[%dma_start3A_39, %dma_start3A_40, %dma_start3A_41] : memref<3x64x128xf32, #tpu.memory_space<vmem>> -> memref<1x64x128xf32, #tpu.memory_space<vmem>>
    %dma_start3A_43 = tpu.memref_squeeze %dma_start3A_42 : memref<1x64x128xf32, #tpu.memory_space<vmem>> -> memref<64x128xf32, #tpu.memory_space<vmem>>
    %dma_start3A_44 = arith.constant 0 : i32
    %dma_start3A_45 = tpu.memref_slice %arg6[%dma_start3A_38, %dma_start3A_44] : memref<158x64xi32, #tpu.memory_space<vmem>> -> memref<1x64xi32, #tpu.memory_space<vmem>>
    %dma_start3A_46 = tpu.memref_squeeze %dma_start3A_45 : memref<1x64xi32, #tpu.memory_space<vmem>> -> memref<64xi32, #tpu.memory_space<vmem>>
    %dma_start3A_47 = arith.constant 0 : i32
    %dma_start3A_48 = arith.constant 0 : i32
    %dma_start3A_49 = tpu.memref_slice %arg2[%dma_start3A_47, %dma_start3A_48] : memref<10240x128xf32, #tpu.memory_space<hbm>> -> memref<10240x128xf32, #tpu.memory_space<hbm>>
    tpu.enqueue_indirect_dma source(%dma_start3A_49 : memref<10240x128xf32, #tpu.memory_space<hbm>>) target(%dma_start3A_43 : memref<64x128xf32, #tpu.memory_space<vmem>>) offsets(%dma_start3A_46 : memref<64xi32, #tpu.memory_space<vmem>>) semaphore(%arg12 : memref<!tpu.dma_semaphore, #tpu.memory_space<semaphore_mem>>)
    %dma_start3A_50 = arith.constant 1 : i32
    %dma_start3A_51 = arith.constant 1 : i32
    %dma_start3A_52 = arith.constant 0 : i32
    %dma_start3A_53 = arith.constant 0 : i32
    %dma_start3A_54 = tpu.memref_slice %arg8[%dma_start3A_51, %dma_start3A_52, %dma_start3A_53] : memref<3x64x128xf32, #tpu.memory_space<vmem>> -> memref<1x64x128xf32, #tpu.memory_space<vmem>>
    %dma_start3A_55 = tpu.memref_squeeze %dma_start3A_54 : memref<1x64x128xf32, #tpu.memory_space<vmem>> -> memref<64x128xf32, #tpu.memory_space<vmem>>
    %dma_start3A_56 = arith.constant 0 : i32
    %dma_start3A_57 = tpu.memref_slice %arg6[%dma_start3A_50, %dma_start3A_56] : memref<158x64xi32, #tpu.memory_space<vmem>> -> memref<1x64xi32, #tpu.memory_space<vmem>>
    %dma_start3A_58 = tpu.memref_squeeze %dma_start3A_57 : memref<1x64xi32, #tpu.memory_space<vmem>> -> memref<64xi32, #tpu.memory_space<vmem>>
    %dma_start3A_59 = arith.constant 0 : i32
    %dma_start3A_60 = arith.constant 0 : i32
    %dma_start3A_61 = tpu.memref_slice %arg2[%dma_start3A_59, %dma_start3A_60] : memref<10240x128xf32, #tpu.memory_space<hbm>> -> memref<10240x128xf32, #tpu.memory_space<hbm>>
    tpu.enqueue_indirect_dma source(%dma_start3A_61 : memref<10240x128xf32, #tpu.memory_space<hbm>>) target(%dma_start3A_55 : memref<64x128xf32, #tpu.memory_space<vmem>>) offsets(%dma_start3A_58 : memref<64xi32, #tpu.memory_space<vmem>>) semaphore(%arg13 : memref<!tpu.dma_semaphore, #tpu.memory_space<semaphore_mem>>)
    %mul3A_62 = arith.constant 640 : i32
    %mul3A_63 = arith.muli %arg1, %mul3A_62 : i32
    %add3A_64 = arith.constant 0 : i32
    %add3A_65 = arith.addi %mul3A_63, %add3A_64 : i32
    "tpu.region"() ({
      %run_scoped3A = tpu.sem_alloc : memref<!tpu.dma_semaphore, #tpu.memory_space<semaphore_mem>>
      %dma_start3A_196 = arith.constant 0 : i32
      %dma_start3A_197 = tpu.memref_slice %arg10[%add3A_65, %dma_start3A_196] : memref<10240x128xf32, #tpu.memory_space<vmem_shared>> -> memref<32x128xf32, #tpu.memory_space<vmem_shared>>
      %dma_start3A_198 = arith.constant 0 : i32
      %dma_start3A_199 = tpu.memref_slice %arg10[%add3A_65, %dma_start3A_198] : memref<10240x128xf32, #tpu.memory_space<vmem_shared>> -> memref<32x128xf32, #tpu.memory_space<vmem_shared>>
      tpu.enqueue_dma source(%arg9 : memref<32x128xf32, #tpu.memory_space<vmem>>) target(%dma_start3A_199 : memref<32x128xf32, #tpu.memory_space<vmem_shared>>) target_semaphore(%run_scoped3A : memref<!tpu.dma_semaphore, #tpu.memory_space<semaphore_mem>>)
      %dma_wait3A_200 = arith.constant 0 : i32
      %dma_wait3A_201 = tpu.memref_slice %arg10[%add3A_65, %dma_wait3A_200] : memref<10240x128xf32, #tpu.memory_space<vmem_shared>> -> memref<32x128xf32, #tpu.memory_space<vmem_shared>>
      %dma_wait3A_202 = arith.constant 0 : i32
      %dma_wait3A_203 = tpu.memref_slice %arg10[%add3A_65, %dma_wait3A_202] : memref<10240x128xf32, #tpu.memory_space<vmem_shared>> -> memref<32x128xf32, #tpu.memory_space<vmem_shared>>
      tpu.wait_dma2 semaphore(%run_scoped3A : memref<!tpu.dma_semaphore, #tpu.memory_space<semaphore_mem>>) src(%arg9 : memref<32x128xf32, #tpu.memory_space<vmem>>) dst(%dma_wait3A_203 : memref<32x128xf32, #tpu.memory_space<vmem_shared>>)
      tpu.yield
    }) : () -> ()
    %add3A_66 = arith.constant 32 : i32
    %add3A_67 = arith.addi %mul3A_63, %add3A_66 : i32
    "tpu.region"() ({
      %run_scoped3A = tpu.sem_alloc : memref<!tpu.dma_semaphore, #tpu.memory_space<semaphore_mem>>
      %dma_start3A_196 = arith.constant 0 : i32
      %dma_start3A_197 = tpu.memref_slice %arg10[%add3A_67, %dma_start3A_196] : memref<10240x128xf32, #tpu.memory_space<vmem_shared>> -> memref<32x128xf32, #tpu.memory_space<vmem_shared>>
      %dma_start3A_198 = arith.constant 0 : i32
      %dma_start3A_199 = tpu.memref_slice %arg10[%add3A_67, %dma_start3A_198] : memref<10240x128xf32, #tpu.memory_space<vmem_shared>> -> memref<32x128xf32, #tpu.memory_space<vmem_shared>>
      tpu.enqueue_dma source(%arg9 : memref<32x128xf32, #tpu.memory_space<vmem>>) target(%dma_start3A_199 : memref<32x128xf32, #tpu.memory_space<vmem_shared>>) target_semaphore(%run_scoped3A : memref<!tpu.dma_semaphore, #tpu.memory_space<semaphore_mem>>)
      %dma_wait3A_200 = arith.constant 0 : i32
      %dma_wait3A_201 = tpu.memref_slice %arg10[%add3A_67, %dma_wait3A_200] : memref<10240x128xf32, #tpu.memory_space<vmem_shared>> -> memref<32x128xf32, #tpu.memory_space<vmem_shared>>
      %dma_wait3A_202 = arith.constant 0 : i32
      %dma_wait3A_203 = tpu.memref_slice %arg10[%add3A_67, %dma_wait3A_202] : memref<10240x128xf32, #tpu.memory_space<vmem_shared>> -> memref<32x128xf32, #tpu.memory_space<vmem_shared>>
      tpu.wait_dma2 semaphore(%run_scoped3A : memref<!tpu.dma_semaphore, #tpu.memory_space<semaphore_mem>>) src(%arg9 : memref<32x128xf32, #tpu.memory_space<vmem>>) dst(%dma_wait3A_203 : memref<32x128xf32, #tpu.memory_space<vmem_shared>>)
      tpu.yield
    }) : () -> ()
    %add3A_68 = arith.constant 64 : i32
    %add3A_69 = arith.addi %mul3A_63, %add3A_68 : i32
    "tpu.region"() ({
      %run_scoped3A = tpu.sem_alloc : memref<!tpu.dma_semaphore, #tpu.memory_space<semaphore_mem>>
      %dma_start3A_196 = arith.constant 0 : i32
      %dma_start3A_197 = tpu.memref_slice %arg10[%add3A_69, %dma_start3A_196] : memref<10240x128xf32, #tpu.memory_space<vmem_shared>> -> memref<32x128xf32, #tpu.memory_space<vmem_shared>>
      %dma_start3A_198 = arith.constant 0 : i32
      %dma_start3A_199 = tpu.memref_slice %arg10[%add3A_69, %dma_start3A_198] : memref<10240x128xf32, #tpu.memory_space<vmem_shared>> -> memref<32x128xf32, #tpu.memory_space<vmem_shared>>
      tpu.enqueue_dma source(%arg9 : memref<32x128xf32, #tpu.memory_space<vmem>>) target(%dma_start3A_199 : memref<32x128xf32, #tpu.memory_space<vmem_shared>>) target_semaphore(%run_scoped3A : memref<!tpu.dma_semaphore, #tpu.memory_space<semaphore_mem>>)
      %dma_wait3A_200 = arith.constant 0 : i32
      %dma_wait3A_201 = tpu.memref_slice %arg10[%add3A_69, %dma_wait3A_200] : memref<10240x128xf32, #tpu.memory_space<vmem_shared>> -> memref<32x128xf32, #tpu.memory_space<vmem_shared>>
      %dma_wait3A_202 = arith.constant 0 : i32
      %dma_wait3A_203 = tpu.memref_slice %arg10[%add3A_69, %dma_wait3A_202] : memref<10240x128xf32, #tpu.memory_space<vmem_shared>> -> memref<32x128xf32, #tpu.memory_space<vmem_shared>>
      tpu.wait_dma2 semaphore(%run_scoped3A : memref<!tpu.dma_semaphore, #tpu.memory_space<semaphore_mem>>) src(%arg9 : memref<32x128xf32, #tpu.memory_space<vmem>>) dst(%dma_wait3A_203 : memref<32x128xf32, #tpu.memory_space<vmem_shared>>)
      tpu.yield
    }) : () -> ()
    %add3A_70 = arith.constant 96 : i32
    %add3A_71 = arith.addi %mul3A_63, %add3A_70 : i32
    "tpu.region"() ({
      %run_scoped3A = tpu.sem_alloc : memref<!tpu.dma_semaphore, #tpu.memory_space<semaphore_mem>>
      %dma_start3A_196 = arith.constant 0 : i32
      %dma_start3A_197 = tpu.memref_slice %arg10[%add3A_71, %dma_start3A_196] : memref<10240x128xf32, #tpu.memory_space<vmem_shared>> -> memref<32x128xf32, #tpu.memory_space<vmem_shared>>
      %dma_start3A_198 = arith.constant 0 : i32
      %dma_start3A_199 = tpu.memref_slice %arg10[%add3A_71, %dma_start3A_198] : memref<10240x128xf32, #tpu.memory_space<vmem_shared>> -> memref<32x128xf32, #tpu.memory_space<vmem_shared>>
      tpu.enqueue_dma source(%arg9 : memref<32x128xf32, #tpu.memory_space<vmem>>) target(%dma_start3A_199 : memref<32x128xf32, #tpu.memory_space<vmem_shared>>) target_semaphore(%run_scoped3A : memref<!tpu.dma_semaphore, #tpu.memory_space<semaphore_mem>>)
      %dma_wait3A_200 = arith.constant 0 : i32
      %dma_wait3A_201 = tpu.memref_slice %arg10[%add3A_71, %dma_wait3A_200] : memref<10240x128xf32, #tpu.memory_space<vmem_shared>> -> memref<32x128xf32, #tpu.memory_space<vmem_shared>>
      %dma_wait3A_202 = arith.constant 0 : i32
      %dma_wait3A_203 = tpu.memref_slice %arg10[%add3A_71, %dma_wait3A_202] : memref<10240x128xf32, #tpu.memory_space<vmem_shared>> -> memref<32x128xf32, #tpu.memory_space<vmem_shared>>
      tpu.wait_dma2 semaphore(%run_scoped3A : memref<!tpu.dma_semaphore, #tpu.memory_space<semaphore_mem>>) src(%arg9 : memref<32x128xf32, #tpu.memory_space<vmem>>) dst(%dma_wait3A_203 : memref<32x128xf32, #tpu.memory_space<vmem_shared>>)
      tpu.yield
    }) : () -> ()
    %add3A_72 = arith.constant 128 : i32
    %add3A_73 = arith.addi %mul3A_63, %add3A_72 : i32
    "tpu.region"() ({
      %run_scoped3A = tpu.sem_alloc : memref<!tpu.dma_semaphore, #tpu.memory_space<semaphore_mem>>
      %dma_start3A_196 = arith.constant 0 : i32
      %dma_start3A_197 = tpu.memref_slice %arg10[%add3A_73, %dma_start3A_196] : memref<10240x128xf32, #tpu.memory_space<vmem_shared>> -> memref<32x128xf32, #tpu.memory_space<vmem_shared>>
      %dma_start3A_198 = arith.constant 0 : i32
      %dma_start3A_199 = tpu.memref_slice %arg10[%add3A_73, %dma_start3A_198] : memref<10240x128xf32, #tpu.memory_space<vmem_shared>> -> memref<32x128xf32, #tpu.memory_space<vmem_shared>>
      tpu.enqueue_dma source(%arg9 : memref<32x128xf32, #tpu.memory_space<vmem>>) target(%dma_start3A_199 : memref<32x128xf32, #tpu.memory_space<vmem_shared>>) target_semaphore(%run_scoped3A : memref<!tpu.dma_semaphore, #tpu.memory_space<semaphore_mem>>)
      %dma_wait3A_200 = arith.constant 0 : i32
      %dma_wait3A_201 = tpu.memref_slice %arg10[%add3A_73, %dma_wait3A_200] : memref<10240x128xf32, #tpu.memory_space<vmem_shared>> -> memref<32x128xf32, #tpu.memory_space<vmem_shared>>
      %dma_wait3A_202 = arith.constant 0 : i32
      %dma_wait3A_203 = tpu.memref_slice %arg10[%add3A_73, %dma_wait3A_202] : memref<10240x128xf32, #tpu.memory_space<vmem_shared>> -> memref<32x128xf32, #tpu.memory_space<vmem_shared>>
      tpu.wait_dma2 semaphore(%run_scoped3A : memref<!tpu.dma_semaphore, #tpu.memory_space<semaphore_mem>>) src(%arg9 : memref<32x128xf32, #tpu.memory_space<vmem>>) dst(%dma_wait3A_203 : memref<32x128xf32, #tpu.memory_space<vmem_shared>>)
      tpu.yield
    }) : () -> ()
    %add3A_74 = arith.constant 160 : i32
    %add3A_75 = arith.addi %mul3A_63, %add3A_74 : i32
    "tpu.region"() ({
      %run_scoped3A = tpu.sem_alloc : memref<!tpu.dma_semaphore, #tpu.memory_space<semaphore_mem>>
      %dma_start3A_196 = arith.constant 0 : i32
      %dma_start3A_197 = tpu.memref_slice %arg10[%add3A_75, %dma_start3A_196] : memref<10240x128xf32, #tpu.memory_space<vmem_shared>> -> memref<32x128xf32, #tpu.memory_space<vmem_shared>>
      %dma_start3A_198 = arith.constant 0 : i32
      %dma_start3A_199 = tpu.memref_slice %arg10[%add3A_75, %dma_start3A_198] : memref<10240x128xf32, #tpu.memory_space<vmem_shared>> -> memref<32x128xf32, #tpu.memory_space<vmem_shared>>
      tpu.enqueue_dma source(%arg9 : memref<32x128xf32, #tpu.memory_space<vmem>>) target(%dma_start3A_199 : memref<32x128xf32, #tpu.memory_space<vmem_shared>>) target_semaphore(%run_scoped3A : memref<!tpu.dma_semaphore, #tpu.memory_space<semaphore_mem>>)
      %dma_wait3A_200 = arith.constant 0 : i32
      %dma_wait3A_201 = tpu.memref_slice %arg10[%add3A_75, %dma_wait3A_200] : memref<10240x128xf32, #tpu.memory_space<vmem_shared>> -> memref<32x128xf32, #tpu.memory_space<vmem_shared>>
      %dma_wait3A_202 = arith.constant 0 : i32
      %dma_wait3A_203 = tpu.memref_slice %arg10[%add3A_75, %dma_wait3A_202] : memref<10240x128xf32, #tpu.memory_space<vmem_shared>> -> memref<32x128xf32, #tpu.memory_space<vmem_shared>>
      tpu.wait_dma2 semaphore(%run_scoped3A : memref<!tpu.dma_semaphore, #tpu.memory_space<semaphore_mem>>) src(%arg9 : memref<32x128xf32, #tpu.memory_space<vmem>>) dst(%dma_wait3A_203 : memref<32x128xf32, #tpu.memory_space<vmem_shared>>)
      tpu.yield
    }) : () -> ()
    %add3A_76 = arith.constant 192 : i32
    %add3A_77 = arith.addi %mul3A_63, %add3A_76 : i32
    "tpu.region"() ({
      %run_scoped3A = tpu.sem_alloc : memref<!tpu.dma_semaphore, #tpu.memory_space<semaphore_mem>>
      %dma_start3A_196 = arith.constant 0 : i32
      %dma_start3A_197 = tpu.memref_slice %arg10[%add3A_77, %dma_start3A_196] : memref<10240x128xf32, #tpu.memory_space<vmem_shared>> -> memref<32x128xf32, #tpu.memory_space<vmem_shared>>
      %dma_start3A_198 = arith.constant 0 : i32
      %dma_start3A_199 = tpu.memref_slice %arg10[%add3A_77, %dma_start3A_198] : memref<10240x128xf32, #tpu.memory_space<vmem_shared>> -> memref<32x128xf32, #tpu.memory_space<vmem_shared>>
      tpu.enqueue_dma source(%arg9 : memref<32x128xf32, #tpu.memory_space<vmem>>) target(%dma_start3A_199 : memref<32x128xf32, #tpu.memory_space<vmem_shared>>) target_semaphore(%run_scoped3A : memref<!tpu.dma_semaphore, #tpu.memory_space<semaphore_mem>>)
      %dma_wait3A_200 = arith.constant 0 : i32
      %dma_wait3A_201 = tpu.memref_slice %arg10[%add3A_77, %dma_wait3A_200] : memref<10240x128xf32, #tpu.memory_space<vmem_shared>> -> memref<32x128xf32, #tpu.memory_space<vmem_shared>>
      %dma_wait3A_202 = arith.constant 0 : i32
      %dma_wait3A_203 = tpu.memref_slice %arg10[%add3A_77, %dma_wait3A_202] : memref<10240x128xf32, #tpu.memory_space<vmem_shared>> -> memref<32x128xf32, #tpu.memory_space<vmem_shared>>
      tpu.wait_dma2 semaphore(%run_scoped3A : memref<!tpu.dma_semaphore, #tpu.memory_space<semaphore_mem>>) src(%arg9 : memref<32x128xf32, #tpu.memory_space<vmem>>) dst(%dma_wait3A_203 : memref<32x128xf32, #tpu.memory_space<vmem_shared>>)
      tpu.yield
    }) : () -> ()
    %add3A_78 = arith.constant 224 : i32
    %add3A_79 = arith.addi %mul3A_63, %add3A_78 : i32
    "tpu.region"() ({
      %run_scoped3A = tpu.sem_alloc : memref<!tpu.dma_semaphore, #tpu.memory_space<semaphore_mem>>
      %dma_start3A_196 = arith.constant 0 : i32
      %dma_start3A_197 = tpu.memref_slice %arg10[%add3A_79, %dma_start3A_196] : memref<10240x128xf32, #tpu.memory_space<vmem_shared>> -> memref<32x128xf32, #tpu.memory_space<vmem_shared>>
      %dma_start3A_198 = arith.constant 0 : i32
      %dma_start3A_199 = tpu.memref_slice %arg10[%add3A_79, %dma_start3A_198] : memref<10240x128xf32, #tpu.memory_space<vmem_shared>> -> memref<32x128xf32, #tpu.memory_space<vmem_shared>>
      tpu.enqueue_dma source(%arg9 : memref<32x128xf32, #tpu.memory_space<vmem>>) target(%dma_start3A_199 : memref<32x128xf32, #tpu.memory_space<vmem_shared>>) target_semaphore(%run_scoped3A : memref<!tpu.dma_semaphore, #tpu.memory_space<semaphore_mem>>)
      %dma_wait3A_200 = arith.constant 0 : i32
      %dma_wait3A_201 = tpu.memref_slice %arg10[%add3A_79, %dma_wait3A_200] : memref<10240x128xf32, #tpu.memory_space<vmem_shared>> -> memref<32x128xf32, #tpu.memory_space<vmem_shared>>
      %dma_wait3A_202 = arith.constant 0 : i32
      %dma_wait3A_203 = tpu.memref_slice %arg10[%add3A_79, %dma_wait3A_202] : memref<10240x128xf32, #tpu.memory_space<vmem_shared>> -> memref<32x128xf32, #tpu.memory_space<vmem_shared>>
      tpu.wait_dma2 semaphore(%run_scoped3A : memref<!tpu.dma_semaphore, #tpu.memory_space<semaphore_mem>>) src(%arg9 : memref<32x128xf32, #tpu.memory_space<vmem>>) dst(%dma_wait3A_203 : memref<32x128xf32, #tpu.memory_space<vmem_shared>>)
      tpu.yield
    }) : () -> ()
    %add3A_80 = arith.constant 256 : i32
    %add3A_81 = arith.addi %mul3A_63, %add3A_80 : i32
    "tpu.region"() ({
      %run_scoped3A = tpu.sem_alloc : memref<!tpu.dma_semaphore, #tpu.memory_space<semaphore_mem>>
      %dma_start3A_196 = arith.constant 0 : i32
      %dma_start3A_197 = tpu.memref_slice %arg10[%add3A_81, %dma_start3A_196] : memref<10240x128xf32, #tpu.memory_space<vmem_shared>> -> memref<32x128xf32, #tpu.memory_space<vmem_shared>>
      %dma_start3A_198 = arith.constant 0 : i32
      %dma_start3A_199 = tpu.memref_slice %arg10[%add3A_81, %dma_start3A_198] : memref<10240x128xf32, #tpu.memory_space<vmem_shared>> -> memref<32x128xf32, #tpu.memory_space<vmem_shared>>
      tpu.enqueue_dma source(%arg9 : memref<32x128xf32, #tpu.memory_space<vmem>>) target(%dma_start3A_199 : memref<32x128xf32, #tpu.memory_space<vmem_shared>>) target_semaphore(%run_scoped3A : memref<!tpu.dma_semaphore, #tpu.memory_space<semaphore_mem>>)
      %dma_wait3A_200 = arith.constant 0 : i32
      %dma_wait3A_201 = tpu.memref_slice %arg10[%add3A_81, %dma_wait3A_200] : memref<10240x128xf32, #tpu.memory_space<vmem_shared>> -> memref<32x128xf32, #tpu.memory_space<vmem_shared>>
      %dma_wait3A_202 = arith.constant 0 : i32
      %dma_wait3A_203 = tpu.memref_slice %arg10[%add3A_81, %dma_wait3A_202] : memref<10240x128xf32, #tpu.memory_space<vmem_shared>> -> memref<32x128xf32, #tpu.memory_space<vmem_shared>>
      tpu.wait_dma2 semaphore(%run_scoped3A : memref<!tpu.dma_semaphore, #tpu.memory_space<semaphore_mem>>) src(%arg9 : memref<32x128xf32, #tpu.memory_space<vmem>>) dst(%dma_wait3A_203 : memref<32x128xf32, #tpu.memory_space<vmem_shared>>)
      tpu.yield
    }) : () -> ()
    %add3A_82 = arith.constant 288 : i32
    %add3A_83 = arith.addi %mul3A_63, %add3A_82 : i32
    "tpu.region"() ({
      %run_scoped3A = tpu.sem_alloc : memref<!tpu.dma_semaphore, #tpu.memory_space<semaphore_mem>>
      %dma_start3A_196 = arith.constant 0 : i32
      %dma_start3A_197 = tpu.memref_slice %arg10[%add3A_83, %dma_start3A_196] : memref<10240x128xf32, #tpu.memory_space<vmem_shared>> -> memref<32x128xf32, #tpu.memory_space<vmem_shared>>
      %dma_start3A_198 = arith.constant 0 : i32
      %dma_start3A_199 = tpu.memref_slice %arg10[%add3A_83, %dma_start3A_198] : memref<10240x128xf32, #tpu.memory_space<vmem_shared>> -> memref<32x128xf32, #tpu.memory_space<vmem_shared>>
      tpu.enqueue_dma source(%arg9 : memref<32x128xf32, #tpu.memory_space<vmem>>) target(%dma_start3A_199 : memref<32x128xf32, #tpu.memory_space<vmem_shared>>) target_semaphore(%run_scoped3A : memref<!tpu.dma_semaphore, #tpu.memory_space<semaphore_mem>>)
      %dma_wait3A_200 = arith.constant 0 : i32
      %dma_wait3A_201 = tpu.memref_slice %arg10[%add3A_83, %dma_wait3A_200] : memref<10240x128xf32, #tpu.memory_space<vmem_shared>> -> memref<32x128xf32, #tpu.memory_space<vmem_shared>>
      %dma_wait3A_202 = arith.constant 0 : i32
      %dma_wait3A_203 = tpu.memref_slice %arg10[%add3A_83, %dma_wait3A_202] : memref<10240x128xf32, #tpu.memory_space<vmem_shared>> -> memref<32x128xf32, #tpu.memory_space<vmem_shared>>
      tpu.wait_dma2 semaphore(%run_scoped3A : memref<!tpu.dma_semaphore, #tpu.memory_space<semaphore_mem>>) src(%arg9 : memref<32x128xf32, #tpu.memory_space<vmem>>) dst(%dma_wait3A_203 : memref<32x128xf32, #tpu.memory_space<vmem_shared>>)
      tpu.yield
    }) : () -> ()
    %add3A_84 = arith.constant 320 : i32
    %add3A_85 = arith.addi %mul3A_63, %add3A_84 : i32
    "tpu.region"() ({
      %run_scoped3A = tpu.sem_alloc : memref<!tpu.dma_semaphore, #tpu.memory_space<semaphore_mem>>
      %dma_start3A_196 = arith.constant 0 : i32
      %dma_start3A_197 = tpu.memref_slice %arg10[%add3A_85, %dma_start3A_196] : memref<10240x128xf32, #tpu.memory_space<vmem_shared>> -> memref<32x128xf32, #tpu.memory_space<vmem_shared>>
      %dma_start3A_198 = arith.constant 0 : i32
      %dma_start3A_199 = tpu.memref_slice %arg10[%add3A_85, %dma_start3A_198] : memref<10240x128xf32, #tpu.memory_space<vmem_shared>> -> memref<32x128xf32, #tpu.memory_space<vmem_shared>>
      tpu.enqueue_dma source(%arg9 : memref<32x128xf32, #tpu.memory_space<vmem>>) target(%dma_start3A_199 : memref<32x128xf32, #tpu.memory_space<vmem_shared>>) target_semaphore(%run_scoped3A : memref<!tpu.dma_semaphore, #tpu.memory_space<semaphore_mem>>)
      %dma_wait3A_200 = arith.constant 0 : i32
      %dma_wait3A_201 = tpu.memref_slice %arg10[%add3A_85, %dma_wait3A_200] : memref<10240x128xf32, #tpu.memory_space<vmem_shared>> -> memref<32x128xf32, #tpu.memory_space<vmem_shared>>
      %dma_wait3A_202 = arith.constant 0 : i32
      %dma_wait3A_203 = tpu.memref_slice %arg10[%add3A_85, %dma_wait3A_202] : memref<10240x128xf32, #tpu.memory_space<vmem_shared>> -> memref<32x128xf32, #tpu.memory_space<vmem_shared>>
      tpu.wait_dma2 semaphore(%run_scoped3A : memref<!tpu.dma_semaphore, #tpu.memory_space<semaphore_mem>>) src(%arg9 : memref<32x128xf32, #tpu.memory_space<vmem>>) dst(%dma_wait3A_203 : memref<32x128xf32, #tpu.memory_space<vmem_shared>>)
      tpu.yield
    }) : () -> ()
    %add3A_86 = arith.constant 352 : i32
    %add3A_87 = arith.addi %mul3A_63, %add3A_86 : i32
    "tpu.region"() ({
      %run_scoped3A = tpu.sem_alloc : memref<!tpu.dma_semaphore, #tpu.memory_space<semaphore_mem>>
      %dma_start3A_196 = arith.constant 0 : i32
      %dma_start3A_197 = tpu.memref_slice %arg10[%add3A_87, %dma_start3A_196] : memref<10240x128xf32, #tpu.memory_space<vmem_shared>> -> memref<32x128xf32, #tpu.memory_space<vmem_shared>>
      %dma_start3A_198 = arith.constant 0 : i32
      %dma_start3A_199 = tpu.memref_slice %arg10[%add3A_87, %dma_start3A_198] : memref<10240x128xf32, #tpu.memory_space<vmem_shared>> -> memref<32x128xf32, #tpu.memory_space<vmem_shared>>
      tpu.enqueue_dma source(%arg9 : memref<32x128xf32, #tpu.memory_space<vmem>>) target(%dma_start3A_199 : memref<32x128xf32, #tpu.memory_space<vmem_shared>>) target_semaphore(%run_scoped3A : memref<!tpu.dma_semaphore, #tpu.memory_space<semaphore_mem>>)
      %dma_wait3A_200 = arith.constant 0 : i32
      %dma_wait3A_201 = tpu.memref_slice %arg10[%add3A_87, %dma_wait3A_200] : memref<10240x128xf32, #tpu.memory_space<vmem_shared>> -> memref<32x128xf32, #tpu.memory_space<vmem_shared>>
      %dma_wait3A_202 = arith.constant 0 : i32
      %dma_wait3A_203 = tpu.memref_slice %arg10[%add3A_87, %dma_wait3A_202] : memref<10240x128xf32, #tpu.memory_space<vmem_shared>> -> memref<32x128xf32, #tpu.memory_space<vmem_shared>>
      tpu.wait_dma2 semaphore(%run_scoped3A : memref<!tpu.dma_semaphore, #tpu.memory_space<semaphore_mem>>) src(%arg9 : memref<32x128xf32, #tpu.memory_space<vmem>>) dst(%dma_wait3A_203 : memref<32x128xf32, #tpu.memory_space<vmem_shared>>)
      tpu.yield
    }) : () -> ()
    %add3A_88 = arith.constant 384 : i32
    %add3A_89 = arith.addi %mul3A_63, %add3A_88 : i32
    "tpu.region"() ({
      %run_scoped3A = tpu.sem_alloc : memref<!tpu.dma_semaphore, #tpu.memory_space<semaphore_mem>>
      %dma_start3A_196 = arith.constant 0 : i32
      %dma_start3A_197 = tpu.memref_slice %arg10[%add3A_89, %dma_start3A_196] : memref<10240x128xf32, #tpu.memory_space<vmem_shared>> -> memref<32x128xf32, #tpu.memory_space<vmem_shared>>
      %dma_start3A_198 = arith.constant 0 : i32
      %dma_start3A_199 = tpu.memref_slice %arg10[%add3A_89, %dma_start3A_198] : memref<10240x128xf32, #tpu.memory_space<vmem_shared>> -> memref<32x128xf32, #tpu.memory_space<vmem_shared>>
      tpu.enqueue_dma source(%arg9 : memref<32x128xf32, #tpu.memory_space<vmem>>) target(%dma_start3A_199 : memref<32x128xf32, #tpu.memory_space<vmem_shared>>) target_semaphore(%run_scoped3A : memref<!tpu.dma_semaphore, #tpu.memory_space<semaphore_mem>>)
      %dma_wait3A_200 = arith.constant 0 : i32
      %dma_wait3A_201 = tpu.memref_slice %arg10[%add3A_89, %dma_wait3A_200] : memref<10240x128xf32, #tpu.memory_space<vmem_shared>> -> memref<32x128xf32, #tpu.memory_space<vmem_shared>>
      %dma_wait3A_202 = arith.constant 0 : i32
      %dma_wait3A_203 = tpu.memref_slice %arg10[%add3A_89, %dma_wait3A_202] : memref<10240x128xf32, #tpu.memory_space<vmem_shared>> -> memref<32x128xf32, #tpu.memory_space<vmem_shared>>
      tpu.wait_dma2 semaphore(%run_scoped3A : memref<!tpu.dma_semaphore, #tpu.memory_space<semaphore_mem>>) src(%arg9 : memref<32x128xf32, #tpu.memory_space<vmem>>) dst(%dma_wait3A_203 : memref<32x128xf32, #tpu.memory_space<vmem_shared>>)
      tpu.yield
    }) : () -> ()
    %add3A_90 = arith.constant 416 : i32
    %add3A_91 = arith.addi %mul3A_63, %add3A_90 : i32
    "tpu.region"() ({
      %run_scoped3A = tpu.sem_alloc : memref<!tpu.dma_semaphore, #tpu.memory_space<semaphore_mem>>
      %dma_start3A_196 = arith.constant 0 : i32
      %dma_start3A_197 = tpu.memref_slice %arg10[%add3A_91, %dma_start3A_196] : memref<10240x128xf32, #tpu.memory_space<vmem_shared>> -> memref<32x128xf32, #tpu.memory_space<vmem_shared>>
      %dma_start3A_198 = arith.constant 0 : i32
      %dma_start3A_199 = tpu.memref_slice %arg10[%add3A_91, %dma_start3A_198] : memref<10240x128xf32, #tpu.memory_space<vmem_shared>> -> memref<32x128xf32, #tpu.memory_space<vmem_shared>>
      tpu.enqueue_dma source(%arg9 : memref<32x128xf32, #tpu.memory_space<vmem>>) target(%dma_start3A_199 : memref<32x128xf32, #tpu.memory_space<vmem_shared>>) target_semaphore(%run_scoped3A : memref<!tpu.dma_semaphore, #tpu.memory_space<semaphore_mem>>)
      %dma_wait3A_200 = arith.constant 0 : i32
      %dma_wait3A_201 = tpu.memref_slice %arg10[%add3A_91, %dma_wait3A_200] : memref<10240x128xf32, #tpu.memory_space<vmem_shared>> -> memref<32x128xf32, #tpu.memory_space<vmem_shared>>
      %dma_wait3A_202 = arith.constant 0 : i32
      %dma_wait3A_203 = tpu.memref_slice %arg10[%add3A_91, %dma_wait3A_202] : memref<10240x128xf32, #tpu.memory_space<vmem_shared>> -> memref<32x128xf32, #tpu.memory_space<vmem_shared>>
      tpu.wait_dma2 semaphore(%run_scoped3A : memref<!tpu.dma_semaphore, #tpu.memory_space<semaphore_mem>>) src(%arg9 : memref<32x128xf32, #tpu.memory_space<vmem>>) dst(%dma_wait3A_203 : memref<32x128xf32, #tpu.memory_space<vmem_shared>>)
      tpu.yield
    }) : () -> ()
    %add3A_92 = arith.constant 448 : i32
    %add3A_93 = arith.addi %mul3A_63, %add3A_92 : i32
    "tpu.region"() ({
      %run_scoped3A = tpu.sem_alloc : memref<!tpu.dma_semaphore, #tpu.memory_space<semaphore_mem>>
      %dma_start3A_196 = arith.constant 0 : i32
      %dma_start3A_197 = tpu.memref_slice %arg10[%add3A_93, %dma_start3A_196] : memref<10240x128xf32, #tpu.memory_space<vmem_shared>> -> memref<32x128xf32, #tpu.memory_space<vmem_shared>>
      %dma_start3A_198 = arith.constant 0 : i32
      %dma_start3A_199 = tpu.memref_slice %arg10[%add3A_93, %dma_start3A_198] : memref<10240x128xf32, #tpu.memory_space<vmem_shared>> -> memref<32x128xf32, #tpu.memory_space<vmem_shared>>
      tpu.enqueue_dma source(%arg9 : memref<32x128xf32, #tpu.memory_space<vmem>>) target(%dma_start3A_199 : memref<32x128xf32, #tpu.memory_space<vmem_shared>>) target_semaphore(%run_scoped3A : memref<!tpu.dma_semaphore, #tpu.memory_space<semaphore_mem>>)
      %dma_wait3A_200 = arith.constant 0 : i32
      %dma_wait3A_201 = tpu.memref_slice %arg10[%add3A_93, %dma_wait3A_200] : memref<10240x128xf32, #tpu.memory_space<vmem_shared>> -> memref<32x128xf32, #tpu.memory_space<vmem_shared>>
      %dma_wait3A_202 = arith.constant 0 : i32
      %dma_wait3A_203 = tpu.memref_slice %arg10[%add3A_93, %dma_wait3A_202] : memref<10240x128xf32, #tpu.memory_space<vmem_shared>> -> memref<32x128xf32, #tpu.memory_space<vmem_shared>>
      tpu.wait_dma2 semaphore(%run_scoped3A : memref<!tpu.dma_semaphore, #tpu.memory_space<semaphore_mem>>) src(%arg9 : memref<32x128xf32, #tpu.memory_space<vmem>>) dst(%dma_wait3A_203 : memref<32x128xf32, #tpu.memory_space<vmem_shared>>)
      tpu.yield
    }) : () -> ()
    %add3A_94 = arith.constant 480 : i32
    %add3A_95 = arith.addi %mul3A_63, %add3A_94 : i32
    "tpu.region"() ({
      %run_scoped3A = tpu.sem_alloc : memref<!tpu.dma_semaphore, #tpu.memory_space<semaphore_mem>>
      %dma_start3A_196 = arith.constant 0 : i32
      %dma_start3A_197 = tpu.memref_slice %arg10[%add3A_95, %dma_start3A_196] : memref<10240x128xf32, #tpu.memory_space<vmem_shared>> -> memref<32x128xf32, #tpu.memory_space<vmem_shared>>
      %dma_start3A_198 = arith.constant 0 : i32
      %dma_start3A_199 = tpu.memref_slice %arg10[%add3A_95, %dma_start3A_198] : memref<10240x128xf32, #tpu.memory_space<vmem_shared>> -> memref<32x128xf32, #tpu.memory_space<vmem_shared>>
      tpu.enqueue_dma source(%arg9 : memref<32x128xf32, #tpu.memory_space<vmem>>) target(%dma_start3A_199 : memref<32x128xf32, #tpu.memory_space<vmem_shared>>) target_semaphore(%run_scoped3A : memref<!tpu.dma_semaphore, #tpu.memory_space<semaphore_mem>>)
      %dma_wait3A_200 = arith.constant 0 : i32
      %dma_wait3A_201 = tpu.memref_slice %arg10[%add3A_95, %dma_wait3A_200] : memref<10240x128xf32, #tpu.memory_space<vmem_shared>> -> memref<32x128xf32, #tpu.memory_space<vmem_shared>>
      %dma_wait3A_202 = arith.constant 0 : i32
      %dma_wait3A_203 = tpu.memref_slice %arg10[%add3A_95, %dma_wait3A_202] : memref<10240x128xf32, #tpu.memory_space<vmem_shared>> -> memref<32x128xf32, #tpu.memory_space<vmem_shared>>
      tpu.wait_dma2 semaphore(%run_scoped3A : memref<!tpu.dma_semaphore, #tpu.memory_space<semaphore_mem>>) src(%arg9 : memref<32x128xf32, #tpu.memory_space<vmem>>) dst(%dma_wait3A_203 : memref<32x128xf32, #tpu.memory_space<vmem_shared>>)
      tpu.yield
    }) : () -> ()
    %add3A_96 = arith.constant 512 : i32
    %add3A_97 = arith.addi %mul3A_63, %add3A_96 : i32
    "tpu.region"() ({
      %run_scoped3A = tpu.sem_alloc : memref<!tpu.dma_semaphore, #tpu.memory_space<semaphore_mem>>
      %dma_start3A_196 = arith.constant 0 : i32
      %dma_start3A_197 = tpu.memref_slice %arg10[%add3A_97, %dma_start3A_196] : memref<10240x128xf32, #tpu.memory_space<vmem_shared>> -> memref<32x128xf32, #tpu.memory_space<vmem_shared>>
      %dma_start3A_198 = arith.constant 0 : i32
      %dma_start3A_199 = tpu.memref_slice %arg10[%add3A_97, %dma_start3A_198] : memref<10240x128xf32, #tpu.memory_space<vmem_shared>> -> memref<32x128xf32, #tpu.memory_space<vmem_shared>>
      tpu.enqueue_dma source(%arg9 : memref<32x128xf32, #tpu.memory_space<vmem>>) target(%dma_start3A_199 : memref<32x128xf32, #tpu.memory_space<vmem_shared>>) target_semaphore(%run_scoped3A : memref<!tpu.dma_semaphore, #tpu.memory_space<semaphore_mem>>)
      %dma_wait3A_200 = arith.constant 0 : i32
      %dma_wait3A_201 = tpu.memref_slice %arg10[%add3A_97, %dma_wait3A_200] : memref<10240x128xf32, #tpu.memory_space<vmem_shared>> -> memref<32x128xf32, #tpu.memory_space<vmem_shared>>
      %dma_wait3A_202 = arith.constant 0 : i32
      %dma_wait3A_203 = tpu.memref_slice %arg10[%add3A_97, %dma_wait3A_202] : memref<10240x128xf32, #tpu.memory_space<vmem_shared>> -> memref<32x128xf32, #tpu.memory_space<vmem_shared>>
      tpu.wait_dma2 semaphore(%run_scoped3A : memref<!tpu.dma_semaphore, #tpu.memory_space<semaphore_mem>>) src(%arg9 : memref<32x128xf32, #tpu.memory_space<vmem>>) dst(%dma_wait3A_203 : memref<32x128xf32, #tpu.memory_space<vmem_shared>>)
      tpu.yield
    }) : () -> ()
    %add3A_98 = arith.constant 544 : i32
    %add3A_99 = arith.addi %mul3A_63, %add3A_98 : i32
    "tpu.region"() ({
      %run_scoped3A = tpu.sem_alloc : memref<!tpu.dma_semaphore, #tpu.memory_space<semaphore_mem>>
      %dma_start3A_196 = arith.constant 0 : i32
      %dma_start3A_197 = tpu.memref_slice %arg10[%add3A_99, %dma_start3A_196] : memref<10240x128xf32, #tpu.memory_space<vmem_shared>> -> memref<32x128xf32, #tpu.memory_space<vmem_shared>>
      %dma_start3A_198 = arith.constant 0 : i32
      %dma_start3A_199 = tpu.memref_slice %arg10[%add3A_99, %dma_start3A_198] : memref<10240x128xf32, #tpu.memory_space<vmem_shared>> -> memref<32x128xf32, #tpu.memory_space<vmem_shared>>
      tpu.enqueue_dma source(%arg9 : memref<32x128xf32, #tpu.memory_space<vmem>>) target(%dma_start3A_199 : memref<32x128xf32, #tpu.memory_space<vmem_shared>>) target_semaphore(%run_scoped3A : memref<!tpu.dma_semaphore, #tpu.memory_space<semaphore_mem>>)
      %dma_wait3A_200 = arith.constant 0 : i32
      %dma_wait3A_201 = tpu.memref_slice %arg10[%add3A_99, %dma_wait3A_200] : memref<10240x128xf32, #tpu.memory_space<vmem_shared>> -> memref<32x128xf32, #tpu.memory_space<vmem_shared>>
      %dma_wait3A_202 = arith.constant 0 : i32
      %dma_wait3A_203 = tpu.memref_slice %arg10[%add3A_99, %dma_wait3A_202] : memref<10240x128xf32, #tpu.memory_space<vmem_shared>> -> memref<32x128xf32, #tpu.memory_space<vmem_shared>>
      tpu.wait_dma2 semaphore(%run_scoped3A : memref<!tpu.dma_semaphore, #tpu.memory_space<semaphore_mem>>) src(%arg9 : memref<32x128xf32, #tpu.memory_space<vmem>>) dst(%dma_wait3A_203 : memref<32x128xf32, #tpu.memory_space<vmem_shared>>)
      tpu.yield
    }) : () -> ()
    %add3A_100 = arith.constant 576 : i32
    %add3A_101 = arith.addi %mul3A_63, %add3A_100 : i32
    "tpu.region"() ({
      %run_scoped3A = tpu.sem_alloc : memref<!tpu.dma_semaphore, #tpu.memory_space<semaphore_mem>>
      %dma_start3A_196 = arith.constant 0 : i32
      %dma_start3A_197 = tpu.memref_slice %arg10[%add3A_101, %dma_start3A_196] : memref<10240x128xf32, #tpu.memory_space<vmem_shared>> -> memref<32x128xf32, #tpu.memory_space<vmem_shared>>
      %dma_start3A_198 = arith.constant 0 : i32
      %dma_start3A_199 = tpu.memref_slice %arg10[%add3A_101, %dma_start3A_198] : memref<10240x128xf32, #tpu.memory_space<vmem_shared>> -> memref<32x128xf32, #tpu.memory_space<vmem_shared>>
      tpu.enqueue_dma source(%arg9 : memref<32x128xf32, #tpu.memory_space<vmem>>) target(%dma_start3A_199 : memref<32x128xf32, #tpu.memory_space<vmem_shared>>) target_semaphore(%run_scoped3A : memref<!tpu.dma_semaphore, #tpu.memory_space<semaphore_mem>>)
      %dma_wait3A_200 = arith.constant 0 : i32
      %dma_wait3A_201 = tpu.memref_slice %arg10[%add3A_101, %dma_wait3A_200] : memref<10240x128xf32, #tpu.memory_space<vmem_shared>> -> memref<32x128xf32, #tpu.memory_space<vmem_shared>>
      %dma_wait3A_202 = arith.constant 0 : i32
      %dma_wait3A_203 = tpu.memref_slice %arg10[%add3A_101, %dma_wait3A_202] : memref<10240x128xf32, #tpu.memory_space<vmem_shared>> -> memref<32x128xf32, #tpu.memory_space<vmem_shared>>
      tpu.wait_dma2 semaphore(%run_scoped3A : memref<!tpu.dma_semaphore, #tpu.memory_space<semaphore_mem>>) src(%arg9 : memref<32x128xf32, #tpu.memory_space<vmem>>) dst(%dma_wait3A_203 : memref<32x128xf32, #tpu.memory_space<vmem_shared>>)
      tpu.yield
    }) : () -> ()
    %add3A_102 = arith.constant 608 : i32
    %add3A_103 = arith.addi %mul3A_63, %add3A_102 : i32
    "tpu.region"() ({
      %run_scoped3A = tpu.sem_alloc : memref<!tpu.dma_semaphore, #tpu.memory_space<semaphore_mem>>
      %dma_start3A_196 = arith.constant 0 : i32
      %dma_start3A_197 = tpu.memref_slice %arg10[%add3A_103, %dma_start3A_196] : memref<10240x128xf32, #tpu.memory_space<vmem_shared>> -> memref<32x128xf32, #tpu.memory_space<vmem_shared>>
      %dma_start3A_198 = arith.constant 0 : i32
      %dma_start3A_199 = tpu.memref_slice %arg10[%add3A_103, %dma_start3A_198] : memref<10240x128xf32, #tpu.memory_space<vmem_shared>> -> memref<32x128xf32, #tpu.memory_space<vmem_shared>>
      tpu.enqueue_dma source(%arg9 : memref<32x128xf32, #tpu.memory_space<vmem>>) target(%dma_start3A_199 : memref<32x128xf32, #tpu.memory_space<vmem_shared>>) target_semaphore(%run_scoped3A : memref<!tpu.dma_semaphore, #tpu.memory_space<semaphore_mem>>)
      %dma_wait3A_200 = arith.constant 0 : i32
      %dma_wait3A_201 = tpu.memref_slice %arg10[%add3A_103, %dma_wait3A_200] : memref<10240x128xf32, #tpu.memory_space<vmem_shared>> -> memref<32x128xf32, #tpu.memory_space<vmem_shared>>
      %dma_wait3A_202 = arith.constant 0 : i32
      %dma_wait3A_203 = tpu.memref_slice %arg10[%add3A_103, %dma_wait3A_202] : memref<10240x128xf32, #tpu.memory_space<vmem_shared>> -> memref<32x128xf32, #tpu.memory_space<vmem_shared>>
      tpu.wait_dma2 semaphore(%run_scoped3A : memref<!tpu.dma_semaphore, #tpu.memory_space<semaphore_mem>>) src(%arg9 : memref<32x128xf32, #tpu.memory_space<vmem>>) dst(%dma_wait3A_203 : memref<32x128xf32, #tpu.memory_space<vmem_shared>>)
      tpu.yield
    }) : () -> ()
    %barrier3A = arith.constant 0 : index
    tpu.barrier barrier_id(%barrier3A)
    %scan3A_104 = arith.constant 0 : i32
    %scan3A_105 = arith.constant 0 : i32
    %scan3A_106 = arith.constant 52 : i32
    %scan3A_107 = arith.addi %scan3A_105, %scan3A_106 : i32
    %scan3A_108 = arith.constant 1 : i32
    %scan3A_109 = scf.for %scan3A_196 = %scan3A_105 to %scan3A_107 step %scan3A_108 iter_args(%scan3A_197 = %scan3A_104) -> (i32)  : i32 {
      %mul3A_198 = arith.constant 3 : i32
      %mul3A_199 = arith.muli %mul3A_198, %scan3A_196 : i32
      %add3A_200 = arith.constant 0 : i32
      %add3A_201 = arith.addi %mul3A_199, %add3A_200 : i32
      %dma_wait3A_202 = arith.constant 0 : i32
      %dma_wait3A_203 = arith.constant 0 : i32
      %dma_wait3A_204 = arith.constant 0 : i32
      %dma_wait3A_205 = arith.constant 0 : i32
      %dma_wait3A_206 = tpu.memref_slice %arg8[%dma_wait3A_203, %dma_wait3A_204, %dma_wait3A_205] : memref<3x64x128xf32, #tpu.memory_space<vmem>> -> memref<1x64x128xf32, #tpu.memory_space<vmem>>
      %dma_wait3A_207 = tpu.memref_squeeze %dma_wait3A_206 : memref<1x64x128xf32, #tpu.memory_space<vmem>> -> memref<64x128xf32, #tpu.memory_space<vmem>>
      %dma_wait3A_208 = arith.constant 0 : i32
      %dma_wait3A_209 = tpu.memref_slice %arg6[%dma_wait3A_202, %dma_wait3A_208] : memref<158x64xi32, #tpu.memory_space<vmem>> -> memref<1x64xi32, #tpu.memory_space<vmem>>
      %dma_wait3A_210 = tpu.memref_squeeze %dma_wait3A_209 : memref<1x64xi32, #tpu.memory_space<vmem>> -> memref<64xi32, #tpu.memory_space<vmem>>
      %dma_wait3A_211 = arith.constant 0 : i32
      %dma_wait3A_212 = arith.constant 0 : i32
      %dma_wait3A_213 = tpu.memref_slice %arg2[%dma_wait3A_211, %dma_wait3A_212] : memref<10240x128xf32, #tpu.memory_space<hbm>> -> memref<10240x128xf32, #tpu.memory_space<hbm>>
      tpu.wait_indirect_dma semaphore(%arg12 : memref<!tpu.dma_semaphore, #tpu.memory_space<semaphore_mem>>) src(%dma_wait3A_213 : memref<10240x128xf32, #tpu.memory_space<hbm>>) dst(%dma_wait3A_207 : memref<64x128xf32, #tpu.memory_space<vmem>>)
      %dma_start3A_214 = arith.constant 0 : i32
      %dma_start3A_215 = arith.constant 0 : i32
      %dma_start3A_216 = arith.constant 0 : i32
      %dma_start3A_217 = tpu.memref_slice %arg8[%dma_start3A_214, %dma_start3A_215, %dma_start3A_216] : memref<3x64x128xf32, #tpu.memory_space<vmem>> -> memref<1x64x128xf32, #tpu.memory_space<vmem>>
      %dma_start3A_218 = tpu.memref_squeeze %dma_start3A_217 : memref<1x64x128xf32, #tpu.memory_space<vmem>> -> memref<64x128xf32, #tpu.memory_space<vmem>>
      %dma_start3A_219 = arith.constant 0 : i32
      %dma_start3A_220 = tpu.memref_slice %arg7[%add3A_201, %dma_start3A_219] : memref<158x64xi32, #tpu.memory_space<vmem>> -> memref<1x64xi32, #tpu.memory_space<vmem>>
      %dma_start3A_221 = tpu.memref_squeeze %dma_start3A_220 : memref<1x64xi32, #tpu.memory_space<vmem>> -> memref<64xi32, #tpu.memory_space<vmem>>
      %dma_start3A_222 = arith.constant 0 : i32
      %dma_start3A_223 = arith.constant 0 : i32
      %dma_start3A_224 = tpu.memref_slice %arg10[%dma_start3A_222, %dma_start3A_223] : memref<10240x128xf32, #tpu.memory_space<vmem_shared>> -> memref<10240x128xf32, #tpu.memory_space<vmem_shared>>
      tpu.enqueue_indirect_dma source(%dma_start3A_218 : memref<64x128xf32, #tpu.memory_space<vmem>>) target(%dma_start3A_224 : memref<10240x128xf32, #tpu.memory_space<vmem_shared>>) offsets(%dma_start3A_221 : memref<64xi32, #tpu.memory_space<vmem>>) semaphore(%arg15 : memref<!tpu.dma_semaphore, #tpu.memory_space<semaphore_mem>>) {add = true}
      %ge3A = arith.constant 1 : i32
      %ge3A_225 = arith.cmpi sge, %add3A_201, %ge3A : i32
      %convert_element_type3A = arith.extui %ge3A_225 : i1 to i32
      %cond3A = arith.constant 0 : i32
      %cond3A_226 = arith.cmpi ne, %convert_element_type3A, %cond3A : i32
      scf.if %cond3A_226 {
        %dma_wait3A_331 = arith.constant 2 : i32
        %dma_wait3A_332 = arith.constant 0 : i32
        %dma_wait3A_333 = arith.constant 0 : i32
        %dma_wait3A_334 = arith.constant 0 : i32
        %dma_wait3A_335 = tpu.memref_slice %arg8[%dma_wait3A_331, %dma_wait3A_333, %dma_wait3A_334] : memref<3x64x128xf32, #tpu.memory_space<vmem>> -> memref<1x64x128xf32, #tpu.memory_space<vmem>>
        %dma_wait3A_336 = tpu.memref_squeeze %dma_wait3A_335 : memref<1x64x128xf32, #tpu.memory_space<vmem>> -> memref<64x128xf32, #tpu.memory_space<vmem>>
        %dma_wait3A_337 = arith.constant 0 : i32
        %dma_wait3A_338 = tpu.memref_slice %arg7[%dma_wait3A_332, %dma_wait3A_337] : memref<158x64xi32, #tpu.memory_space<vmem>> -> memref<1x64xi32, #tpu.memory_space<vmem>>
        %dma_wait3A_339 = tpu.memref_squeeze %dma_wait3A_338 : memref<1x64xi32, #tpu.memory_space<vmem>> -> memref<64xi32, #tpu.memory_space<vmem>>
        %dma_wait3A_340 = arith.constant 0 : i32
        %dma_wait3A_341 = arith.constant 0 : i32
        %dma_wait3A_342 = tpu.memref_slice %arg10[%dma_wait3A_340, %dma_wait3A_341] : memref<10240x128xf32, #tpu.memory_space<vmem_shared>> -> memref<10240x128xf32, #tpu.memory_space<vmem_shared>>
        tpu.wait_indirect_dma semaphore(%arg17 : memref<!tpu.dma_semaphore, #tpu.memory_space<semaphore_mem>>) src(%dma_wait3A_336 : memref<64x128xf32, #tpu.memory_space<vmem>>) dst(%dma_wait3A_342 : memref<10240x128xf32, #tpu.memory_space<vmem_shared>>)
      } else {
      }
      %add3A_227 = arith.constant 2 : i32
      %add3A_228 = arith.addi %add3A_201, %add3A_227 : i32
      %dma_start3A_229 = arith.constant 2 : i32
      %dma_start3A_230 = arith.constant 0 : i32
      %dma_start3A_231 = arith.constant 0 : i32
      %dma_start3A_232 = tpu.memref_slice %arg8[%dma_start3A_229, %dma_start3A_230, %dma_start3A_231] : memref<3x64x128xf32, #tpu.memory_space<vmem>> -> memref<1x64x128xf32, #tpu.memory_space<vmem>>
      %dma_start3A_233 = tpu.memref_squeeze %dma_start3A_232 : memref<1x64x128xf32, #tpu.memory_space<vmem>> -> memref<64x128xf32, #tpu.memory_space<vmem>>
      %dma_start3A_234 = arith.constant 0 : i32
      %dma_start3A_235 = tpu.memref_slice %arg6[%add3A_228, %dma_start3A_234] : memref<158x64xi32, #tpu.memory_space<vmem>> -> memref<1x64xi32, #tpu.memory_space<vmem>>
      %dma_start3A_236 = tpu.memref_squeeze %dma_start3A_235 : memref<1x64xi32, #tpu.memory_space<vmem>> -> memref<64xi32, #tpu.memory_space<vmem>>
      %dma_start3A_237 = arith.constant 0 : i32
      %dma_start3A_238 = arith.constant 0 : i32
      %dma_start3A_239 = tpu.memref_slice %arg2[%dma_start3A_237, %dma_start3A_238] : memref<10240x128xf32, #tpu.memory_space<hbm>> -> memref<10240x128xf32, #tpu.memory_space<hbm>>
      tpu.enqueue_indirect_dma source(%dma_start3A_239 : memref<10240x128xf32, #tpu.memory_space<hbm>>) target(%dma_start3A_233 : memref<64x128xf32, #tpu.memory_space<vmem>>) offsets(%dma_start3A_236 : memref<64xi32, #tpu.memory_space<vmem>>) semaphore(%arg14 : memref<!tpu.dma_semaphore, #tpu.memory_space<semaphore_mem>>)
      %mul3A_240 = arith.constant 3 : i32
      %mul3A_241 = arith.muli %mul3A_240, %scan3A_196 : i32
      %add3A_242 = arith.constant 1 : i32
      %add3A_243 = arith.addi %mul3A_241, %add3A_242 : i32
      %dma_wait3A_244 = arith.constant 0 : i32
      %dma_wait3A_245 = arith.constant 1 : i32
      %dma_wait3A_246 = arith.constant 0 : i32
      %dma_wait3A_247 = arith.constant 0 : i32
      %dma_wait3A_248 = tpu.memref_slice %arg8[%dma_wait3A_245, %dma_wait3A_246, %dma_wait3A_247] : memref<3x64x128xf32, #tpu.memory_space<vmem>> -> memref<1x64x128xf32, #tpu.memory_space<vmem>>
      %dma_wait3A_249 = tpu.memref_squeeze %dma_wait3A_248 : memref<1x64x128xf32, #tpu.memory_space<vmem>> -> memref<64x128xf32, #tpu.memory_space<vmem>>
      %dma_wait3A_250 = arith.constant 0 : i32
      %dma_wait3A_251 = tpu.memref_slice %arg6[%dma_wait3A_244, %dma_wait3A_250] : memref<158x64xi32, #tpu.memory_space<vmem>> -> memref<1x64xi32, #tpu.memory_space<vmem>>
      %dma_wait3A_252 = tpu.memref_squeeze %dma_wait3A_251 : memref<1x64xi32, #tpu.memory_space<vmem>> -> memref<64xi32, #tpu.memory_space<vmem>>
      %dma_wait3A_253 = arith.constant 0 : i32
      %dma_wait3A_254 = arith.constant 0 : i32
      %dma_wait3A_255 = tpu.memref_slice %arg2[%dma_wait3A_253, %dma_wait3A_254] : memref<10240x128xf32, #tpu.memory_space<hbm>> -> memref<10240x128xf32, #tpu.memory_space<hbm>>
      tpu.wait_indirect_dma semaphore(%arg13 : memref<!tpu.dma_semaphore, #tpu.memory_space<semaphore_mem>>) src(%dma_wait3A_255 : memref<10240x128xf32, #tpu.memory_space<hbm>>) dst(%dma_wait3A_249 : memref<64x128xf32, #tpu.memory_space<vmem>>)
      %dma_start3A_256 = arith.constant 1 : i32
      %dma_start3A_257 = arith.constant 0 : i32
      %dma_start3A_258 = arith.constant 0 : i32
      %dma_start3A_259 = tpu.memref_slice %arg8[%dma_start3A_256, %dma_start3A_257, %dma_start3A_258] : memref<3x64x128xf32, #tpu.memory_space<vmem>> -> memref<1x64x128xf32, #tpu.memory_space<vmem>>
      %dma_start3A_260 = tpu.memref_squeeze %dma_start3A_259 : memref<1x64x128xf32, #tpu.memory_space<vmem>> -> memref<64x128xf32, #tpu.memory_space<vmem>>
      %dma_start3A_261 = arith.constant 0 : i32
      %dma_start3A_262 = tpu.memref_slice %arg7[%add3A_243, %dma_start3A_261] : memref<158x64xi32, #tpu.memory_space<vmem>> -> memref<1x64xi32, #tpu.memory_space<vmem>>
      %dma_start3A_263 = tpu.memref_squeeze %dma_start3A_262 : memref<1x64xi32, #tpu.memory_space<vmem>> -> memref<64xi32, #tpu.memory_space<vmem>>
      %dma_start3A_264 = arith.constant 0 : i32
      %dma_start3A_265 = arith.constant 0 : i32
      %dma_start3A_266 = tpu.memref_slice %arg10[%dma_start3A_264, %dma_start3A_265] : memref<10240x128xf32, #tpu.memory_space<vmem_shared>> -> memref<10240x128xf32, #tpu.memory_space<vmem_shared>>
      tpu.enqueue_indirect_dma source(%dma_start3A_260 : memref<64x128xf32, #tpu.memory_space<vmem>>) target(%dma_start3A_266 : memref<10240x128xf32, #tpu.memory_space<vmem_shared>>) offsets(%dma_start3A_263 : memref<64xi32, #tpu.memory_space<vmem>>) semaphore(%arg16 : memref<!tpu.dma_semaphore, #tpu.memory_space<semaphore_mem>>) {add = true}
      %ge3A_267 = arith.constant 1 : i32
      %ge3A_268 = arith.cmpi sge, %add3A_243, %ge3A_267 : i32
      %convert_element_type3A_269 = arith.extui %ge3A_268 : i1 to i32
      %cond3A_270 = arith.constant 0 : i32
      %cond3A_271 = arith.cmpi ne, %convert_element_type3A_269, %cond3A_270 : i32
      scf.if %cond3A_271 {
        %dma_wait3A_331 = arith.constant 0 : i32
        %dma_wait3A_332 = arith.constant 0 : i32
        %dma_wait3A_333 = arith.constant 0 : i32
        %dma_wait3A_334 = arith.constant 0 : i32
        %dma_wait3A_335 = tpu.memref_slice %arg8[%dma_wait3A_331, %dma_wait3A_333, %dma_wait3A_334] : memref<3x64x128xf32, #tpu.memory_space<vmem>> -> memref<1x64x128xf32, #tpu.memory_space<vmem>>
        %dma_wait3A_336 = tpu.memref_squeeze %dma_wait3A_335 : memref<1x64x128xf32, #tpu.memory_space<vmem>> -> memref<64x128xf32, #tpu.memory_space<vmem>>
        %dma_wait3A_337 = arith.constant 0 : i32
        %dma_wait3A_338 = tpu.memref_slice %arg7[%dma_wait3A_332, %dma_wait3A_337] : memref<158x64xi32, #tpu.memory_space<vmem>> -> memref<1x64xi32, #tpu.memory_space<vmem>>
        %dma_wait3A_339 = tpu.memref_squeeze %dma_wait3A_338 : memref<1x64xi32, #tpu.memory_space<vmem>> -> memref<64xi32, #tpu.memory_space<vmem>>
        %dma_wait3A_340 = arith.constant 0 : i32
        %dma_wait3A_341 = arith.constant 0 : i32
        %dma_wait3A_342 = tpu.memref_slice %arg10[%dma_wait3A_340, %dma_wait3A_341] : memref<10240x128xf32, #tpu.memory_space<vmem_shared>> -> memref<10240x128xf32, #tpu.memory_space<vmem_shared>>
        tpu.wait_indirect_dma semaphore(%arg15 : memref<!tpu.dma_semaphore, #tpu.memory_space<semaphore_mem>>) src(%dma_wait3A_336 : memref<64x128xf32, #tpu.memory_space<vmem>>) dst(%dma_wait3A_342 : memref<10240x128xf32, #tpu.memory_space<vmem_shared>>)
      } else {
      }
      %add3A_272 = arith.constant 2 : i32
      %add3A_273 = arith.addi %add3A_243, %add3A_272 : i32
      %dma_start3A_274 = arith.constant 0 : i32
      %dma_start3A_275 = arith.constant 0 : i32
      %dma_start3A_276 = arith.constant 0 : i32
      %dma_start3A_277 = tpu.memref_slice %arg8[%dma_start3A_274, %dma_start3A_275, %dma_start3A_276] : memref<3x64x128xf32, #tpu.memory_space<vmem>> -> memref<1x64x128xf32, #tpu.memory_space<vmem>>
      %dma_start3A_278 = tpu.memref_squeeze %dma_start3A_277 : memref<1x64x128xf32, #tpu.memory_space<vmem>> -> memref<64x128xf32, #tpu.memory_space<vmem>>
      %dma_start3A_279 = arith.constant 0 : i32
      %dma_start3A_280 = tpu.memref_slice %arg6[%add3A_273, %dma_start3A_279] : memref<158x64xi32, #tpu.memory_space<vmem>> -> memref<1x64xi32, #tpu.memory_space<vmem>>
      %dma_start3A_281 = tpu.memref_squeeze %dma_start3A_280 : memref<1x64xi32, #tpu.memory_space<vmem>> -> memref<64xi32, #tpu.memory_space<vmem>>
      %dma_start3A_282 = arith.constant 0 : i32
      %dma_start3A_283 = arith.constant 0 : i32
      %dma_start3A_284 = tpu.memref_slice %arg2[%dma_start3A_282, %dma_start3A_283] : memref<10240x128xf32, #tpu.memory_space<hbm>> -> memref<10240x128xf32, #tpu.memory_space<hbm>>
      tpu.enqueue_indirect_dma source(%dma_start3A_284 : memref<10240x128xf32, #tpu.memory_space<hbm>>) target(%dma_start3A_278 : memref<64x128xf32, #tpu.memory_space<vmem>>) offsets(%dma_start3A_281 : memref<64xi32, #tpu.memory_space<vmem>>) semaphore(%arg12 : memref<!tpu.dma_semaphore, #tpu.memory_space<semaphore_mem>>)
      %mul3A_285 = arith.constant 3 : i32
      %mul3A_286 = arith.muli %mul3A_285, %scan3A_196 : i32
      %add3A_287 = arith.constant 2 : i32
      %add3A_288 = arith.addi %mul3A_286, %add3A_287 : i32
      %dma_wait3A_289 = arith.constant 0 : i32
      %dma_wait3A_290 = arith.constant 2 : i32
      %dma_wait3A_291 = arith.constant 0 : i32
      %dma_wait3A_292 = arith.constant 0 : i32
      %dma_wait3A_293 = tpu.memref_slice %arg8[%dma_wait3A_290, %dma_wait3A_291, %dma_wait3A_292] : memref<3x64x128xf32, #tpu.memory_space<vmem>> -> memref<1x64x128xf32, #tpu.memory_space<vmem>>
      %dma_wait3A_294 = tpu.memref_squeeze %dma_wait3A_293 : memref<1x64x128xf32, #tpu.memory_space<vmem>> -> memref<64x128xf32, #tpu.memory_space<vmem>>
      %dma_wait3A_295 = arith.constant 0 : i32
      %dma_wait3A_296 = tpu.memref_slice %arg6[%dma_wait3A_289, %dma_wait3A_295] : memref<158x64xi32, #tpu.memory_space<vmem>> -> memref<1x64xi32, #tpu.memory_space<vmem>>
      %dma_wait3A_297 = tpu.memref_squeeze %dma_wait3A_296 : memref<1x64xi32, #tpu.memory_space<vmem>> -> memref<64xi32, #tpu.memory_space<vmem>>
      %dma_wait3A_298 = arith.constant 0 : i32
      %dma_wait3A_299 = arith.constant 0 : i32
      %dma_wait3A_300 = tpu.memref_slice %arg2[%dma_wait3A_298, %dma_wait3A_299] : memref<10240x128xf32, #tpu.memory_space<hbm>> -> memref<10240x128xf32, #tpu.memory_space<hbm>>
      tpu.wait_indirect_dma semaphore(%arg14 : memref<!tpu.dma_semaphore, #tpu.memory_space<semaphore_mem>>) src(%dma_wait3A_300 : memref<10240x128xf32, #tpu.memory_space<hbm>>) dst(%dma_wait3A_294 : memref<64x128xf32, #tpu.memory_space<vmem>>)
      %dma_start3A_301 = arith.constant 2 : i32
      %dma_start3A_302 = arith.constant 0 : i32
      %dma_start3A_303 = arith.constant 0 : i32
      %dma_start3A_304 = tpu.memref_slice %arg8[%dma_start3A_301, %dma_start3A_302, %dma_start3A_303] : memref<3x64x128xf32, #tpu.memory_space<vmem>> -> memref<1x64x128xf32, #tpu.memory_space<vmem>>
      %dma_start3A_305 = tpu.memref_squeeze %dma_start3A_304 : memref<1x64x128xf32, #tpu.memory_space<vmem>> -> memref<64x128xf32, #tpu.memory_space<vmem>>
      %dma_start3A_306 = arith.constant 0 : i32
      %dma_start3A_307 = tpu.memref_slice %arg7[%add3A_288, %dma_start3A_306] : memref<158x64xi32, #tpu.memory_space<vmem>> -> memref<1x64xi32, #tpu.memory_space<vmem>>
      %dma_start3A_308 = tpu.memref_squeeze %dma_start3A_307 : memref<1x64xi32, #tpu.memory_space<vmem>> -> memref<64xi32, #tpu.memory_space<vmem>>
      %dma_start3A_309 = arith.constant 0 : i32
      %dma_start3A_310 = arith.constant 0 : i32
      %dma_start3A_311 = tpu.memref_slice %arg10[%dma_start3A_309, %dma_start3A_310] : memref<10240x128xf32, #tpu.memory_space<vmem_shared>> -> memref<10240x128xf32, #tpu.memory_space<vmem_shared>>
      tpu.enqueue_indirect_dma source(%dma_start3A_305 : memref<64x128xf32, #tpu.memory_space<vmem>>) target(%dma_start3A_311 : memref<10240x128xf32, #tpu.memory_space<vmem_shared>>) offsets(%dma_start3A_308 : memref<64xi32, #tpu.memory_space<vmem>>) semaphore(%arg17 : memref<!tpu.dma_semaphore, #tpu.memory_space<semaphore_mem>>) {add = true}
      %ge3A_312 = arith.constant 1 : i32
      %ge3A_313 = arith.cmpi sge, %add3A_288, %ge3A_312 : i32
      %convert_element_type3A_314 = arith.extui %ge3A_313 : i1 to i32
      %cond3A_315 = arith.constant 0 : i32
      %cond3A_316 = arith.cmpi ne, %convert_element_type3A_314, %cond3A_315 : i32
      scf.if %cond3A_316 {
        %dma_wait3A_331 = arith.constant 1 : i32
        %dma_wait3A_332 = arith.constant 0 : i32
        %dma_wait3A_333 = arith.constant 0 : i32
        %dma_wait3A_334 = arith.constant 0 : i32
        %dma_wait3A_335 = tpu.memref_slice %arg8[%dma_wait3A_331, %dma_wait3A_333, %dma_wait3A_334] : memref<3x64x128xf32, #tpu.memory_space<vmem>> -> memref<1x64x128xf32, #tpu.memory_space<vmem>>
        %dma_wait3A_336 = tpu.memref_squeeze %dma_wait3A_335 : memref<1x64x128xf32, #tpu.memory_space<vmem>> -> memref<64x128xf32, #tpu.memory_space<vmem>>
        %dma_wait3A_337 = arith.constant 0 : i32
        %dma_wait3A_338 = tpu.memref_slice %arg7[%dma_wait3A_332, %dma_wait3A_337] : memref<158x64xi32, #tpu.memory_space<vmem>> -> memref<1x64xi32, #tpu.memory_space<vmem>>
        %dma_wait3A_339 = tpu.memref_squeeze %dma_wait3A_338 : memref<1x64xi32, #tpu.memory_space<vmem>> -> memref<64xi32, #tpu.memory_space<vmem>>
        %dma_wait3A_340 = arith.constant 0 : i32
        %dma_wait3A_341 = arith.constant 0 : i32
        %dma_wait3A_342 = tpu.memref_slice %arg10[%dma_wait3A_340, %dma_wait3A_341] : memref<10240x128xf32, #tpu.memory_space<vmem_shared>> -> memref<10240x128xf32, #tpu.memory_space<vmem_shared>>
        tpu.wait_indirect_dma semaphore(%arg16 : memref<!tpu.dma_semaphore, #tpu.memory_space<semaphore_mem>>) src(%dma_wait3A_336 : memref<64x128xf32, #tpu.memory_space<vmem>>) dst(%dma_wait3A_342 : memref<10240x128xf32, #tpu.memory_space<vmem_shared>>)
      } else {
      }
      %add3A_317 = arith.constant 2 : i32
      %add3A_318 = arith.addi %add3A_288, %add3A_317 : i32
      %dma_start3A_319 = arith.constant 1 : i32
      %dma_start3A_320 = arith.constant 0 : i32
      %dma_start3A_321 = arith.constant 0 : i32
      %dma_start3A_322 = tpu.memref_slice %arg8[%dma_start3A_319, %dma_start3A_320, %dma_start3A_321] : memref<3x64x128xf32, #tpu.memory_space<vmem>> -> memref<1x64x128xf32, #tpu.memory_space<vmem>>
      %dma_start3A_323 = tpu.memref_squeeze %dma_start3A_322 : memref<1x64x128xf32, #tpu.memory_space<vmem>> -> memref<64x128xf32, #tpu.memory_space<vmem>>
      %dma_start3A_324 = arith.constant 0 : i32
      %dma_start3A_325 = tpu.memref_slice %arg6[%add3A_318, %dma_start3A_324] : memref<158x64xi32, #tpu.memory_space<vmem>> -> memref<1x64xi32, #tpu.memory_space<vmem>>
      %dma_start3A_326 = tpu.memref_squeeze %dma_start3A_325 : memref<1x64xi32, #tpu.memory_space<vmem>> -> memref<64xi32, #tpu.memory_space<vmem>>
      %dma_start3A_327 = arith.constant 0 : i32
      %dma_start3A_328 = arith.constant 0 : i32
      %dma_start3A_329 = tpu.memref_slice %arg2[%dma_start3A_327, %dma_start3A_328] : memref<10240x128xf32, #tpu.memory_space<hbm>> -> memref<10240x128xf32, #tpu.memory_space<hbm>>
      tpu.enqueue_indirect_dma source(%dma_start3A_329 : memref<10240x128xf32, #tpu.memory_space<hbm>>) target(%dma_start3A_323 : memref<64x128xf32, #tpu.memory_space<vmem>>) offsets(%dma_start3A_326 : memref<64xi32, #tpu.memory_space<vmem>>) semaphore(%arg13 : memref<!tpu.dma_semaphore, #tpu.memory_space<semaphore_mem>>)
      %scan3A_330 = arith.constant 0 : i32
      scf.yield %scan3A_330 : i32
    }
    %scan3A_110 = arith.constant 52 : i32
    %dma_wait3A_111 = arith.constant 0 : i32
    %dma_wait3A_112 = arith.constant 0 : i32
    %dma_wait3A_113 = arith.constant 0 : i32
    %dma_wait3A_114 = arith.constant 0 : i32
    %dma_wait3A_115 = tpu.memref_slice %arg8[%dma_wait3A_112, %dma_wait3A_113, %dma_wait3A_114] : memref<3x64x128xf32, #tpu.memory_space<vmem>> -> memref<1x64x128xf32, #tpu.memory_space<vmem>>
    %dma_wait3A_116 = tpu.memref_squeeze %dma_wait3A_115 : memref<1x64x128xf32, #tpu.memory_space<vmem>> -> memref<64x128xf32, #tpu.memory_space<vmem>>
    %dma_wait3A_117 = arith.constant 0 : i32
    %dma_wait3A_118 = tpu.memref_slice %arg6[%dma_wait3A_111, %dma_wait3A_117] : memref<158x64xi32, #tpu.memory_space<vmem>> -> memref<1x64xi32, #tpu.memory_space<vmem>>
    %dma_wait3A_119 = tpu.memref_squeeze %dma_wait3A_118 : memref<1x64xi32, #tpu.memory_space<vmem>> -> memref<64xi32, #tpu.memory_space<vmem>>
    %dma_wait3A_120 = arith.constant 0 : i32
    %dma_wait3A_121 = arith.constant 0 : i32
    %dma_wait3A_122 = tpu.memref_slice %arg2[%dma_wait3A_120, %dma_wait3A_121] : memref<10240x128xf32, #tpu.memory_space<hbm>> -> memref<10240x128xf32, #tpu.memory_space<hbm>>
    tpu.wait_indirect_dma semaphore(%arg12 : memref<!tpu.dma_semaphore, #tpu.memory_space<semaphore_mem>>) src(%dma_wait3A_122 : memref<10240x128xf32, #tpu.memory_space<hbm>>) dst(%dma_wait3A_116 : memref<64x128xf32, #tpu.memory_space<vmem>>)
    %dma_start3A_123 = arith.constant 0 : i32
    %dma_start3A_124 = arith.constant 156 : i32
    %dma_start3A_125 = arith.constant 0 : i32
    %dma_start3A_126 = arith.constant 0 : i32
    %dma_start3A_127 = tpu.memref_slice %arg8[%dma_start3A_123, %dma_start3A_125, %dma_start3A_126] : memref<3x64x128xf32, #tpu.memory_space<vmem>> -> memref<1x64x128xf32, #tpu.memory_space<vmem>>
    %dma_start3A_128 = tpu.memref_squeeze %dma_start3A_127 : memref<1x64x128xf32, #tpu.memory_space<vmem>> -> memref<64x128xf32, #tpu.memory_space<vmem>>
    %dma_start3A_129 = arith.constant 0 : i32
    %dma_start3A_130 = tpu.memref_slice %arg7[%dma_start3A_124, %dma_start3A_129] : memref<158x64xi32, #tpu.memory_space<vmem>> -> memref<1x64xi32, #tpu.memory_space<vmem>>
    %dma_start3A_131 = tpu.memref_squeeze %dma_start3A_130 : memref<1x64xi32, #tpu.memory_space<vmem>> -> memref<64xi32, #tpu.memory_space<vmem>>
    %dma_start3A_132 = arith.constant 0 : i32
    %dma_start3A_133 = arith.constant 0 : i32
    %dma_start3A_134 = tpu.memref_slice %arg10[%dma_start3A_132, %dma_start3A_133] : memref<10240x128xf32, #tpu.memory_space<vmem_shared>> -> memref<10240x128xf32, #tpu.memory_space<vmem_shared>>
    tpu.enqueue_indirect_dma source(%dma_start3A_128 : memref<64x128xf32, #tpu.memory_space<vmem>>) target(%dma_start3A_134 : memref<10240x128xf32, #tpu.memory_space<vmem_shared>>) offsets(%dma_start3A_131 : memref<64xi32, #tpu.memory_space<vmem>>) semaphore(%arg15 : memref<!tpu.dma_semaphore, #tpu.memory_space<semaphore_mem>>) {add = true}
    %dma_wait3A_135 = arith.constant 0 : i32
    %dma_wait3A_136 = arith.constant 1 : i32
    %dma_wait3A_137 = arith.constant 0 : i32
    %dma_wait3A_138 = arith.constant 0 : i32
    %dma_wait3A_139 = tpu.memref_slice %arg8[%dma_wait3A_136, %dma_wait3A_137, %dma_wait3A_138] : memref<3x64x128xf32, #tpu.memory_space<vmem>> -> memref<1x64x128xf32, #tpu.memory_space<vmem>>
    %dma_wait3A_140 = tpu.memref_squeeze %dma_wait3A_139 : memref<1x64x128xf32, #tpu.memory_space<vmem>> -> memref<64x128xf32, #tpu.memory_space<vmem>>
    %dma_wait3A_141 = arith.constant 0 : i32
    %dma_wait3A_142 = tpu.memref_slice %arg6[%dma_wait3A_135, %dma_wait3A_141] : memref<158x64xi32, #tpu.memory_space<vmem>> -> memref<1x64xi32, #tpu.memory_space<vmem>>
    %dma_wait3A_143 = tpu.memref_squeeze %dma_wait3A_142 : memref<1x64xi32, #tpu.memory_space<vmem>> -> memref<64xi32, #tpu.memory_space<vmem>>
    %dma_wait3A_144 = arith.constant 0 : i32
    %dma_wait3A_145 = arith.constant 0 : i32
    %dma_wait3A_146 = tpu.memref_slice %arg2[%dma_wait3A_144, %dma_wait3A_145] : memref<10240x128xf32, #tpu.memory_space<hbm>> -> memref<10240x128xf32, #tpu.memory_space<hbm>>
    tpu.wait_indirect_dma semaphore(%arg13 : memref<!tpu.dma_semaphore, #tpu.memory_space<semaphore_mem>>) src(%dma_wait3A_146 : memref<10240x128xf32, #tpu.memory_space<hbm>>) dst(%dma_wait3A_140 : memref<64x128xf32, #tpu.memory_space<vmem>>)
    %dma_start3A_147 = arith.constant 1 : i32
    %dma_start3A_148 = arith.constant 157 : i32
    %dma_start3A_149 = arith.constant 0 : i32
    %dma_start3A_150 = arith.constant 0 : i32
    %dma_start3A_151 = tpu.memref_slice %arg8[%dma_start3A_147, %dma_start3A_149, %dma_start3A_150] : memref<3x64x128xf32, #tpu.memory_space<vmem>> -> memref<1x64x128xf32, #tpu.memory_space<vmem>>
    %dma_start3A_152 = tpu.memref_squeeze %dma_start3A_151 : memref<1x64x128xf32, #tpu.memory_space<vmem>> -> memref<64x128xf32, #tpu.memory_space<vmem>>
    %dma_start3A_153 = arith.constant 0 : i32
    %dma_start3A_154 = tpu.memref_slice %arg7[%dma_start3A_148, %dma_start3A_153] : memref<158x64xi32, #tpu.memory_space<vmem>> -> memref<1x64xi32, #tpu.memory_space<vmem>>
    %dma_start3A_155 = tpu.memref_squeeze %dma_start3A_154 : memref<1x64xi32, #tpu.memory_space<vmem>> -> memref<64xi32, #tpu.memory_space<vmem>>
    %dma_start3A_156 = arith.constant 0 : i32
    %dma_start3A_157 = arith.constant 0 : i32
    %dma_start3A_158 = tpu.memref_slice %arg10[%dma_start3A_156, %dma_start3A_157] : memref<10240x128xf32, #tpu.memory_space<vmem_shared>> -> memref<10240x128xf32, #tpu.memory_space<vmem_shared>>
    tpu.enqueue_indirect_dma source(%dma_start3A_152 : memref<64x128xf32, #tpu.memory_space<vmem>>) target(%dma_start3A_158 : memref<10240x128xf32, #tpu.memory_space<vmem_shared>>) offsets(%dma_start3A_155 : memref<64xi32, #tpu.memory_space<vmem>>) semaphore(%arg16 : memref<!tpu.dma_semaphore, #tpu.memory_space<semaphore_mem>>) {add = true}
    %dma_wait3A_159 = arith.constant 0 : i32
    %dma_wait3A_160 = arith.constant 0 : i32
    %dma_wait3A_161 = arith.constant 0 : i32
    %dma_wait3A_162 = arith.constant 0 : i32
    %dma_wait3A_163 = tpu.memref_slice %arg8[%dma_wait3A_159, %dma_wait3A_161, %dma_wait3A_162] : memref<3x64x128xf32, #tpu.memory_space<vmem>> -> memref<1x64x128xf32, #tpu.memory_space<vmem>>
    %dma_wait3A_164 = tpu.memref_squeeze %dma_wait3A_163 : memref<1x64x128xf32, #tpu.memory_space<vmem>> -> memref<64x128xf32, #tpu.memory_space<vmem>>
    %dma_wait3A_165 = arith.constant 0 : i32
    %dma_wait3A_166 = tpu.memref_slice %arg7[%dma_wait3A_160, %dma_wait3A_165] : memref<158x64xi32, #tpu.memory_space<vmem>> -> memref<1x64xi32, #tpu.memory_space<vmem>>
    %dma_wait3A_167 = tpu.memref_squeeze %dma_wait3A_166 : memref<1x64xi32, #tpu.memory_space<vmem>> -> memref<64xi32, #tpu.memory_space<vmem>>
    %dma_wait3A_168 = arith.constant 0 : i32
    %dma_wait3A_169 = arith.constant 0 : i32
    %dma_wait3A_170 = tpu.memref_slice %arg10[%dma_wait3A_168, %dma_wait3A_169] : memref<10240x128xf32, #tpu.memory_space<vmem_shared>> -> memref<10240x128xf32, #tpu.memory_space<vmem_shared>>
    tpu.wait_indirect_dma semaphore(%arg15 : memref<!tpu.dma_semaphore, #tpu.memory_space<semaphore_mem>>) src(%dma_wait3A_164 : memref<64x128xf32, #tpu.memory_space<vmem>>) dst(%dma_wait3A_170 : memref<10240x128xf32, #tpu.memory_space<vmem_shared>>)
    %dma_wait3A_171 = arith.constant 1 : i32
    %dma_wait3A_172 = arith.constant 0 : i32
    %dma_wait3A_173 = arith.constant 0 : i32
    %dma_wait3A_174 = arith.constant 0 : i32
    %dma_wait3A_175 = tpu.memref_slice %arg8[%dma_wait3A_171, %dma_wait3A_173, %dma_wait3A_174] : memref<3x64x128xf32, #tpu.memory_space<vmem>> -> memref<1x64x128xf32, #tpu.memory_space<vmem>>
    %dma_wait3A_176 = tpu.memref_squeeze %dma_wait3A_175 : memref<1x64x128xf32, #tpu.memory_space<vmem>> -> memref<64x128xf32, #tpu.memory_space<vmem>>
    %dma_wait3A_177 = arith.constant 0 : i32
    %dma_wait3A_178 = tpu.memref_slice %arg7[%dma_wait3A_172, %dma_wait3A_177] : memref<158x64xi32, #tpu.memory_space<vmem>> -> memref<1x64xi32, #tpu.memory_space<vmem>>
    %dma_wait3A_179 = tpu.memref_squeeze %dma_wait3A_178 : memref<1x64xi32, #tpu.memory_space<vmem>> -> memref<64xi32, #tpu.memory_space<vmem>>
    %dma_wait3A_180 = arith.constant 0 : i32
    %dma_wait3A_181 = arith.constant 0 : i32
    %dma_wait3A_182 = tpu.memref_slice %arg10[%dma_wait3A_180, %dma_wait3A_181] : memref<10240x128xf32, #tpu.memory_space<vmem_shared>> -> memref<10240x128xf32, #tpu.memory_space<vmem_shared>>
    tpu.wait_indirect_dma semaphore(%arg16 : memref<!tpu.dma_semaphore, #tpu.memory_space<semaphore_mem>>) src(%dma_wait3A_176 : memref<64x128xf32, #tpu.memory_space<vmem>>) dst(%dma_wait3A_182 : memref<10240x128xf32, #tpu.memory_space<vmem_shared>>)
    %dma_wait3A_183 = arith.constant 2 : i32
    %dma_wait3A_184 = arith.constant 0 : i32
    %dma_wait3A_185 = arith.constant 0 : i32
    %dma_wait3A_186 = arith.constant 0 : i32
    %dma_wait3A_187 = tpu.memref_slice %arg8[%dma_wait3A_183, %dma_wait3A_185, %dma_wait3A_186] : memref<3x64x128xf32, #tpu.memory_space<vmem>> -> memref<1x64x128xf32, #tpu.memory_space<vmem>>
    %dma_wait3A_188 = tpu.memref_squeeze %dma_wait3A_187 : memref<1x64x128xf32, #tpu.memory_space<vmem>> -> memref<64x128xf32, #tpu.memory_space<vmem>>
    %dma_wait3A_189 = arith.constant 0 : i32
    %dma_wait3A_190 = tpu.memref_slice %arg7[%dma_wait3A_184, %dma_wait3A_189] : memref<158x64xi32, #tpu.memory_space<vmem>> -> memref<1x64xi32, #tpu.memory_space<vmem>>
    %dma_wait3A_191 = tpu.memref_squeeze %dma_wait3A_190 : memref<1x64xi32, #tpu.memory_space<vmem>> -> memref<64xi32, #tpu.memory_space<vmem>>
    %dma_wait3A_192 = arith.constant 0 : i32
    %dma_wait3A_193 = arith.constant 0 : i32
    %dma_wait3A_194 = tpu.memref_slice %arg10[%dma_wait3A_192, %dma_wait3A_193] : memref<10240x128xf32, #tpu.memory_space<vmem_shared>> -> memref<10240x128xf32, #tpu.memory_space<vmem_shared>>
    tpu.wait_indirect_dma semaphore(%arg17 : memref<!tpu.dma_semaphore, #tpu.memory_space<semaphore_mem>>) src(%dma_wait3A_188 : memref<64x128xf32, #tpu.memory_space<vmem>>) dst(%dma_wait3A_194 : memref<10240x128xf32, #tpu.memory_space<vmem_shared>>)
    %barrier3A_195 = arith.constant 0 : index
    tpu.barrier barrier_id(%barrier3A_195)
    "tpu.region"() ({
      %run_scoped3A = tpu.sem_alloc : memref<!tpu.dma_semaphore, #tpu.memory_space<semaphore_mem>>
      %dma_start3A_196 = arith.constant 0 : i32
      %dma_start3A_197 = tpu.memref_slice %arg5[%arg0, %mul3A_63, %dma_start3A_196] : memref<2x10240x128xf32, #tpu.memory_space<hbm>> -> memref<1x640x128xf32, #tpu.memory_space<hbm>>
      %dma_start3A_198 = tpu.memref_squeeze %dma_start3A_197 : memref<1x640x128xf32, #tpu.memory_space<hbm>> -> memref<640x128xf32, #tpu.memory_space<hbm>>
      %dma_start3A_199 = arith.constant 0 : i32
      %dma_start3A_200 = tpu.memref_slice %arg10[%mul3A_63, %dma_start3A_199] : memref<10240x128xf32, #tpu.memory_space<vmem_shared>> -> memref<640x128xf32, #tpu.memory_space<vmem_shared>>
      tpu.enqueue_dma source(%dma_start3A_200 : memref<640x128xf32, #tpu.memory_space<vmem_shared>>) target(%dma_start3A_198 : memref<640x128xf32, #tpu.memory_space<hbm>>) target_semaphore(%run_scoped3A : memref<!tpu.dma_semaphore, #tpu.memory_space<semaphore_mem>>)
      %dma_wait3A_201 = arith.constant 0 : i32
      %dma_wait3A_202 = tpu.memref_slice %arg5[%arg0, %mul3A_63, %dma_wait3A_201] : memref<2x10240x128xf32, #tpu.memory_space<hbm>> -> memref<1x640x128xf32, #tpu.memory_space<hbm>>
      %dma_wait3A_203 = tpu.memref_squeeze %dma_wait3A_202 : memref<1x640x128xf32, #tpu.memory_space<hbm>> -> memref<640x128xf32, #tpu.memory_space<hbm>>
      %dma_wait3A_204 = arith.constant 0 : i32
      %dma_wait3A_205 = tpu.memref_slice %arg10[%mul3A_63, %dma_wait3A_204] : memref<10240x128xf32, #tpu.memory_space<vmem_shared>> -> memref<640x128xf32, #tpu.memory_space<vmem_shared>>
      tpu.wait_dma2 semaphore(%run_scoped3A : memref<!tpu.dma_semaphore, #tpu.memory_space<semaphore_mem>>) src(%dma_wait3A_205 : memref<640x128xf32, #tpu.memory_space<vmem_shared>>) dst(%dma_wait3A_203 : memref<640x128xf32, #tpu.memory_space<hbm>>)
      tpu.yield
    }) : () -> ()
    return
  }
}

#map = affine_map<(d0, d1) -> (0, 0)>
#map1 = affine_map<(d0, d1) -> (0, 0, 0)>
module attributes {stable_mosaic.version = 14 : i64} {
  func.func @_aggregate(%arg0: i32, %arg1: i32, %arg2: memref<10240x128xf32, #tpu.memory_space<hbm>>, %arg3: memref<32x158x64xi32, #tpu.memory_space<hbm>>, %arg4: memref<32x158x64xi32, #tpu.memory_space<hbm>>, %arg5: memref<2x10240x128xf32, #tpu.memory_space<hbm>>, %arg6: memref<158x64xi32, #tpu.memory_space<vmem>>, %arg7: memref<158x64xi32, #tpu.memory_space<vmem>>, %arg8: memref<3x64x128xf32, #tpu.memory_space<vmem>>, %arg9: memref<32x128xf32, #tpu.memory_space<vmem>>, %arg10: memref<10240x128xf32, #tpu.memory_space<vmem_shared>>, %arg11: memref<!tpu.dma_semaphore, #tpu.memory_space<semaphore_mem>>, %arg12: memref<!tpu.dma_semaphore, #tpu.memory_space<semaphore_mem>>, %arg13: memref<!tpu.dma_semaphore, #tpu.memory_space<semaphore_mem>>, %arg14: memref<!tpu.dma_semaphore, #tpu.memory_space<semaphore_mem>>, %arg15: memref<!tpu.dma_semaphore, #tpu.memory_space<semaphore_mem>>, %arg16: memref<!tpu.dma_semaphore, #tpu.memory_space<semaphore_mem>>, %arg17: memref<!tpu.dma_semaphore, #tpu.memory_space<semaphore_mem>>) attributes {dimension_semantics = [#tpu.dimension_semantics<core_parallel>, #tpu.dimension_semantics<subcore_parallel>], iteration_bounds = array<i64: 2, 16>, scalar_prefetch = 0 : i64, scratch_operands = 12 : i64, tpu.core_type = #tpu.core_type<sc_vector_subcore>, window_params = [{transform_indices = #map}, {transform_indices = #map1}, {transform_indices = #map1}, {transform_indices = #map1}]} {
    %mul3A = arith.constant 2 : i32
    %mul3A_0 = arith.muli %arg1, %mul3A : i32
    %add3A = arith.addi %mul3A_0, %arg0 : i32
    %broadcast_in_dim3A = arith.constant 0.000000e+00 : f32
    %broadcast_in_dim3A_1 = vector.broadcast %broadcast_in_dim3A : f32 to vector<16xf32>
    %dma_start3A = arith.constant 0 : i32
    %dma_start3A_2 = arith.constant 0 : i32
    %dma_start3A_3 = tpu.memref_slice %arg3[%add3A, %dma_start3A, %dma_start3A_2] : memref<32x158x64xi32, #tpu.memory_space<hbm>> -> memref<1x158x64xi32, #tpu.memory_space<hbm>>
    %dma_start3A_4 = tpu.memref_squeeze %dma_start3A_3 : memref<1x158x64xi32, #tpu.memory_space<hbm>> -> memref<158x64xi32, #tpu.memory_space<hbm>>
    %dma_start3A_5 = arith.constant 0 : i32
    %dma_start3A_6 = arith.constant 0 : i32
    %dma_start3A_7 = tpu.memref_slice %arg3[%add3A, %dma_start3A_5, %dma_start3A_6] : memref<32x158x64xi32, #tpu.memory_space<hbm>> -> memref<1x158x64xi32, #tpu.memory_space<hbm>>
    %dma_start3A_8 = tpu.memref_squeeze %dma_start3A_7 : memref<1x158x64xi32, #tpu.memory_space<hbm>> -> memref<158x64xi32, #tpu.memory_space<hbm>>
    tpu.enqueue_dma source(%dma_start3A_8 : memref<158x64xi32, #tpu.memory_space<hbm>>) target(%arg6 : memref<158x64xi32, #tpu.memory_space<vmem>>) target_semaphore(%arg11 : memref<!tpu.dma_semaphore, #tpu.memory_space<semaphore_mem>>)
    %dma_start3A_9 = arith.constant 0 : i32
    %dma_start3A_10 = arith.constant 0 : i32
    %dma_start3A_11 = tpu.memref_slice %arg4[%add3A, %dma_start3A_9, %dma_start3A_10] : memref<32x158x64xi32, #tpu.memory_space<hbm>> -> memref<1x158x64xi32, #tpu.memory_space<hbm>>
    %dma_start3A_12 = tpu.memref_squeeze %dma_start3A_11 : memref<1x158x64xi32, #tpu.memory_space<hbm>> -> memref<158x64xi32, #tpu.memory_space<hbm>>
    %dma_start3A_13 = arith.constant 0 : i32
    %dma_start3A_14 = arith.constant 0 : i32
    %dma_start3A_15 = tpu.memref_slice %arg4[%add3A, %dma_start3A_13, %dma_start3A_14] : memref<32x158x64xi32, #tpu.memory_space<hbm>> -> memref<1x158x64xi32, #tpu.memory_space<hbm>>
    %dma_start3A_16 = tpu.memref_squeeze %dma_start3A_15 : memref<1x158x64xi32, #tpu.memory_space<hbm>> -> memref<158x64xi32, #tpu.memory_space<hbm>>
    tpu.enqueue_dma source(%dma_start3A_16 : memref<158x64xi32, #tpu.memory_space<hbm>>) target(%arg7 : memref<158x64xi32, #tpu.memory_space<vmem>>) target_semaphore(%arg11 : memref<!tpu.dma_semaphore, #tpu.memory_space<semaphore_mem>>)
    %scan3A = arith.constant 0 : i32
    %scan3A_17 = arith.constant 0 : i32
    %scan3A_18 = arith.constant 32 : i32
    %scan3A_19 = arith.addi %scan3A_17, %scan3A_18 : i32
    %scan3A_20 = arith.constant 1 : i32
    %scan3A_21 = scf.for %scan3A_196 = %scan3A_17 to %scan3A_19 step %scan3A_20 iter_args(%scan3A_197 = %scan3A) -> (i32)  : i32 {
      %swap3A = arith.index_cast %scan3A_196 : i32 to index
      %swap3A_198 = arith.constant 0 : index
      %swap3A_199 = tpu.vector_load %arg9[%swap3A, %swap3A_198] {strides = array<i32>} : memref<32x128xf32, #tpu.memory_space<vmem>>, vector<16xf32>,
      tpu.vector_store %arg9[%swap3A, %swap3A_198], %broadcast_in_dim3A_1 {strides = array<i32>} : memref<32x128xf32, #tpu.memory_space<vmem>>, vector<16xf32>,
      %swap3A_200 = arith.index_cast %scan3A_196 : i32 to index
      %swap3A_201 = arith.constant 16 : index
      %swap3A_202 = tpu.vector_load %arg9[%swap3A_200, %swap3A_201] {strides = array<i32>} : memref<32x128xf32, #tpu.memory_space<vmem>>, vector<16xf32>,
      tpu.vector_store %arg9[%swap3A_200, %swap3A_201], %broadcast_in_dim3A_1 {strides = array<i32>} : memref<32x128xf32, #tpu.memory_space<vmem>>, vector<16xf32>,
      %swap3A_203 = arith.index_cast %scan3A_196 : i32 to index
      %swap3A_204 = arith.constant 32 : index
      %swap3A_205 = tpu.vector_load %arg9[%swap3A_203, %swap3A_204] {strides = array<i32>} : memref<32x128xf32, #tpu.memory_space<vmem>>, vector<16xf32>,
      tpu.vector_store %arg9[%swap3A_203, %swap3A_204], %broadcast_in_dim3A_1 {strides = array<i32>} : memref<32x128xf32, #tpu.memory_space<vmem>>, vector<16xf32>,
      %swap3A_206 = arith.index_cast %scan3A_196 : i32 to index
      %swap3A_207 = arith.constant 48 : index
      %swap3A_208 = tpu.vector_load %arg9[%swap3A_206, %swap3A_207] {strides = array<i32>} : memref<32x128xf32, #tpu.memory_space<vmem>>, vector<16xf32>,
      tpu.vector_store %arg9[%swap3A_206, %swap3A_207], %broadcast_in_dim3A_1 {strides = array<i32>} : memref<32x128xf32, #tpu.memory_space<vmem>>, vector<16xf32>,
      %swap3A_209 = arith.index_cast %scan3A_196 : i32 to index
      %swap3A_210 = arith.constant 64 : index
      %swap3A_211 = tpu.vector_load %arg9[%swap3A_209, %swap3A_210] {strides = array<i32>} : memref<32x128xf32, #tpu.memory_space<vmem>>, vector<16xf32>,
      tpu.vector_store %arg9[%swap3A_209, %swap3A_210], %broadcast_in_dim3A_1 {strides = array<i32>} : memref<32x128xf32, #tpu.memory_space<vmem>>, vector<16xf32>,
      %swap3A_212 = arith.index_cast %scan3A_196 : i32 to index
      %swap3A_213 = arith.constant 80 : index
      %swap3A_214 = tpu.vector_load %arg9[%swap3A_212, %swap3A_213] {strides = array<i32>} : memref<32x128xf32, #tpu.memory_space<vmem>>, vector<16xf32>,
      tpu.vector_store %arg9[%swap3A_212, %swap3A_213], %broadcast_in_dim3A_1 {strides = array<i32>} : memref<32x128xf32, #tpu.memory_space<vmem>>, vector<16xf32>,
      %swap3A_215 = arith.index_cast %scan3A_196 : i32 to index
      %swap3A_216 = arith.constant 96 : index
      %swap3A_217 = tpu.vector_load %arg9[%swap3A_215, %swap3A_216] {strides = array<i32>} : memref<32x128xf32, #tpu.memory_space<vmem>>, vector<16xf32>,
      tpu.vector_store %arg9[%swap3A_215, %swap3A_216], %broadcast_in_dim3A_1 {strides = array<i32>} : memref<32x128xf32, #tpu.memory_space<vmem>>, vector<16xf32>,
      %swap3A_218 = arith.index_cast %scan3A_196 : i32 to index
      %swap3A_219 = arith.constant 112 : index
      %swap3A_220 = tpu.vector_load %arg9[%swap3A_218, %swap3A_219] {strides = array<i32>} : memref<32x128xf32, #tpu.memory_space<vmem>>, vector<16xf32>,
      tpu.vector_store %arg9[%swap3A_218, %swap3A_219], %broadcast_in_dim3A_1 {strides = array<i32>} : memref<32x128xf32, #tpu.memory_space<vmem>>, vector<16xf32>,
      %scan3A_221 = arith.constant 0 : i32
      scf.yield %scan3A_221 : i32
    }
    %scan3A_22 = arith.constant 32 : i32
    %dma_wait3A = arith.constant 0 : i32
    %dma_wait3A_23 = arith.constant 0 : i32
    %dma_wait3A_24 = tpu.memref_slice %arg3[%add3A, %dma_wait3A, %dma_wait3A_23] : memref<32x158x64xi32, #tpu.memory_space<hbm>> -> memref<1x158x64xi32, #tpu.memory_space<hbm>>
    %dma_wait3A_25 = tpu.memref_squeeze %dma_wait3A_24 : memref<1x158x64xi32, #tpu.memory_space<hbm>> -> memref<158x64xi32, #tpu.memory_space<hbm>>
    %dma_wait3A_26 = arith.constant 0 : i32
    %dma_wait3A_27 = arith.constant 0 : i32
    %dma_wait3A_28 = tpu.memref_slice %arg3[%add3A, %dma_wait3A_26, %dma_wait3A_27] : memref<32x158x64xi32, #tpu.memory_space<hbm>> -> memref<1x158x64xi32, #tpu.memory_space<hbm>>
    %dma_wait3A_29 = tpu.memref_squeeze %dma_wait3A_28 : memref<1x158x64xi32, #tpu.memory_space<hbm>> -> memref<158x64xi32, #tpu.memory_space<hbm>>
    tpu.wait_dma2 semaphore(%arg11 : memref<!tpu.dma_semaphore, #tpu.memory_space<semaphore_mem>>) src(%dma_wait3A_29 : memref<158x64xi32, #tpu.memory_space<hbm>>) dst(%arg6 : memref<158x64xi32, #tpu.memory_space<vmem>>)
    %dma_wait3A_30 = arith.constant 0 : i32
    %dma_wait3A_31 = arith.constant 0 : i32
    %dma_wait3A_32 = tpu.memref_slice %arg4[%add3A, %dma_wait3A_30, %dma_wait3A_31] : memref<32x158x64xi32, #tpu.memory_space<hbm>> -> memref<1x158x64xi32, #tpu.memory_space<hbm>>
    %dma_wait3A_33 = tpu.memref_squeeze %dma_wait3A_32 : memref<1x158x64xi32, #tpu.memory_space<hbm>> -> memref<158x64xi32, #tpu.memory_space<hbm>>
    %dma_wait3A_34 = arith.constant 0 : i32
    %dma_wait3A_35 = arith.constant 0 : i32
    %dma_wait3A_36 = tpu.memref_slice %arg4[%add3A, %dma_wait3A_34, %dma_wait3A_35] : memref<32x158x64xi32, #tpu.memory_space<hbm>> -> memref<1x158x64xi32, #tpu.memory_space<hbm>>
    %dma_wait3A_37 = tpu.memref_squeeze %dma_wait3A_36 : memref<1x158x64xi32, #tpu.memory_space<hbm>> -> memref<158x64xi32, #tpu.memory_space<hbm>>
    tpu.wait_dma2 semaphore(%arg11 : memref<!tpu.dma_semaphore, #tpu.memory_space<semaphore_mem>>) src(%dma_wait3A_37 : memref<158x64xi32, #tpu.memory_space<hbm>>) dst(%arg7 : memref<158x64xi32, #tpu.memory_space<vmem>>)
    %dma_start3A_38 = arith.constant 0 : i32
    %dma_start3A_39 = arith.constant 0 : i32
    %dma_start3A_40 = arith.constant 0 : i32
    %dma_start3A_41 = arith.constant 0 : i32
    %dma_start3A_42 = tpu.memref_slice %arg8[%dma_start3A_39, %dma_start3A_40, %dma_start3A_41] : memref<3x64x128xf32, #tpu.memory_space<vmem>> -> memref<1x64x128xf32, #tpu.memory_space<vmem>>
    %dma_start3A_43 = tpu.memref_squeeze %dma_start3A_42 : memref<1x64x128xf32, #tpu.memory_space<vmem>> -> memref<64x128xf32, #tpu.memory_space<vmem>>
    %dma_start3A_44 = arith.constant 0 : i32
    %dma_start3A_45 = tpu.memref_slice %arg6[%dma_start3A_38, %dma_start3A_44] : memref<158x64xi32, #tpu.memory_space<vmem>> -> memref<1x64xi32, #tpu.memory_space<vmem>>
    %dma_start3A_46 = tpu.memref_squeeze %dma_start3A_45 : memref<1x64xi32, #tpu.memory_space<vmem>> -> memref<64xi32, #tpu.memory_space<vmem>>
    %dma_start3A_47 = arith.constant 0 : i32
    %dma_start3A_48 = arith.constant 0 : i32
    %dma_start3A_49 = tpu.memref_slice %arg2[%dma_start3A_47, %dma_start3A_48] : memref<10240x128xf32, #tpu.memory_space<hbm>> -> memref<10240x128xf32, #tpu.memory_space<hbm>>
    tpu.enqueue_indirect_dma source(%dma_start3A_49 : memref<10240x128xf32, #tpu.memory_space<hbm>>) target(%dma_start3A_43 : memref<64x128xf32, #tpu.memory_space<vmem>>) offsets(%dma_start3A_46 : memref<64xi32, #tpu.memory_space<vmem>>) semaphore(%arg12 : memref<!tpu.dma_semaphore, #tpu.memory_space<semaphore_mem>>)
    %dma_start3A_50 = arith.constant 1 : i32
    %dma_start3A_51 = arith.constant 1 : i32
    %dma_start3A_52 = arith.constant 0 : i32
    %dma_start3A_53 = arith.constant 0 : i32
    %dma_start3A_54 = tpu.memref_slice %arg8[%dma_start3A_51, %dma_start3A_52, %dma_start3A_53] : memref<3x64x128xf32, #tpu.memory_space<vmem>> -> memref<1x64x128xf32, #tpu.memory_space<vmem>>
    %dma_start3A_55 = tpu.memref_squeeze %dma_start3A_54 : memref<1x64x128xf32, #tpu.memory_space<vmem>> -> memref<64x128xf32, #tpu.memory_space<vmem>>
    %dma_start3A_56 = arith.constant 0 : i32
    %dma_start3A_57 = tpu.memref_slice %arg6[%dma_start3A_50, %dma_start3A_56] : memref<158x64xi32, #tpu.memory_space<vmem>> -> memref<1x64xi32, #tpu.memory_space<vmem>>
    %dma_start3A_58 = tpu.memref_squeeze %dma_start3A_57 : memref<1x64xi32, #tpu.memory_space<vmem>> -> memref<64xi32, #tpu.memory_space<vmem>>
    %dma_start3A_59 = arith.constant 0 : i32
    %dma_start3A_60 = arith.constant 0 : i32
    %dma_start3A_61 = tpu.memref_slice %arg2[%dma_start3A_59, %dma_start3A_60] : memref<10240x128xf32, #tpu.memory_space<hbm>> -> memref<10240x128xf32, #tpu.memory_space<hbm>>
    tpu.enqueue_indirect_dma source(%dma_start3A_61 : memref<10240x128xf32, #tpu.memory_space<hbm>>) target(%dma_start3A_55 : memref<64x128xf32, #tpu.memory_space<vmem>>) offsets(%dma_start3A_58 : memref<64xi32, #tpu.memory_space<vmem>>) semaphore(%arg13 : memref<!tpu.dma_semaphore, #tpu.memory_space<semaphore_mem>>)
    %mul3A_62 = arith.constant 640 : i32
    %mul3A_63 = arith.muli %arg1, %mul3A_62 : i32
    %add3A_64 = arith.constant 0 : i32
    %add3A_65 = arith.addi %mul3A_63, %add3A_64 : i32
    "tpu.region"() ({
      %run_scoped3A = tpu.sem_alloc : memref<!tpu.dma_semaphore, #tpu.memory_space<semaphore_mem>>
      %dma_start3A_196 = arith.constant 0 : i32
      %dma_start3A_197 = tpu.memref_slice %arg10[%add3A_65, %dma_start3A_196] : memref<10240x128xf32, #tpu.memory_space<vmem_shared>> -> memref<32x128xf32, #tpu.memory_space<vmem_shared>>
      %dma_start3A_198 = arith.constant 0 : i32
      %dma_start3A_199 = tpu.memref_slice %arg10[%add3A_65, %dma_start3A_198] : memref<10240x128xf32, #tpu.memory_space<vmem_shared>> -> memref<32x128xf32, #tpu.memory_space<vmem_shared>>
      tpu.enqueue_dma source(%arg9 : memref<32x128xf32, #tpu.memory_space<vmem>>) target(%dma_start3A_199 : memref<32x128xf32, #tpu.memory_space<vmem_shared>>) target_semaphore(%run_scoped3A : memref<!tpu.dma_semaphore, #tpu.memory_space<semaphore_mem>>)
      %dma_wait3A_200 = arith.constant 0 : i32
      %dma_wait3A_201 = tpu.memref_slice %arg10[%add3A_65, %dma_wait3A_200] : memref<10240x128xf32, #tpu.memory_space<vmem_shared>> -> memref<32x128xf32, #tpu.memory_space<vmem_shared>>
      %dma_wait3A_202 = arith.constant 0 : i32
      %dma_wait3A_203 = tpu.memref_slice %arg10[%add3A_65, %dma_wait3A_202] : memref<10240x128xf32, #tpu.memory_space<vmem_shared>> -> memref<32x128xf32, #tpu.memory_space<vmem_shared>>
      tpu.wait_dma2 semaphore(%run_scoped3A : memref<!tpu.dma_semaphore, #tpu.memory_space<semaphore_mem>>) src(%arg9 : memref<32x128xf32, #tpu.memory_space<vmem>>) dst(%dma_wait3A_203 : memref<32x128xf32, #tpu.memory_space<vmem_shared>>)
      tpu.yield
    }) : () -> ()
    %add3A_66 = arith.constant 32 : i32
    %add3A_67 = arith.addi %mul3A_63, %add3A_66 : i32
    "tpu.region"() ({
      %run_scoped3A = tpu.sem_alloc : memref<!tpu.dma_semaphore, #tpu.memory_space<semaphore_mem>>
      %dma_start3A_196 = arith.constant 0 : i32
      %dma_start3A_197 = tpu.memref_slice %arg10[%add3A_67, %dma_start3A_196] : memref<10240x128xf32, #tpu.memory_space<vmem_shared>> -> memref<32x128xf32, #tpu.memory_space<vmem_shared>>
      %dma_start3A_198 = arith.constant 0 : i32
      %dma_start3A_199 = tpu.memref_slice %arg10[%add3A_67, %dma_start3A_198] : memref<10240x128xf32, #tpu.memory_space<vmem_shared>> -> memref<32x128xf32, #tpu.memory_space<vmem_shared>>
      tpu.enqueue_dma source(%arg9 : memref<32x128xf32, #tpu.memory_space<vmem>>) target(%dma_start3A_199 : memref<32x128xf32, #tpu.memory_space<vmem_shared>>) target_semaphore(%run_scoped3A : memref<!tpu.dma_semaphore, #tpu.memory_space<semaphore_mem>>)
      %dma_wait3A_200 = arith.constant 0 : i32
      %dma_wait3A_201 = tpu.memref_slice %arg10[%add3A_67, %dma_wait3A_200] : memref<10240x128xf32, #tpu.memory_space<vmem_shared>> -> memref<32x128xf32, #tpu.memory_space<vmem_shared>>
      %dma_wait3A_202 = arith.constant 0 : i32
      %dma_wait3A_203 = tpu.memref_slice %arg10[%add3A_67, %dma_wait3A_202] : memref<10240x128xf32, #tpu.memory_space<vmem_shared>> -> memref<32x128xf32, #tpu.memory_space<vmem_shared>>
      tpu.wait_dma2 semaphore(%run_scoped3A : memref<!tpu.dma_semaphore, #tpu.memory_space<semaphore_mem>>) src(%arg9 : memref<32x128xf32, #tpu.memory_space<vmem>>) dst(%dma_wait3A_203 : memref<32x128xf32, #tpu.memory_space<vmem_shared>>)
      tpu.yield
    }) : () -> ()
    %add3A_68 = arith.constant 64 : i32
    %add3A_69 = arith.addi %mul3A_63, %add3A_68 : i32
    "tpu.region"() ({
      %run_scoped3A = tpu.sem_alloc : memref<!tpu.dma_semaphore, #tpu.memory_space<semaphore_mem>>
      %dma_start3A_196 = arith.constant 0 : i32
      %dma_start3A_197 = tpu.memref_slice %arg10[%add3A_69, %dma_start3A_196] : memref<10240x128xf32, #tpu.memory_space<vmem_shared>> -> memref<32x128xf32, #tpu.memory_space<vmem_shared>>
      %dma_start3A_198 = arith.constant 0 : i32
      %dma_start3A_199 = tpu.memref_slice %arg10[%add3A_69, %dma_start3A_198] : memref<10240x128xf32, #tpu.memory_space<vmem_shared>> -> memref<32x128xf32, #tpu.memory_space<vmem_shared>>
      tpu.enqueue_dma source(%arg9 : memref<32x128xf32, #tpu.memory_space<vmem>>) target(%dma_start3A_199 : memref<32x128xf32, #tpu.memory_space<vmem_shared>>) target_semaphore(%run_scoped3A : memref<!tpu.dma_semaphore, #tpu.memory_space<semaphore_mem>>)
      %dma_wait3A_200 = arith.constant 0 : i32
      %dma_wait3A_201 = tpu.memref_slice %arg10[%add3A_69, %dma_wait3A_200] : memref<10240x128xf32, #tpu.memory_space<vmem_shared>> -> memref<32x128xf32, #tpu.memory_space<vmem_shared>>
      %dma_wait3A_202 = arith.constant 0 : i32
      %dma_wait3A_203 = tpu.memref_slice %arg10[%add3A_69, %dma_wait3A_202] : memref<10240x128xf32, #tpu.memory_space<vmem_shared>> -> memref<32x128xf32, #tpu.memory_space<vmem_shared>>
      tpu.wait_dma2 semaphore(%run_scoped3A : memref<!tpu.dma_semaphore, #tpu.memory_space<semaphore_mem>>) src(%arg9 : memref<32x128xf32, #tpu.memory_space<vmem>>) dst(%dma_wait3A_203 : memref<32x128xf32, #tpu.memory_space<vmem_shared>>)
      tpu.yield
    }) : () -> ()
    %add3A_70 = arith.constant 96 : i32
    %add3A_71 = arith.addi %mul3A_63, %add3A_70 : i32
    "tpu.region"() ({
      %run_scoped3A = tpu.sem_alloc : memref<!tpu.dma_semaphore, #tpu.memory_space<semaphore_mem>>
      %dma_start3A_196 = arith.constant 0 : i32
      %dma_start3A_197 = tpu.memref_slice %arg10[%add3A_71, %dma_start3A_196] : memref<10240x128xf32, #tpu.memory_space<vmem_shared>> -> memref<32x128xf32, #tpu.memory_space<vmem_shared>>
      %dma_start3A_198 = arith.constant 0 : i32
      %dma_start3A_199 = tpu.memref_slice %arg10[%add3A_71, %dma_start3A_198] : memref<10240x128xf32, #tpu.memory_space<vmem_shared>> -> memref<32x128xf32, #tpu.memory_space<vmem_shared>>
      tpu.enqueue_dma source(%arg9 : memref<32x128xf32, #tpu.memory_space<vmem>>) target(%dma_start3A_199 : memref<32x128xf32, #tpu.memory_space<vmem_shared>>) target_semaphore(%run_scoped3A : memref<!tpu.dma_semaphore, #tpu.memory_space<semaphore_mem>>)
      %dma_wait3A_200 = arith.constant 0 : i32
      %dma_wait3A_201 = tpu.memref_slice %arg10[%add3A_71, %dma_wait3A_200] : memref<10240x128xf32, #tpu.memory_space<vmem_shared>> -> memref<32x128xf32, #tpu.memory_space<vmem_shared>>
      %dma_wait3A_202 = arith.constant 0 : i32
      %dma_wait3A_203 = tpu.memref_slice %arg10[%add3A_71, %dma_wait3A_202] : memref<10240x128xf32, #tpu.memory_space<vmem_shared>> -> memref<32x128xf32, #tpu.memory_space<vmem_shared>>
      tpu.wait_dma2 semaphore(%run_scoped3A : memref<!tpu.dma_semaphore, #tpu.memory_space<semaphore_mem>>) src(%arg9 : memref<32x128xf32, #tpu.memory_space<vmem>>) dst(%dma_wait3A_203 : memref<32x128xf32, #tpu.memory_space<vmem_shared>>)
      tpu.yield
    }) : () -> ()
    %add3A_72 = arith.constant 128 : i32
    %add3A_73 = arith.addi %mul3A_63, %add3A_72 : i32
    "tpu.region"() ({
      %run_scoped3A = tpu.sem_alloc : memref<!tpu.dma_semaphore, #tpu.memory_space<semaphore_mem>>
      %dma_start3A_196 = arith.constant 0 : i32
      %dma_start3A_197 = tpu.memref_slice %arg10[%add3A_73, %dma_start3A_196] : memref<10240x128xf32, #tpu.memory_space<vmem_shared>> -> memref<32x128xf32, #tpu.memory_space<vmem_shared>>
      %dma_start3A_198 = arith.constant 0 : i32
      %dma_start3A_199 = tpu.memref_slice %arg10[%add3A_73, %dma_start3A_198] : memref<10240x128xf32, #tpu.memory_space<vmem_shared>> -> memref<32x128xf32, #tpu.memory_space<vmem_shared>>
      tpu.enqueue_dma source(%arg9 : memref<32x128xf32, #tpu.memory_space<vmem>>) target(%dma_start3A_199 : memref<32x128xf32, #tpu.memory_space<vmem_shared>>) target_semaphore(%run_scoped3A : memref<!tpu.dma_semaphore, #tpu.memory_space<semaphore_mem>>)
      %dma_wait3A_200 = arith.constant 0 : i32
      %dma_wait3A_201 = tpu.memref_slice %arg10[%add3A_73, %dma_wait3A_200] : memref<10240x128xf32, #tpu.memory_space<vmem_shared>> -> memref<32x128xf32, #tpu.memory_space<vmem_shared>>
      %dma_wait3A_202 = arith.constant 0 : i32
      %dma_wait3A_203 = tpu.memref_slice %arg10[%add3A_73, %dma_wait3A_202] : memref<10240x128xf32, #tpu.memory_space<vmem_shared>> -> memref<32x128xf32, #tpu.memory_space<vmem_shared>>
      tpu.wait_dma2 semaphore(%run_scoped3A : memref<!tpu.dma_semaphore, #tpu.memory_space<semaphore_mem>>) src(%arg9 : memref<32x128xf32, #tpu.memory_space<vmem>>) dst(%dma_wait3A_203 : memref<32x128xf32, #tpu.memory_space<vmem_shared>>)
      tpu.yield
    }) : () -> ()
    %add3A_74 = arith.constant 160 : i32
    %add3A_75 = arith.addi %mul3A_63, %add3A_74 : i32
    "tpu.region"() ({
      %run_scoped3A = tpu.sem_alloc : memref<!tpu.dma_semaphore, #tpu.memory_space<semaphore_mem>>
      %dma_start3A_196 = arith.constant 0 : i32
      %dma_start3A_197 = tpu.memref_slice %arg10[%add3A_75, %dma_start3A_196] : memref<10240x128xf32, #tpu.memory_space<vmem_shared>> -> memref<32x128xf32, #tpu.memory_space<vmem_shared>>
      %dma_start3A_198 = arith.constant 0 : i32
      %dma_start3A_199 = tpu.memref_slice %arg10[%add3A_75, %dma_start3A_198] : memref<10240x128xf32, #tpu.memory_space<vmem_shared>> -> memref<32x128xf32, #tpu.memory_space<vmem_shared>>
      tpu.enqueue_dma source(%arg9 : memref<32x128xf32, #tpu.memory_space<vmem>>) target(%dma_start3A_199 : memref<32x128xf32, #tpu.memory_space<vmem_shared>>) target_semaphore(%run_scoped3A : memref<!tpu.dma_semaphore, #tpu.memory_space<semaphore_mem>>)
      %dma_wait3A_200 = arith.constant 0 : i32
      %dma_wait3A_201 = tpu.memref_slice %arg10[%add3A_75, %dma_wait3A_200] : memref<10240x128xf32, #tpu.memory_space<vmem_shared>> -> memref<32x128xf32, #tpu.memory_space<vmem_shared>>
      %dma_wait3A_202 = arith.constant 0 : i32
      %dma_wait3A_203 = tpu.memref_slice %arg10[%add3A_75, %dma_wait3A_202] : memref<10240x128xf32, #tpu.memory_space<vmem_shared>> -> memref<32x128xf32, #tpu.memory_space<vmem_shared>>
      tpu.wait_dma2 semaphore(%run_scoped3A : memref<!tpu.dma_semaphore, #tpu.memory_space<semaphore_mem>>) src(%arg9 : memref<32x128xf32, #tpu.memory_space<vmem>>) dst(%dma_wait3A_203 : memref<32x128xf32, #tpu.memory_space<vmem_shared>>)
      tpu.yield
    }) : () -> ()
    %add3A_76 = arith.constant 192 : i32
    %add3A_77 = arith.addi %mul3A_63, %add3A_76 : i32
    "tpu.region"() ({
      %run_scoped3A = tpu.sem_alloc : memref<!tpu.dma_semaphore, #tpu.memory_space<semaphore_mem>>
      %dma_start3A_196 = arith.constant 0 : i32
      %dma_start3A_197 = tpu.memref_slice %arg10[%add3A_77, %dma_start3A_196] : memref<10240x128xf32, #tpu.memory_space<vmem_shared>> -> memref<32x128xf32, #tpu.memory_space<vmem_shared>>
      %dma_start3A_198 = arith.constant 0 : i32
      %dma_start3A_199 = tpu.memref_slice %arg10[%add3A_77, %dma_start3A_198] : memref<10240x128xf32, #tpu.memory_space<vmem_shared>> -> memref<32x128xf32, #tpu.memory_space<vmem_shared>>
      tpu.enqueue_dma source(%arg9 : memref<32x128xf32, #tpu.memory_space<vmem>>) target(%dma_start3A_199 : memref<32x128xf32, #tpu.memory_space<vmem_shared>>) target_semaphore(%run_scoped3A : memref<!tpu.dma_semaphore, #tpu.memory_space<semaphore_mem>>)
      %dma_wait3A_200 = arith.constant 0 : i32
      %dma_wait3A_201 = tpu.memref_slice %arg10[%add3A_77, %dma_wait3A_200] : memref<10240x128xf32, #tpu.memory_space<vmem_shared>> -> memref<32x128xf32, #tpu.memory_space<vmem_shared>>
      %dma_wait3A_202 = arith.constant 0 : i32
      %dma_wait3A_203 = tpu.memref_slice %arg10[%add3A_77, %dma_wait3A_202] : memref<10240x128xf32, #tpu.memory_space<vmem_shared>> -> memref<32x128xf32, #tpu.memory_space<vmem_shared>>
      tpu.wait_dma2 semaphore(%run_scoped3A : memref<!tpu.dma_semaphore, #tpu.memory_space<semaphore_mem>>) src(%arg9 : memref<32x128xf32, #tpu.memory_space<vmem>>) dst(%dma_wait3A_203 : memref<32x128xf32, #tpu.memory_space<vmem_shared>>)
      tpu.yield
    }) : () -> ()
    %add3A_78 = arith.constant 224 : i32
    %add3A_79 = arith.addi %mul3A_63, %add3A_78 : i32
    "tpu.region"() ({
      %run_scoped3A = tpu.sem_alloc : memref<!tpu.dma_semaphore, #tpu.memory_space<semaphore_mem>>
      %dma_start3A_196 = arith.constant 0 : i32
      %dma_start3A_197 = tpu.memref_slice %arg10[%add3A_79, %dma_start3A_196] : memref<10240x128xf32, #tpu.memory_space<vmem_shared>> -> memref<32x128xf32, #tpu.memory_space<vmem_shared>>
      %dma_start3A_198 = arith.constant 0 : i32
      %dma_start3A_199 = tpu.memref_slice %arg10[%add3A_79, %dma_start3A_198] : memref<10240x128xf32, #tpu.memory_space<vmem_shared>> -> memref<32x128xf32, #tpu.memory_space<vmem_shared>>
      tpu.enqueue_dma source(%arg9 : memref<32x128xf32, #tpu.memory_space<vmem>>) target(%dma_start3A_199 : memref<32x128xf32, #tpu.memory_space<vmem_shared>>) target_semaphore(%run_scoped3A : memref<!tpu.dma_semaphore, #tpu.memory_space<semaphore_mem>>)
      %dma_wait3A_200 = arith.constant 0 : i32
      %dma_wait3A_201 = tpu.memref_slice %arg10[%add3A_79, %dma_wait3A_200] : memref<10240x128xf32, #tpu.memory_space<vmem_shared>> -> memref<32x128xf32, #tpu.memory_space<vmem_shared>>
      %dma_wait3A_202 = arith.constant 0 : i32
      %dma_wait3A_203 = tpu.memref_slice %arg10[%add3A_79, %dma_wait3A_202] : memref<10240x128xf32, #tpu.memory_space<vmem_shared>> -> memref<32x128xf32, #tpu.memory_space<vmem_shared>>
      tpu.wait_dma2 semaphore(%run_scoped3A : memref<!tpu.dma_semaphore, #tpu.memory_space<semaphore_mem>>) src(%arg9 : memref<32x128xf32, #tpu.memory_space<vmem>>) dst(%dma_wait3A_203 : memref<32x128xf32, #tpu.memory_space<vmem_shared>>)
      tpu.yield
    }) : () -> ()
    %add3A_80 = arith.constant 256 : i32
    %add3A_81 = arith.addi %mul3A_63, %add3A_80 : i32
    "tpu.region"() ({
      %run_scoped3A = tpu.sem_alloc : memref<!tpu.dma_semaphore, #tpu.memory_space<semaphore_mem>>
      %dma_start3A_196 = arith.constant 0 : i32
      %dma_start3A_197 = tpu.memref_slice %arg10[%add3A_81, %dma_start3A_196] : memref<10240x128xf32, #tpu.memory_space<vmem_shared>> -> memref<32x128xf32, #tpu.memory_space<vmem_shared>>
      %dma_start3A_198 = arith.constant 0 : i32
      %dma_start3A_199 = tpu.memref_slice %arg10[%add3A_81, %dma_start3A_198] : memref<10240x128xf32, #tpu.memory_space<vmem_shared>> -> memref<32x128xf32, #tpu.memory_space<vmem_shared>>
      tpu.enqueue_dma source(%arg9 : memref<32x128xf32, #tpu.memory_space<vmem>>) target(%dma_start3A_199 : memref<32x128xf32, #tpu.memory_space<vmem_shared>>) target_semaphore(%run_scoped3A : memref<!tpu.dma_semaphore, #tpu.memory_space<semaphore_mem>>)
      %dma_wait3A_200 = arith.constant 0 : i32
      %dma_wait3A_201 = tpu.memref_slice %arg10[%add3A_81, %dma_wait3A_200] : memref<10240x128xf32, #tpu.memory_space<vmem_shared>> -> memref<32x128xf32, #tpu.memory_space<vmem_shared>>
      %dma_wait3A_202 = arith.constant 0 : i32
      %dma_wait3A_203 = tpu.memref_slice %arg10[%add3A_81, %dma_wait3A_202] : memref<10240x128xf32, #tpu.memory_space<vmem_shared>> -> memref<32x128xf32, #tpu.memory_space<vmem_shared>>
      tpu.wait_dma2 semaphore(%run_scoped3A : memref<!tpu.dma_semaphore, #tpu.memory_space<semaphore_mem>>) src(%arg9 : memref<32x128xf32, #tpu.memory_space<vmem>>) dst(%dma_wait3A_203 : memref<32x128xf32, #tpu.memory_space<vmem_shared>>)
      tpu.yield
    }) : () -> ()
    %add3A_82 = arith.constant 288 : i32
    %add3A_83 = arith.addi %mul3A_63, %add3A_82 : i32
    "tpu.region"() ({
      %run_scoped3A = tpu.sem_alloc : memref<!tpu.dma_semaphore, #tpu.memory_space<semaphore_mem>>
      %dma_start3A_196 = arith.constant 0 : i32
      %dma_start3A_197 = tpu.memref_slice %arg10[%add3A_83, %dma_start3A_196] : memref<10240x128xf32, #tpu.memory_space<vmem_shared>> -> memref<32x128xf32, #tpu.memory_space<vmem_shared>>
      %dma_start3A_198 = arith.constant 0 : i32
      %dma_start3A_199 = tpu.memref_slice %arg10[%add3A_83, %dma_start3A_198] : memref<10240x128xf32, #tpu.memory_space<vmem_shared>> -> memref<32x128xf32, #tpu.memory_space<vmem_shared>>
      tpu.enqueue_dma source(%arg9 : memref<32x128xf32, #tpu.memory_space<vmem>>) target(%dma_start3A_199 : memref<32x128xf32, #tpu.memory_space<vmem_shared>>) target_semaphore(%run_scoped3A : memref<!tpu.dma_semaphore, #tpu.memory_space<semaphore_mem>>)
      %dma_wait3A_200 = arith.constant 0 : i32
      %dma_wait3A_201 = tpu.memref_slice %arg10[%add3A_83, %dma_wait3A_200] : memref<10240x128xf32, #tpu.memory_space<vmem_shared>> -> memref<32x128xf32, #tpu.memory_space<vmem_shared>>
      %dma_wait3A_202 = arith.constant 0 : i32
      %dma_wait3A_203 = tpu.memref_slice %arg10[%add3A_83, %dma_wait3A_202] : memref<10240x128xf32, #tpu.memory_space<vmem_shared>> -> memref<32x128xf32, #tpu.memory_space<vmem_shared>>
      tpu.wait_dma2 semaphore(%run_scoped3A : memref<!tpu.dma_semaphore, #tpu.memory_space<semaphore_mem>>) src(%arg9 : memref<32x128xf32, #tpu.memory_space<vmem>>) dst(%dma_wait3A_203 : memref<32x128xf32, #tpu.memory_space<vmem_shared>>)
      tpu.yield
    }) : () -> ()
    %add3A_84 = arith.constant 320 : i32
    %add3A_85 = arith.addi %mul3A_63, %add3A_84 : i32
    "tpu.region"() ({
      %run_scoped3A = tpu.sem_alloc : memref<!tpu.dma_semaphore, #tpu.memory_space<semaphore_mem>>
      %dma_start3A_196 = arith.constant 0 : i32
      %dma_start3A_197 = tpu.memref_slice %arg10[%add3A_85, %dma_start3A_196] : memref<10240x128xf32, #tpu.memory_space<vmem_shared>> -> memref<32x128xf32, #tpu.memory_space<vmem_shared>>
      %dma_start3A_198 = arith.constant 0 : i32
      %dma_start3A_199 = tpu.memref_slice %arg10[%add3A_85, %dma_start3A_198] : memref<10240x128xf32, #tpu.memory_space<vmem_shared>> -> memref<32x128xf32, #tpu.memory_space<vmem_shared>>
      tpu.enqueue_dma source(%arg9 : memref<32x128xf32, #tpu.memory_space<vmem>>) target(%dma_start3A_199 : memref<32x128xf32, #tpu.memory_space<vmem_shared>>) target_semaphore(%run_scoped3A : memref<!tpu.dma_semaphore, #tpu.memory_space<semaphore_mem>>)
      %dma_wait3A_200 = arith.constant 0 : i32
      %dma_wait3A_201 = tpu.memref_slice %arg10[%add3A_85, %dma_wait3A_200] : memref<10240x128xf32, #tpu.memory_space<vmem_shared>> -> memref<32x128xf32, #tpu.memory_space<vmem_shared>>
      %dma_wait3A_202 = arith.constant 0 : i32
      %dma_wait3A_203 = tpu.memref_slice %arg10[%add3A_85, %dma_wait3A_202] : memref<10240x128xf32, #tpu.memory_space<vmem_shared>> -> memref<32x128xf32, #tpu.memory_space<vmem_shared>>
      tpu.wait_dma2 semaphore(%run_scoped3A : memref<!tpu.dma_semaphore, #tpu.memory_space<semaphore_mem>>) src(%arg9 : memref<32x128xf32, #tpu.memory_space<vmem>>) dst(%dma_wait3A_203 : memref<32x128xf32, #tpu.memory_space<vmem_shared>>)
      tpu.yield
    }) : () -> ()
    %add3A_86 = arith.constant 352 : i32
    %add3A_87 = arith.addi %mul3A_63, %add3A_86 : i32
    "tpu.region"() ({
      %run_scoped3A = tpu.sem_alloc : memref<!tpu.dma_semaphore, #tpu.memory_space<semaphore_mem>>
      %dma_start3A_196 = arith.constant 0 : i32
      %dma_start3A_197 = tpu.memref_slice %arg10[%add3A_87, %dma_start3A_196] : memref<10240x128xf32, #tpu.memory_space<vmem_shared>> -> memref<32x128xf32, #tpu.memory_space<vmem_shared>>
      %dma_start3A_198 = arith.constant 0 : i32
      %dma_start3A_199 = tpu.memref_slice %arg10[%add3A_87, %dma_start3A_198] : memref<10240x128xf32, #tpu.memory_space<vmem_shared>> -> memref<32x128xf32, #tpu.memory_space<vmem_shared>>
      tpu.enqueue_dma source(%arg9 : memref<32x128xf32, #tpu.memory_space<vmem>>) target(%dma_start3A_199 : memref<32x128xf32, #tpu.memory_space<vmem_shared>>) target_semaphore(%run_scoped3A : memref<!tpu.dma_semaphore, #tpu.memory_space<semaphore_mem>>)
      %dma_wait3A_200 = arith.constant 0 : i32
      %dma_wait3A_201 = tpu.memref_slice %arg10[%add3A_87, %dma_wait3A_200] : memref<10240x128xf32, #tpu.memory_space<vmem_shared>> -> memref<32x128xf32, #tpu.memory_space<vmem_shared>>
      %dma_wait3A_202 = arith.constant 0 : i32
      %dma_wait3A_203 = tpu.memref_slice %arg10[%add3A_87, %dma_wait3A_202] : memref<10240x128xf32, #tpu.memory_space<vmem_shared>> -> memref<32x128xf32, #tpu.memory_space<vmem_shared>>
      tpu.wait_dma2 semaphore(%run_scoped3A : memref<!tpu.dma_semaphore, #tpu.memory_space<semaphore_mem>>) src(%arg9 : memref<32x128xf32, #tpu.memory_space<vmem>>) dst(%dma_wait3A_203 : memref<32x128xf32, #tpu.memory_space<vmem_shared>>)
      tpu.yield
    }) : () -> ()
    %add3A_88 = arith.constant 384 : i32
    %add3A_89 = arith.addi %mul3A_63, %add3A_88 : i32
    "tpu.region"() ({
      %run_scoped3A = tpu.sem_alloc : memref<!tpu.dma_semaphore, #tpu.memory_space<semaphore_mem>>
      %dma_start3A_196 = arith.constant 0 : i32
      %dma_start3A_197 = tpu.memref_slice %arg10[%add3A_89, %dma_start3A_196] : memref<10240x128xf32, #tpu.memory_space<vmem_shared>> -> memref<32x128xf32, #tpu.memory_space<vmem_shared>>
      %dma_start3A_198 = arith.constant 0 : i32
      %dma_start3A_199 = tpu.memref_slice %arg10[%add3A_89, %dma_start3A_198] : memref<10240x128xf32, #tpu.memory_space<vmem_shared>> -> memref<32x128xf32, #tpu.memory_space<vmem_shared>>
      tpu.enqueue_dma source(%arg9 : memref<32x128xf32, #tpu.memory_space<vmem>>) target(%dma_start3A_199 : memref<32x128xf32, #tpu.memory_space<vmem_shared>>) target_semaphore(%run_scoped3A : memref<!tpu.dma_semaphore, #tpu.memory_space<semaphore_mem>>)
      %dma_wait3A_200 = arith.constant 0 : i32
      %dma_wait3A_201 = tpu.memref_slice %arg10[%add3A_89, %dma_wait3A_200] : memref<10240x128xf32, #tpu.memory_space<vmem_shared>> -> memref<32x128xf32, #tpu.memory_space<vmem_shared>>
      %dma_wait3A_202 = arith.constant 0 : i32
      %dma_wait3A_203 = tpu.memref_slice %arg10[%add3A_89, %dma_wait3A_202] : memref<10240x128xf32, #tpu.memory_space<vmem_shared>> -> memref<32x128xf32, #tpu.memory_space<vmem_shared>>
      tpu.wait_dma2 semaphore(%run_scoped3A : memref<!tpu.dma_semaphore, #tpu.memory_space<semaphore_mem>>) src(%arg9 : memref<32x128xf32, #tpu.memory_space<vmem>>) dst(%dma_wait3A_203 : memref<32x128xf32, #tpu.memory_space<vmem_shared>>)
      tpu.yield
    }) : () -> ()
    %add3A_90 = arith.constant 416 : i32
    %add3A_91 = arith.addi %mul3A_63, %add3A_90 : i32
    "tpu.region"() ({
      %run_scoped3A = tpu.sem_alloc : memref<!tpu.dma_semaphore, #tpu.memory_space<semaphore_mem>>
      %dma_start3A_196 = arith.constant 0 : i32
      %dma_start3A_197 = tpu.memref_slice %arg10[%add3A_91, %dma_start3A_196] : memref<10240x128xf32, #tpu.memory_space<vmem_shared>> -> memref<32x128xf32, #tpu.memory_space<vmem_shared>>
      %dma_start3A_198 = arith.constant 0 : i32
      %dma_start3A_199 = tpu.memref_slice %arg10[%add3A_91, %dma_start3A_198] : memref<10240x128xf32, #tpu.memory_space<vmem_shared>> -> memref<32x128xf32, #tpu.memory_space<vmem_shared>>
      tpu.enqueue_dma source(%arg9 : memref<32x128xf32, #tpu.memory_space<vmem>>) target(%dma_start3A_199 : memref<32x128xf32, #tpu.memory_space<vmem_shared>>) target_semaphore(%run_scoped3A : memref<!tpu.dma_semaphore, #tpu.memory_space<semaphore_mem>>)
      %dma_wait3A_200 = arith.constant 0 : i32
      %dma_wait3A_201 = tpu.memref_slice %arg10[%add3A_91, %dma_wait3A_200] : memref<10240x128xf32, #tpu.memory_space<vmem_shared>> -> memref<32x128xf32, #tpu.memory_space<vmem_shared>>
      %dma_wait3A_202 = arith.constant 0 : i32
      %dma_wait3A_203 = tpu.memref_slice %arg10[%add3A_91, %dma_wait3A_202] : memref<10240x128xf32, #tpu.memory_space<vmem_shared>> -> memref<32x128xf32, #tpu.memory_space<vmem_shared>>
      tpu.wait_dma2 semaphore(%run_scoped3A : memref<!tpu.dma_semaphore, #tpu.memory_space<semaphore_mem>>) src(%arg9 : memref<32x128xf32, #tpu.memory_space<vmem>>) dst(%dma_wait3A_203 : memref<32x128xf32, #tpu.memory_space<vmem_shared>>)
      tpu.yield
    }) : () -> ()
    %add3A_92 = arith.constant 448 : i32
    %add3A_93 = arith.addi %mul3A_63, %add3A_92 : i32
    "tpu.region"() ({
      %run_scoped3A = tpu.sem_alloc : memref<!tpu.dma_semaphore, #tpu.memory_space<semaphore_mem>>
      %dma_start3A_196 = arith.constant 0 : i32
      %dma_start3A_197 = tpu.memref_slice %arg10[%add3A_93, %dma_start3A_196] : memref<10240x128xf32, #tpu.memory_space<vmem_shared>> -> memref<32x128xf32, #tpu.memory_space<vmem_shared>>
      %dma_start3A_198 = arith.constant 0 : i32
      %dma_start3A_199 = tpu.memref_slice %arg10[%add3A_93, %dma_start3A_198] : memref<10240x128xf32, #tpu.memory_space<vmem_shared>> -> memref<32x128xf32, #tpu.memory_space<vmem_shared>>
      tpu.enqueue_dma source(%arg9 : memref<32x128xf32, #tpu.memory_space<vmem>>) target(%dma_start3A_199 : memref<32x128xf32, #tpu.memory_space<vmem_shared>>) target_semaphore(%run_scoped3A : memref<!tpu.dma_semaphore, #tpu.memory_space<semaphore_mem>>)
      %dma_wait3A_200 = arith.constant 0 : i32
      %dma_wait3A_201 = tpu.memref_slice %arg10[%add3A_93, %dma_wait3A_200] : memref<10240x128xf32, #tpu.memory_space<vmem_shared>> -> memref<32x128xf32, #tpu.memory_space<vmem_shared>>
      %dma_wait3A_202 = arith.constant 0 : i32
      %dma_wait3A_203 = tpu.memref_slice %arg10[%add3A_93, %dma_wait3A_202] : memref<10240x128xf32, #tpu.memory_space<vmem_shared>> -> memref<32x128xf32, #tpu.memory_space<vmem_shared>>
      tpu.wait_dma2 semaphore(%run_scoped3A : memref<!tpu.dma_semaphore, #tpu.memory_space<semaphore_mem>>) src(%arg9 : memref<32x128xf32, #tpu.memory_space<vmem>>) dst(%dma_wait3A_203 : memref<32x128xf32, #tpu.memory_space<vmem_shared>>)
      tpu.yield
    }) : () -> ()
    %add3A_94 = arith.constant 480 : i32
    %add3A_95 = arith.addi %mul3A_63, %add3A_94 : i32
    "tpu.region"() ({
      %run_scoped3A = tpu.sem_alloc : memref<!tpu.dma_semaphore, #tpu.memory_space<semaphore_mem>>
      %dma_start3A_196 = arith.constant 0 : i32
      %dma_start3A_197 = tpu.memref_slice %arg10[%add3A_95, %dma_start3A_196] : memref<10240x128xf32, #tpu.memory_space<vmem_shared>> -> memref<32x128xf32, #tpu.memory_space<vmem_shared>>
      %dma_start3A_198 = arith.constant 0 : i32
      %dma_start3A_199 = tpu.memref_slice %arg10[%add3A_95, %dma_start3A_198] : memref<10240x128xf32, #tpu.memory_space<vmem_shared>> -> memref<32x128xf32, #tpu.memory_space<vmem_shared>>
      tpu.enqueue_dma source(%arg9 : memref<32x128xf32, #tpu.memory_space<vmem>>) target(%dma_start3A_199 : memref<32x128xf32, #tpu.memory_space<vmem_shared>>) target_semaphore(%run_scoped3A : memref<!tpu.dma_semaphore, #tpu.memory_space<semaphore_mem>>)
      %dma_wait3A_200 = arith.constant 0 : i32
      %dma_wait3A_201 = tpu.memref_slice %arg10[%add3A_95, %dma_wait3A_200] : memref<10240x128xf32, #tpu.memory_space<vmem_shared>> -> memref<32x128xf32, #tpu.memory_space<vmem_shared>>
      %dma_wait3A_202 = arith.constant 0 : i32
      %dma_wait3A_203 = tpu.memref_slice %arg10[%add3A_95, %dma_wait3A_202] : memref<10240x128xf32, #tpu.memory_space<vmem_shared>> -> memref<32x128xf32, #tpu.memory_space<vmem_shared>>
      tpu.wait_dma2 semaphore(%run_scoped3A : memref<!tpu.dma_semaphore, #tpu.memory_space<semaphore_mem>>) src(%arg9 : memref<32x128xf32, #tpu.memory_space<vmem>>) dst(%dma_wait3A_203 : memref<32x128xf32, #tpu.memory_space<vmem_shared>>)
      tpu.yield
    }) : () -> ()
    %add3A_96 = arith.constant 512 : i32
    %add3A_97 = arith.addi %mul3A_63, %add3A_96 : i32
    "tpu.region"() ({
      %run_scoped3A = tpu.sem_alloc : memref<!tpu.dma_semaphore, #tpu.memory_space<semaphore_mem>>
      %dma_start3A_196 = arith.constant 0 : i32
      %dma_start3A_197 = tpu.memref_slice %arg10[%add3A_97, %dma_start3A_196] : memref<10240x128xf32, #tpu.memory_space<vmem_shared>> -> memref<32x128xf32, #tpu.memory_space<vmem_shared>>
      %dma_start3A_198 = arith.constant 0 : i32
      %dma_start3A_199 = tpu.memref_slice %arg10[%add3A_97, %dma_start3A_198] : memref<10240x128xf32, #tpu.memory_space<vmem_shared>> -> memref<32x128xf32, #tpu.memory_space<vmem_shared>>
      tpu.enqueue_dma source(%arg9 : memref<32x128xf32, #tpu.memory_space<vmem>>) target(%dma_start3A_199 : memref<32x128xf32, #tpu.memory_space<vmem_shared>>) target_semaphore(%run_scoped3A : memref<!tpu.dma_semaphore, #tpu.memory_space<semaphore_mem>>)
      %dma_wait3A_200 = arith.constant 0 : i32
      %dma_wait3A_201 = tpu.memref_slice %arg10[%add3A_97, %dma_wait3A_200] : memref<10240x128xf32, #tpu.memory_space<vmem_shared>> -> memref<32x128xf32, #tpu.memory_space<vmem_shared>>
      %dma_wait3A_202 = arith.constant 0 : i32
      %dma_wait3A_203 = tpu.memref_slice %arg10[%add3A_97, %dma_wait3A_202] : memref<10240x128xf32, #tpu.memory_space<vmem_shared>> -> memref<32x128xf32, #tpu.memory_space<vmem_shared>>
      tpu.wait_dma2 semaphore(%run_scoped3A : memref<!tpu.dma_semaphore, #tpu.memory_space<semaphore_mem>>) src(%arg9 : memref<32x128xf32, #tpu.memory_space<vmem>>) dst(%dma_wait3A_203 : memref<32x128xf32, #tpu.memory_space<vmem_shared>>)
      tpu.yield
    }) : () -> ()
    %add3A_98 = arith.constant 544 : i32
    %add3A_99 = arith.addi %mul3A_63, %add3A_98 : i32
    "tpu.region"() ({
      %run_scoped3A = tpu.sem_alloc : memref<!tpu.dma_semaphore, #tpu.memory_space<semaphore_mem>>
      %dma_start3A_196 = arith.constant 0 : i32
      %dma_start3A_197 = tpu.memref_slice %arg10[%add3A_99, %dma_start3A_196] : memref<10240x128xf32, #tpu.memory_space<vmem_shared>> -> memref<32x128xf32, #tpu.memory_space<vmem_shared>>
      %dma_start3A_198 = arith.constant 0 : i32
      %dma_start3A_199 = tpu.memref_slice %arg10[%add3A_99, %dma_start3A_198] : memref<10240x128xf32, #tpu.memory_space<vmem_shared>> -> memref<32x128xf32, #tpu.memory_space<vmem_shared>>
      tpu.enqueue_dma source(%arg9 : memref<32x128xf32, #tpu.memory_space<vmem>>) target(%dma_start3A_199 : memref<32x128xf32, #tpu.memory_space<vmem_shared>>) target_semaphore(%run_scoped3A : memref<!tpu.dma_semaphore, #tpu.memory_space<semaphore_mem>>)
      %dma_wait3A_200 = arith.constant 0 : i32
      %dma_wait3A_201 = tpu.memref_slice %arg10[%add3A_99, %dma_wait3A_200] : memref<10240x128xf32, #tpu.memory_space<vmem_shared>> -> memref<32x128xf32, #tpu.memory_space<vmem_shared>>
      %dma_wait3A_202 = arith.constant 0 : i32
      %dma_wait3A_203 = tpu.memref_slice %arg10[%add3A_99, %dma_wait3A_202] : memref<10240x128xf32, #tpu.memory_space<vmem_shared>> -> memref<32x128xf32, #tpu.memory_space<vmem_shared>>
      tpu.wait_dma2 semaphore(%run_scoped3A : memref<!tpu.dma_semaphore, #tpu.memory_space<semaphore_mem>>) src(%arg9 : memref<32x128xf32, #tpu.memory_space<vmem>>) dst(%dma_wait3A_203 : memref<32x128xf32, #tpu.memory_space<vmem_shared>>)
      tpu.yield
    }) : () -> ()
    %add3A_100 = arith.constant 576 : i32
    %add3A_101 = arith.addi %mul3A_63, %add3A_100 : i32
    "tpu.region"() ({
      %run_scoped3A = tpu.sem_alloc : memref<!tpu.dma_semaphore, #tpu.memory_space<semaphore_mem>>
      %dma_start3A_196 = arith.constant 0 : i32
      %dma_start3A_197 = tpu.memref_slice %arg10[%add3A_101, %dma_start3A_196] : memref<10240x128xf32, #tpu.memory_space<vmem_shared>> -> memref<32x128xf32, #tpu.memory_space<vmem_shared>>
      %dma_start3A_198 = arith.constant 0 : i32
      %dma_start3A_199 = tpu.memref_slice %arg10[%add3A_101, %dma_start3A_198] : memref<10240x128xf32, #tpu.memory_space<vmem_shared>> -> memref<32x128xf32, #tpu.memory_space<vmem_shared>>
      tpu.enqueue_dma source(%arg9 : memref<32x128xf32, #tpu.memory_space<vmem>>) target(%dma_start3A_199 : memref<32x128xf32, #tpu.memory_space<vmem_shared>>) target_semaphore(%run_scoped3A : memref<!tpu.dma_semaphore, #tpu.memory_space<semaphore_mem>>)
      %dma_wait3A_200 = arith.constant 0 : i32
      %dma_wait3A_201 = tpu.memref_slice %arg10[%add3A_101, %dma_wait3A_200] : memref<10240x128xf32, #tpu.memory_space<vmem_shared>> -> memref<32x128xf32, #tpu.memory_space<vmem_shared>>
      %dma_wait3A_202 = arith.constant 0 : i32
      %dma_wait3A_203 = tpu.memref_slice %arg10[%add3A_101, %dma_wait3A_202] : memref<10240x128xf32, #tpu.memory_space<vmem_shared>> -> memref<32x128xf32, #tpu.memory_space<vmem_shared>>
      tpu.wait_dma2 semaphore(%run_scoped3A : memref<!tpu.dma_semaphore, #tpu.memory_space<semaphore_mem>>) src(%arg9 : memref<32x128xf32, #tpu.memory_space<vmem>>) dst(%dma_wait3A_203 : memref<32x128xf32, #tpu.memory_space<vmem_shared>>)
      tpu.yield
    }) : () -> ()
    %add3A_102 = arith.constant 608 : i32
    %add3A_103 = arith.addi %mul3A_63, %add3A_102 : i32
    "tpu.region"() ({
      %run_scoped3A = tpu.sem_alloc : memref<!tpu.dma_semaphore, #tpu.memory_space<semaphore_mem>>
      %dma_start3A_196 = arith.constant 0 : i32
      %dma_start3A_197 = tpu.memref_slice %arg10[%add3A_103, %dma_start3A_196] : memref<10240x128xf32, #tpu.memory_space<vmem_shared>> -> memref<32x128xf32, #tpu.memory_space<vmem_shared>>
      %dma_start3A_198 = arith.constant 0 : i32
      %dma_start3A_199 = tpu.memref_slice %arg10[%add3A_103, %dma_start3A_198] : memref<10240x128xf32, #tpu.memory_space<vmem_shared>> -> memref<32x128xf32, #tpu.memory_space<vmem_shared>>
      tpu.enqueue_dma source(%arg9 : memref<32x128xf32, #tpu.memory_space<vmem>>) target(%dma_start3A_199 : memref<32x128xf32, #tpu.memory_space<vmem_shared>>) target_semaphore(%run_scoped3A : memref<!tpu.dma_semaphore, #tpu.memory_space<semaphore_mem>>)
      %dma_wait3A_200 = arith.constant 0 : i32
      %dma_wait3A_201 = tpu.memref_slice %arg10[%add3A_103, %dma_wait3A_200] : memref<10240x128xf32, #tpu.memory_space<vmem_shared>> -> memref<32x128xf32, #tpu.memory_space<vmem_shared>>
      %dma_wait3A_202 = arith.constant 0 : i32
      %dma_wait3A_203 = tpu.memref_slice %arg10[%add3A_103, %dma_wait3A_202] : memref<10240x128xf32, #tpu.memory_space<vmem_shared>> -> memref<32x128xf32, #tpu.memory_space<vmem_shared>>
      tpu.wait_dma2 semaphore(%run_scoped3A : memref<!tpu.dma_semaphore, #tpu.memory_space<semaphore_mem>>) src(%arg9 : memref<32x128xf32, #tpu.memory_space<vmem>>) dst(%dma_wait3A_203 : memref<32x128xf32, #tpu.memory_space<vmem_shared>>)
      tpu.yield
    }) : () -> ()
    %barrier3A = arith.constant 0 : index
    tpu.barrier barrier_id(%barrier3A)
    %scan3A_104 = arith.constant 0 : i32
    %scan3A_105 = arith.constant 0 : i32
    %scan3A_106 = arith.constant 52 : i32
    %scan3A_107 = arith.addi %scan3A_105, %scan3A_106 : i32
    %scan3A_108 = arith.constant 1 : i32
    %scan3A_109 = scf.for %scan3A_196 = %scan3A_105 to %scan3A_107 step %scan3A_108 iter_args(%scan3A_197 = %scan3A_104) -> (i32)  : i32 {
      %mul3A_198 = arith.constant 3 : i32
      %mul3A_199 = arith.muli %mul3A_198, %scan3A_196 : i32
      %add3A_200 = arith.constant 0 : i32
      %add3A_201 = arith.addi %mul3A_199, %add3A_200 : i32
      %dma_wait3A_202 = arith.constant 0 : i32
      %dma_wait3A_203 = arith.constant 0 : i32
      %dma_wait3A_204 = arith.constant 0 : i32
      %dma_wait3A_205 = arith.constant 0 : i32
      %dma_wait3A_206 = tpu.memref_slice %arg8[%dma_wait3A_203, %dma_wait3A_204, %dma_wait3A_205] : memref<3x64x128xf32, #tpu.memory_space<vmem>> -> memref<1x64x128xf32, #tpu.memory_space<vmem>>
      %dma_wait3A_207 = tpu.memref_squeeze %dma_wait3A_206 : memref<1x64x128xf32, #tpu.memory_space<vmem>> -> memref<64x128xf32, #tpu.memory_space<vmem>>
      %dma_wait3A_208 = arith.constant 0 : i32
      %dma_wait3A_209 = tpu.memref_slice %arg6[%dma_wait3A_202, %dma_wait3A_208] : memref<158x64xi32, #tpu.memory_space<vmem>> -> memref<1x64xi32, #tpu.memory_space<vmem>>
      %dma_wait3A_210 = tpu.memref_squeeze %dma_wait3A_209 : memref<1x64xi32, #tpu.memory_space<vmem>> -> memref<64xi32, #tpu.memory_space<vmem>>
      %dma_wait3A_211 = arith.constant 0 : i32
      %dma_wait3A_212 = arith.constant 0 : i32
      %dma_wait3A_213 = tpu.memref_slice %arg2[%dma_wait3A_211, %dma_wait3A_212] : memref<10240x128xf32, #tpu.memory_space<hbm>> -> memref<10240x128xf32, #tpu.memory_space<hbm>>
      tpu.wait_indirect_dma semaphore(%arg12 : memref<!tpu.dma_semaphore, #tpu.memory_space<semaphore_mem>>) src(%dma_wait3A_213 : memref<10240x128xf32, #tpu.memory_space<hbm>>) dst(%dma_wait3A_207 : memref<64x128xf32, #tpu.memory_space<vmem>>)
      %dma_start3A_214 = arith.constant 0 : i32
      %dma_start3A_215 = arith.constant 0 : i32
      %dma_start3A_216 = arith.constant 0 : i32
      %dma_start3A_217 = tpu.memref_slice %arg8[%dma_start3A_214, %dma_start3A_215, %dma_start3A_216] : memref<3x64x128xf32, #tpu.memory_space<vmem>> -> memref<1x64x128xf32, #tpu.memory_space<vmem>>
      %dma_start3A_218 = tpu.memref_squeeze %dma_start3A_217 : memref<1x64x128xf32, #tpu.memory_space<vmem>> -> memref<64x128xf32, #tpu.memory_space<vmem>>
      %dma_start3A_219 = arith.constant 0 : i32
      %dma_start3A_220 = tpu.memref_slice %arg7[%add3A_201, %dma_start3A_219] : memref<158x64xi32, #tpu.memory_space<vmem>> -> memref<1x64xi32, #tpu.memory_space<vmem>>
      %dma_start3A_221 = tpu.memref_squeeze %dma_start3A_220 : memref<1x64xi32, #tpu.memory_space<vmem>> -> memref<64xi32, #tpu.memory_space<vmem>>
      %dma_start3A_222 = arith.constant 0 : i32
      %dma_start3A_223 = arith.constant 0 : i32
      %dma_start3A_224 = tpu.memref_slice %arg10[%dma_start3A_222, %dma_start3A_223] : memref<10240x128xf32, #tpu.memory_space<vmem_shared>> -> memref<10240x128xf32, #tpu.memory_space<vmem_shared>>
      tpu.enqueue_indirect_dma source(%dma_start3A_218 : memref<64x128xf32, #tpu.memory_space<vmem>>) target(%dma_start3A_224 : memref<10240x128xf32, #tpu.memory_space<vmem_shared>>) offsets(%dma_start3A_221 : memref<64xi32, #tpu.memory_space<vmem>>) semaphore(%arg15 : memref<!tpu.dma_semaphore, #tpu.memory_space<semaphore_mem>>) {add = true}
      %ge3A = arith.constant 1 : i32
      %ge3A_225 = arith.cmpi sge, %add3A_201, %ge3A : i32
      %convert_element_type3A = arith.extui %ge3A_225 : i1 to i32
      %cond3A = arith.constant 0 : i32
      %cond3A_226 = arith.cmpi ne, %convert_element_type3A, %cond3A : i32
      scf.if %cond3A_226 {
        %dma_wait3A_331 = arith.constant 2 : i32
        %dma_wait3A_332 = arith.constant 0 : i32
        %dma_wait3A_333 = arith.constant 0 : i32
        %dma_wait3A_334 = arith.constant 0 : i32
        %dma_wait3A_335 = tpu.memref_slice %arg8[%dma_wait3A_331, %dma_wait3A_333, %dma_wait3A_334] : memref<3x64x128xf32, #tpu.memory_space<vmem>> -> memref<1x64x128xf32, #tpu.memory_space<vmem>>
        %dma_wait3A_336 = tpu.memref_squeeze %dma_wait3A_335 : memref<1x64x128xf32, #tpu.memory_space<vmem>> -> memref<64x128xf32, #tpu.memory_space<vmem>>
        %dma_wait3A_337 = arith.constant 0 : i32
        %dma_wait3A_338 = tpu.memref_slice %arg7[%dma_wait3A_332, %dma_wait3A_337] : memref<158x64xi32, #tpu.memory_space<vmem>> -> memref<1x64xi32, #tpu.memory_space<vmem>>
        %dma_wait3A_339 = tpu.memref_squeeze %dma_wait3A_338 : memref<1x64xi32, #tpu.memory_space<vmem>> -> memref<64xi32, #tpu.memory_space<vmem>>
        %dma_wait3A_340 = arith.constant 0 : i32
        %dma_wait3A_341 = arith.constant 0 : i32
        %dma_wait3A_342 = tpu.memref_slice %arg10[%dma_wait3A_340, %dma_wait3A_341] : memref<10240x128xf32, #tpu.memory_space<vmem_shared>> -> memref<10240x128xf32, #tpu.memory_space<vmem_shared>>
        tpu.wait_indirect_dma semaphore(%arg17 : memref<!tpu.dma_semaphore, #tpu.memory_space<semaphore_mem>>) src(%dma_wait3A_336 : memref<64x128xf32, #tpu.memory_space<vmem>>) dst(%dma_wait3A_342 : memref<10240x128xf32, #tpu.memory_space<vmem_shared>>)
      } else {
      }
      %add3A_227 = arith.constant 2 : i32
      %add3A_228 = arith.addi %add3A_201, %add3A_227 : i32
      %dma_start3A_229 = arith.constant 2 : i32
      %dma_start3A_230 = arith.constant 0 : i32
      %dma_start3A_231 = arith.constant 0 : i32
      %dma_start3A_232 = tpu.memref_slice %arg8[%dma_start3A_229, %dma_start3A_230, %dma_start3A_231] : memref<3x64x128xf32, #tpu.memory_space<vmem>> -> memref<1x64x128xf32, #tpu.memory_space<vmem>>
      %dma_start3A_233 = tpu.memref_squeeze %dma_start3A_232 : memref<1x64x128xf32, #tpu.memory_space<vmem>> -> memref<64x128xf32, #tpu.memory_space<vmem>>
      %dma_start3A_234 = arith.constant 0 : i32
      %dma_start3A_235 = tpu.memref_slice %arg6[%add3A_228, %dma_start3A_234] : memref<158x64xi32, #tpu.memory_space<vmem>> -> memref<1x64xi32, #tpu.memory_space<vmem>>
      %dma_start3A_236 = tpu.memref_squeeze %dma_start3A_235 : memref<1x64xi32, #tpu.memory_space<vmem>> -> memref<64xi32, #tpu.memory_space<vmem>>
      %dma_start3A_237 = arith.constant 0 : i32
      %dma_start3A_238 = arith.constant 0 : i32
      %dma_start3A_239 = tpu.memref_slice %arg2[%dma_start3A_237, %dma_start3A_238] : memref<10240x128xf32, #tpu.memory_space<hbm>> -> memref<10240x128xf32, #tpu.memory_space<hbm>>
      tpu.enqueue_indirect_dma source(%dma_start3A_239 : memref<10240x128xf32, #tpu.memory_space<hbm>>) target(%dma_start3A_233 : memref<64x128xf32, #tpu.memory_space<vmem>>) offsets(%dma_start3A_236 : memref<64xi32, #tpu.memory_space<vmem>>) semaphore(%arg14 : memref<!tpu.dma_semaphore, #tpu.memory_space<semaphore_mem>>)
      %mul3A_240 = arith.constant 3 : i32
      %mul3A_241 = arith.muli %mul3A_240, %scan3A_196 : i32
      %add3A_242 = arith.constant 1 : i32
      %add3A_243 = arith.addi %mul3A_241, %add3A_242 : i32
      %dma_wait3A_244 = arith.constant 0 : i32
      %dma_wait3A_245 = arith.constant 1 : i32
      %dma_wait3A_246 = arith.constant 0 : i32
      %dma_wait3A_247 = arith.constant 0 : i32
      %dma_wait3A_248 = tpu.memref_slice %arg8[%dma_wait3A_245, %dma_wait3A_246, %dma_wait3A_247] : memref<3x64x128xf32, #tpu.memory_space<vmem>> -> memref<1x64x128xf32, #tpu.memory_space<vmem>>
      %dma_wait3A_249 = tpu.memref_squeeze %dma_wait3A_248 : memref<1x64x128xf32, #tpu.memory_space<vmem>> -> memref<64x128xf32, #tpu.memory_space<vmem>>
      %dma_wait3A_250 = arith.constant 0 : i32
      %dma_wait3A_251 = tpu.memref_slice %arg6[%dma_wait3A_244, %dma_wait3A_250] : memref<158x64xi32, #tpu.memory_space<vmem>> -> memref<1x64xi32, #tpu.memory_space<vmem>>
      %dma_wait3A_252 = tpu.memref_squeeze %dma_wait3A_251 : memref<1x64xi32, #tpu.memory_space<vmem>> -> memref<64xi32, #tpu.memory_space<vmem>>
      %dma_wait3A_253 = arith.constant 0 : i32
      %dma_wait3A_254 = arith.constant 0 : i32
      %dma_wait3A_255 = tpu.memref_slice %arg2[%dma_wait3A_253, %dma_wait3A_254] : memref<10240x128xf32, #tpu.memory_space<hbm>> -> memref<10240x128xf32, #tpu.memory_space<hbm>>
      tpu.wait_indirect_dma semaphore(%arg13 : memref<!tpu.dma_semaphore, #tpu.memory_space<semaphore_mem>>) src(%dma_wait3A_255 : memref<10240x128xf32, #tpu.memory_space<hbm>>) dst(%dma_wait3A_249 : memref<64x128xf32, #tpu.memory_space<vmem>>)
      %dma_start3A_256 = arith.constant 1 : i32
      %dma_start3A_257 = arith.constant 0 : i32
      %dma_start3A_258 = arith.constant 0 : i32
      %dma_start3A_259 = tpu.memref_slice %arg8[%dma_start3A_256, %dma_start3A_257, %dma_start3A_258] : memref<3x64x128xf32, #tpu.memory_space<vmem>> -> memref<1x64x128xf32, #tpu.memory_space<vmem>>
      %dma_start3A_260 = tpu.memref_squeeze %dma_start3A_259 : memref<1x64x128xf32, #tpu.memory_space<vmem>> -> memref<64x128xf32, #tpu.memory_space<vmem>>
      %dma_start3A_261 = arith.constant 0 : i32
      %dma_start3A_262 = tpu.memref_slice %arg7[%add3A_243, %dma_start3A_261] : memref<158x64xi32, #tpu.memory_space<vmem>> -> memref<1x64xi32, #tpu.memory_space<vmem>>
      %dma_start3A_263 = tpu.memref_squeeze %dma_start3A_262 : memref<1x64xi32, #tpu.memory_space<vmem>> -> memref<64xi32, #tpu.memory_space<vmem>>
      %dma_start3A_264 = arith.constant 0 : i32
      %dma_start3A_265 = arith.constant 0 : i32
      %dma_start3A_266 = tpu.memref_slice %arg10[%dma_start3A_264, %dma_start3A_265] : memref<10240x128xf32, #tpu.memory_space<vmem_shared>> -> memref<10240x128xf32, #tpu.memory_space<vmem_shared>>
      tpu.enqueue_indirect_dma source(%dma_start3A_260 : memref<64x128xf32, #tpu.memory_space<vmem>>) target(%dma_start3A_266 : memref<10240x128xf32, #tpu.memory_space<vmem_shared>>) offsets(%dma_start3A_263 : memref<64xi32, #tpu.memory_space<vmem>>) semaphore(%arg16 : memref<!tpu.dma_semaphore, #tpu.memory_space<semaphore_mem>>) {add = true}
      %ge3A_267 = arith.constant 1 : i32
      %ge3A_268 = arith.cmpi sge, %add3A_243, %ge3A_267 : i32
      %convert_element_type3A_269 = arith.extui %ge3A_268 : i1 to i32
      %cond3A_270 = arith.constant 0 : i32
      %cond3A_271 = arith.cmpi ne, %convert_element_type3A_269, %cond3A_270 : i32
      scf.if %cond3A_271 {
        %dma_wait3A_331 = arith.constant 0 : i32
        %dma_wait3A_332 = arith.constant 0 : i32
        %dma_wait3A_333 = arith.constant 0 : i32
        %dma_wait3A_334 = arith.constant 0 : i32
        %dma_wait3A_335 = tpu.memref_slice %arg8[%dma_wait3A_331, %dma_wait3A_333, %dma_wait3A_334] : memref<3x64x128xf32, #tpu.memory_space<vmem>> -> memref<1x64x128xf32, #tpu.memory_space<vmem>>
        %dma_wait3A_336 = tpu.memref_squeeze %dma_wait3A_335 : memref<1x64x128xf32, #tpu.memory_space<vmem>> -> memref<64x128xf32, #tpu.memory_space<vmem>>
        %dma_wait3A_337 = arith.constant 0 : i32
        %dma_wait3A_338 = tpu.memref_slice %arg7[%dma_wait3A_332, %dma_wait3A_337] : memref<158x64xi32, #tpu.memory_space<vmem>> -> memref<1x64xi32, #tpu.memory_space<vmem>>
        %dma_wait3A_339 = tpu.memref_squeeze %dma_wait3A_338 : memref<1x64xi32, #tpu.memory_space<vmem>> -> memref<64xi32, #tpu.memory_space<vmem>>
        %dma_wait3A_340 = arith.constant 0 : i32
        %dma_wait3A_341 = arith.constant 0 : i32
        %dma_wait3A_342 = tpu.memref_slice %arg10[%dma_wait3A_340, %dma_wait3A_341] : memref<10240x128xf32, #tpu.memory_space<vmem_shared>> -> memref<10240x128xf32, #tpu.memory_space<vmem_shared>>
        tpu.wait_indirect_dma semaphore(%arg15 : memref<!tpu.dma_semaphore, #tpu.memory_space<semaphore_mem>>) src(%dma_wait3A_336 : memref<64x128xf32, #tpu.memory_space<vmem>>) dst(%dma_wait3A_342 : memref<10240x128xf32, #tpu.memory_space<vmem_shared>>)
      } else {
      }
      %add3A_272 = arith.constant 2 : i32
      %add3A_273 = arith.addi %add3A_243, %add3A_272 : i32
      %dma_start3A_274 = arith.constant 0 : i32
      %dma_start3A_275 = arith.constant 0 : i32
      %dma_start3A_276 = arith.constant 0 : i32
      %dma_start3A_277 = tpu.memref_slice %arg8[%dma_start3A_274, %dma_start3A_275, %dma_start3A_276] : memref<3x64x128xf32, #tpu.memory_space<vmem>> -> memref<1x64x128xf32, #tpu.memory_space<vmem>>
      %dma_start3A_278 = tpu.memref_squeeze %dma_start3A_277 : memref<1x64x128xf32, #tpu.memory_space<vmem>> -> memref<64x128xf32, #tpu.memory_space<vmem>>
      %dma_start3A_279 = arith.constant 0 : i32
      %dma_start3A_280 = tpu.memref_slice %arg6[%add3A_273, %dma_start3A_279] : memref<158x64xi32, #tpu.memory_space<vmem>> -> memref<1x64xi32, #tpu.memory_space<vmem>>
      %dma_start3A_281 = tpu.memref_squeeze %dma_start3A_280 : memref<1x64xi32, #tpu.memory_space<vmem>> -> memref<64xi32, #tpu.memory_space<vmem>>
      %dma_start3A_282 = arith.constant 0 : i32
      %dma_start3A_283 = arith.constant 0 : i32
      %dma_start3A_284 = tpu.memref_slice %arg2[%dma_start3A_282, %dma_start3A_283] : memref<10240x128xf32, #tpu.memory_space<hbm>> -> memref<10240x128xf32, #tpu.memory_space<hbm>>
      tpu.enqueue_indirect_dma source(%dma_start3A_284 : memref<10240x128xf32, #tpu.memory_space<hbm>>) target(%dma_start3A_278 : memref<64x128xf32, #tpu.memory_space<vmem>>) offsets(%dma_start3A_281 : memref<64xi32, #tpu.memory_space<vmem>>) semaphore(%arg12 : memref<!tpu.dma_semaphore, #tpu.memory_space<semaphore_mem>>)
      %mul3A_285 = arith.constant 3 : i32
      %mul3A_286 = arith.muli %mul3A_285, %scan3A_196 : i32
      %add3A_287 = arith.constant 2 : i32
      %add3A_288 = arith.addi %mul3A_286, %add3A_287 : i32
      %dma_wait3A_289 = arith.constant 0 : i32
      %dma_wait3A_290 = arith.constant 2 : i32
      %dma_wait3A_291 = arith.constant 0 : i32
      %dma_wait3A_292 = arith.constant 0 : i32
      %dma_wait3A_293 = tpu.memref_slice %arg8[%dma_wait3A_290, %dma_wait3A_291, %dma_wait3A_292] : memref<3x64x128xf32, #tpu.memory_space<vmem>> -> memref<1x64x128xf32, #tpu.memory_space<vmem>>
      %dma_wait3A_294 = tpu.memref_squeeze %dma_wait3A_293 : memref<1x64x128xf32, #tpu.memory_space<vmem>> -> memref<64x128xf32, #tpu.memory_space<vmem>>
      %dma_wait3A_295 = arith.constant 0 : i32
      %dma_wait3A_296 = tpu.memref_slice %arg6[%dma_wait3A_289, %dma_wait3A_295] : memref<158x64xi32, #tpu.memory_space<vmem>> -> memref<1x64xi32, #tpu.memory_space<vmem>>
      %dma_wait3A_297 = tpu.memref_squeeze %dma_wait3A_296 : memref<1x64xi32, #tpu.memory_space<vmem>> -> memref<64xi32, #tpu.memory_space<vmem>>
      %dma_wait3A_298 = arith.constant 0 : i32
      %dma_wait3A_299 = arith.constant 0 : i32
      %dma_wait3A_300 = tpu.memref_slice %arg2[%dma_wait3A_298, %dma_wait3A_299] : memref<10240x128xf32, #tpu.memory_space<hbm>> -> memref<10240x128xf32, #tpu.memory_space<hbm>>
      tpu.wait_indirect_dma semaphore(%arg14 : memref<!tpu.dma_semaphore, #tpu.memory_space<semaphore_mem>>) src(%dma_wait3A_300 : memref<10240x128xf32, #tpu.memory_space<hbm>>) dst(%dma_wait3A_294 : memref<64x128xf32, #tpu.memory_space<vmem>>)
      %dma_start3A_301 = arith.constant 2 : i32
      %dma_start3A_302 = arith.constant 0 : i32
      %dma_start3A_303 = arith.constant 0 : i32
      %dma_start3A_304 = tpu.memref_slice %arg8[%dma_start3A_301, %dma_start3A_302, %dma_start3A_303] : memref<3x64x128xf32, #tpu.memory_space<vmem>> -> memref<1x64x128xf32, #tpu.memory_space<vmem>>
      %dma_start3A_305 = tpu.memref_squeeze %dma_start3A_304 : memref<1x64x128xf32, #tpu.memory_space<vmem>> -> memref<64x128xf32, #tpu.memory_space<vmem>>
      %dma_start3A_306 = arith.constant 0 : i32
      %dma_start3A_307 = tpu.memref_slice %arg7[%add3A_288, %dma_start3A_306] : memref<158x64xi32, #tpu.memory_space<vmem>> -> memref<1x64xi32, #tpu.memory_space<vmem>>
      %dma_start3A_308 = tpu.memref_squeeze %dma_start3A_307 : memref<1x64xi32, #tpu.memory_space<vmem>> -> memref<64xi32, #tpu.memory_space<vmem>>
      %dma_start3A_309 = arith.constant 0 : i32
      %dma_start3A_310 = arith.constant 0 : i32
      %dma_start3A_311 = tpu.memref_slice %arg10[%dma_start3A_309, %dma_start3A_310] : memref<10240x128xf32, #tpu.memory_space<vmem_shared>> -> memref<10240x128xf32, #tpu.memory_space<vmem_shared>>
      tpu.enqueue_indirect_dma source(%dma_start3A_305 : memref<64x128xf32, #tpu.memory_space<vmem>>) target(%dma_start3A_311 : memref<10240x128xf32, #tpu.memory_space<vmem_shared>>) offsets(%dma_start3A_308 : memref<64xi32, #tpu.memory_space<vmem>>) semaphore(%arg17 : memref<!tpu.dma_semaphore, #tpu.memory_space<semaphore_mem>>) {add = true}
      %ge3A_312 = arith.constant 1 : i32
      %ge3A_313 = arith.cmpi sge, %add3A_288, %ge3A_312 : i32
      %convert_element_type3A_314 = arith.extui %ge3A_313 : i1 to i32
      %cond3A_315 = arith.constant 0 : i32
      %cond3A_316 = arith.cmpi ne, %convert_element_type3A_314, %cond3A_315 : i32
      scf.if %cond3A_316 {
        %dma_wait3A_331 = arith.constant 1 : i32
        %dma_wait3A_332 = arith.constant 0 : i32
        %dma_wait3A_333 = arith.constant 0 : i32
        %dma_wait3A_334 = arith.constant 0 : i32
        %dma_wait3A_335 = tpu.memref_slice %arg8[%dma_wait3A_331, %dma_wait3A_333, %dma_wait3A_334] : memref<3x64x128xf32, #tpu.memory_space<vmem>> -> memref<1x64x128xf32, #tpu.memory_space<vmem>>
        %dma_wait3A_336 = tpu.memref_squeeze %dma_wait3A_335 : memref<1x64x128xf32, #tpu.memory_space<vmem>> -> memref<64x128xf32, #tpu.memory_space<vmem>>
        %dma_wait3A_337 = arith.constant 0 : i32
        %dma_wait3A_338 = tpu.memref_slice %arg7[%dma_wait3A_332, %dma_wait3A_337] : memref<158x64xi32, #tpu.memory_space<vmem>> -> memref<1x64xi32, #tpu.memory_space<vmem>>
        %dma_wait3A_339 = tpu.memref_squeeze %dma_wait3A_338 : memref<1x64xi32, #tpu.memory_space<vmem>> -> memref<64xi32, #tpu.memory_space<vmem>>
        %dma_wait3A_340 = arith.constant 0 : i32
        %dma_wait3A_341 = arith.constant 0 : i32
        %dma_wait3A_342 = tpu.memref_slice %arg10[%dma_wait3A_340, %dma_wait3A_341] : memref<10240x128xf32, #tpu.memory_space<vmem_shared>> -> memref<10240x128xf32, #tpu.memory_space<vmem_shared>>
        tpu.wait_indirect_dma semaphore(%arg16 : memref<!tpu.dma_semaphore, #tpu.memory_space<semaphore_mem>>) src(%dma_wait3A_336 : memref<64x128xf32, #tpu.memory_space<vmem>>) dst(%dma_wait3A_342 : memref<10240x128xf32, #tpu.memory_space<vmem_shared>>)
      } else {
      }
      %add3A_317 = arith.constant 2 : i32
      %add3A_318 = arith.addi %add3A_288, %add3A_317 : i32
      %dma_start3A_319 = arith.constant 1 : i32
      %dma_start3A_320 = arith.constant 0 : i32
      %dma_start3A_321 = arith.constant 0 : i32
      %dma_start3A_322 = tpu.memref_slice %arg8[%dma_start3A_319, %dma_start3A_320, %dma_start3A_321] : memref<3x64x128xf32, #tpu.memory_space<vmem>> -> memref<1x64x128xf32, #tpu.memory_space<vmem>>
      %dma_start3A_323 = tpu.memref_squeeze %dma_start3A_322 : memref<1x64x128xf32, #tpu.memory_space<vmem>> -> memref<64x128xf32, #tpu.memory_space<vmem>>
      %dma_start3A_324 = arith.constant 0 : i32
      %dma_start3A_325 = tpu.memref_slice %arg6[%add3A_318, %dma_start3A_324] : memref<158x64xi32, #tpu.memory_space<vmem>> -> memref<1x64xi32, #tpu.memory_space<vmem>>
      %dma_start3A_326 = tpu.memref_squeeze %dma_start3A_325 : memref<1x64xi32, #tpu.memory_space<vmem>> -> memref<64xi32, #tpu.memory_space<vmem>>
      %dma_start3A_327 = arith.constant 0 : i32
      %dma_start3A_328 = arith.constant 0 : i32
      %dma_start3A_329 = tpu.memref_slice %arg2[%dma_start3A_327, %dma_start3A_328] : memref<10240x128xf32, #tpu.memory_space<hbm>> -> memref<10240x128xf32, #tpu.memory_space<hbm>>
      tpu.enqueue_indirect_dma source(%dma_start3A_329 : memref<10240x128xf32, #tpu.memory_space<hbm>>) target(%dma_start3A_323 : memref<64x128xf32, #tpu.memory_space<vmem>>) offsets(%dma_start3A_326 : memref<64xi32, #tpu.memory_space<vmem>>) semaphore(%arg13 : memref<!tpu.dma_semaphore, #tpu.memory_space<semaphore_mem>>)
      %scan3A_330 = arith.constant 0 : i32
      scf.yield %scan3A_330 : i32
    }
    %scan3A_110 = arith.constant 52 : i32
    %dma_wait3A_111 = arith.constant 0 : i32
    %dma_wait3A_112 = arith.constant 0 : i32
    %dma_wait3A_113 = arith.constant 0 : i32
    %dma_wait3A_114 = arith.constant 0 : i32
    %dma_wait3A_115 = tpu.memref_slice %arg8[%dma_wait3A_112, %dma_wait3A_113, %dma_wait3A_114] : memref<3x64x128xf32, #tpu.memory_space<vmem>> -> memref<1x64x128xf32, #tpu.memory_space<vmem>>
    %dma_wait3A_116 = tpu.memref_squeeze %dma_wait3A_115 : memref<1x64x128xf32, #tpu.memory_space<vmem>> -> memref<64x128xf32, #tpu.memory_space<vmem>>
    %dma_wait3A_117 = arith.constant 0 : i32
    %dma_wait3A_118 = tpu.memref_slice %arg6[%dma_wait3A_111, %dma_wait3A_117] : memref<158x64xi32, #tpu.memory_space<vmem>> -> memref<1x64xi32, #tpu.memory_space<vmem>>
    %dma_wait3A_119 = tpu.memref_squeeze %dma_wait3A_118 : memref<1x64xi32, #tpu.memory_space<vmem>> -> memref<64xi32, #tpu.memory_space<vmem>>
    %dma_wait3A_120 = arith.constant 0 : i32
    %dma_wait3A_121 = arith.constant 0 : i32
    %dma_wait3A_122 = tpu.memref_slice %arg2[%dma_wait3A_120, %dma_wait3A_121] : memref<10240x128xf32, #tpu.memory_space<hbm>> -> memref<10240x128xf32, #tpu.memory_space<hbm>>
    tpu.wait_indirect_dma semaphore(%arg12 : memref<!tpu.dma_semaphore, #tpu.memory_space<semaphore_mem>>) src(%dma_wait3A_122 : memref<10240x128xf32, #tpu.memory_space<hbm>>) dst(%dma_wait3A_116 : memref<64x128xf32, #tpu.memory_space<vmem>>)
    %dma_start3A_123 = arith.constant 0 : i32
    %dma_start3A_124 = arith.constant 156 : i32
    %dma_start3A_125 = arith.constant 0 : i32
    %dma_start3A_126 = arith.constant 0 : i32
    %dma_start3A_127 = tpu.memref_slice %arg8[%dma_start3A_123, %dma_start3A_125, %dma_start3A_126] : memref<3x64x128xf32, #tpu.memory_space<vmem>> -> memref<1x64x128xf32, #tpu.memory_space<vmem>>
    %dma_start3A_128 = tpu.memref_squeeze %dma_start3A_127 : memref<1x64x128xf32, #tpu.memory_space<vmem>> -> memref<64x128xf32, #tpu.memory_space<vmem>>
    %dma_start3A_129 = arith.constant 0 : i32
    %dma_start3A_130 = tpu.memref_slice %arg7[%dma_start3A_124, %dma_start3A_129] : memref<158x64xi32, #tpu.memory_space<vmem>> -> memref<1x64xi32, #tpu.memory_space<vmem>>
    %dma_start3A_131 = tpu.memref_squeeze %dma_start3A_130 : memref<1x64xi32, #tpu.memory_space<vmem>> -> memref<64xi32, #tpu.memory_space<vmem>>
    %dma_start3A_132 = arith.constant 0 : i32
    %dma_start3A_133 = arith.constant 0 : i32
    %dma_start3A_134 = tpu.memref_slice %arg10[%dma_start3A_132, %dma_start3A_133] : memref<10240x128xf32, #tpu.memory_space<vmem_shared>> -> memref<10240x128xf32, #tpu.memory_space<vmem_shared>>
    tpu.enqueue_indirect_dma source(%dma_start3A_128 : memref<64x128xf32, #tpu.memory_space<vmem>>) target(%dma_start3A_134 : memref<10240x128xf32, #tpu.memory_space<vmem_shared>>) offsets(%dma_start3A_131 : memref<64xi32, #tpu.memory_space<vmem>>) semaphore(%arg15 : memref<!tpu.dma_semaphore, #tpu.memory_space<semaphore_mem>>) {add = true}
    %dma_wait3A_135 = arith.constant 0 : i32
    %dma_wait3A_136 = arith.constant 1 : i32
    %dma_wait3A_137 = arith.constant 0 : i32
    %dma_wait3A_138 = arith.constant 0 : i32
    %dma_wait3A_139 = tpu.memref_slice %arg8[%dma_wait3A_136, %dma_wait3A_137, %dma_wait3A_138] : memref<3x64x128xf32, #tpu.memory_space<vmem>> -> memref<1x64x128xf32, #tpu.memory_space<vmem>>
    %dma_wait3A_140 = tpu.memref_squeeze %dma_wait3A_139 : memref<1x64x128xf32, #tpu.memory_space<vmem>> -> memref<64x128xf32, #tpu.memory_space<vmem>>
    %dma_wait3A_141 = arith.constant 0 : i32
    %dma_wait3A_142 = tpu.memref_slice %arg6[%dma_wait3A_135, %dma_wait3A_141] : memref<158x64xi32, #tpu.memory_space<vmem>> -> memref<1x64xi32, #tpu.memory_space<vmem>>
    %dma_wait3A_143 = tpu.memref_squeeze %dma_wait3A_142 : memref<1x64xi32, #tpu.memory_space<vmem>> -> memref<64xi32, #tpu.memory_space<vmem>>
    %dma_wait3A_144 = arith.constant 0 : i32
    %dma_wait3A_145 = arith.constant 0 : i32
    %dma_wait3A_146 = tpu.memref_slice %arg2[%dma_wait3A_144, %dma_wait3A_145] : memref<10240x128xf32, #tpu.memory_space<hbm>> -> memref<10240x128xf32, #tpu.memory_space<hbm>>
    tpu.wait_indirect_dma semaphore(%arg13 : memref<!tpu.dma_semaphore, #tpu.memory_space<semaphore_mem>>) src(%dma_wait3A_146 : memref<10240x128xf32, #tpu.memory_space<hbm>>) dst(%dma_wait3A_140 : memref<64x128xf32, #tpu.memory_space<vmem>>)
    %dma_start3A_147 = arith.constant 1 : i32
    %dma_start3A_148 = arith.constant 157 : i32
    %dma_start3A_149 = arith.constant 0 : i32
    %dma_start3A_150 = arith.constant 0 : i32
    %dma_start3A_151 = tpu.memref_slice %arg8[%dma_start3A_147, %dma_start3A_149, %dma_start3A_150] : memref<3x64x128xf32, #tpu.memory_space<vmem>> -> memref<1x64x128xf32, #tpu.memory_space<vmem>>
    %dma_start3A_152 = tpu.memref_squeeze %dma_start3A_151 : memref<1x64x128xf32, #tpu.memory_space<vmem>> -> memref<64x128xf32, #tpu.memory_space<vmem>>
    %dma_start3A_153 = arith.constant 0 : i32
    %dma_start3A_154 = tpu.memref_slice %arg7[%dma_start3A_148, %dma_start3A_153] : memref<158x64xi32, #tpu.memory_space<vmem>> -> memref<1x64xi32, #tpu.memory_space<vmem>>
    %dma_start3A_155 = tpu.memref_squeeze %dma_start3A_154 : memref<1x64xi32, #tpu.memory_space<vmem>> -> memref<64xi32, #tpu.memory_space<vmem>>
    %dma_start3A_156 = arith.constant 0 : i32
    %dma_start3A_157 = arith.constant 0 : i32
    %dma_start3A_158 = tpu.memref_slice %arg10[%dma_start3A_156, %dma_start3A_157] : memref<10240x128xf32, #tpu.memory_space<vmem_shared>> -> memref<10240x128xf32, #tpu.memory_space<vmem_shared>>
    tpu.enqueue_indirect_dma source(%dma_start3A_152 : memref<64x128xf32, #tpu.memory_space<vmem>>) target(%dma_start3A_158 : memref<10240x128xf32, #tpu.memory_space<vmem_shared>>) offsets(%dma_start3A_155 : memref<64xi32, #tpu.memory_space<vmem>>) semaphore(%arg16 : memref<!tpu.dma_semaphore, #tpu.memory_space<semaphore_mem>>) {add = true}
    %dma_wait3A_159 = arith.constant 0 : i32
    %dma_wait3A_160 = arith.constant 0 : i32
    %dma_wait3A_161 = arith.constant 0 : i32
    %dma_wait3A_162 = arith.constant 0 : i32
    %dma_wait3A_163 = tpu.memref_slice %arg8[%dma_wait3A_159, %dma_wait3A_161, %dma_wait3A_162] : memref<3x64x128xf32, #tpu.memory_space<vmem>> -> memref<1x64x128xf32, #tpu.memory_space<vmem>>
    %dma_wait3A_164 = tpu.memref_squeeze %dma_wait3A_163 : memref<1x64x128xf32, #tpu.memory_space<vmem>> -> memref<64x128xf32, #tpu.memory_space<vmem>>
    %dma_wait3A_165 = arith.constant 0 : i32
    %dma_wait3A_166 = tpu.memref_slice %arg7[%dma_wait3A_160, %dma_wait3A_165] : memref<158x64xi32, #tpu.memory_space<vmem>> -> memref<1x64xi32, #tpu.memory_space<vmem>>
    %dma_wait3A_167 = tpu.memref_squeeze %dma_wait3A_166 : memref<1x64xi32, #tpu.memory_space<vmem>> -> memref<64xi32, #tpu.memory_space<vmem>>
    %dma_wait3A_168 = arith.constant 0 : i32
    %dma_wait3A_169 = arith.constant 0 : i32
    %dma_wait3A_170 = tpu.memref_slice %arg10[%dma_wait3A_168, %dma_wait3A_169] : memref<10240x128xf32, #tpu.memory_space<vmem_shared>> -> memref<10240x128xf32, #tpu.memory_space<vmem_shared>>
    tpu.wait_indirect_dma semaphore(%arg15 : memref<!tpu.dma_semaphore, #tpu.memory_space<semaphore_mem>>) src(%dma_wait3A_164 : memref<64x128xf32, #tpu.memory_space<vmem>>) dst(%dma_wait3A_170 : memref<10240x128xf32, #tpu.memory_space<vmem_shared>>)
    %dma_wait3A_171 = arith.constant 1 : i32
    %dma_wait3A_172 = arith.constant 0 : i32
    %dma_wait3A_173 = arith.constant 0 : i32
    %dma_wait3A_174 = arith.constant 0 : i32
    %dma_wait3A_175 = tpu.memref_slice %arg8[%dma_wait3A_171, %dma_wait3A_173, %dma_wait3A_174] : memref<3x64x128xf32, #tpu.memory_space<vmem>> -> memref<1x64x128xf32, #tpu.memory_space<vmem>>
    %dma_wait3A_176 = tpu.memref_squeeze %dma_wait3A_175 : memref<1x64x128xf32, #tpu.memory_space<vmem>> -> memref<64x128xf32, #tpu.memory_space<vmem>>
    %dma_wait3A_177 = arith.constant 0 : i32
    %dma_wait3A_178 = tpu.memref_slice %arg7[%dma_wait3A_172, %dma_wait3A_177] : memref<158x64xi32, #tpu.memory_space<vmem>> -> memref<1x64xi32, #tpu.memory_space<vmem>>
    %dma_wait3A_179 = tpu.memref_squeeze %dma_wait3A_178 : memref<1x64xi32, #tpu.memory_space<vmem>> -> memref<64xi32, #tpu.memory_space<vmem>>
    %dma_wait3A_180 = arith.constant 0 : i32
    %dma_wait3A_181 = arith.constant 0 : i32
    %dma_wait3A_182 = tpu.memref_slice %arg10[%dma_wait3A_180, %dma_wait3A_181] : memref<10240x128xf32, #tpu.memory_space<vmem_shared>> -> memref<10240x128xf32, #tpu.memory_space<vmem_shared>>
    tpu.wait_indirect_dma semaphore(%arg16 : memref<!tpu.dma_semaphore, #tpu.memory_space<semaphore_mem>>) src(%dma_wait3A_176 : memref<64x128xf32, #tpu.memory_space<vmem>>) dst(%dma_wait3A_182 : memref<10240x128xf32, #tpu.memory_space<vmem_shared>>)
    %dma_wait3A_183 = arith.constant 2 : i32
    %dma_wait3A_184 = arith.constant 0 : i32
    %dma_wait3A_185 = arith.constant 0 : i32
    %dma_wait3A_186 = arith.constant 0 : i32
    %dma_wait3A_187 = tpu.memref_slice %arg8[%dma_wait3A_183, %dma_wait3A_185, %dma_wait3A_186] : memref<3x64x128xf32, #tpu.memory_space<vmem>> -> memref<1x64x128xf32, #tpu.memory_space<vmem>>
    %dma_wait3A_188 = tpu.memref_squeeze %dma_wait3A_187 : memref<1x64x128xf32, #tpu.memory_space<vmem>> -> memref<64x128xf32, #tpu.memory_space<vmem>>
    %dma_wait3A_189 = arith.constant 0 : i32
    %dma_wait3A_190 = tpu.memref_slice %arg7[%dma_wait3A_184, %dma_wait3A_189] : memref<158x64xi32, #tpu.memory_space<vmem>> -> memref<1x64xi32, #tpu.memory_space<vmem>>
    %dma_wait3A_191 = tpu.memref_squeeze %dma_wait3A_190 : memref<1x64xi32, #tpu.memory_space<vmem>> -> memref<64xi32, #tpu.memory_space<vmem>>
    %dma_wait3A_192 = arith.constant 0 : i32
    %dma_wait3A_193 = arith.constant 0 : i32
    %dma_wait3A_194 = tpu.memref_slice %arg10[%dma_wait3A_192, %dma_wait3A_193] : memref<10240x128xf32, #tpu.memory_space<vmem_shared>> -> memref<10240x128xf32, #tpu.memory_space<vmem_shared>>
    tpu.wait_indirect_dma semaphore(%arg17 : memref<!tpu.dma_semaphore, #tpu.memory_space<semaphore_mem>>) src(%dma_wait3A_188 : memref<64x128xf32, #tpu.memory_space<vmem>>) dst(%dma_wait3A_194 : memref<10240x128xf32, #tpu.memory_space<vmem_shared>>)
    %barrier3A_195 = arith.constant 0 : index
    tpu.barrier barrier_id(%barrier3A_195)
    "tpu.region"() ({
      %run_scoped3A = tpu.sem_alloc : memref<!tpu.dma_semaphore, #tpu.memory_space<semaphore_mem>>
      %dma_start3A_196 = arith.constant 0 : i32
      %dma_start3A_197 = tpu.memref_slice %arg5[%arg0, %mul3A_63, %dma_start3A_196] : memref<2x10240x128xf32, #tpu.memory_space<hbm>> -> memref<1x640x128xf32, #tpu.memory_space<hbm>>
      %dma_start3A_198 = tpu.memref_squeeze %dma_start3A_197 : memref<1x640x128xf32, #tpu.memory_space<hbm>> -> memref<640x128xf32, #tpu.memory_space<hbm>>
      %dma_start3A_199 = arith.constant 0 : i32
      %dma_start3A_200 = tpu.memref_slice %arg10[%mul3A_63, %dma_start3A_199] : memref<10240x128xf32, #tpu.memory_space<vmem_shared>> -> memref<640x128xf32, #tpu.memory_space<vmem_shared>>
      tpu.enqueue_dma source(%dma_start3A_200 : memref<640x128xf32, #tpu.memory_space<vmem_shared>>) target(%dma_start3A_198 : memref<640x128xf32, #tpu.memory_space<hbm>>) target_semaphore(%run_scoped3A : memref<!tpu.dma_semaphore, #tpu.memory_space<semaphore_mem>>)
      %dma_wait3A_201 = arith.constant 0 : i32
      %dma_wait3A_202 = tpu.memref_slice %arg5[%arg0, %mul3A_63, %dma_wait3A_201] : memref<2x10240x128xf32, #tpu.memory_space<hbm>> -> memref<1x640x128xf32, #tpu.memory_space<hbm>>
      %dma_wait3A_203 = tpu.memref_squeeze %dma_wait3A_202 : memref<1x640x128xf32, #tpu.memory_space<hbm>> -> memref<640x128xf32, #tpu.memory_space<hbm>>
      %dma_wait3A_204 = arith.constant 0 : i32
      %dma_wait3A_205 = tpu.memref_slice %arg10[%mul3A_63, %dma_wait3A_204] : memref<10240x128xf32, #tpu.memory_space<vmem_shared>> -> memref<640x128xf32, #tpu.memory_space<vmem_shared>>
      tpu.wait_dma2 semaphore(%run_scoped3A : memref<!tpu.dma_semaphore, #tpu.memory_space<semaphore_mem>>) src(%dma_wait3A_205 : memref<640x128xf32, #tpu.memory_space<vmem_shared>>) dst(%dma_wait3A_203 : memref<640x128xf32, #tpu.memory_space<hbm>>)
      tpu.yield
    }) : () -> ()
    return
  }
}

module attributes {stable_mosaic.version = 14 : i64} {
  func.func @_prep_body(%arg0: i32, %arg1: memref<2x128x128xf32, #tpu.memory_space<vmem>>, %arg2: memref<1024x128xf32, #tpu.memory_space<vmem>>, %arg3: memref<1024x128xf32, #tpu.memory_space<vmem>>) attributes {dimension_semantics = [#tpu.dimension_semantics<arbitrary>], iteration_bounds = array<i64: 10>, scalar_prefetch = 0 : i64, scratch_operands = 0 : i64, tpu.core_type = #tpu.core_type<tc>, window_params = [{transform_indices = @transform_0, window_bounds = array<i64: 2, 128, 128>}, {transform_indices = @transform_1, window_bounds = array<i64: 1024, 128>}, {transform_indices = @transform_2, window_bounds = array<i64: 1024, 128>}]} {
    %get3A = arith.constant 0 : index
    %get3A_0 = arith.constant 0 : index
    %get3A_1 = arith.constant 0 : index
    %get3A_2 = vector.load %arg1[%get3A, %get3A_0, %get3A_1] : memref<2x128x128xf32, #tpu.memory_space<vmem>>, vector<2x128x128xf32>
    %slice3A = vector.extract_strided_slice %get3A_2 {offsets = [0, 0, 0], sizes = [1, 128, 128], strides = [1, 1, 1]} : vector<2x128x128xf32> to vector<1x128x128xf32>
    %squeeze3A = vector.shape_cast %slice3A : vector<1x128x128xf32> to vector<128x128xf32>
    %slice3A_3 = vector.extract_strided_slice %get3A_2 {offsets = [1, 0, 0], sizes = [1, 128, 128], strides = [1, 1, 1]} : vector<2x128x128xf32> to vector<1x128x128xf32>
    %squeeze3A_4 = vector.shape_cast %slice3A_3 : vector<1x128x128xf32> to vector<128x128xf32>
    %add3A = arith.addf %squeeze3A, %squeeze3A_4 : vector<128x128xf32>
    %reshape3A = vector.shape_cast %add3A : vector<128x128xf32> to vector<128x8x16xf32>
    %slice3A_5 = vector.extract_strided_slice %reshape3A {offsets = [0, 0, 0], sizes = [128, 8, 1], strides = [1, 1, 1]} : vector<128x8x16xf32> to vector<128x8x1xf32>
    %squeeze3A_6 = vector.shape_cast %slice3A_5 : vector<128x8x1xf32> to vector<128x8xf32>
    %reshape3A_7 = vector.shape_cast %squeeze3A_6 : vector<128x8xf32> to vector<1024x1xf32>
    %max3A = arith.constant 1.000000e+00 : f32
    %max3A_8 = vector.broadcast %max3A : f32 to vector<1024x1xf32>
    %max3A_9 = arith.maximumf %reshape3A_7, %max3A_8 : vector<1024x1xf32>
    %rsqrt3A = math.rsqrt %max3A_9 : vector<1024x1xf32>
    %get3A_10 = arith.constant 0 : index
    %get3A_11 = arith.constant 0 : index
    %get3A_12 = vector.load %arg2[%get3A_10, %get3A_11] : memref<1024x128xf32, #tpu.memory_space<vmem>>, vector<1024x128xf32>
    %mul3A = vector.broadcast %rsqrt3A : vector<1024x1xf32> to vector<1024x128xf32>
    %mul3A_13 = arith.mulf %get3A_12, %mul3A : vector<1024x128xf32>
    %swap3A = arith.constant 0 : index
    %swap3A_14 = arith.constant 0 : index
    %swap3A_15 = vector.load %arg3[%swap3A, %swap3A_14] : memref<1024x128xf32, #tpu.memory_space<vmem>>, vector<1024x128xf32>
    tpu.vector_store %arg3[%swap3A, %swap3A_14], %mul3A_13 {strides = array<i32>} : memref<1024x128xf32, #tpu.memory_space<vmem>>, vector<1024x128xf32>,
    return
  }
  func.func @transform_0(%arg0: i32) -> (i32, i32, i32) {
    %c0_i32 = arith.constant 0 : i32
    %c0_i32_0 = arith.constant 0 : i32
    %c0_i32_1 = arith.constant 0 : i32
    return %c0_i32, %arg0, %c0_i32_0 : i32, i32, i32
  }
  func.func @transform_1(%arg0: i32) -> (i32, i32) {
    %c0_i32 = arith.constant 0 : i32
    %c0_i32_0 = arith.constant 0 : i32
    return %arg0, %c0_i32 : i32, i32
  }
  func.func @transform_2(%arg0: i32) -> (i32, i32) {
    %c0_i32 = arith.constant 0 : i32
    %c0_i32_0 = arith.constant 0 : i32
    return %arg0, %c0_i32 : i32, i32
  }
}

module attributes {stable_mosaic.version = 14 : i64} {
  func.func @_layer1_body(%arg0: i32, %arg1: memref<2x1024x128xf32, #tpu.memory_space<vmem>>, %arg2: memref<2x128x128xf32, #tpu.memory_space<vmem>>, %arg3: memref<2x128x128xf32, #tpu.memory_space<vmem>>, %arg4: memref<128x128xf32, #tpu.memory_space<vmem>>, %arg5: memref<1x128xf32, #tpu.memory_space<vmem>>, %arg6: memref<1024x128xf32, #tpu.memory_space<vmem>>) attributes {dimension_semantics = [#tpu.dimension_semantics<arbitrary>], iteration_bounds = array<i64: 10>, scalar_prefetch = 0 : i64, scratch_operands = 0 : i64, tpu.core_type = #tpu.core_type<tc>, window_params = [{transform_indices = @transform_0, window_bounds = array<i64: 2, 1024, 128>}, {transform_indices = @transform_1, window_bounds = array<i64: 2, 128, 128>}, {transform_indices = @transform_2, window_bounds = array<i64: 2, 128, 128>}, {pipeline_mode = #tpu.pipeline_mode<synchronous>, transform_indices = @transform_3, window_bounds = array<i64: 128, 128>}, {pipeline_mode = #tpu.pipeline_mode<synchronous>, transform_indices = @transform_4, window_bounds = array<i64: 1, 128>}, {transform_indices = @transform_5, window_bounds = array<i64: 1024, 128>}]} {
    %get3A = arith.constant 0 : index
    %get3A_0 = arith.constant 0 : index
    %get3A_1 = arith.constant 0 : index
    %get3A_2 = vector.load %arg1[%get3A, %get3A_0, %get3A_1] : memref<2x1024x128xf32, #tpu.memory_space<vmem>>, vector<1x1024x128xf32>
    %get3A_3 = vector.shape_cast %get3A_2 : vector<1x1024x128xf32> to vector<1024x128xf32>
    %get3A_4 = arith.constant 1 : index
    %get3A_5 = arith.constant 0 : index
    %get3A_6 = arith.constant 0 : index
    %get3A_7 = vector.load %arg1[%get3A_4, %get3A_5, %get3A_6] : memref<2x1024x128xf32, #tpu.memory_space<vmem>>, vector<1x1024x128xf32>
    %get3A_8 = vector.shape_cast %get3A_7 : vector<1x1024x128xf32> to vector<1024x128xf32>
    %add3A = arith.addf %get3A_3, %get3A_8 : vector<1024x128xf32>
    %get3A_9 = arith.constant 0 : index
    %get3A_10 = arith.constant 0 : index
    %get3A_11 = arith.constant 0 : index
    %get3A_12 = vector.load %arg2[%get3A_9, %get3A_10, %get3A_11] : memref<2x128x128xf32, #tpu.memory_space<vmem>>, vector<2x128x128xf32>
    %slice3A = vector.extract_strided_slice %get3A_12 {offsets = [0, 0, 0], sizes = [1, 128, 128], strides = [1, 1, 1]} : vector<2x128x128xf32> to vector<1x128x128xf32>
    %squeeze3A = vector.shape_cast %slice3A : vector<1x128x128xf32> to vector<128x128xf32>
    %slice3A_13 = vector.extract_strided_slice %get3A_12 {offsets = [1, 0, 0], sizes = [1, 128, 128], strides = [1, 1, 1]} : vector<2x128x128xf32> to vector<1x128x128xf32>
    %squeeze3A_14 = vector.shape_cast %slice3A_13 : vector<1x128x128xf32> to vector<128x128xf32>
    %add3A_15 = arith.addf %squeeze3A, %squeeze3A_14 : vector<128x128xf32>
    %reshape3A = vector.shape_cast %add3A_15 : vector<128x128xf32> to vector<128x8x16xf32>
    %slice3A_16 = vector.extract_strided_slice %reshape3A {offsets = [0, 0, 0], sizes = [128, 8, 1], strides = [1, 1, 1]} : vector<128x8x16xf32> to vector<128x8x1xf32>
    %squeeze3A_17 = vector.shape_cast %slice3A_16 : vector<128x8x1xf32> to vector<128x8xf32>
    %reshape3A_18 = vector.shape_cast %squeeze3A_17 : vector<128x8xf32> to vector<1024x1xf32>
    %max3A = arith.constant 1.000000e+00 : f32
    %max3A_19 = vector.broadcast %max3A : f32 to vector<1024x1xf32>
    %max3A_20 = arith.maximumf %reshape3A_18, %max3A_19 : vector<1024x1xf32>
    %rsqrt3A = math.rsqrt %max3A_20 : vector<1024x1xf32>
    %mul3A = vector.broadcast %rsqrt3A : vector<1024x1xf32> to vector<1024x128xf32>
    %mul3A_21 = arith.mulf %add3A, %mul3A : vector<1024x128xf32>
    %get3A_22 = arith.constant 0 : index
    %get3A_23 = arith.constant 0 : index
    %get3A_24 = vector.load %arg4[%get3A_22, %get3A_23] : memref<128x128xf32, #tpu.memory_space<vmem>>, vector<128x128xf32>
    %dot_general3A = arith.constant dense<0.000000e+00> : vector<1024x128xf32>
    %dot_general3A_25 = tpu.matmul %mul3A_21, %get3A_24, %dot_general3A {dimension_numbers = #tpu.dot_dimension_numbers<[1], [0], [0], [1], [0, 0, 1, 1], [], []>, transpose_lhs_hint = false} : vector<1024x128xf32>, vector<128x128xf32>, vector<1024x128xf32> -> vector<1024x128xf32>
    %get3A_26 = arith.constant 0 : index
    %get3A_27 = arith.constant 0 : index
    %get3A_28 = vector.load %arg5[%get3A_26, %get3A_27] : memref<1x128xf32, #tpu.memory_space<vmem>>, vector<1x128xf32>
    %add3A_29 = vector.broadcast %get3A_28 : vector<1x128xf32> to vector<1024x128xf32>
    %add3A_30 = arith.addf %dot_general3A_25, %add3A_29 : vector<1024x128xf32>
    %max3A_31 = arith.constant 0.000000e+00 : f32
    %max3A_32 = vector.broadcast %max3A_31 : f32 to vector<1024x128xf32>
    %max3A_33 = arith.maximumf %add3A_30, %max3A_32 : vector<1024x128xf32>
    %get3A_34 = arith.constant 0 : index
    %get3A_35 = arith.constant 0 : index
    %get3A_36 = arith.constant 0 : index
    %get3A_37 = vector.load %arg3[%get3A_34, %get3A_35, %get3A_36] : memref<2x128x128xf32, #tpu.memory_space<vmem>>, vector<2x128x128xf32>
    %slice3A_38 = vector.extract_strided_slice %get3A_37 {offsets = [0, 0, 0], sizes = [1, 128, 128], strides = [1, 1, 1]} : vector<2x128x128xf32> to vector<1x128x128xf32>
    %squeeze3A_39 = vector.shape_cast %slice3A_38 : vector<1x128x128xf32> to vector<128x128xf32>
    %slice3A_40 = vector.extract_strided_slice %get3A_37 {offsets = [1, 0, 0], sizes = [1, 128, 128], strides = [1, 1, 1]} : vector<2x128x128xf32> to vector<1x128x128xf32>
    %squeeze3A_41 = vector.shape_cast %slice3A_40 : vector<1x128x128xf32> to vector<128x128xf32>
    %add3A_42 = arith.addf %squeeze3A_39, %squeeze3A_41 : vector<128x128xf32>
    %reshape3A_43 = vector.shape_cast %add3A_42 : vector<128x128xf32> to vector<128x8x16xf32>
    %slice3A_44 = vector.extract_strided_slice %reshape3A_43 {offsets = [0, 0, 0], sizes = [128, 8, 1], strides = [1, 1, 1]} : vector<128x8x16xf32> to vector<128x8x1xf32>
    %squeeze3A_45 = vector.shape_cast %slice3A_44 : vector<128x8x1xf32> to vector<128x8xf32>
    %reshape3A_46 = vector.shape_cast %squeeze3A_45 : vector<128x8xf32> to vector<1024x1xf32>
    %max3A_47 = arith.constant 1.000000e+00 : f32
    %max3A_48 = vector.broadcast %max3A_47 : f32 to vector<1024x1xf32>
    %max3A_49 = arith.maximumf %reshape3A_46, %max3A_48 : vector<1024x1xf32>
    %rsqrt3A_50 = math.rsqrt %max3A_49 : vector<1024x1xf32>
    %mul3A_51 = vector.broadcast %rsqrt3A_50 : vector<1024x1xf32> to vector<1024x128xf32>
    %mul3A_52 = arith.mulf %max3A_33, %mul3A_51 : vector<1024x128xf32>
    %swap3A = arith.constant 0 : index
    %swap3A_53 = arith.constant 0 : index
    %swap3A_54 = vector.load %arg6[%swap3A, %swap3A_53] : memref<1024x128xf32, #tpu.memory_space<vmem>>, vector<1024x128xf32>
    tpu.vector_store %arg6[%swap3A, %swap3A_53], %mul3A_52 {strides = array<i32>} : memref<1024x128xf32, #tpu.memory_space<vmem>>, vector<1024x128xf32>,
    return
  }
  func.func @transform_0(%arg0: i32) -> (i32, i32, i32) {
    %c0_i32 = arith.constant 0 : i32
    %c0_i32_0 = arith.constant 0 : i32
    %c0_i32_1 = arith.constant 0 : i32
    return %c0_i32, %arg0, %c0_i32_0 : i32, i32, i32
  }
  func.func @transform_1(%arg0: i32) -> (i32, i32, i32) {
    %add3A = arith.constant 10 : i32
    %add3A_0 = arith.addi %add3A, %arg0 : i32
    %c0_i32 = arith.constant 0 : i32
    %c0_i32_1 = arith.constant 0 : i32
    %c0_i32_2 = arith.constant 0 : i32
    return %c0_i32, %add3A_0, %c0_i32_1 : i32, i32, i32
  }
  func.func @transform_2(%arg0: i32) -> (i32, i32, i32) {
    %c0_i32 = arith.constant 0 : i32
    %c0_i32_0 = arith.constant 0 : i32
    %c0_i32_1 = arith.constant 0 : i32
    return %c0_i32, %arg0, %c0_i32_0 : i32, i32, i32
  }
  func.func @transform_3(%arg0: i32) -> (i32, i32) {
    %c0_i32 = arith.constant 0 : i32
    %c0_i32_0 = arith.constant 0 : i32
    %c0_i32_1 = arith.constant 0 : i32
    return %c0_i32, %c0_i32_0 : i32, i32
  }
  func.func @transform_4(%arg0: i32) -> (i32, i32) {
    %c0_i32 = arith.constant 0 : i32
    %c0_i32_0 = arith.constant 0 : i32
    %c0_i32_1 = arith.constant 0 : i32
    return %c0_i32, %c0_i32_0 : i32, i32
  }
  func.func @transform_5(%arg0: i32) -> (i32, i32) {
    %c0_i32 = arith.constant 0 : i32
    %c0_i32_0 = arith.constant 0 : i32
    return %arg0, %c0_i32 : i32, i32
  }
}

module attributes {stable_mosaic.version = 14 : i64} {
  func.func @_layer2_body(%arg0: i32, %arg1: memref<2x1024x128xf32, #tpu.memory_space<vmem>>, %arg2: memref<2x128x128xf32, #tpu.memory_space<vmem>>, %arg3: memref<128x128xf32, #tpu.memory_space<vmem>>, %arg4: memref<1x128xf32, #tpu.memory_space<vmem>>, %arg5: memref<128x8xf32, #tpu.memory_space<vmem>>, %arg6: memref<1024x128xf32, #tpu.memory_space<vmem>>, %arg7: memref<4x8x128xf32, #tpu.memory_space<vmem>>) attributes {dimension_semantics = [#tpu.dimension_semantics<arbitrary>], iteration_bounds = array<i64: 10>, scalar_prefetch = 0 : i64, scratch_operands = 0 : i64, tpu.core_type = #tpu.core_type<tc>, window_params = [{transform_indices = @transform_0, window_bounds = array<i64: 2, 1024, 128>}, {transform_indices = @transform_1, window_bounds = array<i64: 2, 128, 128>}, {pipeline_mode = #tpu.pipeline_mode<synchronous>, transform_indices = @transform_2, window_bounds = array<i64: 128, 128>}, {pipeline_mode = #tpu.pipeline_mode<synchronous>, transform_indices = @transform_3, window_bounds = array<i64: 1, 128>}, {pipeline_mode = #tpu.pipeline_mode<synchronous>, transform_indices = @transform_4, window_bounds = array<i64: 128, 8>}, {transform_indices = @transform_5, window_bounds = array<i64: 1024, 128>}, {transform_indices = @transform_6, window_bounds = array<i64: 4, 8, 128>}]} {
    %get3A = arith.constant 0 : index
    %get3A_0 = arith.constant 0 : index
    %get3A_1 = arith.constant 0 : index
    %get3A_2 = vector.load %arg1[%get3A, %get3A_0, %get3A_1] : memref<2x1024x128xf32, #tpu.memory_space<vmem>>, vector<1x1024x128xf32>
    %get3A_3 = vector.shape_cast %get3A_2 : vector<1x1024x128xf32> to vector<1024x128xf32>
    %get3A_4 = arith.constant 1 : index
    %get3A_5 = arith.constant 0 : index
    %get3A_6 = arith.constant 0 : index
    %get3A_7 = vector.load %arg1[%get3A_4, %get3A_5, %get3A_6] : memref<2x1024x128xf32, #tpu.memory_space<vmem>>, vector<1x1024x128xf32>
    %get3A_8 = vector.shape_cast %get3A_7 : vector<1x1024x128xf32> to vector<1024x128xf32>
    %add3A = arith.addf %get3A_3, %get3A_8 : vector<1024x128xf32>
    %get3A_9 = arith.constant 0 : index
    %get3A_10 = arith.constant 0 : index
    %get3A_11 = arith.constant 0 : index
    %get3A_12 = vector.load %arg2[%get3A_9, %get3A_10, %get3A_11] : memref<2x128x128xf32, #tpu.memory_space<vmem>>, vector<2x128x128xf32>
    %slice3A = vector.extract_strided_slice %get3A_12 {offsets = [0, 0, 0], sizes = [1, 128, 128], strides = [1, 1, 1]} : vector<2x128x128xf32> to vector<1x128x128xf32>
    %squeeze3A = vector.shape_cast %slice3A : vector<1x128x128xf32> to vector<128x128xf32>
    %slice3A_13 = vector.extract_strided_slice %get3A_12 {offsets = [1, 0, 0], sizes = [1, 128, 128], strides = [1, 1, 1]} : vector<2x128x128xf32> to vector<1x128x128xf32>
    %squeeze3A_14 = vector.shape_cast %slice3A_13 : vector<1x128x128xf32> to vector<128x128xf32>
    %add3A_15 = arith.addf %squeeze3A, %squeeze3A_14 : vector<128x128xf32>
    %reshape3A = vector.shape_cast %add3A_15 : vector<128x128xf32> to vector<128x8x16xf32>
    %slice3A_16 = vector.extract_strided_slice %reshape3A {offsets = [0, 0, 0], sizes = [128, 8, 1], strides = [1, 1, 1]} : vector<128x8x16xf32> to vector<128x8x1xf32>
    %squeeze3A_17 = vector.shape_cast %slice3A_16 : vector<128x8x1xf32> to vector<128x8xf32>
    %reshape3A_18 = vector.shape_cast %squeeze3A_17 : vector<128x8xf32> to vector<1024x1xf32>
    %max3A = arith.constant 1.000000e+00 : f32
    %max3A_19 = vector.broadcast %max3A : f32 to vector<1024x1xf32>
    %max3A_20 = arith.maximumf %reshape3A_18, %max3A_19 : vector<1024x1xf32>
    %rsqrt3A = math.rsqrt %max3A_20 : vector<1024x1xf32>
    %mul3A = vector.broadcast %rsqrt3A : vector<1024x1xf32> to vector<1024x128xf32>
    %mul3A_21 = arith.mulf %add3A, %mul3A : vector<1024x128xf32>
    %get3A_22 = arith.constant 0 : index
    %get3A_23 = arith.constant 0 : index
    %get3A_24 = vector.load %arg3[%get3A_22, %get3A_23] : memref<128x128xf32, #tpu.memory_space<vmem>>, vector<128x128xf32>
    %dot_general3A = arith.constant dense<0.000000e+00> : vector<1024x128xf32>
    %dot_general3A_25 = tpu.matmul %mul3A_21, %get3A_24, %dot_general3A {dimension_numbers = #tpu.dot_dimension_numbers<[1], [0], [0], [1], [0, 0, 1, 1], [], []>, transpose_lhs_hint = false} : vector<1024x128xf32>, vector<128x128xf32>, vector<1024x128xf32> -> vector<1024x128xf32>
    %get3A_26 = arith.constant 0 : index
    %get3A_27 = arith.constant 0 : index
    %get3A_28 = vector.load %arg4[%get3A_26, %get3A_27] : memref<1x128xf32, #tpu.memory_space<vmem>>, vector<1x128xf32>
    %add3A_29 = vector.broadcast %get3A_28 : vector<1x128xf32> to vector<1024x128xf32>
    %add3A_30 = arith.addf %dot_general3A_25, %add3A_29 : vector<1024x128xf32>
    %max3A_31 = arith.constant 0.000000e+00 : f32
    %max3A_32 = vector.broadcast %max3A_31 : f32 to vector<1024x128xf32>
    %max3A_33 = arith.maximumf %add3A_30, %max3A_32 : vector<1024x128xf32>
    %swap3A = arith.constant 0 : index
    %swap3A_34 = arith.constant 0 : index
    %swap3A_35 = vector.load %arg6[%swap3A, %swap3A_34] : memref<1024x128xf32, #tpu.memory_space<vmem>>, vector<1024x128xf32>
    tpu.vector_store %arg6[%swap3A, %swap3A_34], %max3A_33 {strides = array<i32>} : memref<1024x128xf32, #tpu.memory_space<vmem>>, vector<1024x128xf32>,
    %get3A_36 = arith.constant 0 : index
    %get3A_37 = arith.constant 0 : index
    %get3A_38 = vector.load %arg5[%get3A_36, %get3A_37] : memref<128x8xf32, #tpu.memory_space<vmem>>, vector<128x8xf32>
    %slice3A_39 = vector.extract_strided_slice %get3A_38 {offsets = [0, 0], sizes = [128, 1], strides = [1, 1]} : vector<128x8xf32> to vector<128x1xf32>
    %squeeze3A_40 = vector.shape_cast %slice3A_39 : vector<128x1xf32> to vector<128xf32>
    %dot_general3A_41 = arith.constant dense<0.000000e+00> : vector<1024xf32>
    %dot_general3A_42 = tpu.matmul %max3A_33, %squeeze3A_40, %dot_general3A_41 {dimension_numbers = #tpu.dot_dimension_numbers<[1], [0], [0], [], [0, 0], [], []>, transpose_lhs_hint = false} : vector<1024x128xf32>, vector<128xf32>, vector<1024xf32> -> vector<1024xf32>
    %reshape3A_43 = vector.shape_cast %dot_general3A_42 : vector<1024xf32> to vector<8x128xf32>
    %swap3A_44 = arith.constant 0 : index
    %swap3A_45 = arith.constant 0 : index
    %swap3A_46 = arith.constant 0 : index
    %swap3A_47 = vector.load %arg7[%swap3A_44, %swap3A_45, %swap3A_46] : memref<4x8x128xf32, #tpu.memory_space<vmem>>, vector<1x8x128xf32>
    %swap3A_48 = vector.shape_cast %swap3A_47 : vector<1x8x128xf32> to vector<8x128xf32>
    %swap3A_49 = vector.shape_cast %reshape3A_43 : vector<8x128xf32> to vector<1x8x128xf32>
    tpu.vector_store %arg7[%swap3A_44, %swap3A_45, %swap3A_46], %swap3A_49 {strides = array<i32>} : memref<4x8x128xf32, #tpu.memory_space<vmem>>, vector<1x8x128xf32>,
    %get3A_50 = arith.constant 0 : index
    %get3A_51 = arith.constant 0 : index
    %get3A_52 = vector.load %arg5[%get3A_50, %get3A_51] : memref<128x8xf32, #tpu.memory_space<vmem>>, vector<128x8xf32>
    %slice3A_53 = vector.extract_strided_slice %get3A_52 {offsets = [0, 1], sizes = [128, 1], strides = [1, 1]} : vector<128x8xf32> to vector<128x1xf32>
    %squeeze3A_54 = vector.shape_cast %slice3A_53 : vector<128x1xf32> to vector<128xf32>
    %dot_general3A_55 = arith.constant dense<0.000000e+00> : vector<1024xf32>
    %dot_general3A_56 = tpu.matmul %max3A_33, %squeeze3A_54, %dot_general3A_55 {dimension_numbers = #tpu.dot_dimension_numbers<[1], [0], [0], [], [0, 0], [], []>, transpose_lhs_hint = false} : vector<1024x128xf32>, vector<128xf32>, vector<1024xf32> -> vector<1024xf32>
    %reshape3A_57 = vector.shape_cast %dot_general3A_56 : vector<1024xf32> to vector<8x128xf32>
    %swap3A_58 = arith.constant 1 : index
    %swap3A_59 = arith.constant 0 : index
    %swap3A_60 = arith.constant 0 : index
    %swap3A_61 = vector.load %arg7[%swap3A_58, %swap3A_59, %swap3A_60] : memref<4x8x128xf32, #tpu.memory_space<vmem>>, vector<1x8x128xf32>
    %swap3A_62 = vector.shape_cast %swap3A_61 : vector<1x8x128xf32> to vector<8x128xf32>
    %swap3A_63 = vector.shape_cast %reshape3A_57 : vector<8x128xf32> to vector<1x8x128xf32>
    tpu.vector_store %arg7[%swap3A_58, %swap3A_59, %swap3A_60], %swap3A_63 {strides = array<i32>} : memref<4x8x128xf32, #tpu.memory_space<vmem>>, vector<1x8x128xf32>,
    %get3A_64 = arith.constant 0 : index
    %get3A_65 = arith.constant 0 : index
    %get3A_66 = vector.load %arg5[%get3A_64, %get3A_65] : memref<128x8xf32, #tpu.memory_space<vmem>>, vector<128x8xf32>
    %slice3A_67 = vector.extract_strided_slice %get3A_66 {offsets = [0, 2], sizes = [128, 1], strides = [1, 1]} : vector<128x8xf32> to vector<128x1xf32>
    %squeeze3A_68 = vector.shape_cast %slice3A_67 : vector<128x1xf32> to vector<128xf32>
    %dot_general3A_69 = arith.constant dense<0.000000e+00> : vector<1024xf32>
    %dot_general3A_70 = tpu.matmul %max3A_33, %squeeze3A_68, %dot_general3A_69 {dimension_numbers = #tpu.dot_dimension_numbers<[1], [0], [0], [], [0, 0], [], []>, transpose_lhs_hint = false} : vector<1024x128xf32>, vector<128xf32>, vector<1024xf32> -> vector<1024xf32>
    %reshape3A_71 = vector.shape_cast %dot_general3A_70 : vector<1024xf32> to vector<8x128xf32>
    %swap3A_72 = arith.constant 2 : index
    %swap3A_73 = arith.constant 0 : index
    %swap3A_74 = arith.constant 0 : index
    %swap3A_75 = vector.load %arg7[%swap3A_72, %swap3A_73, %swap3A_74] : memref<4x8x128xf32, #tpu.memory_space<vmem>>, vector<1x8x128xf32>
    %swap3A_76 = vector.shape_cast %swap3A_75 : vector<1x8x128xf32> to vector<8x128xf32>
    %swap3A_77 = vector.shape_cast %reshape3A_71 : vector<8x128xf32> to vector<1x8x128xf32>
    tpu.vector_store %arg7[%swap3A_72, %swap3A_73, %swap3A_74], %swap3A_77 {strides = array<i32>} : memref<4x8x128xf32, #tpu.memory_space<vmem>>, vector<1x8x128xf32>,
    %get3A_78 = arith.constant 0 : index
    %get3A_79 = arith.constant 0 : index
    %get3A_80 = vector.load %arg5[%get3A_78, %get3A_79] : memref<128x8xf32, #tpu.memory_space<vmem>>, vector<128x8xf32>
    %slice3A_81 = vector.extract_strided_slice %get3A_80 {offsets = [0, 3], sizes = [128, 1], strides = [1, 1]} : vector<128x8xf32> to vector<128x1xf32>
    %squeeze3A_82 = vector.shape_cast %slice3A_81 : vector<128x1xf32> to vector<128xf32>
    %dot_general3A_83 = arith.constant dense<0.000000e+00> : vector<1024xf32>
    %dot_general3A_84 = tpu.matmul %max3A_33, %squeeze3A_82, %dot_general3A_83 {dimension_numbers = #tpu.dot_dimension_numbers<[1], [0], [0], [], [0, 0], [], []>, transpose_lhs_hint = false} : vector<1024x128xf32>, vector<128xf32>, vector<1024xf32> -> vector<1024xf32>
    %reshape3A_85 = vector.shape_cast %dot_general3A_84 : vector<1024xf32> to vector<8x128xf32>
    %swap3A_86 = arith.constant 3 : index
    %swap3A_87 = arith.constant 0 : index
    %swap3A_88 = arith.constant 0 : index
    %swap3A_89 = vector.load %arg7[%swap3A_86, %swap3A_87, %swap3A_88] : memref<4x8x128xf32, #tpu.memory_space<vmem>>, vector<1x8x128xf32>
    %swap3A_90 = vector.shape_cast %swap3A_89 : vector<1x8x128xf32> to vector<8x128xf32>
    %swap3A_91 = vector.shape_cast %reshape3A_85 : vector<8x128xf32> to vector<1x8x128xf32>
    tpu.vector_store %arg7[%swap3A_86, %swap3A_87, %swap3A_88], %swap3A_91 {strides = array<i32>} : memref<4x8x128xf32, #tpu.memory_space<vmem>>, vector<1x8x128xf32>,
    return
  }
  func.func @transform_0(%arg0: i32) -> (i32, i32, i32) {
    %c0_i32 = arith.constant 0 : i32
    %c0_i32_0 = arith.constant 0 : i32
    %c0_i32_1 = arith.constant 0 : i32
    return %c0_i32, %arg0, %c0_i32_0 : i32, i32, i32
  }
  func.func @transform_1(%arg0: i32) -> (i32, i32, i32) {
    %add3A = arith.constant 10 : i32
    %add3A_0 = arith.addi %add3A, %arg0 : i32
    %c0_i32 = arith.constant 0 : i32
    %c0_i32_1 = arith.constant 0 : i32
    %c0_i32_2 = arith.constant 0 : i32
    return %c0_i32, %add3A_0, %c0_i32_1 : i32, i32, i32
  }
  func.func @transform_2(%arg0: i32) -> (i32, i32) {
    %c0_i32 = arith.constant 0 : i32
    %c0_i32_0 = arith.constant 0 : i32
    %c0_i32_1 = arith.constant 0 : i32
    return %c0_i32, %c0_i32_0 : i32, i32
  }
  func.func @transform_3(%arg0: i32) -> (i32, i32) {
    %c0_i32 = arith.constant 0 : i32
    %c0_i32_0 = arith.constant 0 : i32
    %c0_i32_1 = arith.constant 0 : i32
    return %c0_i32, %c0_i32_0 : i32, i32
  }
  func.func @transform_4(%arg0: i32) -> (i32, i32) {
    %c0_i32 = arith.constant 0 : i32
    %c0_i32_0 = arith.constant 0 : i32
    %c0_i32_1 = arith.constant 0 : i32
    return %c0_i32, %c0_i32_0 : i32, i32
  }
  func.func @transform_5(%arg0: i32) -> (i32, i32) {
    %c0_i32 = arith.constant 0 : i32
    %c0_i32_0 = arith.constant 0 : i32
    return %arg0, %c0_i32 : i32, i32
  }
  func.func @transform_6(%arg0: i32) -> (i32, i32, i32) {
    %c0_i32 = arith.constant 0 : i32
    %c0_i32_0 = arith.constant 0 : i32
    %c0_i32_1 = arith.constant 0 : i32
    return %c0_i32, %arg0, %c0_i32_0 : i32, i32, i32
  }
}

</mosaic_0001>

<sc_bundles>
// kernel: kernel.12.cloned.1.call-start
scs
__scs_entry_jumppad:
0x0: {  	(pc) =	sbr.rel $0x88, $3  }
0x1: {  	(tag) =	ssettag $0x0;
	lr =	simm.s32 $0x1  }
0x2: {  	[smem:$0x3F98] =	sst lr;
	_ =	strace $0xD0000000  }
0x3: {  	_ = 	snop  }
0x4: {  	_ = 	snop  }
0x5: {  	_ = 	snop  }
0x6: {  	_ = 	snop  }
0x7: {  	_ = 	snop  }
__scs_overlays_trampoline_lowered:
0x8: {  	[smem:$0x3FA7] =	sst s0  }
0x9: {  	[smem:$0x3FA8] =	sst s1  }
0xa: {  	[smem:$0x3FA9] =	sst s2  }
0xb: {  	[smem:$0x3FAA] =	sst s3  }
0xc: {  	[smem:$0x3FAB] =	sst s4  }
0xd: {  	[smem:$0x3FAC] =	sst s5  }
0xe: {  	[smem:$0x3FAD] =	sst s6  }
0xf: {  	[smem:$0x3FAE] =	sst s7  }
0x10: {  	[smem:$0x3FAF] =	sst s8  }
0x11: {  	[smem:$0x3FB0] =	sst s9;
	s0 =	simm.s32 @!p0 $0x0  }
0x12: {  	s1 =	sld [smem:$0x3F96];
	s0 =	simm.s32 @p0 $0x1  }
0x13: {  	[smem:$0x3FB1] =	sst s0;
	s0 =	simm.s32 @!p1 $0x0  }
0x14: {  	s2 =	sld [smem:$0x3F95];
	s0 =	simm.s32 @p1 $0x1  }
0x15: {  	[smem:$0x3FB2] =	sst s0;
	s0 =	simm.s32 @!p2 $0x0  }
0x16: {  	s3 =	sld [smem:$0x3FDB];
	s0 =	simm.s32 @p2 $0x1  }
0x17: {  	s4 =	simm.s32 $0x1BF5;
	[smem:$0x3FB4] =	sst s0  }
0x18: {  	s0 =	sld [smem:$0x3F97];
	_ =	swait.ge [sflag:s4], $0x0  }
0x19: {  	s7 =	sld [smem:$0x3F98]  }
0x1a: {  	s8 =	sadd.s32 $0xFFFFE003, lr  }
0x1b: {  	s9 =	sadd.s32 $0xFFFFFEF7, lr;
	s5 =	simm.s32 $0xFFFFFFFF;
	p2 =	slt.u32 s8, $0xFFFFF086  }
0x1c: {  	p1 =	slt.u32 s9, $0xF7A;
	s5 =	simm.s32 @!p2 $0x0  }
0x1d: {  	s5 =	simm.s32 @p1 $0x1;
	p0 =	seq.s32 s7, s2  }
0x1e: {  	s7 =	smul.u32 @!p0 $0xF7A, s2;
	p2 =	seq.s32 @!p0 s5, $0x0  }
0x1f: {  	s9 =	smul.u32 $0xF7A, s1;
	s8 =	simm.s32 @!p0 $0x1BF5;
	p2 =	por !p2, p0  }
0x20: {  	[sflag:s8] =	ssyncset.s32 @!p0 $0xFFFFF086;
	s6 =	sadd.s32 @!p0 s3, s7;
	s7 =	simm.s32 @!p0 $0x108  }
0x21: {  	s3 =	sadd.s32 s3, s9;
	s6 =	sadd.s32 @!p0 $0x88, s6;
	s7 =	simm.s32 @p2 $0x1082  }
0x22: {  	[simem:s7], [sflag:s8] =	dma.local @!p0 [hbm:s6], $0xF7A  }
0x23: {  	s9 =	sor.u32 $0xD0000000, s2;
	s6 =	simm.s32 $0x108;
	_ =	swait.ge @!p0 [sflag:s8], $0x0  }
0x24: {  	s3 =	sadd.s32 $0x88, s3;
	s6 =	simm.s32 @!p1 $0x1082;
	[sflag:s4] =	ssyncset.s32 $0xFFFFF086  }
0x25: {  	[simem:s6], [sflag:s4] =	dma.local [hbm:s3], $0xF7A  }
0x26: {  	[smem:$0x3F98] =	sst s1;
	(tag) =	ssettag s2;
	_ =	strace s9  }
0x27: {  	s1 =	sld [smem:$0x3FA8]  }
0x28: {  	s2 =	sld [smem:$0x3FA9]  }
0x29: {  	s4 =	sld [smem:$0x3FAB]  }
0x2a: {  	p0 =	seq.s32 s5, $0x0;
	s5 =	sld [smem:$0x3FAC]  }
0x2b: {  	s6 =	sld [smem:$0x3FAD]  }
0x2c: {  	s7 =	sld [smem:$0x3FAE]  }
0x2d: {  	s3 =	simm.s32 $0x108;
	s8 =	sld [smem:$0x3FAF]  }
0x2e: {  	s3 =	simm.s32 @!p0 $0x1082;
	s9 =	sld [smem:$0x3FB0]  }
0x2f: {  	lr =	sadd.s32 s0, s3;
	s0 =	sld [smem:$0x3FA7]  }
0x30: {  	s3 =	sld [smem:$0x3FAA]  }
0x31: {  	[smem:$0x3FB3] =	sst s10  }
0x32: {  	s10 =	sld [smem:$0x3FB1];
	_ =	sdelay $0x3  }
0x33: {  	p0 =	seq.s32 s10, $0x1;
	s10 =	sld [smem:$0x3FB3];
	_ =	sdelay $0x3  }
0x34: {  	[smem:$0x3FB3] =	sst s10  }
0x35: {  	s10 =	sld [smem:$0x3FB2];
	_ =	sdelay $0x3  }
0x36: {  	p1 =	seq.s32 s10, $0x1;
	s10 =	sld [smem:$0x3FB3];
	_ =	sdelay $0x3  }
0x37: {  	[smem:$0x3FB3] =	sst s10  }
0x38: {  	s10 =	sld [smem:$0x3FB4]  }
0x39: {  	_ = 	snop;
	(pc) =	sbr.ind lr, $3  }
0x3a: {  	_ = 	snop  }
0x3b: {  	_ = 	snop  }
0x3c: {  	p2 =	seq.s32 s10, $0x1;
	s10 =	sld [smem:$0x3FB3]  }
0x3d: {  	_ =	shalt  }
0x3e: {  	_ =	shalt  }
0x3f: {  	_ =	shalt  }
0x40: {  	_ =	shalt  }
0x41: {  	_ =	shalt  }
0x42: {  	_ =	shalt  }
0x43: {  	_ =	shalt  }
0x44: {  	_ =	shalt  }
0x45: {  	_ =	shalt  }
0x46: {  	_ =	shalt  }
0x47: {  	_ =	shalt  }
0x48: {  	_ =	shalt  }
0x49: {  	_ =	shalt  }
0x4a: {  	_ =	shalt  }
0x4b: {  	_ =	shalt  }
0x4c: {  	_ =	shalt  }
0x4d: {  	_ =	shalt  }
0x4e: {  	_ =	shalt  }
0x4f: {  	_ =	shalt  }
0x50: {  	_ =	shalt  }
0x51: {  	_ =	shalt  }
0x52: {  	_ =	shalt  }
0x53: {  	_ =	shalt  }
0x54: {  	_ =	shalt  }
0x55: {  	_ =	shalt  }
0x56: {  	_ =	shalt  }
0x57: {  	_ =	shalt  }
0x58: {  	_ =	shalt  }
0x59: {  	_ =	shalt  }
0x5a: {  	_ =	shalt  }
0x5b: {  	_ =	shalt  }
0x5c: {  	_ =	shalt  }
0x5d: {  	_ =	shalt  }
0x5e: {  	_ =	shalt  }
0x5f: {  	_ =	shalt  }
0x60: {  	_ =	shalt  }
0x61: {  	_ =	shalt  }
0x62: {  	_ =	shalt  }
0x63: {  	_ =	shalt  }
0x64: {  	_ =	shalt  }
0x65: {  	_ =	shalt  }
0x66: {  	_ =	shalt  }
0x67: {  	_ =	shalt  }
0x68: {  	_ =	shalt  }
0x69: {  	_ =	shalt  }
0x6a: {  	_ =	shalt  }
0x6b: {  	_ =	shalt  }
0x6c: {  	_ =	shalt  }
0x6d: {  	_ =	shalt  }
0x6e: {  	_ =	shalt  }
0x6f: {  	_ =	shalt  }
0x70: {  	_ =	shalt  }
0x71: {  	_ =	shalt  }
0x72: {  	_ =	shalt  }
0x73: {  	_ =	shalt  }
0x74: {  	_ =	shalt  }
0x75: {  	_ =	shalt  }
0x76: {  	_ =	shalt  }
0x77: {  	_ =	shalt  }
0x78: {  	_ =	shalt  }
0x79: {  	_ =	shalt  }
0x7a: {  	_ =	shalt  }
0x7b: {  	_ =	shalt  }
0x7c: {  	_ =	shalt  }
0x7d: {  	_ =	shalt  }
0x7e: {  	_ =	shalt  }
0x7f: {  	_ =	shalt  }
0x80: {  	_ =	shalt  }
0x81: {  	_ =	shalt  }
0x82: {  	_ =	shalt  }
0x83: {  	_ =	shalt  }
0x84: {  	_ =	shalt  }
0x85: {  	_ =	shalt  }
0x86: {  	_ =	shalt  }
0x87: {  	_ =	shalt  }
.Lfunc_end0:
.L_simem_size_0:
called_computation.1_lowered:
.L_overlay_start_0:
0x88: {  	s2 =	sld [smem:$0x3FD9]  }
0x89: {  	s3 =	sld [smem:$0x3FFE];
	_ =	sdelay $0x1  }
0x8a: {  	s1 =	srdreg.scid  }
0x8b: {  	s0 =	sand.u32 $0x1, s1  }
0x8c: {  	s16 =	sshll.u32 s0, $0xA;
	s2 =	sadd.s32 s3, s2  }
0x8d: {  	s2 =	sadd.s32 s2, s16  }
0x8e: {  	[smem:$0x3FBF] =	sst s2  }
0x8f: {  	_ = 	snop  }
0x90: {  	(tm) =	ssettm $0x1  }
0x91: {  	s17 =	sld [smem:$0x3FFB];
	_ =	sdelay $0x3  }
0x92: {  	_ =	strace s17  }
0x93: {  	s2 =	sld [smem:$0x3FFC];
	_ =	sdelay $0x3  }
0x94: {  	_ =	strace s2  }
0x95: {  	s2 =	sld [smem:$0x3FFD];
	_ =	sdelay $0x3  }
0x96: {  	_ =	strace s2  }
0x97: {  	_ =	strace $0x8FFFFFFF  }
0x98: {  	s18 =	sld [smem:$0x3FDB];
	_ =	sdelay $0x1  }
0x99: {  	s19 =	simm.s32 $_scs_section_size  }
0x9a: {  	s4 =	simm.s32 $_size__tile_overlayer_lowered;
	s5 =	simm.s32 $_tile_overlayer_lowered  }
0x9b: {  	s22 =	simm.s32 $0x1BFF;
	s21 =	sshll.u32 s5, $0x1;
	s2 =	sadd.s32 s19, s18  }
0x9c: {  	s6 =	simm.s32 $0x0;
	s20 =	sshll.u32 s4, $0x1;
	s4 =	sadd.s32 s21, s2  }
0x9d: {  	[timem:s6], [sflag:s22] =	dma.local [hbm:s4], s20  }
0x9e: {  	_ =	swait.ge [sflag:s22], s20  }
0x9f: {  	s3 =	ssub.s32 $0x0, s20;
	[sflag:s22] =	ssyncset.done $0x0  }
0xa0: {  	[sflag:s22] =	ssyncadd.s32 s3;
	_ =	sdelay $0x1  }
0xa1: {  	s23 =	simm.s32 $0x1B8B  }
0xa2: {  	_ =	swait.ge [sflag:s23], $0x1  }
0xa3: {  	[sflag:s23] =	ssyncset.done $0x0  }
0xa4: {  	s25 =	simm.s32 $0x1B8E;
	s24 =	sld [smem:$0x3FFE];
	[sflag:s23] =	ssyncadd.s32 $0xFFFFFFFF  }
0xa5: {  	s26 =	simm.s32 $execute0_lowered;
	[smem:$0x3FD2] =	sst s25  }
0xa6: {  	s4 =	sshll.u32 s26, $0x1;
	_ =	strace $0x80000049;
	[dreg:$0x1] =	wrdreg $0xFFFFFFFF  }
0xa7: {  	s28 =	simm.s32 $_size_execute0_lowered;
	s2 =	sadd.s32 s2, s4;
	[dreg:$0x0] =	wrdreg $0x0  }
0xa8: {  	s4 =	sshll.u32 s28, $0x1;
	[dreg:$0x2] =	wrdreg s2  }
0xa9: {  	[dreg:$0x3] =	wrdreg s4  }
0xaa: {  	[dreg:$0x4] =	wrdreg $0xC0  }
0xab: {  	_ =	task [dreg:s6], $0x5FFFF  }
0xac: {  	[dreg:$0x1] =	wrdreg $0xFFFFFFFF  }
0xad: {  	[dreg:$0x0] =	wrdreg $0x60  }
0xae: {  	[dreg:$0x2] =	wrdreg s24  }
0xaf: {  	[dreg:$0x3] =	wrdreg $0xBF000  }
0xb0: {  	[dreg:$0x4] =	wrdreg $0x9  }
0xb1: {  	_ =	task.clear_ibuf [dreg:s6], $0x5FFFF;
	_ =	strace $0x90000049  }
0xb2: {  	s29 =	simm.s32 $0x9;
	_ =	strace $0x8000004B  }
0xb3: {  	_ =	swait.ge [sflag:s29], $0x1  }
0xb4: {  	[sflag:s29] =	ssyncadd.s32 $0xFFFFFFFF  }
0xb5: {  	_ =	strace $0x9000004B  }
0xb6: {  	_ =	sfence  }
0xb7: {  	s30 =	sld [smem:$0x0];
	_ =	sdelay $0x2  }
0xb8: {  	s31 =	sshll.u32 s1, $0xD;
	s1 =	sshrl.u32 s1, $0x2  }
0xb9: {  	s3 =	sand.u32 $0x4000, s31;
	s1 =	sadd.s32 s1, s30  }
0xba: {  	s0 =	sor.u32 s3, s0;
	s1 =	sshll.u32 s1, $0x11  }
0xbb: {  	s0 =	sor.u32 s1, s0  }
0xbc: {  	s0 =	sadd.s32 $0x8F2B, s0  }
0xbd: {  	[sflag:s0] =	ssyncadd.remote.s32 $0x1  }
0xbe: {  	_ =	sfence.sel $0xFFFF  }
0xbf: {  	[dreg:$0x0] =	wrdreg $0xFFFFFFFF;
	(pc) =	sbr.abs _section_cstart, $3  }
0xc0: {  	[dreg:$0x1] =	wrdreg $0xFFFFFFFF  }
0xc1: {  	_ =	task.clear_ibuf [dreg:s6], $0x2FFFF;
	_ =	strace $0x9FFFFFFF  }
0xc2: {  	(tm) =	ssettm $0x7FFFFFFF  }
0xc3: {  	_ =	shalt  }
tec
execute0_lowered:
.L_overlay_start_1:
0x0: {  	(tag) =	ssettag $0x1  }
0x1: {  	s0 =	rddreg [dreg:$0x0]  }
0x2: {  	s2 =	rddreg [dreg:$0x1];
	s4 =	simm.s32 $0x0;
	s1 =	srdreg.scid  }
0x3: {  	s7 =	stileid.u32;
	s30 =	simm.s32 $0x2780;
	s31 =	simm.s32 $0x1  }
0x4: {  	s8 =	simm.s32 $0x2;
	s9 =	simm.s32 $0x8F00;
	s10 =	simm.s32 $0x3  }
0x5: {  	s11 =	simm.s32 $0x5;
	s12 =	simm.s32 $0x4;
	s5 =	smul.u32 $0x14000, s7  }
0x6: {  	s1 =	sand.u32 $0x1, s1;
	s3 =	sshll.u32 s7, $0x1;
	s7 =	smul.u32 $0x50000, s7  }
0x7: {  	[smem:$0x7FF] =	sst s4;
	s4 =	sadd.s32 $0x15600, s0;
	s3 =	sor.u32 s1, s3  }
0x8: {  	s6 =	smul.u32 $0x140000, s1;
	_ =	strace $0x8000004A;
	s7 =	sshrl.u32 s7, $0x2  }
0x9: {  	s1 =	ssub.s32 $0x2, s1;
	s3 =	smul.u32 $0x4F0, s3;
	s15 =	sadd.s32 s7, s2  }
0xa: {  	s13 =	sshrl.u32 s1, $0x1;
	s6 =	sadd.s32 s5, s6;
	s16 =	sadd.s32 $0x1000, s15  }
0xb: {  	s1 =	ssub.s32 s1, s13;
	s17 =	sadd.s32 $0x2000, s15;
	[dreg:$0x5] =	wrdreg s16  }
0xc: {  	s7 =	sadd.s32 s5, s2;
	s18 =	sadd.s32 $0x3000, s15;
	[dreg:$0x6] =	wrdreg s17  }
0xd: {  	s5 =	simm.s32 $0xAF00;
	s19 =	sadd.s32 $0x4000, s15;
	[dreg:$0x7] =	wrdreg s18  }
0xe: {  	s13 =	simm.s32 $0x6;
	s20 =	sadd.s32 $0x5000, s15;
	[dreg:$0x8] =	wrdreg s19  }
0xf: {  	s3 =	sadd.s32 s3, s0;
	s21 =	sadd.s32 $0x6000, s15;
	[dreg:$0x9] =	wrdreg s20  }
0x10: {  	s6 =	sshrl.u32 s6, $0x3;
	s22 =	sadd.s32 $0x7000, s15;
	[dreg:$0xa] =	wrdreg s21  }
0x11: {  	s23 =	sadd.s32 $0x8000, s15;
	s24 =	sadd.s32 $0x9000, s15;
	[dreg:$0xb] =	wrdreg s22  }
0x12: {  	s25 =	sadd.s32 $0xA000, s15;
	s26 =	sadd.s32 $0xB000, s15;
	[dreg:$0xc] =	wrdreg s23  }
0x13: {  	s29 =	smax.u32 s1, $0x1;
	s1 =	simm.s32 $0x4F00;
	[dreg:$0xd] =	wrdreg s24  }
0x14: {  	s0 =	sadd.s32 s6, s0;
	s14 =	sadd.s32 $0xB800, s3;
	[dreg:$0xe] =	wrdreg s25  }
0x15: {  	s3 =	sadd.s32 $0x1A00, s3;
	[dreg:$0xf] =	wrdreg s26;
	s19 =	sadd.s32 $0xC000, s15  }
0x16: {  	s20 =	sadd.s32 $0xD000, s15;
	s21 =	sadd.s32 $0xE000, s15;
	s22 =	sadd.s32 $0xF000, s15  }
0x17: {  	s23 =	sadd.s32 $0x10000, s15;
	s24 =	sadd.s32 $0x11000, s15;
	s25 =	sadd.s32 $0x12000, s15  }
0x18: {  	s26 =	sadd.s32 $0x13000, s15;
	s6 =	simm.s32 $0x8;
	[dreg:$0x3] =	wrdreg s14  }
0x19: {  	s15 =	simm.s32 $0x0;
	[dreg:$0x4] =	wrdreg s3;
	s28 =	sadd.s32 $0x3D600, s0  }
0x1a: {  	v0 =	vimm.f32 $0.0e+00;
	s0 =	simm.s32 $0x40;
	s3 =	simm.s32 $0x6F00;
	s14 =	simm.s32 $0x7  }
.LBB2_1:
0x1b: {  	s16 =	simm.s32 $0x0;
	s17 =	rddreg [dreg:$0x3]  }
0x1c: {  	[tilespmem:s16], [sflag:$0x1] =	stream.linear.gather [hbm4b:s17+s16], $0x2780, $0x38;
	[tilespmem:$0x1FF00] =	vst v63  }
0x1d: {  	s18 =	rddreg [dreg:$0x4]  }
0x1e: {  	[tilespmem:s30], [sflag:$0x1] =	stream.linear.gather [hbm4b:s18+s16], $0x2780, $0x38;
	[tilespmem:$0x1FF00] =	vst v63  }
0x1f: {  	s17 =	simm.s32 $0x200;
	s16 =	simm.s32 $0x0  }
.LBB2_2:
0x20: {  	p0 =	sne.s32 s17, $0x3E00;
	[tilespmem:s16+$0xAF70] =	vst v0  }
0x21: {  	[tilespmem:s16+$0xAF00] =	vst v0  }
0x22: {  	[tilespmem:s16+$0xAF10] =	vst v0  }
.Ltmp0:
0x23: {  	[tilespmem:s16+$0xAF20] =	vst v0;
	(pc) =	sbr.rel @p0 .LBB2_2-.Ltmp0, $4  }
0x24: {  	[tilespmem:s16+$0xAF30] =	vst v0  }
0x25: {  	[tilespmem:s16+$0xAF40] =	vst v0  }
0x26: {  	[tilespmem:s16+$0xAF50] =	vst v0  }
0x27: {  	[tilespmem:s16+$0xAF60] =	vst v0;
	s16 =	sshra.s32 s17, $0x2;
	s17 =	sadd.s32 $0x200, s17  }
0x28: {  	[tilespmem:s16+$0xAF70] =	vst v0  }
0x29: {  	[tilespmem:s16+$0xAF00] =	vst v0  }
0x2a: {  	[tilespmem:s16+$0xAF10] =	vst v0  }
0x2b: {  	[tilespmem:s16+$0xAF20] =	vst v0  }
0x2c: {  	[tilespmem:s16+$0xAF30] =	vst v0  }
0x2d: {  	[tilespmem:s16+$0xAF40] =	vst v0  }
0x2e: {  	[tilespmem:s16+$0xAF50] =	vst v0  }
0x2f: {  	[tilespmem:s16+$0xAF60] =	vst v0  }
0x30: {  	_ =	swait.ge [sflag:s31], $0x2780  }
0x31: {  	[sflag:s31] =	ssyncset.done $0x0  }
0x32: {  	[sflag:s31] =	ssyncadd.s32 $0xFFFFD880  }
0x33: {  	_ =	swait.ge [sflag:s31], $0x2780  }
0x34: {  	[sflag:s31] =	ssyncset.done $0x0  }
0x35: {  	s17 =	simm.s32 $0x0;
	[sflag:s31] =	ssyncadd.s32 $0xFFFFD880  }
0x36: {  	[tilespmem:s1], [sflag:$0x2] =	stream.indirect.gather [hbm4b:s4+s0], $0x80, s17, s0, $0xb8;
	[tilespmem:$0x1FF00] =	vst v63  }
0x37: {  	_ = 	snop  }
0x38: {  	[tilespmem:s3], [sflag:$0x3] =	stream.indirect.gather [hbm4b:s4+s0], $0x80, s0, s0, $0xb8;
	[tilespmem:$0x1FF00] =	vst v63  }
0x39: {  	_ = 	snop  }
0x3a: {  	[spmem:s7] =	stream.linear.scatter [tilespmem:s5], [sflag:$0x8], $0x1000, $0x38;
	[tilespmem:$0x1FF00] =	vst v63  }
0x3b: {  	_ =	swait.ge [sflag:s6], $0x1000  }
0x3c: {  	[sflag:s6] =	ssyncset.done $0x0  }
0x3d: {  	s18 =	rddreg [dreg:$0x5];
	[sflag:s6] =	ssyncadd.s32 $0xFFFFF000  }
0x3e: {  	[spmem:s18] =	stream.linear.scatter [tilespmem:s5], [sflag:$0x8], $0x1000, $0x38;
	[tilespmem:$0x1FF00] =	vst v63  }
0x3f: {  	_ =	swait.ge [sflag:s6], $0x1000  }
0x40: {  	[sflag:s6] =	ssyncset.done $0x0  }
0x41: {  	s17 =	rddreg [dreg:$0x6];
	[sflag:s6] =	ssyncadd.s32 $0xFFFFF000  }
0x42: {  	[spmem:s17] =	stream.linear.scatter [tilespmem:s5], [sflag:$0x8], $0x1000, $0x38;
	[tilespmem:$0x1FF00] =	vst v63  }
0x43: {  	_ =	swait.ge [sflag:s6], $0x1000  }
0x44: {  	[sflag:s6] =	ssyncset.done $0x0  }
0x45: {  	s18 =	rddreg [dreg:$0x7];
	[sflag:s6] =	ssyncadd.s32 $0xFFFFF000  }
0x46: {  	[spmem:s18] =	stream.linear.scatter [tilespmem:s5], [sflag:$0x8], $0x1000, $0x38;
	[tilespmem:$0x1FF00] =	vst v63  }
0x47: {  	_ =	swait.ge [sflag:s6], $0x1000  }
0x48: {  	[sflag:s6] =	ssyncset.done $0x0  }
0x49: {  	s17 =	rddreg [dreg:$0x8];
	[sflag:s6] =	ssyncadd.s32 $0xFFFFF000  }
0x4a: {  	[spmem:s17] =	stream.linear.scatter [tilespmem:s5], [sflag:$0x8], $0x1000, $0x38;
	[tilespmem:$0x1FF00] =	vst v63  }
0x4b: {  	_ =	swait.ge [sflag:s6], $0x1000  }
0x4c: {  	[sflag:s6] =	ssyncset.done $0x0  }
0x4d: {  	s18 =	rddreg [dreg:$0x9];
	[sflag:s6] =	ssyncadd.s32 $0xFFFFF000  }
0x4e: {  	[spmem:s18] =	stream.linear.scatter [tilespmem:s5], [sflag:$0x8], $0x1000, $0x38;
	[tilespmem:$0x1FF00] =	vst v63  }
0x4f: {  	_ =	swait.ge [sflag:s6], $0x1000  }
0x50: {  	[sflag:s6] =	ssyncset.done $0x0  }
0x51: {  	s17 =	rddreg [dreg:$0xa];
	[sflag:s6] =	ssyncadd.s32 $0xFFFFF000  }
0x52: {  	[spmem:s17] =	stream.linear.scatter [tilespmem:s5], [sflag:$0x8], $0x1000, $0x38;
	[tilespmem:$0x1FF00] =	vst v63  }
0x53: {  	_ =	swait.ge [sflag:s6], $0x1000  }
0x54: {  	[sflag:s6] =	ssyncset.done $0x0  }
0x55: {  	s18 =	rddreg [dreg:$0xb];
	[sflag:s6] =	ssyncadd.s32 $0xFFFFF000  }
0x56: {  	[spmem:s18] =	stream.linear.scatter [tilespmem:s5], [sflag:$0x8], $0x1000, $0x38;
	[tilespmem:$0x1FF00] =	vst v63  }
0x57: {  	_ =	swait.ge [sflag:s6], $0x1000  }
0x58: {  	[sflag:s6] =	ssyncset.done $0x0  }
0x59: {  	s17 =	rddreg [dreg:$0xc];
	[sflag:s6] =	ssyncadd.s32 $0xFFFFF000  }
0x5a: {  	[spmem:s17] =	stream.linear.scatter [tilespmem:s5], [sflag:$0x8], $0x1000, $0x38;
	[tilespmem:$0x1FF00] =	vst v63  }
0x5b: {  	_ =	swait.ge [sflag:s6], $0x1000  }
0x5c: {  	[sflag:s6] =	ssyncset.done $0x0  }
0x5d: {  	s18 =	rddreg [dreg:$0xd];
	[sflag:s6] =	ssyncadd.s32 $0xFFFFF000  }
0x5e: {  	[spmem:s18] =	stream.linear.scatter [tilespmem:s5], [sflag:$0x8], $0x1000, $0x38;
	[tilespmem:$0x1FF00] =	vst v63  }
0x5f: {  	_ =	swait.ge [sflag:s6], $0x1000  }
0x60: {  	[sflag:s6] =	ssyncset.done $0x0  }
0x61: {  	s17 =	rddreg [dreg:$0xe];
	[sflag:s6] =	ssyncadd.s32 $0xFFFFF000  }
0x62: {  	[spmem:s17] =	stream.linear.scatter [tilespmem:s5], [sflag:$0x8], $0x1000, $0x38;
	[tilespmem:$0x1FF00] =	vst v63  }
0x63: {  	_ =	swait.ge [sflag:s6], $0x1000  }
0x64: {  	[sflag:s6] =	ssyncset.done $0x0  }
0x65: {  	s18 =	rddreg [dreg:$0xf];
	[sflag:s6] =	ssyncadd.s32 $0xFFFFF000  }
0x66: {  	[spmem:s18] =	stream.linear.scatter [tilespmem:s5], [sflag:$0x8], $0x1000, $0x38;
	[tilespmem:$0x1FF00] =	vst v63  }
0x67: {  	_ =	swait.ge [sflag:s6], $0x1000  }
0x68: {  	[sflag:s6] =	ssyncset.done $0x0  }
0x69: {  	[sflag:s6] =	ssyncadd.s32 $0xFFFFF000  }
0x6a: {  	[spmem:s19] =	stream.linear.scatter [tilespmem:s5], [sflag:$0x8], $0x1000, $0x38;
	[tilespmem:$0x1FF00] =	vst v63  }
0x6b: {  	_ =	swait.ge [sflag:s6], $0x1000  }
0x6c: {  	[sflag:s6] =	ssyncset.done $0x0  }
0x6d: {  	[sflag:s6] =	ssyncadd.s32 $0xFFFFF000  }
0x6e: {  	[spmem:s20] =	stream.linear.scatter [tilespmem:s5], [sflag:$0x8], $0x1000, $0x38;
	[tilespmem:$0x1FF00] =	vst v63  }
0x6f: {  	_ =	swait.ge [sflag:s6], $0x1000  }
0x70: {  	[sflag:s6] =	ssyncset.done $0x0  }
0x71: {  	[sflag:s6] =	ssyncadd.s32 $0xFFFFF000  }
0x72: {  	[spmem:s21] =	stream.linear.scatter [tilespmem:s5], [sflag:$0x8], $0x1000, $0x38;
	[tilespmem:$0x1FF00] =	vst v63  }
0x73: {  	_ =	swait.ge [sflag:s6], $0x1000  }
0x74: {  	[sflag:s6] =	ssyncset.done $0x0  }
0x75: {  	[sflag:s6] =	ssyncadd.s32 $0xFFFFF000  }
0x76: {  	[spmem:s22] =	stream.linear.scatter [tilespmem:s5], [sflag:$0x8], $0x1000, $0x38;
	[tilespmem:$0x1FF00] =	vst v63  }
0x77: {  	_ =	swait.ge [sflag:s6], $0x1000  }
0x78: {  	[sflag:s6] =	ssyncset.done $0x0  }
0x79: {  	[sflag:s6] =	ssyncadd.s32 $0xFFFFF000  }
0x7a: {  	[spmem:s23] =	stream.linear.scatter [tilespmem:s5], [sflag:$0x8], $0x1000, $0x38;
	[tilespmem:$0x1FF00] =	vst v63  }
0x7b: {  	_ =	swait.ge [sflag:s6], $0x1000  }
0x7c: {  	[sflag:s6] =	ssyncset.done $0x0  }
0x7d: {  	[sflag:s6] =	ssyncadd.s32 $0xFFFFF000  }
0x7e: {  	[spmem:s24] =	stream.linear.scatter [tilespmem:s5], [sflag:$0x8], $0x1000, $0x38;
	[tilespmem:$0x1FF00] =	vst v63  }
0x7f: {  	_ =	swait.ge [sflag:s6], $0x1000  }
0x80: {  	[sflag:s6] =	ssyncset.done $0x0  }
0x81: {  	[sflag:s6] =	ssyncadd.s32 $0xFFFFF000  }
0x82: {  	[spmem:s25] =	stream.linear.scatter [tilespmem:s5], [sflag:$0x8], $0x1000, $0x38;
	[tilespmem:$0x1FF00] =	vst v63  }
0x83: {  	_ =	swait.ge [sflag:s6], $0x1000  }
0x84: {  	[sflag:s6] =	ssyncset.done $0x0  }
0x85: {  	[sflag:s6] =	ssyncadd.s32 $0xFFFFF000  }
0x86: {  	[spmem:s26] =	stream.linear.scatter [tilespmem:s5], [sflag:$0x8], $0x1000, $0x38;
	[tilespmem:$0x1FF00] =	vst v63  }
0x87: {  	_ =	swait.ge [sflag:s6], $0x1000  }
0x88: {  	[sflag:s6] =	ssyncset.done $0x0  }
0x89: {  	[sflag:s6] =	ssyncadd.s32 $0xFFFFF000  }
0x8a: {  	[bflag:$0x0] =	sbarrier.arrive $0xFFFF  }
0x8b: {  	_ =	swait.ge [sflag:s8], $0x2000  }
0x8c: {  	[sflag:s8] =	ssyncset.done $0x0  }
0x8d: {  	[sflag:s8] =	ssyncadd.s32 $0xFFFFE000  }
0x8e: {  	[spmem:s2] =	stream.indirect.scatter.add.f32 [tilespmem:s1], [sflag:$0x5], $0x80, s30, s0, $0xb8;
	[tilespmem:$0x1FF00] =	vst v63  }
0x8f: {  	s17 =	simm.s32 $0x80  }
0x90: {  	[tilespmem:s9], [sflag:$0x4] =	stream.indirect.gather [hbm4b:s4+s0], $0x80, s17, s0, $0xb8;
	[tilespmem:$0x1FF00] =	vst v63  }
0x91: {  	_ =	swait.ge [sflag:s10], $0x2000  }
0x92: {  	[sflag:s10] =	ssyncset.done $0x0  }
0x93: {  	s18 =	simm.s32 $0x27C0;
	[sflag:s10] =	ssyncadd.s32 $0xFFFFE000  }
0x94: {  	[spmem:s2] =	stream.indirect.scatter.add.f32 [tilespmem:s3], [sflag:$0x6], $0x80, s18, s0, $0xb8;
	[tilespmem:$0x1FF00] =	vst v63  }
0x95: {  	_ =	swait.ge [sflag:s11], $0x2000  }
0x96: {  	[sflag:s11] =	ssyncset.done $0x0  }
0x97: {  	s17 =	simm.s32 $0xC0;
	[sflag:s11] =	ssyncadd.s32 $0xFFFFE000  }
0x98: {  	[tilespmem:s1], [sflag:$0x2] =	stream.indirect.gather [hbm4b:s4+s0], $0x80, s17, s0, $0xb8;
	[tilespmem:$0x1FF00] =	vst v63  }
0x99: {  	_ =	swait.ge [sflag:s12], $0x2000  }
0x9a: {  	[sflag:s12] =	ssyncset.done $0x0  }
0x9b: {  	s18 =	simm.s32 $0x2800;
	[sflag:s12] =	ssyncadd.s32 $0xFFFFE000  }
0x9c: {  	[spmem:s2] =	stream.indirect.scatter.add.f32 [tilespmem:s9], [sflag:$0x7], $0x80, s18, s0, $0xb8;
	[tilespmem:$0x1FF00] =	vst v63  }
0x9d: {  	_ =	swait.ge [sflag:s13], $0x2000  }
0x9e: {  	[sflag:s13] =	ssyncset.done $0x0  }
0x9f: {  	s17 =	simm.s32 $0x100;
	[sflag:s13] =	ssyncadd.s32 $0xFFFFE000  }
0xa0: {  	[tilespmem:s3], [sflag:$0x3] =	stream.indirect.gather [hbm4b:s4+s0], $0x80, s17, s0, $0xb8;
	[tilespmem:$0x1FF00] =	vst v63  }
0xa1: {  	_ =	swait.ge [sflag:s8], $0x2000  }
0xa2: {  	[sflag:s8] =	ssyncset.done $0x0  }
0xa3: {  	s18 =	simm.s32 $0x2840;
	[sflag:s8] =	ssyncadd.s32 $0xFFFFE000  }
0xa4: {  	[spmem:s2] =	stream.indirect.scatter.add.f32 [tilespmem:s1], [sflag:$0x5], $0x80, s18, s0, $0xb8;
	[tilespmem:$0x1FF00] =	vst v63  }
0xa5: {  	_ =	swait.ge [sflag:s14], $0x2000  }
0xa6: {  	[sflag:s14] =	ssyncset.done $0x0  }
0xa7: {  	s17 =	simm.s32 $0x140;
	[sflag:s14] =	ssyncadd.s32 $0xFFFFE000  }
0xa8: {  	[tilespmem:s9], [sflag:$0x4] =	stream.indirect.gather [hbm4b:s4+s0], $0x80, s17, s0, $0xb8;
	[tilespmem:$0x1FF00] =	vst v63  }
0xa9: {  	_ =	swait.ge [sflag:s10], $0x2000  }
0xaa: {  	[sflag:s10] =	ssyncset.done $0x0  }
0xab: {  	s18 =	simm.s32 $0x2880;
	[sflag:s10] =	ssyncadd.s32 $0xFFFFE000  }
0xac: {  	[spmem:s2] =	stream.indirect.scatter.add.f32 [tilespmem:s3], [sflag:$0x6], $0x80, s18, s0, $0xb8;
	[tilespmem:$0x1FF00] =	vst v63  }
0xad: {  	_ =	swait.ge [sflag:s11], $0x2000  }
0xae: {  	[sflag:s11] =	ssyncset.done $0x0  }
0xaf: {  	s17 =	simm.s32 $0x180;
	[sflag:s11] =	ssyncadd.s32 $0xFFFFE000  }
0xb0: {  	[tilespmem:s1], [sflag:$0x2] =	stream.indirect.gather [hbm4b:s4+s0], $0x80, s17, s0, $0xb8;
	[tilespmem:$0x1FF00] =	vst v63  }
0xb1: {  	_ =	swait.ge [sflag:s12], $0x2000  }
0xb2: {  	[sflag:s12] =	ssyncset.done $0x0  }
0xb3: {  	s18 =	simm.s32 $0x28C0;
	[sflag:s12] =	ssyncadd.s32 $0xFFFFE000  }
0xb4: {  	[spmem:s2] =	stream.indirect.scatter.add.f32 [tilespmem:s9], [sflag:$0x7], $0x80, s18, s0, $0xb8;
	[tilespmem:$0x1FF00] =	vst v63  }
0xb5: {  	_ =	swait.ge [sflag:s13], $0x2000  }
0xb6: {  	[sflag:s13] =	ssyncset.done $0x0  }
0xb7: {  	s16 =	simm.s32 $0x300;
	s17 =	simm.s32 $0x1C0;
	[sflag:s13] =	ssyncadd.s32 $0xFFFFE000  }
.LBB2_4:
0xb8: {  	[tilespmem:s3], [sflag:$0x3] =	stream.indirect.gather [hbm4b:s4+s0], $0x80, s17, s0, $0xb8;
	[tilespmem:$0x1FF00] =	vst v63  }
0xb9: {  	s17 =	smov.u32 s16  }
0xba: {  	p0 =	sne.s32 s16, $0x9600;
	s16 =	sadd.s32 $0x300, s16;
	_ =	swait.ge [sflag:s8], $0x2000  }
0xbb: {  	s17 =	sshra.s32 s17, $0x2;
	[sflag:s8] =	ssyncset.done $0x0  }
0xbc: {  	s18 =	sadd.s32 $0x2840, s17;
	[sflag:s8] =	ssyncadd.s32 $0xFFFFE000  }
0xbd: {  	[spmem:s2] =	stream.indirect.scatter.add.f32 [tilespmem:s1], [sflag:$0x5], $0x80, s18, s0, $0xb8;
	[tilespmem:$0x1FF00] =	vst v63  }
0xbe: {  	_ =	swait.ge [sflag:s14], $0x2000  }
0xbf: {  	[sflag:s14] =	ssyncset.done $0x0  }
0xc0: {  	s18 =	sadd.s32 $0x140, s17;
	[sflag:s14] =	ssyncadd.s32 $0xFFFFE000  }
0xc1: {  	[tilespmem:s9], [sflag:$0x4] =	stream.indirect.gather [hbm4b:s4+s0], $0x80, s18, s0, $0xb8;
	[tilespmem:$0x1FF00] =	vst v63  }
0xc2: {  	_ =	swait.ge [sflag:s10], $0x2000  }
0xc3: {  	[sflag:s10] =	ssyncset.done $0x0  }
0xc4: {  	s18 =	sadd.s32 $0x2880, s17;
	[sflag:s10] =	ssyncadd.s32 $0xFFFFE000  }
0xc5: {  	[spmem:s2] =	stream.indirect.scatter.add.f32 [tilespmem:s3], [sflag:$0x6], $0x80, s18, s0, $0xb8;
	[tilespmem:$0x1FF00] =	vst v63  }
0xc6: {  	_ =	swait.ge [sflag:s11], $0x2000  }
0xc7: {  	[sflag:s11] =	ssyncset.done $0x0  }
0xc8: {  	s18 =	sadd.s32 $0x180, s17;
	[sflag:s11] =	ssyncadd.s32 $0xFFFFE000  }
0xc9: {  	[tilespmem:s1], [sflag:$0x2] =	stream.indirect.gather [hbm4b:s4+s0], $0x80, s18, s0, $0xb8;
	[tilespmem:$0x1FF00] =	vst v63  }
0xca: {  	_ =	swait.ge [sflag:s12], $0x2000  }
0xcb: {  	[sflag:s12] =	ssyncset.done $0x0  }
.Ltmp1:
0xcc: {  	s18 =	sadd.s32 $0x28C0, s17;
	[sflag:s12] =	ssyncadd.s32 $0xFFFFE000;
	(pc) =	sbr.rel @p0 .LBB2_4-.Ltmp1, $4  }
0xcd: {  	[spmem:s2] =	stream.indirect.scatter.add.f32 [tilespmem:s9], [sflag:$0x7], $0x80, s18, s0, $0xb8;
	[tilespmem:$0x1FF00] =	vst v63  }
0xce: {  	_ =	swait.ge [sflag:s13], $0x2000  }
0xcf: {  	[sflag:s13] =	ssyncset.done $0x0  }
0xd0: {  	s17 =	sadd.s32 $0x1C0, s17;
	[sflag:s13] =	ssyncadd.s32 $0xFFFFE000  }
0xd1: {  	[tilespmem:s3], [sflag:$0x3] =	stream.indirect.gather [hbm4b:s4+s0], $0x80, s17, s0, $0xb8;
	[tilespmem:$0x1FF00] =	vst v63  }
0xd2: {  	_ =	swait.ge [sflag:s8], $0x2000  }
0xd3: {  	[sflag:s8] =	ssyncset.done $0x0  }
0xd4: {  	s16 =	simm.s32 $0x4E80;
	[sflag:s8] =	ssyncadd.s32 $0xFFFFE000  }
0xd5: {  	[spmem:s2] =	stream.indirect.scatter.add.f32 [tilespmem:s1], [sflag:$0x5], $0x80, s16, s0, $0xb8;
	[tilespmem:$0x1FF00] =	vst v63  }
0xd6: {  	_ =	swait.ge [sflag:s10], $0x2000  }
0xd7: {  	[sflag:s10] =	ssyncset.done $0x0  }
0xd8: {  	s18 =	simm.s32 $0x4EC0;
	[sflag:s10] =	ssyncadd.s32 $0xFFFFE000  }
0xd9: {  	[spmem:s2] =	stream.indirect.scatter.add.f32 [tilespmem:s3], [sflag:$0x6], $0x80, s18, s0, $0xb8;
	[tilespmem:$0x1FF00] =	vst v63  }
0xda: {  	_ =	swait.ge [sflag:s11], $0x2000  }
0xdb: {  	[sflag:s11] =	ssyncset.done $0x0  }
0xdc: {  	[sflag:s11] =	ssyncadd.s32 $0xFFFFE000  }
0xdd: {  	_ =	swait.ge [sflag:s13], $0x2000  }
0xde: {  	[sflag:s13] =	ssyncset.done $0x0  }
0xdf: {  	[sflag:s13] =	ssyncadd.s32 $0xFFFFE000  }
0xe0: {  	s17 =	stileid.u32;
	_ =	swait.ge [sflag:s14], $0x2000  }
0xe1: {  	s15 =	sadd.s32 $0x1, s15;
	s16 =	sshll.u32 s17, $0x6;
	[sflag:s14] =	ssyncset.done $0x0  }
0xe2: {  	p0 =	sne.s32 s15, s29;
	s16 =	sor.u32 $0x1C08, s16;
	[sflag:s14] =	ssyncadd.s32 $0xFFFFE000  }
.Ltmp2:
0xe3: {  	s18 =	sshrl.u32 s7, $0x3;
	[bflag:$0x0] =	sbarrier.arrive $0xFFFF;
	(pc) =	sbr.rel @p0 .LBB2_1-.Ltmp2, $4  }
0xe4: {  	[hbm:s28], [sflag:s16] =	dma.local [spmem:s18], $0x2800  }
0xe5: {  	_ =	swait.ge [sflag:s6], $0x2800  }
0xe6: {  	[sflag:s6] =	ssyncset.done $0x0  }
0xe7: {  	[sflag:s6] =	ssyncadd.s32 $0xFFFFD800  }
0xe8: {  	_ =	sfence.sel $0x180000  }
0xe9: {  	[bflag:$0x0] =	sbarrier.arrive $0xFFFF  }
0xea: {  	_ =	strace $0x9000004A  }
0xeb: {  	s0 =	stileid.u32;
	[bflag:$0x2] =	sbarrier.arrive $0xFFFF  }
0xec: {  	p0 =	sne.s32 s0, $0x0;
	s0 =	rddreg [dreg:$0x2]  }
0xed: {  	s0 =	sadd.s32 @!p0 $0x100000, s0  }
0xee: {  	[sflag:s0] =	ssyncadd.tile.s32 @!p0 $0x1;
	_ =	shalt  }
.Lfunc_end2:
_tile_overlayer_lowered:
.L_overlay_start_2:
0xef: {  	(tag) =	ssettag $0x2  }
0xf0: {  	s0 =	rddreg [dreg:$0x0];
	s2 =	stileid.u32  }
0xf1: {  	s1 =	rddreg [dreg:$0x1];
	p0 =	sne.s32 s2, $0x0  }
0xf2: {  	s3 =	rddreg [dreg:$0x2];
	[bflag:$0x3] =	sbarrier.arrive $0xFFFF;
	s2 =	simm.s32 @!p0 $0x1C08  }
0xf3: {  	[timem:s3], [sflag:s2] =	dma.local @!p0 [hbm:s0], s1  }
0xf4: {  	s0 =	simm.s32 @!p0 $0x8  }
0xf5: {  	_ =	swait.ge @!p0 [sflag:s0], s1  }
0xf6: {  	s1 =	ssub.s32 @!p0 $0x0, s1;
	[sflag:s0] =	ssyncset.done @!p0 $0x0  }
0xf7: {  	[sflag:s0] =	ssyncadd.s32 @!p0 s1  }
0xf8: {  	[bflag:$0x3] =	sbarrier.arrive $0xFFFF  }
0xf9: {  	_ =	shalt  }

// kernel: kernel.15.cloned.1.call-start
scs
__scs_entry_jumppad:
0x0: {  	(pc) =	sbr.rel $0x88, $3  }
0x1: {  	(tag) =	ssettag $0x0;
	lr =	simm.s32 $0x1  }
0x2: {  	[smem:$0x3F98] =	sst lr;
	_ =	strace $0xD0000000  }
0x3: {  	_ = 	snop  }
0x4: {  	_ = 	snop  }
0x5: {  	_ = 	snop  }
0x6: {  	_ = 	snop  }
0x7: {  	_ = 	snop  }
__scs_overlays_trampoline_lowered:
0x8: {  	[smem:$0x3FA7] =	sst s0  }
0x9: {  	[smem:$0x3FA8] =	sst s1  }
0xa: {  	[smem:$0x3FA9] =	sst s2  }
0xb: {  	[smem:$0x3FAA] =	sst s3  }
0xc: {  	[smem:$0x3FAB] =	sst s4  }
0xd: {  	[smem:$0x3FAC] =	sst s5  }
0xe: {  	[smem:$0x3FAD] =	sst s6  }
0xf: {  	[smem:$0x3FAE] =	sst s7  }
0x10: {  	[smem:$0x3FAF] =	sst s8  }
0x11: {  	[smem:$0x3FB0] =	sst s9;
	s0 =	simm.s32 @!p0 $0x0  }
0x12: {  	s1 =	sld [smem:$0x3F96];
	s0 =	simm.s32 @p0 $0x1  }
0x13: {  	[smem:$0x3FB1] =	sst s0;
	s0 =	simm.s32 @!p1 $0x0  }
0x14: {  	s2 =	sld [smem:$0x3F95];
	s0 =	simm.s32 @p1 $0x1  }
0x15: {  	[smem:$0x3FB2] =	sst s0;
	s0 =	simm.s32 @!p2 $0x0  }
0x16: {  	s3 =	sld [smem:$0x3FDB];
	s0 =	simm.s32 @p2 $0x1  }
0x17: {  	s4 =	simm.s32 $0x1BF5;
	[smem:$0x3FB4] =	sst s0  }
0x18: {  	s0 =	sld [smem:$0x3F97];
	_ =	swait.ge [sflag:s4], $0x0  }
0x19: {  	s7 =	sld [smem:$0x3F98]  }
0x1a: {  	s8 =	sadd.s32 $0xFFFFE003, lr  }
0x1b: {  	s9 =	sadd.s32 $0xFFFFFEF7, lr;
	s5 =	simm.s32 $0xFFFFFFFF;
	p2 =	slt.u32 s8, $0xFFFFF086  }
0x1c: {  	p1 =	slt.u32 s9, $0xF7A;
	s5 =	simm.s32 @!p2 $0x0  }
0x1d: {  	s5 =	simm.s32 @p1 $0x1;
	p0 =	seq.s32 s7, s2  }
0x1e: {  	s7 =	smul.u32 @!p0 $0xF7A, s2;
	p2 =	seq.s32 @!p0 s5, $0x0  }
0x1f: {  	s9 =	smul.u32 $0xF7A, s1;
	s8 =	simm.s32 @!p0 $0x1BF5;
	p2 =	por !p2, p0  }
0x20: {  	[sflag:s8] =	ssyncset.s32 @!p0 $0xFFFFF086;
	s6 =	sadd.s32 @!p0 s3, s7;
	s7 =	simm.s32 @!p0 $0x108  }
0x21: {  	s3 =	sadd.s32 s3, s9;
	s6 =	sadd.s32 @!p0 $0x88, s6;
	s7 =	simm.s32 @p2 $0x1082  }
0x22: {  	[simem:s7], [sflag:s8] =	dma.local @!p0 [hbm:s6], $0xF7A  }
0x23: {  	s9 =	sor.u32 $0xD0000000, s2;
	s6 =	simm.s32 $0x108;
	_ =	swait.ge @!p0 [sflag:s8], $0x0  }
0x24: {  	s3 =	sadd.s32 $0x88, s3;
	s6 =	simm.s32 @!p1 $0x1082;
	[sflag:s4] =	ssyncset.s32 $0xFFFFF086  }
0x25: {  	[simem:s6], [sflag:s4] =	dma.local [hbm:s3], $0xF7A  }
0x26: {  	[smem:$0x3F98] =	sst s1;
	(tag) =	ssettag s2;
	_ =	strace s9  }
0x27: {  	s1 =	sld [smem:$0x3FA8]  }
0x28: {  	s2 =	sld [smem:$0x3FA9]  }
0x29: {  	s4 =	sld [smem:$0x3FAB]  }
0x2a: {  	p0 =	seq.s32 s5, $0x0;
	s5 =	sld [smem:$0x3FAC]  }
0x2b: {  	s6 =	sld [smem:$0x3FAD]  }
0x2c: {  	s7 =	sld [smem:$0x3FAE]  }
0x2d: {  	s3 =	simm.s32 $0x108;
	s8 =	sld [smem:$0x3FAF]  }
0x2e: {  	s3 =	simm.s32 @!p0 $0x1082;
	s9 =	sld [smem:$0x3FB0]  }
0x2f: {  	lr =	sadd.s32 s0, s3;
	s0 =	sld [smem:$0x3FA7]  }
0x30: {  	s3 =	sld [smem:$0x3FAA]  }
0x31: {  	[smem:$0x3FB3] =	sst s10  }
0x32: {  	s10 =	sld [smem:$0x3FB1];
	_ =	sdelay $0x3  }
0x33: {  	p0 =	seq.s32 s10, $0x1;
	s10 =	sld [smem:$0x3FB3];
	_ =	sdelay $0x3  }
0x34: {  	[smem:$0x3FB3] =	sst s10  }
0x35: {  	s10 =	sld [smem:$0x3FB2];
	_ =	sdelay $0x3  }
0x36: {  	p1 =	seq.s32 s10, $0x1;
	s10 =	sld [smem:$0x3FB3];
	_ =	sdelay $0x3  }
0x37: {  	[smem:$0x3FB3] =	sst s10  }
0x38: {  	s10 =	sld [smem:$0x3FB4]  }
0x39: {  	_ = 	snop;
	(pc) =	sbr.ind lr, $3  }
0x3a: {  	_ = 	snop  }
0x3b: {  	_ = 	snop  }
0x3c: {  	p2 =	seq.s32 s10, $0x1;
	s10 =	sld [smem:$0x3FB3]  }
0x3d: {  	_ =	shalt  }
0x3e: {  	_ =	shalt  }
0x3f: {  	_ =	shalt  }
0x40: {  	_ =	shalt  }
0x41: {  	_ =	shalt  }
0x42: {  	_ =	shalt  }
0x43: {  	_ =	shalt  }
0x44: {  	_ =	shalt  }
0x45: {  	_ =	shalt  }
0x46: {  	_ =	shalt  }
0x47: {  	_ =	shalt  }
0x48: {  	_ =	shalt  }
0x49: {  	_ =	shalt  }
0x4a: {  	_ =	shalt  }
0x4b: {  	_ =	shalt  }
0x4c: {  	_ =	shalt  }
0x4d: {  	_ =	shalt  }
0x4e: {  	_ =	shalt  }
0x4f: {  	_ =	shalt  }
0x50: {  	_ =	shalt  }
0x51: {  	_ =	shalt  }
0x52: {  	_ =	shalt  }
0x53: {  	_ =	shalt  }
0x54: {  	_ =	shalt  }
0x55: {  	_ =	shalt  }
0x56: {  	_ =	shalt  }
0x57: {  	_ =	shalt  }
0x58: {  	_ =	shalt  }
0x59: {  	_ =	shalt  }
0x5a: {  	_ =	shalt  }
0x5b: {  	_ =	shalt  }
0x5c: {  	_ =	shalt  }
0x5d: {  	_ =	shalt  }
0x5e: {  	_ =	shalt  }
0x5f: {  	_ =	shalt  }
0x60: {  	_ =	shalt  }
0x61: {  	_ =	shalt  }
0x62: {  	_ =	shalt  }
0x63: {  	_ =	shalt  }
0x64: {  	_ =	shalt  }
0x65: {  	_ =	shalt  }
0x66: {  	_ =	shalt  }
0x67: {  	_ =	shalt  }
0x68: {  	_ =	shalt  }
0x69: {  	_ =	shalt  }
0x6a: {  	_ =	shalt  }
0x6b: {  	_ =	shalt  }
0x6c: {  	_ =	shalt  }
0x6d: {  	_ =	shalt  }
0x6e: {  	_ =	shalt  }
0x6f: {  	_ =	shalt  }
0x70: {  	_ =	shalt  }
0x71: {  	_ =	shalt  }
0x72: {  	_ =	shalt  }
0x73: {  	_ =	shalt  }
0x74: {  	_ =	shalt  }
0x75: {  	_ =	shalt  }
0x76: {  	_ =	shalt  }
0x77: {  	_ =	shalt  }
0x78: {  	_ =	shalt  }
0x79: {  	_ =	shalt  }
0x7a: {  	_ =	shalt  }
0x7b: {  	_ =	shalt  }
0x7c: {  	_ =	shalt  }
0x7d: {  	_ =	shalt  }
0x7e: {  	_ =	shalt  }
0x7f: {  	_ =	shalt  }
0x80: {  	_ =	shalt  }
0x81: {  	_ =	shalt  }
0x82: {  	_ =	shalt  }
0x83: {  	_ =	shalt  }
0x84: {  	_ =	shalt  }
0x85: {  	_ =	shalt  }
0x86: {  	_ =	shalt  }
0x87: {  	_ =	shalt  }
.Lfunc_end0:
.L_simem_size_0:
called_computation.2_lowered:
.L_overlay_start_0:
0x88: {  	s2 =	sld [smem:$0x3FD9]  }
0x89: {  	s3 =	sld [smem:$0x3FFE];
	_ =	sdelay $0x1  }
0x8a: {  	s1 =	srdreg.scid  }
0x8b: {  	s0 =	sand.u32 $0x1, s1  }
0x8c: {  	s16 =	sshll.u32 s0, $0xA;
	s2 =	sadd.s32 s3, s2  }
0x8d: {  	s2 =	sadd.s32 s2, s16  }
0x8e: {  	[smem:$0x3FBF] =	sst s2  }
0x8f: {  	_ = 	snop  }
0x90: {  	(tm) =	ssettm $0x1  }
0x91: {  	s17 =	sld [smem:$0x3FFB];
	_ =	sdelay $0x3  }
0x92: {  	_ =	strace s17  }
0x93: {  	s2 =	sld [smem:$0x3FFC];
	_ =	sdelay $0x3  }
0x94: {  	_ =	strace s2  }
0x95: {  	s2 =	sld [smem:$0x3FFD];
	_ =	sdelay $0x3  }
0x96: {  	_ =	strace s2  }
0x97: {  	_ =	strace $0x8FFFFFFF  }
0x98: {  	s18 =	sld [smem:$0x3FDB];
	_ =	sdelay $0x1  }
0x99: {  	s19 =	simm.s32 $_scs_section_size  }
0x9a: {  	s4 =	simm.s32 $_size__tile_overlayer_lowered;
	s5 =	simm.s32 $_tile_overlayer_lowered  }
0x9b: {  	s22 =	simm.s32 $0x1BFF;
	s21 =	sshll.u32 s5, $0x1;
	s2 =	sadd.s32 s19, s18  }
0x9c: {  	s6 =	simm.s32 $0x0;
	s20 =	sshll.u32 s4, $0x1;
	s4 =	sadd.s32 s21, s2  }
0x9d: {  	[timem:s6], [sflag:s22] =	dma.local [hbm:s4], s20  }
0x9e: {  	_ =	swait.ge [sflag:s22], s20  }
0x9f: {  	s3 =	ssub.s32 $0x0, s20;
	[sflag:s22] =	ssyncset.done $0x0  }
0xa0: {  	[sflag:s22] =	ssyncadd.s32 s3;
	_ =	sdelay $0x1  }
0xa1: {  	s23 =	simm.s32 $0x1B8B  }
0xa2: {  	_ =	swait.ge [sflag:s23], $0x1  }
0xa3: {  	[sflag:s23] =	ssyncset.done $0x0  }
0xa4: {  	s25 =	simm.s32 $0x1B8E;
	s24 =	sld [smem:$0x3FFE];
	[sflag:s23] =	ssyncadd.s32 $0xFFFFFFFF  }
0xa5: {  	s26 =	simm.s32 $execute0_lowered;
	[smem:$0x3FD2] =	sst s25  }
0xa6: {  	s4 =	sshll.u32 s26, $0x1;
	_ =	strace $0x8000004C;
	[dreg:$0x1] =	wrdreg $0xFFFFFFFF  }
0xa7: {  	s28 =	simm.s32 $_size_execute0_lowered;
	s2 =	sadd.s32 s2, s4;
	[dreg:$0x0] =	wrdreg $0x0  }
0xa8: {  	s4 =	sshll.u32 s28, $0x1;
	[dreg:$0x2] =	wrdreg s2  }
0xa9: {  	[dreg:$0x3] =	wrdreg s4  }
0xaa: {  	[dreg:$0x4] =	wrdreg $0xC0  }
0xab: {  	_ =	task [dreg:s6], $0x5FFFF  }
0xac: {  	[dreg:$0x1] =	wrdreg $0xFFFFFFFF  }
0xad: {  	[dreg:$0x0] =	wrdreg $0x60  }
0xae: {  	[dreg:$0x2] =	wrdreg s24  }
0xaf: {  	[dreg:$0x3] =	wrdreg $0xBF000  }
0xb0: {  	[dreg:$0x4] =	wrdreg $0x9  }
0xb1: {  	_ =	task.clear_ibuf [dreg:s6], $0x5FFFF;
	_ =	strace $0x9000004C  }
0xb2: {  	s29 =	simm.s32 $0x9;
	_ =	strace $0x8000004E  }
0xb3: {  	_ =	swait.ge [sflag:s29], $0x1  }
0xb4: {  	[sflag:s29] =	ssyncadd.s32 $0xFFFFFFFF  }
0xb5: {  	_ =	strace $0x9000004E  }
0xb6: {  	_ =	sfence  }
0xb7: {  	s30 =	sld [smem:$0x0];
	_ =	sdelay $0x2  }
0xb8: {  	s31 =	sshll.u32 s1, $0xD;
	s1 =	sshrl.u32 s1, $0x2  }
0xb9: {  	s3 =	sand.u32 $0x4000, s31;
	s1 =	sadd.s32 s1, s30  }
0xba: {  	s0 =	sor.u32 s3, s0;
	s1 =	sshll.u32 s1, $0x11  }
0xbb: {  	s0 =	sor.u32 s1, s0  }
0xbc: {  	s0 =	sadd.s32 $0x8F2B, s0  }
0xbd: {  	[sflag:s0] =	ssyncadd.remote.s32 $0x1  }
0xbe: {  	_ =	sfence.sel $0xFFFF  }
0xbf: {  	[dreg:$0x0] =	wrdreg $0xFFFFFFFF;
	(pc) =	sbr.abs _section_cstart, $3  }
0xc0: {  	[dreg:$0x1] =	wrdreg $0xFFFFFFFF  }
0xc1: {  	_ =	task.clear_ibuf [dreg:s6], $0x2FFFF;
	_ =	strace $0x9FFFFFFF  }
0xc2: {  	(tm) =	ssettm $0x7FFFFFFF  }
0xc3: {  	_ =	shalt  }
tec
execute0_lowered:
.L_overlay_start_1:
0x0: {  	(tag) =	ssettag $0x1  }
0x1: {  	s0 =	rddreg [dreg:$0x0]  }
0x2: {  	s2 =	rddreg [dreg:$0x1];
	s4 =	simm.s32 $0x0;
	s1 =	srdreg.scid  }
0x3: {  	s7 =	stileid.u32;
	s30 =	simm.s32 $0x2780;
	s31 =	simm.s32 $0x1  }
0x4: {  	s8 =	simm.s32 $0x2;
	s9 =	simm.s32 $0x8F00;
	s10 =	simm.s32 $0x3  }
0x5: {  	s11 =	simm.s32 $0x5;
	s12 =	simm.s32 $0x4;
	s5 =	smul.u32 $0x14000, s7  }
0x6: {  	s1 =	sand.u32 $0x1, s1;
	s3 =	sshll.u32 s7, $0x1;
	s7 =	smul.u32 $0x50000, s7  }
0x7: {  	[smem:$0x7FF] =	sst s4;
	s4 =	sadd.s32 $0x15600, s0;
	s3 =	sor.u32 s1, s3  }
0x8: {  	s6 =	smul.u32 $0x140000, s1;
	_ =	strace $0x8000004D;
	s7 =	sshrl.u32 s7, $0x2  }
0x9: {  	s1 =	ssub.s32 $0x2, s1;
	s3 =	smul.u32 $0x4F0, s3;
	s15 =	sadd.s32 s7, s2  }
0xa: {  	s13 =	sshrl.u32 s1, $0x1;
	s6 =	sadd.s32 s5, s6;
	s16 =	sadd.s32 $0x1000, s15  }
0xb: {  	s1 =	ssub.s32 s1, s13;
	s17 =	sadd.s32 $0x2000, s15;
	[dreg:$0x5] =	wrdreg s16  }
0xc: {  	s7 =	sadd.s32 s5, s2;
	s18 =	sadd.s32 $0x3000, s15;
	[dreg:$0x6] =	wrdreg s17  }
0xd: {  	s5 =	simm.s32 $0xAF00;
	s19 =	sadd.s32 $0x4000, s15;
	[dreg:$0x7] =	wrdreg s18  }
0xe: {  	s13 =	simm.s32 $0x6;
	s20 =	sadd.s32 $0x5000, s15;
	[dreg:$0x8] =	wrdreg s19  }
0xf: {  	s3 =	sadd.s32 s3, s0;
	s21 =	sadd.s32 $0x6000, s15;
	[dreg:$0x9] =	wrdreg s20  }
0x10: {  	s6 =	sshrl.u32 s6, $0x3;
	s22 =	sadd.s32 $0x7000, s15;
	[dreg:$0xa] =	wrdreg s21  }
0x11: {  	s23 =	sadd.s32 $0x8000, s15;
	s24 =	sadd.s32 $0x9000, s15;
	[dreg:$0xb] =	wrdreg s22  }
0x12: {  	s25 =	sadd.s32 $0xA000, s15;
	s26 =	sadd.s32 $0xB000, s15;
	[dreg:$0xc] =	wrdreg s23  }
0x13: {  	s29 =	smax.u32 s1, $0x1;
	s1 =	simm.s32 $0x4F00;
	[dreg:$0xd] =	wrdreg s24  }
0x14: {  	s0 =	sadd.s32 s6, s0;
	s14 =	sadd.s32 $0xB800, s3;
	[dreg:$0xe] =	wrdreg s25  }
0x15: {  	s3 =	sadd.s32 $0x1A00, s3;
	[dreg:$0xf] =	wrdreg s26;
	s19 =	sadd.s32 $0xC000, s15  }
0x16: {  	s20 =	sadd.s32 $0xD000, s15;
	s21 =	sadd.s32 $0xE000, s15;
	s22 =	sadd.s32 $0xF000, s15  }
0x17: {  	s23 =	sadd.s32 $0x10000, s15;
	s24 =	sadd.s32 $0x11000, s15;
	s25 =	sadd.s32 $0x12000, s15  }
0x18: {  	s26 =	sadd.s32 $0x13000, s15;
	s6 =	simm.s32 $0x8;
	[dreg:$0x3] =	wrdreg s14  }
0x19: {  	s15 =	simm.s32 $0x0;
	[dreg:$0x4] =	wrdreg s3;
	s28 =	sadd.s32 $0x3D600, s0  }
0x1a: {  	v0 =	vimm.f32 $0.0e+00;
	s0 =	simm.s32 $0x40;
	s3 =	simm.s32 $0x6F00;
	s14 =	simm.s32 $0x7  }
.LBB2_1:
0x1b: {  	s16 =	simm.s32 $0x0;
	s17 =	rddreg [dreg:$0x3]  }
0x1c: {  	[tilespmem:s16], [sflag:$0x1] =	stream.linear.gather [hbm4b:s17+s16], $0x2780, $0x38;
	[tilespmem:$0x1FF00] =	vst v63  }
0x1d: {  	s18 =	rddreg [dreg:$0x4]  }
0x1e: {  	[tilespmem:s30], [sflag:$0x1] =	stream.linear.gather [hbm4b:s18+s16], $0x2780, $0x38;
	[tilespmem:$0x1FF00] =	vst v63  }
0x1f: {  	s17 =	simm.s32 $0x200;
	s16 =	simm.s32 $0x0  }
.LBB2_2:
0x20: {  	p0 =	sne.s32 s17, $0x3E00;
	[tilespmem:s16+$0xAF70] =	vst v0  }
0x21: {  	[tilespmem:s16+$0xAF00] =	vst v0  }
0x22: {  	[tilespmem:s16+$0xAF10] =	vst v0  }
.Ltmp0:
0x23: {  	[tilespmem:s16+$0xAF20] =	vst v0;
	(pc) =	sbr.rel @p0 .LBB2_2-.Ltmp0, $4  }
0x24: {  	[tilespmem:s16+$0xAF30] =	vst v0  }
0x25: {  	[tilespmem:s16+$0xAF40] =	vst v0  }
0x26: {  	[tilespmem:s16+$0xAF50] =	vst v0  }
0x27: {  	[tilespmem:s16+$0xAF60] =	vst v0;
	s16 =	sshra.s32 s17, $0x2;
	s17 =	sadd.s32 $0x200, s17  }
0x28: {  	[tilespmem:s16+$0xAF70] =	vst v0  }
0x29: {  	[tilespmem:s16+$0xAF00] =	vst v0  }
0x2a: {  	[tilespmem:s16+$0xAF10] =	vst v0  }
0x2b: {  	[tilespmem:s16+$0xAF20] =	vst v0  }
0x2c: {  	[tilespmem:s16+$0xAF30] =	vst v0  }
0x2d: {  	[tilespmem:s16+$0xAF40] =	vst v0  }
0x2e: {  	[tilespmem:s16+$0xAF50] =	vst v0  }
0x2f: {  	[tilespmem:s16+$0xAF60] =	vst v0  }
0x30: {  	_ =	swait.ge [sflag:s31], $0x2780  }
0x31: {  	[sflag:s31] =	ssyncset.done $0x0  }
0x32: {  	[sflag:s31] =	ssyncadd.s32 $0xFFFFD880  }
0x33: {  	_ =	swait.ge [sflag:s31], $0x2780  }
0x34: {  	[sflag:s31] =	ssyncset.done $0x0  }
0x35: {  	s17 =	simm.s32 $0x0;
	[sflag:s31] =	ssyncadd.s32 $0xFFFFD880  }
0x36: {  	[tilespmem:s1], [sflag:$0x2] =	stream.indirect.gather [hbm4b:s4+s0], $0x80, s17, s0, $0xb8;
	[tilespmem:$0x1FF00] =	vst v63  }
0x37: {  	_ = 	snop  }
0x38: {  	[tilespmem:s3], [sflag:$0x3] =	stream.indirect.gather [hbm4b:s4+s0], $0x80, s0, s0, $0xb8;
	[tilespmem:$0x1FF00] =	vst v63  }
0x39: {  	_ = 	snop  }
0x3a: {  	[spmem:s7] =	stream.linear.scatter [tilespmem:s5], [sflag:$0x8], $0x1000, $0x38;
	[tilespmem:$0x1FF00] =	vst v63  }
0x3b: {  	_ =	swait.ge [sflag:s6], $0x1000  }
0x3c: {  	[sflag:s6] =	ssyncset.done $0x0  }
0x3d: {  	s18 =	rddreg [dreg:$0x5];
	[sflag:s6] =	ssyncadd.s32 $0xFFFFF000  }
0x3e: {  	[spmem:s18] =	stream.linear.scatter [tilespmem:s5], [sflag:$0x8], $0x1000, $0x38;
	[tilespmem:$0x1FF00] =	vst v63  }
0x3f: {  	_ =	swait.ge [sflag:s6], $0x1000  }
0x40: {  	[sflag:s6] =	ssyncset.done $0x0  }
0x41: {  	s17 =	rddreg [dreg:$0x6];
	[sflag:s6] =	ssyncadd.s32 $0xFFFFF000  }
0x42: {  	[spmem:s17] =	stream.linear.scatter [tilespmem:s5], [sflag:$0x8], $0x1000, $0x38;
	[tilespmem:$0x1FF00] =	vst v63  }
0x43: {  	_ =	swait.ge [sflag:s6], $0x1000  }
0x44: {  	[sflag:s6] =	ssyncset.done $0x0  }
0x45: {  	s18 =	rddreg [dreg:$0x7];
	[sflag:s6] =	ssyncadd.s32 $0xFFFFF000  }
0x46: {  	[spmem:s18] =	stream.linear.scatter [tilespmem:s5], [sflag:$0x8], $0x1000, $0x38;
	[tilespmem:$0x1FF00] =	vst v63  }
0x47: {  	_ =	swait.ge [sflag:s6], $0x1000  }
0x48: {  	[sflag:s6] =	ssyncset.done $0x0  }
0x49: {  	s17 =	rddreg [dreg:$0x8];
	[sflag:s6] =	ssyncadd.s32 $0xFFFFF000  }
0x4a: {  	[spmem:s17] =	stream.linear.scatter [tilespmem:s5], [sflag:$0x8], $0x1000, $0x38;
	[tilespmem:$0x1FF00] =	vst v63  }
0x4b: {  	_ =	swait.ge [sflag:s6], $0x1000  }
0x4c: {  	[sflag:s6] =	ssyncset.done $0x0  }
0x4d: {  	s18 =	rddreg [dreg:$0x9];
	[sflag:s6] =	ssyncadd.s32 $0xFFFFF000  }
0x4e: {  	[spmem:s18] =	stream.linear.scatter [tilespmem:s5], [sflag:$0x8], $0x1000, $0x38;
	[tilespmem:$0x1FF00] =	vst v63  }
0x4f: {  	_ =	swait.ge [sflag:s6], $0x1000  }
0x50: {  	[sflag:s6] =	ssyncset.done $0x0  }
0x51: {  	s17 =	rddreg [dreg:$0xa];
	[sflag:s6] =	ssyncadd.s32 $0xFFFFF000  }
0x52: {  	[spmem:s17] =	stream.linear.scatter [tilespmem:s5], [sflag:$0x8], $0x1000, $0x38;
	[tilespmem:$0x1FF00] =	vst v63  }
0x53: {  	_ =	swait.ge [sflag:s6], $0x1000  }
0x54: {  	[sflag:s6] =	ssyncset.done $0x0  }
0x55: {  	s18 =	rddreg [dreg:$0xb];
	[sflag:s6] =	ssyncadd.s32 $0xFFFFF000  }
0x56: {  	[spmem:s18] =	stream.linear.scatter [tilespmem:s5], [sflag:$0x8], $0x1000, $0x38;
	[tilespmem:$0x1FF00] =	vst v63  }
0x57: {  	_ =	swait.ge [sflag:s6], $0x1000  }
0x58: {  	[sflag:s6] =	ssyncset.done $0x0  }
0x59: {  	s17 =	rddreg [dreg:$0xc];
	[sflag:s6] =	ssyncadd.s32 $0xFFFFF000  }
0x5a: {  	[spmem:s17] =	stream.linear.scatter [tilespmem:s5], [sflag:$0x8], $0x1000, $0x38;
	[tilespmem:$0x1FF00] =	vst v63  }
0x5b: {  	_ =	swait.ge [sflag:s6], $0x1000  }
0x5c: {  	[sflag:s6] =	ssyncset.done $0x0  }
0x5d: {  	s18 =	rddreg [dreg:$0xd];
	[sflag:s6] =	ssyncadd.s32 $0xFFFFF000  }
0x5e: {  	[spmem:s18] =	stream.linear.scatter [tilespmem:s5], [sflag:$0x8], $0x1000, $0x38;
	[tilespmem:$0x1FF00] =	vst v63  }
0x5f: {  	_ =	swait.ge [sflag:s6], $0x1000  }
0x60: {  	[sflag:s6] =	ssyncset.done $0x0  }
0x61: {  	s17 =	rddreg [dreg:$0xe];
	[sflag:s6] =	ssyncadd.s32 $0xFFFFF000  }
0x62: {  	[spmem:s17] =	stream.linear.scatter [tilespmem:s5], [sflag:$0x8], $0x1000, $0x38;
	[tilespmem:$0x1FF00] =	vst v63  }
0x63: {  	_ =	swait.ge [sflag:s6], $0x1000  }
0x64: {  	[sflag:s6] =	ssyncset.done $0x0  }
0x65: {  	s18 =	rddreg [dreg:$0xf];
	[sflag:s6] =	ssyncadd.s32 $0xFFFFF000  }
0x66: {  	[spmem:s18] =	stream.linear.scatter [tilespmem:s5], [sflag:$0x8], $0x1000, $0x38;
	[tilespmem:$0x1FF00] =	vst v63  }
0x67: {  	_ =	swait.ge [sflag:s6], $0x1000  }
0x68: {  	[sflag:s6] =	ssyncset.done $0x0  }
0x69: {  	[sflag:s6] =	ssyncadd.s32 $0xFFFFF000  }
0x6a: {  	[spmem:s19] =	stream.linear.scatter [tilespmem:s5], [sflag:$0x8], $0x1000, $0x38;
	[tilespmem:$0x1FF00] =	vst v63  }
0x6b: {  	_ =	swait.ge [sflag:s6], $0x1000  }
0x6c: {  	[sflag:s6] =	ssyncset.done $0x0  }
0x6d: {  	[sflag:s6] =	ssyncadd.s32 $0xFFFFF000  }
0x6e: {  	[spmem:s20] =	stream.linear.scatter [tilespmem:s5], [sflag:$0x8], $0x1000, $0x38;
	[tilespmem:$0x1FF00] =	vst v63  }
0x6f: {  	_ =	swait.ge [sflag:s6], $0x1000  }
0x70: {  	[sflag:s6] =	ssyncset.done $0x0  }
0x71: {  	[sflag:s6] =	ssyncadd.s32 $0xFFFFF000  }
0x72: {  	[spmem:s21] =	stream.linear.scatter [tilespmem:s5], [sflag:$0x8], $0x1000, $0x38;
	[tilespmem:$0x1FF00] =	vst v63  }
0x73: {  	_ =	swait.ge [sflag:s6], $0x1000  }
0x74: {  	[sflag:s6] =	ssyncset.done $0x0  }
0x75: {  	[sflag:s6] =	ssyncadd.s32 $0xFFFFF000  }
0x76: {  	[spmem:s22] =	stream.linear.scatter [tilespmem:s5], [sflag:$0x8], $0x1000, $0x38;
	[tilespmem:$0x1FF00] =	vst v63  }
0x77: {  	_ =	swait.ge [sflag:s6], $0x1000  }
0x78: {  	[sflag:s6] =	ssyncset.done $0x0  }
0x79: {  	[sflag:s6] =	ssyncadd.s32 $0xFFFFF000  }
0x7a: {  	[spmem:s23] =	stream.linear.scatter [tilespmem:s5], [sflag:$0x8], $0x1000, $0x38;
	[tilespmem:$0x1FF00] =	vst v63  }
0x7b: {  	_ =	swait.ge [sflag:s6], $0x1000  }
0x7c: {  	[sflag:s6] =	ssyncset.done $0x0  }
0x7d: {  	[sflag:s6] =	ssyncadd.s32 $0xFFFFF000  }
0x7e: {  	[spmem:s24] =	stream.linear.scatter [tilespmem:s5], [sflag:$0x8], $0x1000, $0x38;
	[tilespmem:$0x1FF00] =	vst v63  }
0x7f: {  	_ =	swait.ge [sflag:s6], $0x1000  }
0x80: {  	[sflag:s6] =	ssyncset.done $0x0  }
0x81: {  	[sflag:s6] =	ssyncadd.s32 $0xFFFFF000  }
0x82: {  	[spmem:s25] =	stream.linear.scatter [tilespmem:s5], [sflag:$0x8], $0x1000, $0x38;
	[tilespmem:$0x1FF00] =	vst v63  }
0x83: {  	_ =	swait.ge [sflag:s6], $0x1000  }
0x84: {  	[sflag:s6] =	ssyncset.done $0x0  }
0x85: {  	[sflag:s6] =	ssyncadd.s32 $0xFFFFF000  }
0x86: {  	[spmem:s26] =	stream.linear.scatter [tilespmem:s5], [sflag:$0x8], $0x1000, $0x38;
	[tilespmem:$0x1FF00] =	vst v63  }
0x87: {  	_ =	swait.ge [sflag:s6], $0x1000  }
0x88: {  	[sflag:s6] =	ssyncset.done $0x0  }
0x89: {  	[sflag:s6] =	ssyncadd.s32 $0xFFFFF000  }
0x8a: {  	[bflag:$0x0] =	sbarrier.arrive $0xFFFF  }
0x8b: {  	_ =	swait.ge [sflag:s8], $0x2000  }
0x8c: {  	[sflag:s8] =	ssyncset.done $0x0  }
0x8d: {  	[sflag:s8] =	ssyncadd.s32 $0xFFFFE000  }
0x8e: {  	[spmem:s2] =	stream.indirect.scatter.add.f32 [tilespmem:s1], [sflag:$0x5], $0x80, s30, s0, $0xb8;
	[tilespmem:$0x1FF00] =	vst v63  }
0x8f: {  	s17 =	simm.s32 $0x80  }
0x90: {  	[tilespmem:s9], [sflag:$0x4] =	stream.indirect.gather [hbm4b:s4+s0], $0x80, s17, s0, $0xb8;
	[tilespmem:$0x1FF00] =	vst v63  }
0x91: {  	_ =	swait.ge [sflag:s10], $0x2000  }
0x92: {  	[sflag:s10] =	ssyncset.done $0x0  }
0x93: {  	s18 =	simm.s32 $0x27C0;
	[sflag:s10] =	ssyncadd.s32 $0xFFFFE000  }
0x94: {  	[spmem:s2] =	stream.indirect.scatter.add.f32 [tilespmem:s3], [sflag:$0x6], $0x80, s18, s0, $0xb8;
	[tilespmem:$0x1FF00] =	vst v63  }
0x95: {  	_ =	swait.ge [sflag:s11], $0x2000  }
0x96: {  	[sflag:s11] =	ssyncset.done $0x0  }
0x97: {  	s17 =	simm.s32 $0xC0;
	[sflag:s11] =	ssyncadd.s32 $0xFFFFE000  }
0x98: {  	[tilespmem:s1], [sflag:$0x2] =	stream.indirect.gather [hbm4b:s4+s0], $0x80, s17, s0, $0xb8;
	[tilespmem:$0x1FF00] =	vst v63  }
0x99: {  	_ =	swait.ge [sflag:s12], $0x2000  }
0x9a: {  	[sflag:s12] =	ssyncset.done $0x0  }
0x9b: {  	s18 =	simm.s32 $0x2800;
	[sflag:s12] =	ssyncadd.s32 $0xFFFFE000  }
0x9c: {  	[spmem:s2] =	stream.indirect.scatter.add.f32 [tilespmem:s9], [sflag:$0x7], $0x80, s18, s0, $0xb8;
	[tilespmem:$0x1FF00] =	vst v63  }
0x9d: {  	_ =	swait.ge [sflag:s13], $0x2000  }
0x9e: {  	[sflag:s13] =	ssyncset.done $0x0  }
0x9f: {  	s17 =	simm.s32 $0x100;
	[sflag:s13] =	ssyncadd.s32 $0xFFFFE000  }
0xa0: {  	[tilespmem:s3], [sflag:$0x3] =	stream.indirect.gather [hbm4b:s4+s0], $0x80, s17, s0, $0xb8;
	[tilespmem:$0x1FF00] =	vst v63  }
0xa1: {  	_ =	swait.ge [sflag:s8], $0x2000  }
0xa2: {  	[sflag:s8] =	ssyncset.done $0x0  }
0xa3: {  	s18 =	simm.s32 $0x2840;
	[sflag:s8] =	ssyncadd.s32 $0xFFFFE000  }
0xa4: {  	[spmem:s2] =	stream.indirect.scatter.add.f32 [tilespmem:s1], [sflag:$0x5], $0x80, s18, s0, $0xb8;
	[tilespmem:$0x1FF00] =	vst v63  }
0xa5: {  	_ =	swait.ge [sflag:s14], $0x2000  }
0xa6: {  	[sflag:s14] =	ssyncset.done $0x0  }
0xa7: {  	s17 =	simm.s32 $0x140;
	[sflag:s14] =	ssyncadd.s32 $0xFFFFE000  }
0xa8: {  	[tilespmem:s9], [sflag:$0x4] =	stream.indirect.gather [hbm4b:s4+s0], $0x80, s17, s0, $0xb8;
	[tilespmem:$0x1FF00] =	vst v63  }
0xa9: {  	_ =	swait.ge [sflag:s10], $0x2000  }
0xaa: {  	[sflag:s10] =	ssyncset.done $0x0  }
0xab: {  	s18 =	simm.s32 $0x2880;
	[sflag:s10] =	ssyncadd.s32 $0xFFFFE000  }
0xac: {  	[spmem:s2] =	stream.indirect.scatter.add.f32 [tilespmem:s3], [sflag:$0x6], $0x80, s18, s0, $0xb8;
	[tilespmem:$0x1FF00] =	vst v63  }
0xad: {  	_ =	swait.ge [sflag:s11], $0x2000  }
0xae: {  	[sflag:s11] =	ssyncset.done $0x0  }
0xaf: {  	s17 =	simm.s32 $0x180;
	[sflag:s11] =	ssyncadd.s32 $0xFFFFE000  }
0xb0: {  	[tilespmem:s1], [sflag:$0x2] =	stream.indirect.gather [hbm4b:s4+s0], $0x80, s17, s0, $0xb8;
	[tilespmem:$0x1FF00] =	vst v63  }
0xb1: {  	_ =	swait.ge [sflag:s12], $0x2000  }
0xb2: {  	[sflag:s12] =	ssyncset.done $0x0  }
0xb3: {  	s18 =	simm.s32 $0x28C0;
	[sflag:s12] =	ssyncadd.s32 $0xFFFFE000  }
0xb4: {  	[spmem:s2] =	stream.indirect.scatter.add.f32 [tilespmem:s9], [sflag:$0x7], $0x80, s18, s0, $0xb8;
	[tilespmem:$0x1FF00] =	vst v63  }
0xb5: {  	_ =	swait.ge [sflag:s13], $0x2000  }
0xb6: {  	[sflag:s13] =	ssyncset.done $0x0  }
0xb7: {  	s16 =	simm.s32 $0x300;
	s17 =	simm.s32 $0x1C0;
	[sflag:s13] =	ssyncadd.s32 $0xFFFFE000  }
.LBB2_4:
0xb8: {  	[tilespmem:s3], [sflag:$0x3] =	stream.indirect.gather [hbm4b:s4+s0], $0x80, s17, s0, $0xb8;
	[tilespmem:$0x1FF00] =	vst v63  }
0xb9: {  	s17 =	smov.u32 s16  }
0xba: {  	p0 =	sne.s32 s16, $0x9600;
	s16 =	sadd.s32 $0x300, s16;
	_ =	swait.ge [sflag:s8], $0x2000  }
0xbb: {  	s17 =	sshra.s32 s17, $0x2;
	[sflag:s8] =	ssyncset.done $0x0  }
0xbc: {  	s18 =	sadd.s32 $0x2840, s17;
	[sflag:s8] =	ssyncadd.s32 $0xFFFFE000  }
0xbd: {  	[spmem:s2] =	stream.indirect.scatter.add.f32 [tilespmem:s1], [sflag:$0x5], $0x80, s18, s0, $0xb8;
	[tilespmem:$0x1FF00] =	vst v63  }
0xbe: {  	_ =	swait.ge [sflag:s14], $0x2000  }
0xbf: {  	[sflag:s14] =	ssyncset.done $0x0  }
0xc0: {  	s18 =	sadd.s32 $0x140, s17;
	[sflag:s14] =	ssyncadd.s32 $0xFFFFE000  }
0xc1: {  	[tilespmem:s9], [sflag:$0x4] =	stream.indirect.gather [hbm4b:s4+s0], $0x80, s18, s0, $0xb8;
	[tilespmem:$0x1FF00] =	vst v63  }
0xc2: {  	_ =	swait.ge [sflag:s10], $0x2000  }
0xc3: {  	[sflag:s10] =	ssyncset.done $0x0  }
0xc4: {  	s18 =	sadd.s32 $0x2880, s17;
	[sflag:s10] =	ssyncadd.s32 $0xFFFFE000  }
0xc5: {  	[spmem:s2] =	stream.indirect.scatter.add.f32 [tilespmem:s3], [sflag:$0x6], $0x80, s18, s0, $0xb8;
	[tilespmem:$0x1FF00] =	vst v63  }
0xc6: {  	_ =	swait.ge [sflag:s11], $0x2000  }
0xc7: {  	[sflag:s11] =	ssyncset.done $0x0  }
0xc8: {  	s18 =	sadd.s32 $0x180, s17;
	[sflag:s11] =	ssyncadd.s32 $0xFFFFE000  }
0xc9: {  	[tilespmem:s1], [sflag:$0x2] =	stream.indirect.gather [hbm4b:s4+s0], $0x80, s18, s0, $0xb8;
	[tilespmem:$0x1FF00] =	vst v63  }
0xca: {  	_ =	swait.ge [sflag:s12], $0x2000  }
0xcb: {  	[sflag:s12] =	ssyncset.done $0x0  }
.Ltmp1:
0xcc: {  	s18 =	sadd.s32 $0x28C0, s17;
	[sflag:s12] =	ssyncadd.s32 $0xFFFFE000;
	(pc) =	sbr.rel @p0 .LBB2_4-.Ltmp1, $4  }
0xcd: {  	[spmem:s2] =	stream.indirect.scatter.add.f32 [tilespmem:s9], [sflag:$0x7], $0x80, s18, s0, $0xb8;
	[tilespmem:$0x1FF00] =	vst v63  }
0xce: {  	_ =	swait.ge [sflag:s13], $0x2000  }
0xcf: {  	[sflag:s13] =	ssyncset.done $0x0  }
0xd0: {  	s17 =	sadd.s32 $0x1C0, s17;
	[sflag:s13] =	ssyncadd.s32 $0xFFFFE000  }
0xd1: {  	[tilespmem:s3], [sflag:$0x3] =	stream.indirect.gather [hbm4b:s4+s0], $0x80, s17, s0, $0xb8;
	[tilespmem:$0x1FF00] =	vst v63  }
0xd2: {  	_ =	swait.ge [sflag:s8], $0x2000  }
0xd3: {  	[sflag:s8] =	ssyncset.done $0x0  }
0xd4: {  	s16 =	simm.s32 $0x4E80;
	[sflag:s8] =	ssyncadd.s32 $0xFFFFE000  }
0xd5: {  	[spmem:s2] =	stream.indirect.scatter.add.f32 [tilespmem:s1], [sflag:$0x5], $0x80, s16, s0, $0xb8;
	[tilespmem:$0x1FF00] =	vst v63  }
0xd6: {  	_ =	swait.ge [sflag:s10], $0x2000  }
0xd7: {  	[sflag:s10] =	ssyncset.done $0x0  }
0xd8: {  	s18 =	simm.s32 $0x4EC0;
	[sflag:s10] =	ssyncadd.s32 $0xFFFFE000  }
0xd9: {  	[spmem:s2] =	stream.indirect.scatter.add.f32 [tilespmem:s3], [sflag:$0x6], $0x80, s18, s0, $0xb8;
	[tilespmem:$0x1FF00] =	vst v63  }
0xda: {  	_ =	swait.ge [sflag:s11], $0x2000  }
0xdb: {  	[sflag:s11] =	ssyncset.done $0x0  }
0xdc: {  	[sflag:s11] =	ssyncadd.s32 $0xFFFFE000  }
0xdd: {  	_ =	swait.ge [sflag:s13], $0x2000  }
0xde: {  	[sflag:s13] =	ssyncset.done $0x0  }
0xdf: {  	[sflag:s13] =	ssyncadd.s32 $0xFFFFE000  }
0xe0: {  	s17 =	stileid.u32;
	_ =	swait.ge [sflag:s14], $0x2000  }
0xe1: {  	s15 =	sadd.s32 $0x1, s15;
	s16 =	sshll.u32 s17, $0x6;
	[sflag:s14] =	ssyncset.done $0x0  }
0xe2: {  	p0 =	sne.s32 s15, s29;
	s16 =	sor.u32 $0x1C08, s16;
	[sflag:s14] =	ssyncadd.s32 $0xFFFFE000  }
.Ltmp2:
0xe3: {  	s18 =	sshrl.u32 s7, $0x3;
	[bflag:$0x0] =	sbarrier.arrive $0xFFFF;
	(pc) =	sbr.rel @p0 .LBB2_1-.Ltmp2, $4  }
0xe4: {  	[hbm:s28], [sflag:s16] =	dma.local [spmem:s18], $0x2800  }
0xe5: {  	_ =	swait.ge [sflag:s6], $0x2800  }
0xe6: {  	[sflag:s6] =	ssyncset.done $0x0  }
0xe7: {  	[sflag:s6] =	ssyncadd.s32 $0xFFFFD800  }
0xe8: {  	_ =	sfence.sel $0x180000  }
0xe9: {  	[bflag:$0x0] =	sbarrier.arrive $0xFFFF  }
0xea: {  	_ =	strace $0x9000004D  }
0xeb: {  	s0 =	stileid.u32;
	[bflag:$0x2] =	sbarrier.arrive $0xFFFF  }
0xec: {  	p0 =	sne.s32 s0, $0x0;
	s0 =	rddreg [dreg:$0x2]  }
0xed: {  	s0 =	sadd.s32 @!p0 $0x100000, s0  }
0xee: {  	[sflag:s0] =	ssyncadd.tile.s32 @!p0 $0x1;
	_ =	shalt  }
.Lfunc_end2:
_tile_overlayer_lowered:
.L_overlay_start_2:
0xef: {  	(tag) =	ssettag $0x2  }
0xf0: {  	s0 =	rddreg [dreg:$0x0];
	s2 =	stileid.u32  }
0xf1: {  	s1 =	rddreg [dreg:$0x1];
	p0 =	sne.s32 s2, $0x0  }
0xf2: {  	s3 =	rddreg [dreg:$0x2];
	[bflag:$0x3] =	sbarrier.arrive $0xFFFF;
	s2 =	simm.s32 @!p0 $0x1C08  }
0xf3: {  	[timem:s3], [sflag:s2] =	dma.local @!p0 [hbm:s0], s1  }
0xf4: {  	s0 =	simm.s32 @!p0 $0x8  }
0xf5: {  	_ =	swait.ge @!p0 [sflag:s0], s1  }
0xf6: {  	s1 =	ssub.s32 @!p0 $0x0, s1;
	[sflag:s0] =	ssyncset.done @!p0 $0x0  }
0xf7: {  	[sflag:s0] =	ssyncadd.s32 @!p0 s1  }
0xf8: {  	[bflag:$0x3] =	sbarrier.arrive $0xFFFF  }
0xf9: {  	_ =	shalt  }

// kernel: kernel.18.cloned.1.call-start
scs
__scs_entry_jumppad:
0x0: {  	(pc) =	sbr.rel $0x88, $3  }
0x1: {  	(tag) =	ssettag $0x0;
	lr =	simm.s32 $0x1  }
0x2: {  	[smem:$0x3F98] =	sst lr;
	_ =	strace $0xD0000000  }
0x3: {  	_ = 	snop  }
0x4: {  	_ = 	snop  }
0x5: {  	_ = 	snop  }
0x6: {  	_ = 	snop  }
0x7: {  	_ = 	snop  }
__scs_overlays_trampoline_lowered:
0x8: {  	[smem:$0x3FA7] =	sst s0  }
0x9: {  	[smem:$0x3FA8] =	sst s1  }
0xa: {  	[smem:$0x3FA9] =	sst s2  }
0xb: {  	[smem:$0x3FAA] =	sst s3  }
0xc: {  	[smem:$0x3FAB] =	sst s4  }
0xd: {  	[smem:$0x3FAC] =	sst s5  }
0xe: {  	[smem:$0x3FAD] =	sst s6  }
0xf: {  	[smem:$0x3FAE] =	sst s7  }
0x10: {  	[smem:$0x3FAF] =	sst s8  }
0x11: {  	[smem:$0x3FB0] =	sst s9;
	s0 =	simm.s32 @!p0 $0x0  }
0x12: {  	s1 =	sld [smem:$0x3F96];
	s0 =	simm.s32 @p0 $0x1  }
0x13: {  	[smem:$0x3FB1] =	sst s0;
	s0 =	simm.s32 @!p1 $0x0  }
0x14: {  	s2 =	sld [smem:$0x3F95];
	s0 =	simm.s32 @p1 $0x1  }
0x15: {  	[smem:$0x3FB2] =	sst s0;
	s0 =	simm.s32 @!p2 $0x0  }
0x16: {  	s3 =	sld [smem:$0x3FDB];
	s0 =	simm.s32 @p2 $0x1  }
0x17: {  	s4 =	simm.s32 $0x1BF5;
	[smem:$0x3FB4] =	sst s0  }
0x18: {  	s0 =	sld [smem:$0x3F97];
	_ =	swait.ge [sflag:s4], $0x0  }
0x19: {  	s7 =	sld [smem:$0x3F98]  }
0x1a: {  	s8 =	sadd.s32 $0xFFFFE003, lr  }
0x1b: {  	s9 =	sadd.s32 $0xFFFFFEF7, lr;
	s5 =	simm.s32 $0xFFFFFFFF;
	p2 =	slt.u32 s8, $0xFFFFF086  }
0x1c: {  	p1 =	slt.u32 s9, $0xF7A;
	s5 =	simm.s32 @!p2 $0x0  }
0x1d: {  	s5 =	simm.s32 @p1 $0x1;
	p0 =	seq.s32 s7, s2  }
0x1e: {  	s7 =	smul.u32 @!p0 $0xF7A, s2;
	p2 =	seq.s32 @!p0 s5, $0x0  }
0x1f: {  	s9 =	smul.u32 $0xF7A, s1;
	s8 =	simm.s32 @!p0 $0x1BF5;
	p2 =	por !p2, p0  }
0x20: {  	[sflag:s8] =	ssyncset.s32 @!p0 $0xFFFFF086;
	s6 =	sadd.s32 @!p0 s3, s7;
	s7 =	simm.s32 @!p0 $0x108  }
0x21: {  	s3 =	sadd.s32 s3, s9;
	s6 =	sadd.s32 @!p0 $0x88, s6;
	s7 =	simm.s32 @p2 $0x1082  }
0x22: {  	[simem:s7], [sflag:s8] =	dma.local @!p0 [hbm:s6], $0xF7A  }
0x23: {  	s9 =	sor.u32 $0xD0000000, s2;
	s6 =	simm.s32 $0x108;
	_ =	swait.ge @!p0 [sflag:s8], $0x0  }
0x24: {  	s3 =	sadd.s32 $0x88, s3;
	s6 =	simm.s32 @!p1 $0x1082;
	[sflag:s4] =	ssyncset.s32 $0xFFFFF086  }
0x25: {  	[simem:s6], [sflag:s4] =	dma.local [hbm:s3], $0xF7A  }
0x26: {  	[smem:$0x3F98] =	sst s1;
	(tag) =	ssettag s2;
	_ =	strace s9  }
0x27: {  	s1 =	sld [smem:$0x3FA8]  }
0x28: {  	s2 =	sld [smem:$0x3FA9]  }
0x29: {  	s4 =	sld [smem:$0x3FAB]  }
0x2a: {  	p0 =	seq.s32 s5, $0x0;
	s5 =	sld [smem:$0x3FAC]  }
0x2b: {  	s6 =	sld [smem:$0x3FAD]  }
0x2c: {  	s7 =	sld [smem:$0x3FAE]  }
0x2d: {  	s3 =	simm.s32 $0x108;
	s8 =	sld [smem:$0x3FAF]  }
0x2e: {  	s3 =	simm.s32 @!p0 $0x1082;
	s9 =	sld [smem:$0x3FB0]  }
0x2f: {  	lr =	sadd.s32 s0, s3;
	s0 =	sld [smem:$0x3FA7]  }
0x30: {  	s3 =	sld [smem:$0x3FAA]  }
0x31: {  	[smem:$0x3FB3] =	sst s10  }
0x32: {  	s10 =	sld [smem:$0x3FB1];
	_ =	sdelay $0x3  }
0x33: {  	p0 =	seq.s32 s10, $0x1;
	s10 =	sld [smem:$0x3FB3];
	_ =	sdelay $0x3  }
0x34: {  	[smem:$0x3FB3] =	sst s10  }
0x35: {  	s10 =	sld [smem:$0x3FB2];
	_ =	sdelay $0x3  }
0x36: {  	p1 =	seq.s32 s10, $0x1;
	s10 =	sld [smem:$0x3FB3];
	_ =	sdelay $0x3  }
0x37: {  	[smem:$0x3FB3] =	sst s10  }
0x38: {  	s10 =	sld [smem:$0x3FB4]  }
0x39: {  	_ = 	snop;
	(pc) =	sbr.ind lr, $3  }
0x3a: {  	_ = 	snop  }
0x3b: {  	_ = 	snop  }
0x3c: {  	p2 =	seq.s32 s10, $0x1;
	s10 =	sld [smem:$0x3FB3]  }
0x3d: {  	_ =	shalt  }
0x3e: {  	_ =	shalt  }
0x3f: {  	_ =	shalt  }
0x40: {  	_ =	shalt  }
0x41: {  	_ =	shalt  }
0x42: {  	_ =	shalt  }
0x43: {  	_ =	shalt  }
0x44: {  	_ =	shalt  }
0x45: {  	_ =	shalt  }
0x46: {  	_ =	shalt  }
0x47: {  	_ =	shalt  }
0x48: {  	_ =	shalt  }
0x49: {  	_ =	shalt  }
0x4a: {  	_ =	shalt  }
0x4b: {  	_ =	shalt  }
0x4c: {  	_ =	shalt  }
0x4d: {  	_ =	shalt  }
0x4e: {  	_ =	shalt  }
0x4f: {  	_ =	shalt  }
0x50: {  	_ =	shalt  }
0x51: {  	_ =	shalt  }
0x52: {  	_ =	shalt  }
0x53: {  	_ =	shalt  }
0x54: {  	_ =	shalt  }
0x55: {  	_ =	shalt  }
0x56: {  	_ =	shalt  }
0x57: {  	_ =	shalt  }
0x58: {  	_ =	shalt  }
0x59: {  	_ =	shalt  }
0x5a: {  	_ =	shalt  }
0x5b: {  	_ =	shalt  }
0x5c: {  	_ =	shalt  }
0x5d: {  	_ =	shalt  }
0x5e: {  	_ =	shalt  }
0x5f: {  	_ =	shalt  }
0x60: {  	_ =	shalt  }
0x61: {  	_ =	shalt  }
0x62: {  	_ =	shalt  }
0x63: {  	_ =	shalt  }
0x64: {  	_ =	shalt  }
0x65: {  	_ =	shalt  }
0x66: {  	_ =	shalt  }
0x67: {  	_ =	shalt  }
0x68: {  	_ =	shalt  }
0x69: {  	_ =	shalt  }
0x6a: {  	_ =	shalt  }
0x6b: {  	_ =	shalt  }
0x6c: {  	_ =	shalt  }
0x6d: {  	_ =	shalt  }
0x6e: {  	_ =	shalt  }
0x6f: {  	_ =	shalt  }
0x70: {  	_ =	shalt  }
0x71: {  	_ =	shalt  }
0x72: {  	_ =	shalt  }
0x73: {  	_ =	shalt  }
0x74: {  	_ =	shalt  }
0x75: {  	_ =	shalt  }
0x76: {  	_ =	shalt  }
0x77: {  	_ =	shalt  }
0x78: {  	_ =	shalt  }
0x79: {  	_ =	shalt  }
0x7a: {  	_ =	shalt  }
0x7b: {  	_ =	shalt  }
0x7c: {  	_ =	shalt  }
0x7d: {  	_ =	shalt  }
0x7e: {  	_ =	shalt  }
0x7f: {  	_ =	shalt  }
0x80: {  	_ =	shalt  }
0x81: {  	_ =	shalt  }
0x82: {  	_ =	shalt  }
0x83: {  	_ =	shalt  }
0x84: {  	_ =	shalt  }
0x85: {  	_ =	shalt  }
0x86: {  	_ =	shalt  }
0x87: {  	_ =	shalt  }
.Lfunc_end0:
.L_simem_size_0:
called_computation.3_lowered:
.L_overlay_start_0:
0x88: {  	s2 =	sld [smem:$0x3FD9]  }
0x89: {  	s3 =	sld [smem:$0x3FFE];
	_ =	sdelay $0x1  }
0x8a: {  	s1 =	srdreg.scid  }
0x8b: {  	s0 =	sand.u32 $0x1, s1  }
0x8c: {  	s14 =	sshll.u32 s0, $0xA;
	s2 =	sadd.s32 s3, s2  }
0x8d: {  	s2 =	sadd.s32 s2, s14  }
0x8e: {  	[smem:$0x3FBF] =	sst s2  }
0x8f: {  	_ = 	snop  }
0x90: {  	s2 =	sld [smem:$0x3FD0];
	_ =	sdelay $0x2  }
0x91: {  	s15 =	simm.s32 $0xA;
	s4 =	simm.s32 $0x10  }
0x92: {  	[smem:s4], [sflag:s15] =	dma.local [hbm:s2], $0x1  }
0x93: {  	_ =	swait.eq [sflag:s15], $0x1  }
0x94: {  	[sflag:s15] =	ssyncset.done $0x0  }
0x95: {  	[sflag:s15] =	ssyncadd.s32 $0xFFFFFFFF  }
0x96: {  	s16 =	sld [smem:$0x11];
	(tm) =	ssettm $0x1  }
0x97: {  	s17 =	sld [smem:$0x3FFB];
	_ =	sdelay $0x3  }
0x98: {  	_ =	strace s17  }
0x99: {  	s3 =	sld [smem:$0x3FFC];
	_ =	sdelay $0x3  }
0x9a: {  	_ =	strace s3  }
0x9b: {  	s3 =	sld [smem:$0x3FFD];
	_ =	sdelay $0x3  }
0x9c: {  	_ =	strace s3  }
0x9d: {  	_ =	strace $0x8FFFFFFF  }
0x9e: {  	s18 =	sld [smem:$0x3FDB];
	_ =	sdelay $0x1  }
0x9f: {  	s19 =	simm.s32 $_scs_section_size  }
0xa0: {  	s5 =	simm.s32 $_size__tile_overlayer_lowered;
	s6 =	simm.s32 $_tile_overlayer_lowered  }
0xa1: {  	s22 =	simm.s32 $0x1BFF;
	s21 =	sshll.u32 s6, $0x1;
	s3 =	sadd.s32 s19, s18  }
0xa2: {  	s7 =	simm.s32 $0x0;
	s20 =	sshll.u32 s5, $0x1;
	s5 =	sadd.s32 s21, s3  }
0xa3: {  	[timem:s7], [sflag:s22] =	dma.local [hbm:s5], s20  }
0xa4: {  	_ =	swait.ge [sflag:s22], s20  }
0xa5: {  	s4 =	ssub.s32 $0x0, s20;
	[sflag:s22] =	ssyncset.done $0x0  }
0xa6: {  	[sflag:s22] =	ssyncadd.s32 s4;
	_ =	sdelay $0x1  }
0xa7: {  	s23 =	simm.s32 $0x1B8B  }
0xa8: {  	_ =	swait.ge [sflag:s23], $0x1  }
0xa9: {  	[sflag:s23] =	ssyncset.done $0x0  }
0xaa: {  	s25 =	simm.s32 $0x1B8E;
	s24 =	sld [smem:$0x3FFE];
	[sflag:s23] =	ssyncadd.s32 $0xFFFFFFFF  }
0xab: {  	s26 =	simm.s32 $execute0_lowered;
	[smem:$0x3FD2] =	sst s25  }
0xac: {  	s5 =	sshll.u32 s26, $0x1;
	_ =	strace $0x8000004F;
	[dreg:$0x1] =	wrdreg $0xFFFFFFFF  }
0xad: {  	s28 =	simm.s32 $_size_execute0_lowered;
	s3 =	sadd.s32 s3, s5;
	[dreg:$0x0] =	wrdreg $0x0  }
0xae: {  	s5 =	sshll.u32 s28, $0x1;
	[dreg:$0x2] =	wrdreg s3  }
0xaf: {  	[dreg:$0x3] =	wrdreg s5  }
0xb0: {  	[dreg:$0x4] =	wrdreg $0xC0  }
0xb1: {  	_ =	task [dreg:s7], $0x5FFFF  }
0xb2: {  	[dreg:$0x1] =	wrdreg $0xFFFFFFFF  }
0xb3: {  	[dreg:$0x0] =	wrdreg $0x60  }
0xb4: {  	[dreg:$0x2] =	wrdreg s24  }
0xb5: {  	[dreg:$0x3] =	wrdreg s16  }
0xb6: {  	[dreg:$0x4] =	wrdreg $0x9  }
0xb7: {  	_ =	task.clear_ibuf [dreg:s7], $0x5FFFF;
	_ =	strace $0x9000004F  }
0xb8: {  	s29 =	simm.s32 $0x9;
	_ =	strace $0x80000051  }
0xb9: {  	_ =	swait.ge [sflag:s29], $0x1  }
0xba: {  	[sflag:s29] =	ssyncadd.s32 $0xFFFFFFFF  }
0xbb: {  	_ =	strace $0x90000051  }
0xbc: {  	_ =	sfence  }
0xbd: {  	s30 =	sld [smem:$0x0];
	_ =	sdelay $0x2  }
0xbe: {  	s31 =	sshll.u32 s1, $0xD;
	s1 =	sshrl.u32 s1, $0x2  }
0xbf: {  	s3 =	sand.u32 $0x4000, s31;
	s1 =	sadd.s32 s1, s30  }
0xc0: {  	s0 =	sor.u32 s3, s0;
	s1 =	sshll.u32 s1, $0x11  }
0xc1: {  	s0 =	sor.u32 s1, s0  }
0xc2: {  	s0 =	sadd.s32 $0x8F2B, s0  }
0xc3: {  	[sflag:s0] =	ssyncadd.remote.s32 $0x1  }
0xc4: {  	_ =	sfence.sel $0xFFFF  }
0xc5: {  	[dreg:$0x0] =	wrdreg $0xFFFFFFFF;
	(pc) =	sbr.abs _section_cstart, $3  }
0xc6: {  	[dreg:$0x1] =	wrdreg $0xFFFFFFFF  }
0xc7: {  	_ =	task.clear_ibuf [dreg:s7], $0x2FFFF;
	_ =	strace $0x9FFFFFFF  }
0xc8: {  	(tm) =	ssettm $0x7FFFFFFF  }
0xc9: {  	_ =	shalt  }
tec
execute0_lowered:
.L_overlay_start_1:
0x0: {  	(tag) =	ssettag $0x1  }
0x1: {  	s9 =	rddreg [dreg:$0x0]  }
0x2: {  	s5 =	rddreg [dreg:$0x1]  }
0x3: {  	s0 =	rddreg [dreg:$0x2];
	s3 =	srdreg.scid  }
0x4: {  	s1 =	stileid.u32;
	s2 =	simm.s32 $0x0;
	s13 =	simm.s32 $0xB080  }
0x5: {  	s14 =	simm.s32 $0x80;
	s15 =	simm.s32 $0x200;
	s16 =	simm.s32 $0x2  }
0x6: {  	s17 =	simm.s32 $0x2800;
	s18 =	simm.s32 $0x5000;
	s19 =	simm.s32 $0x7800  }
0x7: {  	s20 =	simm.s32 $0xA000;
	s21 =	simm.s32 $0x1;
	s22 =	simm.s32 $0xC080  }
0x8: {  	s23 =	simm.s32 $0xC100;
	s24 =	simm.s32 $0x0;
	s6 =	sand.u32 $0x1, s3  }
0x9: {  	s7 =	smul.u32 $0x1900, s1;
	[smem:$0x7FF] =	sst s2;
	s3 =	sadd.s32 $0x1A00, s9  }
0xa: {  	s4 =	sadd.s32 $0x91600, s9;
	s10 =	sshll.u32 s1, $0xA;
	s8 =	smul.u32 $0xC80, s6  }
0xb: {  	_ =	strace $0x80000050;
	s11 =	sshll.u32 s6, $0x9;
	s6 =	ssub.s32 $0x2, s6  }
0xc: {  	s29 =	sor.u32 s11, s10;
	s31 =	sshrl.u32 s6, $0x1;
	s7 =	sadd.s32 s8, s7  }
0xd: {  	s10 =	sadd.s32 s29, s9;
	s12 =	ssub.s32 s6, s31;
	s5 =	sadd.s32 s5, s29  }
0xe: {  	s8 =	sadd.s32 $0x1A20, s9;
	s7 =	sshrl.u32 s7, $0x2;
	s6 =	sadd.s32 $0x8D600, s10  }
0xf: {  	s10 =	smax.u32 s12, $0x1;
	s12 =	simm.s32 $0xA080;
	s30 =	sadd.s32 s7, s9  }
0x10: {  	v0 =	vimm.s32 $0x1;
	s7 =	sadd.s32 $0x1A10, s9;
	s9 =	sadd.s32 $0x1A30, s9;
	s11 =	sadd.s32 $0x2E00, s30  }
.LBB2_1:
0x11: {  	[tilespmem:s12], [sflag:$0x1] =	stream.linear.gather [hbm4b:s5+s2], $0xC80, $0x38;
	[tilespmem:$0xC180] =	vst v63  }
0x12: {  	_ = 	snop  }
0x13: {  	[tilespmem:s13], [sflag:$0x1] =	stream.linear.gather [hbm4b:s6+s2], $0xC80, $0x38;
	[tilespmem:$0xC180] =	vst v63  }
0x14: {  	_ = 	snop  }
0x15: {  	[tilespmem:s2], [sflag:$0x2] =	stream.strided.gather [hbm4b:s3+s14], $0x2800, s15, s14, $0x38;
	[tilespmem:$0xC180] =	vst v63  }
0x16: {  	_ =	swait.ge [sflag:s16], $0x2800  }
0x17: {  	[sflag:s16] =	ssyncset.done $0x0  }
0x18: {  	[sflag:s16] =	ssyncadd.s32 $0xFFFFD800  }
0x19: {  	[tilespmem:s17], [sflag:$0x2] =	stream.strided.gather [hbm4b:s7+s14], $0x2800, s15, s14, $0x38;
	[tilespmem:$0xC180] =	vst v63  }
0x1a: {  	_ =	swait.ge [sflag:s16], $0x2800  }
0x1b: {  	[sflag:s16] =	ssyncset.done $0x0  }
0x1c: {  	[sflag:s16] =	ssyncadd.s32 $0xFFFFD800  }
0x1d: {  	[tilespmem:s18], [sflag:$0x2] =	stream.strided.gather [hbm4b:s8+s14], $0x2800, s15, s14, $0x38;
	[tilespmem:$0xC180] =	vst v63  }
0x1e: {  	_ =	swait.ge [sflag:s16], $0x2800  }
0x1f: {  	[sflag:s16] =	ssyncset.done $0x0  }
0x20: {  	[sflag:s16] =	ssyncadd.s32 $0xFFFFD800  }
0x21: {  	[tilespmem:s19], [sflag:$0x2] =	stream.strided.gather [hbm4b:s9+s14], $0x2800, s15, s14, $0x38;
	[tilespmem:$0xC180] =	vst v63  }
0x22: {  	_ =	swait.ge [sflag:s16], $0x2800  }
0x23: {  	[sflag:s16] =	ssyncset.done $0x0  }
0x24: {  	[sflag:s16] =	ssyncadd.s32 $0xFFFFD800  }
0x25: {  	[tilespmem:s20], [sflag:$0x2] =	stream.linear.gather [hbm4b:s4+s2], $0x80, $0x38;
	[tilespmem:$0xC180] =	vst v63  }
0x26: {  	_ =	swait.ge [sflag:s16], $0x80  }
0x27: {  	[sflag:s16] =	ssyncset.done $0x0  }
0x28: {  	[sflag:s16] =	ssyncadd.s32 $0xFFFFFF80  }
0x29: {  	v1 =	vld.msk [tilespmem:s20+$0x0], $0xffff  }
0x2a: {  	v2 =	vld.idx.msk [tilespmem:v0+s20+$0x0], $0xffff;
	_ =	swait.ge [sflag:s21], $0xC80  }
0x2b: {  	[sflag:s21] =	ssyncset.done $0x0  }
0x2c: {  	[sflag:s21] =	ssyncadd.s32 $0xFFFFF380  }
0x2d: {  	_ =	swait.ge [sflag:s21], $0xC80  }
0x2e: {  	[sflag:s21] =	ssyncset.done $0x0  }
0x2f: {  	s25 =	smov.u32 s11;
	s26 =	simm.s32 $0x0;
	[sflag:s21] =	ssyncadd.s32 $0xFFFFF380  }
.LBB2_2:
0x30: {  	s28 =	sshra.s32 s26, $0x2  }
0x31: {  	v3 =	vld [tilespmem:s28+$0xA080]  }
0x32: {  	v4 =	vld [tilespmem:s28+$0xB080];
	_ =	sdelay $0x6  }
0x33: {  	v5 =	vld.idx.msk [tilespmem:v3+s2+$0x0], $0xffff  }
0x34: {  	v6 =	vld.idx.msk [tilespmem:v4+s18+$0x0], $0xffff;
	_ =	sdelay $0x4  }
0x35: {  	v5 =	vadd.f32 v6, v5;
	_ =	sdelay $0x1  }
0x36: {  	v5 =	vadd.f32 v5, v1;
	_ =	sdelay $0x1  }
0x37: {  	v5 =	vsub.f32 $0.0e+00, v5;
	_ =	sdelay $0x1  }
0x38: {  	v5 =	vmul.f32 $1.442695020e+00, v5  }
0x39: {  	v3 =	vld.idx.msk [tilespmem:v3+s17+$0x0], $0xffff  }
0x3a: {  	v4 =	vld.idx.msk [tilespmem:v4+s19+$0x0], $0xffff;
	(erf) = vpow2.f32 v5;
	_ =	sdelay $0x4  }
0x3b: {  	v3 =	vadd.f32 v4, v3;
	_ =	sdelay $0x1  }
0x3c: {  	v3 =	vadd.f32 v3, v2;
	_ =	sdelay $0x1  }
0x3d: {  	v3 =	vsub.f32 $0.0e+00, v3;
	v27 =	vpop (erf)  }
0x3e: {  	v4 =	vadd.f32 $1.000000000e+00, v27  }
0x3f: {  	v3 =	vmul.f32 $1.442695020e+00, v3  }
0x40: {  	(erf) = vrcp.f32 v4  }
0x41: {  	(erf) = vpow2.f32 v3;
	_ =	sdelay $0x7  }
0x42: {  	v3 =	vpop (erf)  }
0x43: {  	v28 =	vpop (erf)  }
0x44: {  	v4 =	vadd.f32 $1.000000000e+00, v28;
	_ =	sdelay $0x1  }
0x45: {  	(erf) = vrcp.f32 v4;
	_ =	sdelay $0x8  }
0x46: {  	[tilespmem:$0xC080] =	vst v3;
	v3 =	vpop (erf)  }
0x47: {  	[tilespmem:$0xC100] =	vst v3  }
0x48: {  	v3 =	vld [tilespmem:s28+$0xA090]  }
0x49: {  	v29 =	vld [tilespmem:s28+$0xB090];
	_ =	sdelay $0x6  }
0x4a: {  	v30 =	vld.idx.msk [tilespmem:v3+s2+$0x0], $0xffff  }
0x4b: {  	v31 =	vld.idx.msk [tilespmem:v29+s18+$0x0], $0xffff;
	_ =	sdelay $0x4  }
0x4c: {  	v5 =	vadd.f32 v31, v30;
	_ =	sdelay $0x1  }
0x4d: {  	v5 =	vadd.f32 v5, v1;
	_ =	sdelay $0x1  }
0x4e: {  	v5 =	vsub.f32 $0.0e+00, v5;
	_ =	sdelay $0x1  }
0x4f: {  	v5 =	vmul.f32 $1.442695020e+00, v5  }
0x50: {  	v3 =	vld.idx.msk [tilespmem:v3+s17+$0x0], $0xffff  }
0x51: {  	v4 =	vld.idx.msk [tilespmem:v29+s19+$0x0], $0xffff;
	(erf) = vpow2.f32 v5;
	_ =	sdelay $0x4  }
0x52: {  	v3 =	vadd.f32 v4, v3;
	_ =	sdelay $0x1  }
0x53: {  	v3 =	vadd.f32 v3, v2;
	_ =	sdelay $0x1  }
0x54: {  	v3 =	vsub.f32 $0.0e+00, v3;
	v32 =	vpop (erf)  }
0x55: {  	v4 =	vadd.f32 $1.000000000e+00, v32  }
0x56: {  	v3 =	vmul.f32 $1.442695020e+00, v3  }
0x57: {  	(erf) = vrcp.f32 v4  }
0x58: {  	(erf) = vpow2.f32 v3;
	_ =	sdelay $0x7  }
0x59: {  	v3 =	vpop (erf)  }
0x5a: {  	v33 =	vpop (erf)  }
0x5b: {  	v4 =	vadd.f32 $1.000000000e+00, v33;
	_ =	sdelay $0x1  }
0x5c: {  	(erf) = vrcp.f32 v4;
	_ =	sdelay $0x8  }
0x5d: {  	[tilespmem:$0xC090] =	vst v3;
	v3 =	vpop (erf)  }
0x5e: {  	[tilespmem:$0xC110] =	vst v3  }
0x5f: {  	v3 =	vld [tilespmem:s28+$0xA0A0]  }
0x60: {  	v34 =	vld [tilespmem:s28+$0xB0A0];
	_ =	sdelay $0x6  }
0x61: {  	v35 =	vld.idx.msk [tilespmem:v3+s2+$0x0], $0xffff  }
0x62: {  	v36 =	vld.idx.msk [tilespmem:v34+s18+$0x0], $0xffff;
	_ =	sdelay $0x4  }
0x63: {  	v5 =	vadd.f32 v36, v35;
	_ =	sdelay $0x1  }
0x64: {  	v5 =	vadd.f32 v5, v1;
	_ =	sdelay $0x1  }
0x65: {  	v5 =	vsub.f32 $0.0e+00, v5;
	_ =	sdelay $0x1  }
0x66: {  	v5 =	vmul.f32 $1.442695020e+00, v5  }
0x67: {  	v3 =	vld.idx.msk [tilespmem:v3+s17+$0x0], $0xffff  }
0x68: {  	v4 =	vld.idx.msk [tilespmem:v34+s19+$0x0], $0xffff;
	(erf) = vpow2.f32 v5;
	_ =	sdelay $0x4  }
0x69: {  	v3 =	vadd.f32 v4, v3;
	_ =	sdelay $0x1  }
0x6a: {  	v3 =	vadd.f32 v3, v2;
	_ =	sdelay $0x1  }
0x6b: {  	v3 =	vsub.f32 $0.0e+00, v3;
	v37 =	vpop (erf)  }
0x6c: {  	v4 =	vadd.f32 $1.000000000e+00, v37  }
0x6d: {  	v3 =	vmul.f32 $1.442695020e+00, v3  }
0x6e: {  	(erf) = vrcp.f32 v4  }
0x6f: {  	(erf) = vpow2.f32 v3;
	_ =	sdelay $0x7  }
0x70: {  	v3 =	vpop (erf)  }
0x71: {  	v38 =	vpop (erf)  }
0x72: {  	v4 =	vadd.f32 $1.000000000e+00, v38;
	_ =	sdelay $0x1  }
0x73: {  	(erf) = vrcp.f32 v4;
	_ =	sdelay $0x8  }
0x74: {  	[tilespmem:$0xC0A0] =	vst v3;
	v3 =	vpop (erf)  }
0x75: {  	[tilespmem:$0xC120] =	vst v3  }
0x76: {  	v3 =	vld [tilespmem:s28+$0xA0B0]  }
0x77: {  	v39 =	vld [tilespmem:s28+$0xB0B0];
	_ =	sdelay $0x6  }
0x78: {  	v40 =	vld.idx.msk [tilespmem:v3+s2+$0x0], $0xffff  }
0x79: {  	v41 =	vld.idx.msk [tilespmem:v39+s18+$0x0], $0xffff;
	_ =	sdelay $0x4  }
0x7a: {  	v5 =	vadd.f32 v41, v40;
	_ =	sdelay $0x1  }
0x7b: {  	v5 =	vadd.f32 v5, v1;
	_ =	sdelay $0x1  }
0x7c: {  	v5 =	vsub.f32 $0.0e+00, v5;
	_ =	sdelay $0x1  }
0x7d: {  	v5 =	vmul.f32 $1.442695020e+00, v5  }
0x7e: {  	v3 =	vld.idx.msk [tilespmem:v3+s17+$0x0], $0xffff  }
0x7f: {  	v4 =	vld.idx.msk [tilespmem:v39+s19+$0x0], $0xffff;
	(erf) = vpow2.f32 v5;
	_ =	sdelay $0x4  }
0x80: {  	v3 =	vadd.f32 v4, v3;
	_ =	sdelay $0x1  }
0x81: {  	v3 =	vadd.f32 v3, v2;
	_ =	sdelay $0x1  }
0x82: {  	v3 =	vsub.f32 $0.0e+00, v3;
	v42 =	vpop (erf)  }
0x83: {  	v4 =	vadd.f32 $1.000000000e+00, v42  }
0x84: {  	v3 =	vmul.f32 $1.442695020e+00, v3  }
0x85: {  	(erf) = vrcp.f32 v4  }
0x86: {  	(erf) = vpow2.f32 v3;
	_ =	sdelay $0x7  }
0x87: {  	v3 =	vpop (erf)  }
0x88: {  	v43 =	vpop (erf)  }
0x89: {  	v4 =	vadd.f32 $1.000000000e+00, v43;
	_ =	sdelay $0x1  }
0x8a: {  	(erf) = vrcp.f32 v4;
	_ =	sdelay $0x8  }
0x8b: {  	[tilespmem:$0xC0B0] =	vst v3;
	v3 =	vpop (erf)  }
0x8c: {  	[tilespmem:$0xC130] =	vst v3  }
0x8d: {  	v3 =	vld [tilespmem:s28+$0xA0C0]  }
0x8e: {  	v44 =	vld [tilespmem:s28+$0xB0C0];
	_ =	sdelay $0x6  }
0x8f: {  	v45 =	vld.idx.msk [tilespmem:v3+s2+$0x0], $0xffff  }
0x90: {  	v46 =	vld.idx.msk [tilespmem:v44+s18+$0x0], $0xffff;
	_ =	sdelay $0x4  }
0x91: {  	v5 =	vadd.f32 v46, v45;
	_ =	sdelay $0x1  }
0x92: {  	v5 =	vadd.f32 v5, v1;
	_ =	sdelay $0x1  }
0x93: {  	v5 =	vsub.f32 $0.0e+00, v5;
	_ =	sdelay $0x1  }
0x94: {  	v5 =	vmul.f32 $1.442695020e+00, v5  }
0x95: {  	v3 =	vld.idx.msk [tilespmem:v3+s17+$0x0], $0xffff  }
0x96: {  	v4 =	vld.idx.msk [tilespmem:v44+s19+$0x0], $0xffff;
	(erf) = vpow2.f32 v5;
	_ =	sdelay $0x4  }
0x97: {  	v3 =	vadd.f32 v4, v3;
	_ =	sdelay $0x1  }
0x98: {  	v3 =	vadd.f32 v3, v2;
	_ =	sdelay $0x1  }
0x99: {  	v3 =	vsub.f32 $0.0e+00, v3;
	v47 =	vpop (erf)  }
0x9a: {  	v4 =	vadd.f32 $1.000000000e+00, v47  }
0x9b: {  	v3 =	vmul.f32 $1.442695020e+00, v3  }
0x9c: {  	(erf) = vrcp.f32 v4  }
0x9d: {  	(erf) = vpow2.f32 v3;
	_ =	sdelay $0x7  }
0x9e: {  	v3 =	vpop (erf)  }
0x9f: {  	v48 =	vpop (erf)  }
0xa0: {  	v4 =	vadd.f32 $1.000000000e+00, v48;
	_ =	sdelay $0x1  }
0xa1: {  	(erf) = vrcp.f32 v4;
	_ =	sdelay $0x8  }
0xa2: {  	[tilespmem:$0xC0C0] =	vst v3;
	v3 =	vpop (erf)  }
0xa3: {  	[tilespmem:$0xC140] =	vst v3  }
0xa4: {  	v3 =	vld [tilespmem:s28+$0xA0D0]  }
0xa5: {  	v49 =	vld [tilespmem:s28+$0xB0D0];
	_ =	sdelay $0x6  }
0xa6: {  	v50 =	vld.idx.msk [tilespmem:v3+s2+$0x0], $0xffff  }
0xa7: {  	v51 =	vld.idx.msk [tilespmem:v49+s18+$0x0], $0xffff;
	_ =	sdelay $0x4  }
0xa8: {  	v5 =	vadd.f32 v51, v50;
	_ =	sdelay $0x1  }
0xa9: {  	v5 =	vadd.f32 v5, v1;
	_ =	sdelay $0x1  }
0xaa: {  	v5 =	vsub.f32 $0.0e+00, v5;
	_ =	sdelay $0x1  }
0xab: {  	v5 =	vmul.f32 $1.442695020e+00, v5  }
0xac: {  	v3 =	vld.idx.msk [tilespmem:v3+s17+$0x0], $0xffff  }
0xad: {  	v4 =	vld.idx.msk [tilespmem:v49+s19+$0x0], $0xffff;
	(erf) = vpow2.f32 v5;
	_ =	sdelay $0x4  }
0xae: {  	v3 =	vadd.f32 v4, v3;
	_ =	sdelay $0x1  }
0xaf: {  	v3 =	vadd.f32 v3, v2;
	_ =	sdelay $0x1  }
0xb0: {  	v3 =	vsub.f32 $0.0e+00, v3;
	v52 =	vpop (erf)  }
0xb1: {  	v4 =	vadd.f32 $1.000000000e+00, v52  }
0xb2: {  	v3 =	vmul.f32 $1.442695020e+00, v3  }
0xb3: {  	(erf) = vrcp.f32 v4  }
0xb4: {  	(erf) = vpow2.f32 v3;
	_ =	sdelay $0x7  }
0xb5: {  	v3 =	vpop (erf)  }
0xb6: {  	v53 =	vpop (erf)  }
0xb7: {  	v4 =	vadd.f32 $1.000000000e+00, v53;
	_ =	sdelay $0x1  }
0xb8: {  	(erf) = vrcp.f32 v4;
	_ =	sdelay $0x8  }
0xb9: {  	[tilespmem:$0xC0D0] =	vst v3;
	v3 =	vpop (erf)  }
0xba: {  	[tilespmem:$0xC150] =	vst v3  }
0xbb: {  	v3 =	vld [tilespmem:s28+$0xA0E0]  }
0xbc: {  	v54 =	vld [tilespmem:s28+$0xB0E0];
	_ =	sdelay $0x6  }
0xbd: {  	v55 =	vld.idx.msk [tilespmem:v3+s2+$0x0], $0xffff  }
0xbe: {  	v56 =	vld.idx.msk [tilespmem:v54+s18+$0x0], $0xffff;
	_ =	sdelay $0x4  }
0xbf: {  	v5 =	vadd.f32 v56, v55;
	_ =	sdelay $0x1  }
0xc0: {  	v5 =	vadd.f32 v5, v1;
	_ =	sdelay $0x1  }
0xc1: {  	v5 =	vsub.f32 $0.0e+00, v5;
	_ =	sdelay $0x1  }
0xc2: {  	v5 =	vmul.f32 $1.442695020e+00, v5  }
0xc3: {  	v3 =	vld.idx.msk [tilespmem:v3+s17+$0x0], $0xffff  }
0xc4: {  	v4 =	vld.idx.msk [tilespmem:v54+s19+$0x0], $0xffff;
	(erf) = vpow2.f32 v5;
	_ =	sdelay $0x4  }
0xc5: {  	v3 =	vadd.f32 v4, v3;
	_ =	sdelay $0x1  }
0xc6: {  	v3 =	vadd.f32 v3, v2;
	_ =	sdelay $0x1  }
0xc7: {  	v3 =	vsub.f32 $0.0e+00, v3;
	v57 =	vpop (erf)  }
0xc8: {  	v4 =	vadd.f32 $1.000000000e+00, v57  }
0xc9: {  	v3 =	vmul.f32 $1.442695020e+00, v3  }
0xca: {  	(erf) = vrcp.f32 v4  }
0xcb: {  	(erf) = vpow2.f32 v3;
	_ =	sdelay $0x7  }
0xcc: {  	v3 =	vpop (erf)  }
0xcd: {  	v58 =	vpop (erf)  }
0xce: {  	v4 =	vadd.f32 $1.000000000e+00, v58;
	_ =	sdelay $0x1  }
0xcf: {  	(erf) = vrcp.f32 v4;
	_ =	sdelay $0x8  }
0xd0: {  	[tilespmem:$0xC0E0] =	vst v3;
	v3 =	vpop (erf)  }
0xd1: {  	[tilespmem:$0xC160] =	vst v3  }
0xd2: {  	v3 =	vld [tilespmem:s28+$0xA0F0]  }
0xd3: {  	v59 =	vld [tilespmem:s28+$0xB0F0];
	_ =	sdelay $0x6  }
0xd4: {  	v60 =	vld.idx.msk [tilespmem:v3+s2+$0x0], $0xffff  }
0xd5: {  	v61 =	vld.idx.msk [tilespmem:v59+s18+$0x0], $0xffff;
	_ =	sdelay $0x4  }
0xd6: {  	v5 =	vadd.f32 v61, v60;
	_ =	sdelay $0x1  }
0xd7: {  	v5 =	vadd.f32 v5, v1;
	_ =	sdelay $0x1  }
0xd8: {  	v5 =	vsub.f32 $0.0e+00, v5;
	_ =	sdelay $0x1  }
0xd9: {  	v5 =	vmul.f32 $1.442695020e+00, v5  }
0xda: {  	v3 =	vld.idx.msk [tilespmem:v3+s17+$0x0], $0xffff  }
0xdb: {  	v4 =	vld.idx.msk [tilespmem:v59+s19+$0x0], $0xffff;
	(erf) = vpow2.f32 v5;
	_ =	sdelay $0x4  }
0xdc: {  	v3 =	vadd.f32 v4, v3;
	_ =	sdelay $0x1  }
0xdd: {  	v3 =	vadd.f32 v3, v2;
	_ =	sdelay $0x1  }
0xde: {  	v3 =	vsub.f32 $0.0e+00, v3;
	v62 =	vpop (erf)  }
0xdf: {  	v4 =	vadd.f32 $1.000000000e+00, v62  }
0xe0: {  	v3 =	vmul.f32 $1.442695020e+00, v3  }
0xe1: {  	(erf) = vrcp.f32 v4  }
0xe2: {  	(erf) = vpow2.f32 v3;
	_ =	sdelay $0x7  }
0xe3: {  	v3 =	vpop (erf)  }
0xe4: {  	v63 =	vpop (erf)  }
0xe5: {  	v4 =	vadd.f32 $1.000000000e+00, v63;
	_ =	sdelay $0x1  }
0xe6: {  	(erf) = vrcp.f32 v4;
	_ =	sdelay $0x8  }
0xe7: {  	[tilespmem:$0xC0F0] =	vst v3;
	v3 =	vpop (erf)  }
0xe8: {  	[tilespmem:$0xC170] =	vst v3  }
0xe9: {  	[hbm4b:s25+s2] =	stream.linear.scatter [tilespmem:s22], [sflag:$0x2], $0x80, $0x38;
	[tilespmem:$0xC180] =	vst v63  }
0xea: {  	_ =	swait.ge [sflag:s16], $0x80  }
0xeb: {  	p0 =	sne.s32 s26, $0x3000;
	[sflag:s16] =	ssyncset.done $0x0  }
.Ltmp0:
0xec: {  	s31 =	sadd.s32 $0x10, s25;
	[sflag:s16] =	ssyncadd.s32 $0xFFFFFF80;
	(pc) =	sbr.rel @p0 .LBB2_2-.Ltmp0, $4  }
0xed: {  	[hbm4b:s31+s2] =	stream.linear.scatter [tilespmem:s23], [sflag:$0x2], $0x80, $0x38;
	[tilespmem:$0xC180] =	vst v63  }
0xee: {  	_ =	swait.ge [sflag:s16], $0x80  }
0xef: {  	[sflag:s16] =	ssyncset.done $0x0  }
0xf0: {  	s26 =	sadd.s32 $0x200, s26;
	s25 =	sadd.s32 $0x20, s25;
	[sflag:s16] =	ssyncadd.s32 $0xFFFFFF80  }
0xf1: {  	s24 =	sadd.s32 $0x1, s24  }
0xf2: {  	p0 =	sne.s32 s24, s10  }
.Ltmp1:
0xf3: {  	_ = 	snop;
	(pc) =	sbr.rel @p0 .LBB2_1-.Ltmp1, $1  }
0xf4: {  	_ =	sdelay $0x3  }
0xf5: {  	_ =	sfence.sel $0x180000  }
0xf6: {  	[bflag:$0x0] =	sbarrier.arrive $0xFFFF  }
0xf7: {  	p0 =	sne.s32 s1, $0x0;
	_ =	strace $0x90000050  }
0xf8: {  	s0 =	sadd.s32 @!p0 $0x100000, s0;
	[bflag:$0x2] =	sbarrier.arrive $0xFFFF  }
0xf9: {  	[sflag:s0] =	ssyncadd.tile.s32 @!p0 $0x1;
	_ =	shalt  }
.Lfunc_end2:
_tile_overlayer_lowered:
.L_overlay_start_2:
0xfa: {  	(tag) =	ssettag $0x2  }
0xfb: {  	s0 =	rddreg [dreg:$0x0];
	s2 =	stileid.u32  }
0xfc: {  	s1 =	rddreg [dreg:$0x1];
	p0 =	sne.s32 s2, $0x0  }
0xfd: {  	s3 =	rddreg [dreg:$0x2];
	[bflag:$0x3] =	sbarrier.arrive $0xFFFF;
	s2 =	simm.s32 @!p0 $0x1C02  }
0xfe: {  	[timem:s3], [sflag:s2] =	dma.local @!p0 [hbm:s0], s1  }
0xff: {  	s0 =	simm.s32 @!p0 $0x2  }
0x100: {  	_ =	swait.ge @!p0 [sflag:s0], s1  }
0x101: {  	s1 =	ssub.s32 @!p0 $0x0, s1;
	[sflag:s0] =	ssyncset.done @!p0 $0x0  }
0x102: {  	[sflag:s0] =	ssyncadd.s32 @!p0 s1  }
0x103: {  	[bflag:$0x3] =	sbarrier.arrive $0xFFFF  }
0x104: {  	_ =	shalt  }

// kernel: kernel.9.cloned.1.call-start
scs
__scs_entry_jumppad:
0x0: {  	(pc) =	sbr.rel $0x88, $3  }
0x1: {  	(tag) =	ssettag $0x0;
	lr =	simm.s32 $0x1  }
0x2: {  	[smem:$0x3F98] =	sst lr;
	_ =	strace $0xD0000000  }
0x3: {  	_ = 	snop  }
0x4: {  	_ = 	snop  }
0x5: {  	_ = 	snop  }
0x6: {  	_ = 	snop  }
0x7: {  	_ = 	snop  }
__scs_overlays_trampoline_lowered:
0x8: {  	[smem:$0x3FA7] =	sst s0  }
0x9: {  	[smem:$0x3FA8] =	sst s1  }
0xa: {  	[smem:$0x3FA9] =	sst s2  }
0xb: {  	[smem:$0x3FAA] =	sst s3  }
0xc: {  	[smem:$0x3FAB] =	sst s4  }
0xd: {  	[smem:$0x3FAC] =	sst s5  }
0xe: {  	[smem:$0x3FAD] =	sst s6  }
0xf: {  	[smem:$0x3FAE] =	sst s7  }
0x10: {  	[smem:$0x3FAF] =	sst s8  }
0x11: {  	[smem:$0x3FB0] =	sst s9;
	s0 =	simm.s32 @!p0 $0x0  }
0x12: {  	s1 =	sld [smem:$0x3F96];
	s0 =	simm.s32 @p0 $0x1  }
0x13: {  	[smem:$0x3FB1] =	sst s0;
	s0 =	simm.s32 @!p1 $0x0  }
0x14: {  	s2 =	sld [smem:$0x3F95];
	s0 =	simm.s32 @p1 $0x1  }
0x15: {  	[smem:$0x3FB2] =	sst s0;
	s0 =	simm.s32 @!p2 $0x0  }
0x16: {  	s3 =	sld [smem:$0x3FDB];
	s0 =	simm.s32 @p2 $0x1  }
0x17: {  	s4 =	simm.s32 $0x1BF5;
	[smem:$0x3FB4] =	sst s0  }
0x18: {  	s0 =	sld [smem:$0x3F97];
	_ =	swait.ge [sflag:s4], $0x0  }
0x19: {  	s7 =	sld [smem:$0x3F98]  }
0x1a: {  	s8 =	sadd.s32 $0xFFFFE003, lr  }
0x1b: {  	s9 =	sadd.s32 $0xFFFFFEF7, lr;
	s5 =	simm.s32 $0xFFFFFFFF;
	p2 =	slt.u32 s8, $0xFFFFF086  }
0x1c: {  	p1 =	slt.u32 s9, $0xF7A;
	s5 =	simm.s32 @!p2 $0x0  }
0x1d: {  	s5 =	simm.s32 @p1 $0x1;
	p0 =	seq.s32 s7, s2  }
0x1e: {  	s7 =	smul.u32 @!p0 $0xF7A, s2;
	p2 =	seq.s32 @!p0 s5, $0x0  }
0x1f: {  	s9 =	smul.u32 $0xF7A, s1;
	s8 =	simm.s32 @!p0 $0x1BF5;
	p2 =	por !p2, p0  }
0x20: {  	[sflag:s8] =	ssyncset.s32 @!p0 $0xFFFFF086;
	s6 =	sadd.s32 @!p0 s3, s7;
	s7 =	simm.s32 @!p0 $0x108  }
0x21: {  	s3 =	sadd.s32 s3, s9;
	s6 =	sadd.s32 @!p0 $0x88, s6;
	s7 =	simm.s32 @p2 $0x1082  }
0x22: {  	[simem:s7], [sflag:s8] =	dma.local @!p0 [hbm:s6], $0xF7A  }
0x23: {  	s9 =	sor.u32 $0xD0000000, s2;
	s6 =	simm.s32 $0x108;
	_ =	swait.ge @!p0 [sflag:s8], $0x0  }
0x24: {  	s3 =	sadd.s32 $0x88, s3;
	s6 =	simm.s32 @!p1 $0x1082;
	[sflag:s4] =	ssyncset.s32 $0xFFFFF086  }
0x25: {  	[simem:s6], [sflag:s4] =	dma.local [hbm:s3], $0xF7A  }
0x26: {  	[smem:$0x3F98] =	sst s1;
	(tag) =	ssettag s2;
	_ =	strace s9  }
0x27: {  	s1 =	sld [smem:$0x3FA8]  }
0x28: {  	s2 =	sld [smem:$0x3FA9]  }
0x29: {  	s4 =	sld [smem:$0x3FAB]  }
0x2a: {  	p0 =	seq.s32 s5, $0x0;
	s5 =	sld [smem:$0x3FAC]  }
0x2b: {  	s6 =	sld [smem:$0x3FAD]  }
0x2c: {  	s7 =	sld [smem:$0x3FAE]  }
0x2d: {  	s3 =	simm.s32 $0x108;
	s8 =	sld [smem:$0x3FAF]  }
0x2e: {  	s3 =	simm.s32 @!p0 $0x1082;
	s9 =	sld [smem:$0x3FB0]  }
0x2f: {  	lr =	sadd.s32 s0, s3;
	s0 =	sld [smem:$0x3FA7]  }
0x30: {  	s3 =	sld [smem:$0x3FAA]  }
0x31: {  	[smem:$0x3FB3] =	sst s10  }
0x32: {  	s10 =	sld [smem:$0x3FB1];
	_ =	sdelay $0x3  }
0x33: {  	p0 =	seq.s32 s10, $0x1;
	s10 =	sld [smem:$0x3FB3];
	_ =	sdelay $0x3  }
0x34: {  	[smem:$0x3FB3] =	sst s10  }
0x35: {  	s10 =	sld [smem:$0x3FB2];
	_ =	sdelay $0x3  }
0x36: {  	p1 =	seq.s32 s10, $0x1;
	s10 =	sld [smem:$0x3FB3];
	_ =	sdelay $0x3  }
0x37: {  	[smem:$0x3FB3] =	sst s10  }
0x38: {  	s10 =	sld [smem:$0x3FB4]  }
0x39: {  	_ = 	snop;
	(pc) =	sbr.ind lr, $3  }
0x3a: {  	_ = 	snop  }
0x3b: {  	_ = 	snop  }
0x3c: {  	p2 =	seq.s32 s10, $0x1;
	s10 =	sld [smem:$0x3FB3]  }
0x3d: {  	_ =	shalt  }
0x3e: {  	_ =	shalt  }
0x3f: {  	_ =	shalt  }
0x40: {  	_ =	shalt  }
0x41: {  	_ =	shalt  }
0x42: {  	_ =	shalt  }
0x43: {  	_ =	shalt  }
0x44: {  	_ =	shalt  }
0x45: {  	_ =	shalt  }
0x46: {  	_ =	shalt  }
0x47: {  	_ =	shalt  }
0x48: {  	_ =	shalt  }
0x49: {  	_ =	shalt  }
0x4a: {  	_ =	shalt  }
0x4b: {  	_ =	shalt  }
0x4c: {  	_ =	shalt  }
0x4d: {  	_ =	shalt  }
0x4e: {  	_ =	shalt  }
0x4f: {  	_ =	shalt  }
0x50: {  	_ =	shalt  }
0x51: {  	_ =	shalt  }
0x52: {  	_ =	shalt  }
0x53: {  	_ =	shalt  }
0x54: {  	_ =	shalt  }
0x55: {  	_ =	shalt  }
0x56: {  	_ =	shalt  }
0x57: {  	_ =	shalt  }
0x58: {  	_ =	shalt  }
0x59: {  	_ =	shalt  }
0x5a: {  	_ =	shalt  }
0x5b: {  	_ =	shalt  }
0x5c: {  	_ =	shalt  }
0x5d: {  	_ =	shalt  }
0x5e: {  	_ =	shalt  }
0x5f: {  	_ =	shalt  }
0x60: {  	_ =	shalt  }
0x61: {  	_ =	shalt  }
0x62: {  	_ =	shalt  }
0x63: {  	_ =	shalt  }
0x64: {  	_ =	shalt  }
0x65: {  	_ =	shalt  }
0x66: {  	_ =	shalt  }
0x67: {  	_ =	shalt  }
0x68: {  	_ =	shalt  }
0x69: {  	_ =	shalt  }
0x6a: {  	_ =	shalt  }
0x6b: {  	_ =	shalt  }
0x6c: {  	_ =	shalt  }
0x6d: {  	_ =	shalt  }
0x6e: {  	_ =	shalt  }
0x6f: {  	_ =	shalt  }
0x70: {  	_ =	shalt  }
0x71: {  	_ =	shalt  }
0x72: {  	_ =	shalt  }
0x73: {  	_ =	shalt  }
0x74: {  	_ =	shalt  }
0x75: {  	_ =	shalt  }
0x76: {  	_ =	shalt  }
0x77: {  	_ =	shalt  }
0x78: {  	_ =	shalt  }
0x79: {  	_ =	shalt  }
0x7a: {  	_ =	shalt  }
0x7b: {  	_ =	shalt  }
0x7c: {  	_ =	shalt  }
0x7d: {  	_ =	shalt  }
0x7e: {  	_ =	shalt  }
0x7f: {  	_ =	shalt  }
0x80: {  	_ =	shalt  }
0x81: {  	_ =	shalt  }
0x82: {  	_ =	shalt  }
0x83: {  	_ =	shalt  }
0x84: {  	_ =	shalt  }
0x85: {  	_ =	shalt  }
0x86: {  	_ =	shalt  }
0x87: {  	_ =	shalt  }
.Lfunc_end0:
.L_simem_size_0:
called_computation_lowered:
.L_overlay_start_0:
0x88: {  	s2 =	sld [smem:$0x3FD9]  }
0x89: {  	s3 =	sld [smem:$0x3FFE];
	_ =	sdelay $0x1  }
0x8a: {  	s1 =	srdreg.scid  }
0x8b: {  	s0 =	sand.u32 $0x1, s1  }
0x8c: {  	s14 =	sshll.u32 s0, $0xA;
	s2 =	sadd.s32 s3, s2  }
0x8d: {  	s2 =	sadd.s32 s2, s14  }
0x8e: {  	[smem:$0x3FBF] =	sst s2  }
0x8f: {  	_ = 	snop  }
0x90: {  	s2 =	sld [smem:$0x3FD0];
	_ =	sdelay $0x2  }
0x91: {  	s15 =	simm.s32 $0xA;
	s4 =	simm.s32 $0x10  }
0x92: {  	[smem:s4], [sflag:s15] =	dma.local [hbm:s2], $0x1  }
0x93: {  	_ =	swait.eq [sflag:s15], $0x1  }
0x94: {  	[sflag:s15] =	ssyncset.done $0x0  }
0x95: {  	[sflag:s15] =	ssyncadd.s32 $0xFFFFFFFF  }
0x96: {  	s16 =	sld [smem:$0x10];
	(tm) =	ssettm $0x1  }
0x97: {  	s17 =	sld [smem:$0x3FFB];
	_ =	sdelay $0x3  }
0x98: {  	_ =	strace s17  }
0x99: {  	s3 =	sld [smem:$0x3FFC];
	_ =	sdelay $0x3  }
0x9a: {  	_ =	strace s3  }
0x9b: {  	s3 =	sld [smem:$0x3FFD];
	_ =	sdelay $0x3  }
0x9c: {  	_ =	strace s3  }
0x9d: {  	_ =	strace $0x8FFFFFFF  }
0x9e: {  	s18 =	sld [smem:$0x3FDB];
	_ =	sdelay $0x1  }
0x9f: {  	s19 =	simm.s32 $_scs_section_size  }
0xa0: {  	s5 =	simm.s32 $_size__tile_overlayer_lowered;
	s6 =	simm.s32 $_tile_overlayer_lowered  }
0xa1: {  	s22 =	simm.s32 $0x1BFF;
	s21 =	sshll.u32 s6, $0x1;
	s3 =	sadd.s32 s19, s18  }
0xa2: {  	s7 =	simm.s32 $0x0;
	s20 =	sshll.u32 s5, $0x1;
	s5 =	sadd.s32 s21, s3  }
0xa3: {  	[timem:s7], [sflag:s22] =	dma.local [hbm:s5], s20  }
0xa4: {  	_ =	swait.ge [sflag:s22], s20  }
0xa5: {  	s4 =	ssub.s32 $0x0, s20;
	[sflag:s22] =	ssyncset.done $0x0  }
0xa6: {  	[sflag:s22] =	ssyncadd.s32 s4;
	_ =	sdelay $0x1  }
0xa7: {  	s23 =	simm.s32 $0x1B8B  }
0xa8: {  	_ =	swait.ge [sflag:s23], $0x1  }
0xa9: {  	[sflag:s23] =	ssyncset.done $0x0  }
0xaa: {  	s25 =	simm.s32 $0x1B8E;
	s24 =	sld [smem:$0x3FFE];
	[sflag:s23] =	ssyncadd.s32 $0xFFFFFFFF  }
0xab: {  	s26 =	simm.s32 $execute0_lowered;
	[smem:$0x3FD2] =	sst s25  }
0xac: {  	s5 =	sshll.u32 s26, $0x1;
	_ =	strace $0x80000046;
	[dreg:$0x1] =	wrdreg $0xFFFFFFFF  }
0xad: {  	s28 =	simm.s32 $_size_execute0_lowered;
	s3 =	sadd.s32 s3, s5;
	[dreg:$0x0] =	wrdreg $0x0  }
0xae: {  	s5 =	sshll.u32 s28, $0x1;
	[dreg:$0x2] =	wrdreg s3  }
0xaf: {  	[dreg:$0x3] =	wrdreg s5  }
0xb0: {  	[dreg:$0x4] =	wrdreg $0xC0  }
0xb1: {  	_ =	task [dreg:s7], $0x5FFFF  }
0xb2: {  	[dreg:$0x1] =	wrdreg $0xFFFFFFFF  }
0xb3: {  	[dreg:$0x0] =	wrdreg $0x60  }
0xb4: {  	[dreg:$0x2] =	wrdreg s24  }
0xb5: {  	[dreg:$0x3] =	wrdreg s16  }
0xb6: {  	[dreg:$0x4] =	wrdreg $0x53000  }
0xb7: {  	[dreg:$0x5] =	wrdreg $0x9  }
0xb8: {  	_ =	task.clear_ibuf [dreg:s7], $0x6FFFF;
	_ =	strace $0x90000046  }
0xb9: {  	s29 =	simm.s32 $0x9;
	_ =	strace $0x80000048  }
0xba: {  	_ =	swait.ge [sflag:s29], $0x1  }
0xbb: {  	[sflag:s29] =	ssyncadd.s32 $0xFFFFFFFF  }
0xbc: {  	_ =	strace $0x90000048  }
0xbd: {  	_ =	sfence  }
0xbe: {  	s30 =	sld [smem:$0x0];
	_ =	sdelay $0x2  }
0xbf: {  	s31 =	sshll.u32 s1, $0xD;
	s1 =	sshrl.u32 s1, $0x2  }
0xc0: {  	s3 =	sand.u32 $0x4000, s31;
	s1 =	sadd.s32 s1, s30  }
0xc1: {  	s0 =	sor.u32 s3, s0;
	s1 =	sshll.u32 s1, $0x11  }
0xc2: {  	s0 =	sor.u32 s1, s0  }
0xc3: {  	s0 =	sadd.s32 $0x8F2B, s0  }
0xc4: {  	[sflag:s0] =	ssyncadd.remote.s32 $0x1  }
0xc5: {  	_ =	sfence.sel $0xFFFF  }
0xc6: {  	[dreg:$0x0] =	wrdreg $0xFFFFFFFF;
	(pc) =	sbr.abs _section_cstart, $3  }
0xc7: {  	[dreg:$0x1] =	wrdreg $0xFFFFFFFF  }
0xc8: {  	_ =	task.clear_ibuf [dreg:s7], $0x2FFFF;
	_ =	strace $0x9FFFFFFF  }
0xc9: {  	(tm) =	ssettm $0x7FFFFFFF  }
tec
execute0_lowered:
.L_overlay_start_1:
0x0: {  	(tag) =	ssettag $0x1  }
0x1: {  	s0 =	rddreg [dreg:$0x0]  }
0x2: {  	s1 =	srdreg.scid;
	s4 =	rddreg [dreg:$0x1]  }
0x3: {  	s8 =	stileid.u32;
	s2 =	rddreg [dreg:$0x2]  }
0x4: {  	s29 =	simm.s32 $0x2780;
	s30 =	simm.s32 $0x4F00;
	s31 =	simm.s32 $0x4  }
0x5: {  	s1 =	sand.u32 $0x1, s1;
	s3 =	sshll.u32 s8, $0x1;
	s6 =	smul.u32 $0x14000, s8  }
0x6: {  	s8 =	smul.u32 $0x5000, s8;
	s5 =	sor.u32 s1, s3;
	s3 =	simm.s32 $0x0  }
0x7: {  	s9 =	ssub.s32 $0x2, s1;
	s26 =	smul.u32 $0x50000, s1;
	s1 =	simm.s32 $0x1  }
0x8: {  	s5 =	smul.u32 $0x4F0, s5;
	[smem:$0x7FF] =	sst s3;
	s6 =	sshrl.u32 s6, $0x2  }
0x9: {  	s7 =	sshrl.u32 s9, $0x1;
	_ =	strace $0x80000047;
	s11 =	sadd.s32 s6, s2  }
0xa: {  	s6 =	sadd.s32 s8, s2;
	s0 =	sadd.s32 s5, s0;
	s5 =	ssub.s32 s9, s7  }
0xb: {  	s21 =	sadd.s32 $0x400, s11;
	s22 =	sadd.s32 $0x800, s11;
	s23 =	sadd.s32 $0xC00, s11  }
0xc: {  	s24 =	sadd.s32 $0x1000, s11;
	s25 =	sadd.s32 $0x1400, s11;
	s12 =	sadd.s32 $0x1800, s11  }
0xd: {  	s13 =	sadd.s32 $0x1C00, s11;
	s14 =	sadd.s32 $0x2000, s11;
	s15 =	sadd.s32 $0x2400, s11  }
0xe: {  	s16 =	sadd.s32 $0x2800, s11;
	s17 =	sadd.s32 $0x2C00, s11;
	[dreg:$0x6] =	wrdreg s21  }
0xf: {  	s18 =	sadd.s32 $0x3000, s11;
	s19 =	sadd.s32 $0x3400, s11;
	[dreg:$0x7] =	wrdreg s22  }
0x10: {  	s20 =	sadd.s32 $0x3800, s11;
	s7 =	simm.s32 $0x0;
	[dreg:$0x8] =	wrdreg s23  }
0x11: {  	s10 =	sadd.s32 $0xB800, s0;
	s0 =	sadd.s32 $0x1A00, s0;
	[dreg:$0x9] =	wrdreg s24  }
0x12: {  	[dreg:$0xa] =	wrdreg s25;
	s21 =	sadd.s32 $0x3C00, s11;
	s23 =	sadd.s32 $0x4000, s11  }
0x13: {  	s24 =	sadd.s32 $0x4400, s11;
	s25 =	sadd.s32 $0x4800, s11;
	s28 =	smax.u32 s5, $0x1  }
0x14: {  	s5 =	simm.s32 $0x3;
	[dreg:$0x5] =	wrdreg s0;
	s0 =	sadd.s32 s8, s26  }
0x15: {  	v0 =	vimm.f32 $0.0e+00;
	vm0 =	vcmask $0x300;
	[dreg:$0x4] =	wrdreg s10;
	s26 =	sadd.s32 $0x4C00, s11;
	s0 =	sshrl.u32 s0, $0x3  }
0x16: {  	v1 =	vsel vm0, $0x3F800000, v0;
	s22 =	sadd.s32 s4, s0;
	s0 =	simm.s32 $0x40;
	s4 =	simm.s32 $0x2  }
.LBB2_1:
0x17: {  	s8 =	rddreg [dreg:$0x4]  }
0x18: {  	[tilespmem:s3], [sflag:$0x1] =	stream.linear.gather [hbm4b:s8+s3], $0x2780, $0x38;
	[tilespmem:$0xA300] =	vst v63  }
0x19: {  	s11 =	rddreg [dreg:$0x5];
	s9 =	simm.s32 $0x0;
	s8 =	simm.s32 $0x40  }
0x1a: {  	[tilespmem:s29], [sflag:$0x1] =	stream.linear.gather [hbm4b:s11+s3], $0x2780, $0x38;
	[tilespmem:$0xA300] =	vst v63  }
.LBB2_2:
0x1b: {  	p0 =	sne.s32 s8, $0xFC0;
	[tilespmem:s9+$0x4F00] =	vst v0;
	s9 =	smov.u32 s8;
	s8 =	sadd.s32 $0x40, s8  }
.Ltmp0:
0x1c: {  	(pc) =	sbr.rel @p0 .LBB2_2-.Ltmp0, $2  }
0x1d: {  	_ =	sdelay $0x2  }
0x1e: {  	s9 =	sshra.s32 s9, $0x2  }
0x1f: {  	[tilespmem:s9+$0x4F00] =	vst v0  }
0x20: {  	[spmem:s6] =	stream.linear.scatter [tilespmem:s30], [sflag:$0x4], $0x400, $0x38;
	[tilespmem:$0xA300] =	vst v63  }
0x21: {  	_ =	swait.ge [sflag:s31], $0x400  }
0x22: {  	[sflag:s31] =	ssyncset.done $0x0  }
0x23: {  	s8 =	rddreg [dreg:$0x6];
	[sflag:s31] =	ssyncadd.s32 $0xFFFFFC00  }
0x24: {  	[spmem:s8] =	stream.linear.scatter [tilespmem:s30], [sflag:$0x4], $0x400, $0x38;
	[tilespmem:$0xA300] =	vst v63  }
0x25: {  	_ =	swait.ge [sflag:s31], $0x400  }
0x26: {  	[sflag:s31] =	ssyncset.done $0x0  }
0x27: {  	s11 =	rddreg [dreg:$0x7];
	[sflag:s31] =	ssyncadd.s32 $0xFFFFFC00  }
0x28: {  	[spmem:s11] =	stream.linear.scatter [tilespmem:s30], [sflag:$0x4], $0x400, $0x38;
	[tilespmem:$0xA300] =	vst v63  }
0x29: {  	_ =	swait.ge [sflag:s31], $0x400  }
0x2a: {  	[sflag:s31] =	ssyncset.done $0x0  }
0x2b: {  	s9 =	rddreg [dreg:$0x8];
	[sflag:s31] =	ssyncadd.s32 $0xFFFFFC00  }
0x2c: {  	[spmem:s9] =	stream.linear.scatter [tilespmem:s30], [sflag:$0x4], $0x400, $0x38;
	[tilespmem:$0xA300] =	vst v63  }
0x2d: {  	_ =	swait.ge [sflag:s31], $0x400  }
0x2e: {  	[sflag:s31] =	ssyncset.done $0x0  }
0x2f: {  	s10 =	rddreg [dreg:$0x9];
	[sflag:s31] =	ssyncadd.s32 $0xFFFFFC00  }
0x30: {  	[spmem:s10] =	stream.linear.scatter [tilespmem:s30], [sflag:$0x4], $0x400, $0x38;
	[tilespmem:$0xA300] =	vst v63  }
0x31: {  	_ =	swait.ge [sflag:s31], $0x400  }
0x32: {  	[sflag:s31] =	ssyncset.done $0x0  }
0x33: {  	s11 =	rddreg [dreg:$0xa];
	[sflag:s31] =	ssyncadd.s32 $0xFFFFFC00  }
0x34: {  	[spmem:s11] =	stream.linear.scatter [tilespmem:s30], [sflag:$0x4], $0x400, $0x38;
	[tilespmem:$0xA300] =	vst v63  }
0x35: {  	_ =	swait.ge [sflag:s31], $0x400  }
0x36: {  	[sflag:s31] =	ssyncset.done $0x0  }
0x37: {  	[sflag:s31] =	ssyncadd.s32 $0xFFFFFC00  }
0x38: {  	[spmem:s12] =	stream.linear.scatter [tilespmem:s30], [sflag:$0x4], $0x400, $0x38;
	[tilespmem:$0xA300] =	vst v63  }
0x39: {  	_ =	swait.ge [sflag:s31], $0x400  }
0x3a: {  	[sflag:s31] =	ssyncset.done $0x0  }
0x3b: {  	[sflag:s31] =	ssyncadd.s32 $0xFFFFFC00  }
0x3c: {  	[spmem:s13] =	stream.linear.scatter [tilespmem:s30], [sflag:$0x4], $0x400, $0x38;
	[tilespmem:$0xA300] =	vst v63  }
0x3d: {  	_ =	swait.ge [sflag:s31], $0x400  }
0x3e: {  	[sflag:s31] =	ssyncset.done $0x0  }
0x3f: {  	[sflag:s31] =	ssyncadd.s32 $0xFFFFFC00  }
0x40: {  	[spmem:s14] =	stream.linear.scatter [tilespmem:s30], [sflag:$0x4], $0x400, $0x38;
	[tilespmem:$0xA300] =	vst v63  }
0x41: {  	_ =	swait.ge [sflag:s31], $0x400  }
0x42: {  	[sflag:s31] =	ssyncset.done $0x0  }
0x43: {  	[sflag:s31] =	ssyncadd.s32 $0xFFFFFC00  }
0x44: {  	[spmem:s15] =	stream.linear.scatter [tilespmem:s30], [sflag:$0x4], $0x400, $0x38;
	[tilespmem:$0xA300] =	vst v63  }
0x45: {  	_ =	swait.ge [sflag:s31], $0x400  }
0x46: {  	[sflag:s31] =	ssyncset.done $0x0  }
0x47: {  	[sflag:s31] =	ssyncadd.s32 $0xFFFFFC00  }
0x48: {  	[spmem:s16] =	stream.linear.scatter [tilespmem:s30], [sflag:$0x4], $0x400, $0x38;
	[tilespmem:$0xA300] =	vst v63  }
0x49: {  	_ =	swait.ge [sflag:s31], $0x400  }
0x4a: {  	[sflag:s31] =	ssyncset.done $0x0  }
0x4b: {  	[sflag:s31] =	ssyncadd.s32 $0xFFFFFC00  }
0x4c: {  	[spmem:s17] =	stream.linear.scatter [tilespmem:s30], [sflag:$0x4], $0x400, $0x38;
	[tilespmem:$0xA300] =	vst v63  }
0x4d: {  	_ =	swait.ge [sflag:s31], $0x400  }
0x4e: {  	[sflag:s31] =	ssyncset.done $0x0  }
0x4f: {  	[sflag:s31] =	ssyncadd.s32 $0xFFFFFC00  }
0x50: {  	[spmem:s18] =	stream.linear.scatter [tilespmem:s30], [sflag:$0x4], $0x400, $0x38;
	[tilespmem:$0xA300] =	vst v63  }
0x51: {  	_ =	swait.ge [sflag:s31], $0x400  }
0x52: {  	[sflag:s31] =	ssyncset.done $0x0  }
0x53: {  	[sflag:s31] =	ssyncadd.s32 $0xFFFFFC00  }
0x54: {  	[spmem:s19] =	stream.linear.scatter [tilespmem:s30], [sflag:$0x4], $0x400, $0x38;
	[tilespmem:$0xA300] =	vst v63  }
0x55: {  	_ =	swait.ge [sflag:s31], $0x400  }
0x56: {  	[sflag:s31] =	ssyncset.done $0x0  }
0x57: {  	[sflag:s31] =	ssyncadd.s32 $0xFFFFFC00  }
0x58: {  	[spmem:s20] =	stream.linear.scatter [tilespmem:s30], [sflag:$0x4], $0x400, $0x38;
	[tilespmem:$0xA300] =	vst v63  }
0x59: {  	_ =	swait.ge [sflag:s31], $0x400  }
0x5a: {  	[sflag:s31] =	ssyncset.done $0x0  }
0x5b: {  	[sflag:s31] =	ssyncadd.s32 $0xFFFFFC00  }
0x5c: {  	[spmem:s21] =	stream.linear.scatter [tilespmem:s30], [sflag:$0x4], $0x400, $0x38;
	[tilespmem:$0xA300] =	vst v63  }
0x5d: {  	_ =	swait.ge [sflag:s31], $0x400  }
0x5e: {  	[sflag:s31] =	ssyncset.done $0x0  }
0x5f: {  	[sflag:s31] =	ssyncadd.s32 $0xFFFFFC00  }
0x60: {  	[spmem:s23] =	stream.linear.scatter [tilespmem:s30], [sflag:$0x4], $0x400, $0x38;
	[tilespmem:$0xA300] =	vst v63  }
0x61: {  	_ =	swait.ge [sflag:s31], $0x400  }
0x62: {  	[sflag:s31] =	ssyncset.done $0x0  }
0x63: {  	[sflag:s31] =	ssyncadd.s32 $0xFFFFFC00  }
0x64: {  	[spmem:s24] =	stream.linear.scatter [tilespmem:s30], [sflag:$0x4], $0x400, $0x38;
	[tilespmem:$0xA300] =	vst v63  }
0x65: {  	_ =	swait.ge [sflag:s31], $0x400  }
0x66: {  	[sflag:s31] =	ssyncset.done $0x0  }
0x67: {  	[sflag:s31] =	ssyncadd.s32 $0xFFFFFC00  }
0x68: {  	[spmem:s25] =	stream.linear.scatter [tilespmem:s30], [sflag:$0x4], $0x400, $0x38;
	[tilespmem:$0xA300] =	vst v63  }
0x69: {  	_ =	swait.ge [sflag:s31], $0x400  }
0x6a: {  	[sflag:s31] =	ssyncset.done $0x0  }
0x6b: {  	[sflag:s31] =	ssyncadd.s32 $0xFFFFFC00  }
0x6c: {  	[spmem:s26] =	stream.linear.scatter [tilespmem:s30], [sflag:$0x4], $0x400, $0x38;
	[tilespmem:$0xA300] =	vst v63  }
0x6d: {  	_ =	swait.ge [sflag:s31], $0x400  }
0x6e: {  	[sflag:s31] =	ssyncset.done $0x0  }
0x6f: {  	s8 =	simm.s32 $0x40;
	s9 =	simm.s32 $0x0;
	[sflag:s31] =	ssyncadd.s32 $0xFFFFFC00  }
.LBB2_4:
0x70: {  	p0 =	sne.s32 s8, $0xFC0;
	[tilespmem:s9+$0x4F00] =	vst v1;
	s9 =	smov.u32 s8;
	s8 =	sadd.s32 $0x40, s8  }
.Ltmp1:
0x71: {  	(pc) =	sbr.rel @p0 .LBB2_4-.Ltmp1, $2  }
0x72: {  	_ =	sdelay $0x2  }
0x73: {  	s9 =	sshra.s32 s9, $0x2  }
0x74: {  	[tilespmem:s9+$0x4F00] =	vst v1  }
0x75: {  	_ =	swait.ge [sflag:s1], $0x2780  }
0x76: {  	[sflag:s1] =	ssyncset.done $0x0  }
0x77: {  	[sflag:s1] =	ssyncadd.s32 $0xFFFFD880  }
0x78: {  	_ =	swait.ge [sflag:s1], $0x2780  }
0x79: {  	[sflag:s1] =	ssyncset.done $0x0  }
0x7a: {  	s8 =	simm.s32 $0x0;
	[sflag:s1] =	ssyncadd.s32 $0xFFFFD880  }
0x7b: {  	v4 =	vld [tilespmem:s8+$0x2780]  }
0x7c: {  	v3 =	vld [tilespmem:s8+$0x2790]  }
0x7d: {  	s9 =	simm.s32 $0x100;
	v2 =	vld [tilespmem:s8+$0x27A0]  }
.LBB2_6:
0x7e: {  	p0 =	sne.s32 s9, $0x9D00;
	v5 =	vld [tilespmem:s8+$0x27B0];
	_ =	sdelay $0x1  }
.Ltmp2:
0x7f: {  	v4 =	vadd.s32 $0x2800, v4;
	(pc) =	sbr.rel @p0 .LBB2_6-.Ltmp2, $4  }
0x80: {  	s10 =	sshra.s32 s9, $0x2;
	[tilespmem:s8+$0x2780] =	vst v4;
	v3 =	vadd.s32 $0x2800, v3  }
0x81: {  	v4 =	vld [tilespmem:s10+$0x2780];
	[tilespmem:s8+$0x2790] =	vst v3;
	v2 =	vadd.s32 $0x2800, v2  }
0x82: {  	v3 =	vld [tilespmem:s10+$0x2790];
	[tilespmem:s8+$0x27A0] =	vst v2;
	v5 =	vadd.s32 $0x2800, v5  }
0x83: {  	s9 =	sadd.s32 $0x100, s9;
	v2 =	vld [tilespmem:s10+$0x27A0];
	[tilespmem:s8+$0x27B0] =	vst v5;
	s8 =	smov.u32 s10  }
0x84: {  	v5 =	vld [tilespmem:s8+$0x27B0];
	_ =	sdelay $0x1  }
0x85: {  	v4 =	vadd.s32 $0x2800, v4  }
0x86: {  	[tilespmem:s8+$0x2780] =	vst v4;
	v3 =	vadd.s32 $0x2800, v3  }
0x87: {  	[tilespmem:s8+$0x2790] =	vst v3;
	v2 =	vadd.s32 $0x2800, v2  }
0x88: {  	[tilespmem:s8+$0x27A0] =	vst v2;
	v2 =	vadd.s32 $0x2800, v5  }
0x89: {  	[tilespmem:s8+$0x27B0] =	vst v2  }
0x8a: {  	[bflag:$0x0] =	sbarrier.arrive $0xFFFF  }
0x8b: {  	[spmem:s2] =	stream.indirect.scatter.add.f32 [tilespmem:s30], [sflag:$0x2], $0x10, s3, s0, $0xb8;
	[tilespmem:$0xA300] =	vst v63  }
0x8c: {  	_ = 	snop  }
0x8d: {  	[spmem:s2] =	stream.indirect.scatter.add.f32 [tilespmem:s30], [sflag:$0x3], $0x10, s29, s0, $0xb8;
	[tilespmem:$0xA300] =	vst v63  }
0x8e: {  	_ = 	snop  }
0x8f: {  	[spmem:s2] =	stream.indirect.scatter.add.f32 [tilespmem:s30], [sflag:$0x2], $0x10, s0, s0, $0xb8;
	[tilespmem:$0xA300] =	vst v63  }
0x90: {  	s11 =	simm.s32 $0x27C0  }
0x91: {  	[spmem:s2] =	stream.indirect.scatter.add.f32 [tilespmem:s30], [sflag:$0x3], $0x10, s11, s0, $0xb8;
	[tilespmem:$0xA300] =	vst v63  }
0x92: {  	s9 =	simm.s32 $0x80  }
0x93: {  	[spmem:s2] =	stream.indirect.scatter.add.f32 [tilespmem:s30], [sflag:$0x2], $0x10, s9, s0, $0xb8;
	[tilespmem:$0xA300] =	vst v63  }
0x94: {  	s10 =	simm.s32 $0x2800  }
0x95: {  	[spmem:s2] =	stream.indirect.scatter.add.f32 [tilespmem:s30], [sflag:$0x3], $0x10, s10, s0, $0xb8;
	[tilespmem:$0xA300] =	vst v63  }
0x96: {  	s11 =	simm.s32 $0xC0  }
0x97: {  	[spmem:s2] =	stream.indirect.scatter.add.f32 [tilespmem:s30], [sflag:$0x2], $0x10, s11, s0, $0xb8;
	[tilespmem:$0xA300] =	vst v63  }
0x98: {  	s9 =	simm.s32 $0x2840  }
0x99: {  	[spmem:s2] =	stream.indirect.scatter.add.f32 [tilespmem:s30], [sflag:$0x3], $0x10, s9, s0, $0xb8;
	[tilespmem:$0xA300] =	vst v63  }
0x9a: {  	s10 =	simm.s32 $0x100  }
0x9b: {  	[spmem:s2] =	stream.indirect.scatter.add.f32 [tilespmem:s30], [sflag:$0x2], $0x10, s10, s0, $0xb8;
	[tilespmem:$0xA300] =	vst v63  }
0x9c: {  	s11 =	simm.s32 $0x2880  }
0x9d: {  	[spmem:s2] =	stream.indirect.scatter.add.f32 [tilespmem:s30], [sflag:$0x3], $0x10, s11, s0, $0xb8;
	[tilespmem:$0xA300] =	vst v63  }
0x9e: {  	_ =	swait.ge [sflag:s4], $0x400  }
0x9f: {  	[sflag:s4] =	ssyncset.done $0x0  }
0xa0: {  	[sflag:s4] =	ssyncadd.s32 $0xFFFFFC00  }
0xa1: {  	_ =	swait.ge [sflag:s5], $0x400  }
0xa2: {  	s8 =	simm.s32 $0x500;
	s9 =	simm.s32 $0x600;
	[sflag:s5] =	ssyncset.done $0x0  }
.LBB2_8:
0xa3: {  	s10 =	sshra.s32 s8, $0x2  }
0xa4: {  	[sflag:s5] =	ssyncadd.s32 $0xFFFFFC00;
	s8 =	smov.u32 s9;
	s11 =	sadd.s32 $0x100, s9  }
0xa5: {  	[spmem:s2] =	stream.indirect.scatter.add.f32 [tilespmem:s30], [sflag:$0x2], $0x10, s10, s0, $0xb8;
	[tilespmem:$0xA300] =	vst v63  }
0xa6: {  	p0 =	sne.s32 s9, $0x9D00;
	s9 =	sadd.s32 $0x2780, s10  }
0xa7: {  	[spmem:s2] =	stream.indirect.scatter.add.f32 [tilespmem:s30], [sflag:$0x3], $0x10, s9, s0, $0xb8;
	[tilespmem:$0xA300] =	vst v63  }
.Ltmp3:
0xa8: {  	_ =	swait.ge [sflag:s4], $0x400;
	(pc) =	sbr.rel @p0 .LBB2_8-.Ltmp3, $4  }
0xa9: {  	[sflag:s4] =	ssyncset.done $0x0  }
0xaa: {  	[sflag:s4] =	ssyncadd.s32 $0xFFFFFC00  }
0xab: {  	_ =	swait.ge [sflag:s5], $0x400  }
0xac: {  	s9 =	smov.u32 s11;
	[sflag:s5] =	ssyncset.done $0x0  }
0xad: {  	s8 =	sshra.s32 s8, $0x2;
	[sflag:s5] =	ssyncadd.s32 $0xFFFFFC00  }
0xae: {  	[spmem:s2] =	stream.indirect.scatter.add.f32 [tilespmem:s30], [sflag:$0x2], $0x10, s8, s0, $0xb8;
	[tilespmem:$0xA300] =	vst v63  }
0xaf: {  	s8 =	sadd.s32 $0x2780, s8  }
0xb0: {  	[spmem:s2] =	stream.indirect.scatter.add.f32 [tilespmem:s30], [sflag:$0x3], $0x10, s8, s0, $0xb8;
	[tilespmem:$0xA300] =	vst v63  }
0xb1: {  	_ =	swait.ge [sflag:s4], $0x400  }
0xb2: {  	[sflag:s4] =	ssyncset.done $0x0  }
0xb3: {  	[sflag:s4] =	ssyncadd.s32 $0xFFFFFC00  }
0xb4: {  	_ =	swait.ge [sflag:s5], $0x400  }
0xb5: {  	[sflag:s5] =	ssyncset.done $0x0  }
0xb6: {  	[sflag:s5] =	ssyncadd.s32 $0xFFFFFC00  }
0xb7: {  	_ =	swait.ge [sflag:s4], $0x400  }
0xb8: {  	[sflag:s4] =	ssyncset.done $0x0  }
0xb9: {  	[sflag:s4] =	ssyncadd.s32 $0xFFFFFC00  }
0xba: {  	_ =	swait.ge [sflag:s5], $0x400  }
0xbb: {  	[sflag:s5] =	ssyncset.done $0x0  }
0xbc: {  	[sflag:s5] =	ssyncadd.s32 $0xFFFFFC00  }
0xbd: {  	_ =	swait.ge [sflag:s4], $0x400  }
0xbe: {  	[sflag:s4] =	ssyncset.done $0x0  }
0xbf: {  	[sflag:s4] =	ssyncadd.s32 $0xFFFFFC00  }
0xc0: {  	_ =	swait.ge [sflag:s5], $0x400  }
0xc1: {  	[sflag:s5] =	ssyncset.done $0x0  }
0xc2: {  	[sflag:s5] =	ssyncadd.s32 $0xFFFFFC00  }
0xc3: {  	_ =	swait.ge [sflag:s4], $0x400  }
0xc4: {  	[sflag:s4] =	ssyncset.done $0x0  }
0xc5: {  	[sflag:s4] =	ssyncadd.s32 $0xFFFFFC00  }
0xc6: {  	_ =	swait.ge [sflag:s5], $0x400  }
0xc7: {  	[sflag:s5] =	ssyncset.done $0x0  }
0xc8: {  	[sflag:s5] =	ssyncadd.s32 $0xFFFFFC00  }
0xc9: {  	_ =	swait.ge [sflag:s4], $0x400  }
0xca: {  	[sflag:s4] =	ssyncset.done $0x0  }
0xcb: {  	[sflag:s4] =	ssyncadd.s32 $0xFFFFFC00  }
0xcc: {  	s11 =	stileid.u32;
	_ =	swait.ge [sflag:s5], $0x400  }
0xcd: {  	s9 =	sshrl.u32 s6, $0x3;
	s7 =	sadd.s32 $0x1, s7;
	[sflag:s5] =	ssyncset.done $0x0  }
0xce: {  	p0 =	sne.s32 s7, s28;
	s8 =	sshll.u32 s11, $0x6;
	[sflag:s5] =	ssyncadd.s32 $0xFFFFFC00  }
.Ltmp4:
0xcf: {  	s8 =	sor.u32 $0x1C04, s8;
	[bflag:$0x0] =	sbarrier.arrive $0xFFFF;
	(pc) =	sbr.rel @p0 .LBB2_1-.Ltmp4, $4  }
0xd0: {  	[hbm:s22], [sflag:s8] =	dma.local [spmem:s9], $0xA00  }
0xd1: {  	_ =	swait.ge [sflag:s31], $0xA00  }
0xd2: {  	[sflag:s31] =	ssyncset.done $0x0  }
0xd3: {  	[sflag:s31] =	ssyncadd.s32 $0xFFFFF600  }
0xd4: {  	_ =	sfence.sel $0x180000  }
0xd5: {  	[bflag:$0x0] =	sbarrier.arrive $0xFFFF  }
0xd6: {  	_ =	strace $0x90000047  }
0xd7: {  	s0 =	stileid.u32;
	[bflag:$0x2] =	sbarrier.arrive $0xFFFF  }
0xd8: {  	p0 =	sne.s32 s0, $0x0;
	s0 =	rddreg [dreg:$0x3]  }
0xd9: {  	s0 =	sadd.s32 @!p0 $0x100000, s0  }
0xda: {  	[sflag:s0] =	ssyncadd.tile.s32 @!p0 $0x1;
	_ =	shalt  }
.Lfunc_end2:
_tile_overlayer_lowered:
.L_overlay_start_2:
0xdb: {  	(tag) =	ssettag $0x2  }
0xdc: {  	s0 =	rddreg [dreg:$0x0];
	s2 =	stileid.u32  }
0xdd: {  	s1 =	rddreg [dreg:$0x1];
	p0 =	sne.s32 s2, $0x0  }
0xde: {  	s3 =	rddreg [dreg:$0x2];
	[bflag:$0x3] =	sbarrier.arrive $0xFFFF;
	s2 =	simm.s32 @!p0 $0x1C04  }
0xdf: {  	[timem:s3], [sflag:s2] =	dma.local @!p0 [hbm:s0], s1  }
0xe0: {  	s0 =	simm.s32 @!p0 $0x4  }
0xe1: {  	_ =	swait.ge @!p0 [sflag:s0], s1  }
0xe2: {  	s1 =	ssub.s32 @!p0 $0x0, s1;
	[sflag:s0] =	ssyncset.done @!p0 $0x0  }
0xe3: {  	[sflag:s0] =	ssyncadd.s32 @!p0 s1  }
0xe4: {  	[bflag:$0x3] =	sbarrier.arrive $0xFFFF  }
0xe5: {  	_ =	shalt  }

</sc_bundles>
